<compile_context>
chip_gen: v7x
topology: tpu7x:2x2x1
jax: 0.10.2.dev20260603
libtpu: 0.0.44.dev20260713+nightly
codegen_flags: <defaults>
</compile_context>

<pallas_src>
import functools

import jax
import jax.numpy as jnp
from jax import lax
from jax.experimental import pallas as pl
from jax.experimental.pallas import tpu as pltpu
from jax.experimental.pallas import tpu_sc as plsc

N = 10000
E = 320000
F = 128
T = 4

N_PAD = 10240
CHUNK = 128
NWORKERS = 32
CHUNKS_PER_W = -(-E // (NWORKERS * CHUNK))
E_PAD = NWORKERS * CHUNKS_PER_W * CHUNK
EDGES_PER_W = CHUNKS_PER_W * CHUNK
ROWS_PER_TILE = N_PAD // 16

_SELU_SCALE = 1.0507009873554805
_SELU_ALPHA = 1.6732632423543772
_SELU_AS = _SELU_SCALE * _SELU_ALPHA

_BLK = 512
_NBLK = N_PAD // _BLK



def _sc_edge_body(xa_hbm, xbb_hbm, first_hbm, second_hbm, out0, out1,
                  agg_sh, idx_a, idx_b, rows_a, rows_b, zbuf, sem_a, sem_b):
    cid = lax.axis_index("c")
    sid = lax.axis_index("s")

    zero = jnp.zeros((16,), jnp.float32)

    @pl.loop(0, 16)
    def _zrow(i):
        for k in range(F // 16):
            zbuf[i, pl.ds(k * 16, 16)] = zero

    zbase = sid * ROWS_PER_TILE

    @pl.loop(0, ROWS_PER_TILE // 16)
    def _zagg(j):
        pltpu.sync_copy(zbuf, agg_sh.at[pl.ds(zbase + j * 16, 16)])

    plsc.subcore_barrier()

    wid = cid * 16 + sid
    ebase = wid * EDGES_PER_W

    @pl.loop(0, CHUNKS_PER_W)
    def _chunk(g):
        eoff = ebase + g * CHUNK
        pltpu.sync_copy(first_hbm.at[pl.ds(eoff, CHUNK)], idx_a)
        pltpu.sync_copy(second_hbm.at[pl.ds(eoff, CHUNK)], idx_b)
        cp_a = pltpu.async_copy(xa_hbm.at[idx_a], rows_a, sem_a)
        cp_b = pltpu.async_copy(xbb_hbm.at[idx_b], rows_b, sem_b)
        cp_a.wait()
        cp_b.wait()

        @pl.loop(0, CHUNK)
        def _row(i):
            for k in range(F // 16):
                sl = pl.ds(k * 16, 16)
                x = rows_a[i, sl] + rows_b[i, sl]
                u = jnp.maximum(jnp.minimum(x, 0.0), -17.5) * (1.0 / 32.0)
                p = u * (1.0 / 40320.0) + (1.0 / 5040.0)
                p = p * u + (1.0 / 720.0)
                p = p * u + (1.0 / 120.0)
                p = p * u + (1.0 / 24.0)
                p = p * u + (1.0 / 6.0)
                p = p * u + 0.5
                p = p * u + 1.0
                p = p * u + 1.0
                p = p * p
                p = p * p
                p = p * p
                p = p * p
                p = p * p
                rows_a[i, sl] = jnp.where(x > 0.0, _SELU_SCALE * x,
                                          _SELU_AS * p - _SELU_AS)

        pltpu.sync_copy(rows_a, agg_sh.at[idx_b], add=True)

    plsc.subcore_barrier()

    @pl.loop(0, ROWS_PER_TILE // CHUNK)
    def _wout(j):
        roff = sid * ROWS_PER_TILE + j * CHUNK
        pltpu.sync_copy(agg_sh.at[pl.ds(roff, CHUNK)], rows_a)

        @pl.when(cid == 0)
        def _():
            pltpu.sync_copy(rows_a, out0.at[pl.ds(roff, CHUNK)])

        @pl.when(cid == 1)
        def _():
            pltpu.sync_copy(rows_a, out1.at[pl.ds(roff, CHUNK)])


@functools.cache
def _sc_edge():
    return pl.kernel(
        _sc_edge_body,
        out_type=[jax.ShapeDtypeStruct((N_PAD, F), jnp.float32),
                  jax.ShapeDtypeStruct((N_PAD, F), jnp.float32)],
        mesh=plsc.VectorSubcoreMesh(core_axis_name="c", subcore_axis_name="s",
                                    num_cores=2, num_subcores=16),
        scratch_types=[
            pltpu.VMEM_SHARED((N_PAD, F), jnp.float32),
            pltpu.VMEM((CHUNK,), jnp.int32),
            pltpu.VMEM((CHUNK,), jnp.int32),
            pltpu.VMEM((CHUNK, F), jnp.float32),
            pltpu.VMEM((CHUNK, F), jnp.float32),
            pltpu.VMEM((16, F), jnp.float32),
            pltpu.SemaphoreType.DMA,
            pltpu.SemaphoreType.DMA,
        ],
    )



def _dot_t(x, w):
    return lax.dot_general(x, w, (((1,), (1,)), ((), ())),
                           preferred_element_type=jnp.float32)


def _msg_tables_body(state_ref, msg_w_ref, msg_b_ref, xa_ref, xbb_ref):
    s = state_ref[...]
    w = msg_w_ref[...]
    xa_ref[...] = _dot_t(s, w[:, :F])
    xbb_ref[...] = _dot_t(s, w[:, F:]) + msg_b_ref[...]


def _msg_tables(state_pad, msg_w, msg_b2d):
    blk = lambda i: (i, 0)
    whole = lambda i: (0, 0)
    return pl.pallas_call(
        _msg_tables_body,
        grid=(_NBLK,),
        in_specs=[pl.BlockSpec((_BLK, F), blk),
                  pl.BlockSpec((F, 2 * F), whole),
                  pl.BlockSpec((1, F), whole)],
        out_specs=[pl.BlockSpec((_BLK, F), blk),
                   pl.BlockSpec((_BLK, F), blk)],
        out_shape=[jax.ShapeDtypeStruct((N_PAD, F), jnp.float32),
                   jax.ShapeDtypeStruct((N_PAD, F), jnp.float32)],
    )(state_pad, msg_w, msg_b2d)


def _gru_body(state_ref, agg0_ref, agg1_ref, wih_ref, whh_ref, bih_ref,
              bhh_ref, msg_w_ref, msg_b_ref, ns_ref, xa_ref, xbb_ref,
              *, tables):
    s = state_ref[...]
    a = agg0_ref[...] + agg1_ref[...]
    gi = _dot_t(a, wih_ref[...]) + bih_ref[...]
    gh = _dot_t(s, whh_ref[...]) + bhh_ref[...]
    r = jax.nn.sigmoid(gi[:, :F] + gh[:, :F])
    z = jax.nn.sigmoid(gi[:, F:2 * F] + gh[:, F:2 * F])
    n = jnp.tanh(gi[:, 2 * F:] + r * gh[:, 2 * F:])
    ns = (1.0 - z) * n + z * s
    ns_ref[...] = ns
    if tables:
        w = msg_w_ref[...]
        xa_ref[...] = _dot_t(ns, w[:, :F])
        xbb_ref[...] = _dot_t(ns, w[:, F:]) + msg_b_ref[...]


def _gru_step(state_pad, agg0, agg1, wih, whh, bih2d, bhh2d, msg_w, msg_b2d,
              tables):
    blk = lambda i: (i, 0)
    whole = lambda i: (0, 0)
    n_out = 3 if tables else 1

    def body(*refs):
        if tables:
            _gru_body(*refs, tables=True)
        else:
            _gru_body(*refs, None, None, tables=False)

    out = pl.pallas_call(
        body,
        grid=(_NBLK,),
        in_specs=[pl.BlockSpec((_BLK, F), blk),
                  pl.BlockSpec((_BLK, F), blk),
                  pl.BlockSpec((_BLK, F), blk),
                  pl.BlockSpec((3 * F, F), whole),
                  pl.BlockSpec((3 * F, F), whole),
                  pl.BlockSpec((1, 3 * F), whole),
                  pl.BlockSpec((1, 3 * F), whole),
                  pl.BlockSpec((F, 2 * F), whole),
                  pl.BlockSpec((1, F), whole)],
        out_specs=[pl.BlockSpec((_BLK, F), blk)] * n_out,
        out_shape=[jax.ShapeDtypeStruct((N_PAD, F), jnp.float32)] * n_out,
    )(state_pad, agg0, agg1, wih, whh, bih2d, bhh2d, msg_w, msg_b2d)
    if tables:
        return out[0], out[1], out[2]
    return out[0], None, None


def _selu(x):
    return jnp.where(x > 0.0, _SELU_SCALE * x,
                     _SELU_AS * jnp.exp(x) - _SELU_AS)


def _readout_body(state_ref, r1w_ref, r1b_ref, r2w_ref, r2b_ref, outw_ref,
                  outb_ref, out_ref):
    s = state_ref[...]
    rows = lax.broadcasted_iota(jnp.int32, (N_PAD, F), 0)
    feat = jnp.sum(jnp.where(rows < N, s, 0.0), axis=0, keepdims=True)
    h = _selu(_dot_t(feat, r1w_ref[...]) + r1b_ref[...])
    h = _selu(_dot_t(h, r2w_ref[...]) + r2b_ref[...])
    out_ref[...] = jnp.sum(h * outw_ref[...]) + outb_ref[...]


def _readout(state_pad, r1w, r1b2d, r2w, r2b2d, outw, outb2d):
    return pl.pallas_call(
        _readout_body,
        out_shape=jax.ShapeDtypeStruct((1, F), jnp.float32),
    )(state_pad, r1w, r1b2d, r2w, r2b2d, outw, outb2d)



def kernel(link_state, first, second, state_dim, msg_W, msg_b,
           gru_W_ih, gru_W_hh, gru_b_ih, gru_b_hh,
           r1_W, r1_b, r2_W, r2_b, out_W, out_b):
    first_p = jnp.pad(first, (0, E_PAD - E), constant_values=N)
    second_p = jnp.pad(second, (0, E_PAD - E), constant_values=N)
    order = jnp.argsort(second_p)

    def stripe(x):
        x = x[order].reshape(NWORKERS, CHUNK, CHUNKS_PER_W)
        return x.transpose(0, 2, 1).reshape(-1)

    first_p = stripe(first_p)
    second_p = stripe(second_p)
    state_pad = jnp.pad(link_state, ((0, N_PAD - N), (0, 0)))

    msg_b2d = msg_b.reshape(1, F)
    bih2d = gru_b_ih.reshape(1, 3 * F)
    bhh2d = gru_b_hh.reshape(1, 3 * F)

    xa, xbb = _msg_tables(state_pad, msg_W, msg_b2d)
    for t in range(T):
        agg0, agg1 = _sc_edge()(xa, xbb, first_p, second_p)
        state_pad, xa, xbb = _gru_step(
            state_pad, agg0, agg1, gru_W_ih, gru_W_hh, bih2d, bhh2d,
            msg_W, msg_b2d, tables=(t < T - 1))

    out = _readout(state_pad, r1_W, r1_b.reshape(1, F), r2_W,
                   r2_b.reshape(1, F), out_W,
                   jnp.broadcast_to(out_b.reshape(1, 1), (1, F)))
    return out[0, :1]

# --- scband reference (transcript-rebuilt; emitter-appended) ---
"""Pipeline reference for scband-critic-71004399337709 (READ-ONLY COPY).

The authoritative reference and input builder live on the scoring server;
editing this copy changes nothing except your own understanding.
"""

import jax, jax.numpy as jnp
import numpy as np

N = 10000
E = 320000
F = 128
R = 128
T = 4


def setup_inputs(seed: int = 0) -> dict:
    key = jax.random.key(seed)
    ks = jax.random.split(key, 16)
    link_state = jax.random.normal(ks[0], (N, F), dtype=jnp.float32)
    first = jax.random.randint(ks[1], (E,), 0, N, dtype=jnp.int64 if jax.config.jax_enable_x64 else jnp.int32).astype(jnp.int32)
    second = jax.random.randint(ks[2], (E,), 0, N, dtype=jnp.int64 if jax.config.jax_enable_x64 else jnp.int32).astype(jnp.int32)
    def w(k, shape, fan_in):
        return jax.random.normal(k, shape, dtype=jnp.float32) * (1.0 / np.sqrt(fan_in))
    msg_W = w(ks[3], (F, 2 * F), 2 * F)
    msg_b = jnp.zeros((F,), dtype=jnp.float32)
    gru_W_ih = w(ks[4], (3 * F, F), F)
    gru_W_hh = w(ks[5], (3 * F, F), F)
    gru_b_ih = jnp.zeros((3 * F,), dtype=jnp.float32)
    gru_b_hh = jnp.zeros((3 * F,), dtype=jnp.float32)
    r1_W = w(ks[6], (R, F), F)
    r1_b = jnp.zeros((R,), dtype=jnp.float32)
    r2_W = w(ks[7], (R, R), R)
    r2_b = jnp.zeros((R,), dtype=jnp.float32)
    out_W = w(ks[8], (1, R), R)
    out_b = jnp.zeros((1,), dtype=jnp.float32)
    return {
        'link_state': link_state, 'first': first, 'second': second, 'state_dim': F,
        'msg_W': msg_W, 'msg_b': msg_b,
        'gru_W_ih': gru_W_ih, 'gru_W_hh': gru_W_hh, 'gru_b_ih': gru_b_ih, 'gru_b_hh': gru_b_hh,
        'r1_W': r1_W, 'r1_b': r1_b, 'r2_W': r2_W, 'r2_b': r2_b, 'out_W': out_W, 'out_b': out_b,
    }


def reference(link_state, first, second, state_dim, msg_W, msg_b,
              gru_W_ih, gru_W_hh, gru_b_ih, gru_b_hh,
              r1_W, r1_b, r2_W, r2_b, out_W, out_b):
    state = link_state
    for _ in range(T):
        main_edges = jnp.take(state, first, axis=0)
        neigh_edges = jnp.take(state, second, axis=0)
        edges_concat = jnp.concatenate([main_edges, neigh_edges], axis=1)
        m = jax.nn.selu(edges_concat @ msg_W.T + msg_b)
        agg = jnp.zeros_like(state).at[second].add(m)
        gi = agg @ gru_W_ih.T + gru_b_ih
        gh = state @ gru_W_hh.T + gru_b_hh
        i_r, i_z, i_n = jnp.split(gi, 3, axis=1)
        h_r, h_z, h_n = jnp.split(gh, 3, axis=1)
        r = jax.nn.sigmoid(i_r + h_r)
        z = jax.nn.sigmoid(i_z + h_z)
        n = jnp.tanh(i_n + r * h_n)
        state = (1.0 - z) * n + z * state
    feature = jnp.sum(state, axis=0)
    h = jax.nn.selu(feature @ r1_W.T + r1_b)
    h = jax.nn.selu(h @ r2_W.T + r2_b)
    out = h @ out_W.T + out_b
    return out

if __name__ == "__main__":
    import jax
    _d = setup_inputs()
    print(jax.jit(kernel)(*tuple(_d.values())))

</pallas_src>

<mosaic_0001>
#map = affine_map<(d0, d1) -> (0, 0)>
#map1 = affine_map<(d0, d1) -> (0)>
module attributes {stable_mosaic.version = 14 : i64} {
  func.func @_sc_edge_body(%arg0: i32, %arg1: i32, %arg2: memref<10240x128xf32, #tpu.memory_space<hbm>>, %arg3: memref<10240x128xf32, #tpu.memory_space<hbm>>, %arg4: memref<323584xi32, #tpu.memory_space<hbm>>, %arg5: memref<323584xi32, #tpu.memory_space<hbm>>, %arg6: memref<10240x128xf32, #tpu.memory_space<hbm>>, %arg7: memref<10240x128xf32, #tpu.memory_space<hbm>>, %arg8: memref<10240x128xf32, #tpu.memory_space<vmem_shared>>, %arg9: memref<128xi32, #tpu.memory_space<vmem>>, %arg10: memref<128xi32, #tpu.memory_space<vmem>>, %arg11: memref<128x128xf32, #tpu.memory_space<vmem>>, %arg12: memref<128x128xf32, #tpu.memory_space<vmem>>, %arg13: memref<16x128xf32, #tpu.memory_space<vmem>>, %arg14: memref<!tpu.dma_semaphore, #tpu.memory_space<semaphore_mem>>, %arg15: memref<!tpu.dma_semaphore, #tpu.memory_space<semaphore_mem>>) attributes {dimension_semantics = [#tpu.dimension_semantics<core_parallel>, #tpu.dimension_semantics<subcore_parallel>], iteration_bounds = array<i64: 2, 16>, scalar_prefetch = 0 : i64, scratch_operands = 8 : i64, tpu.core_type = #tpu.core_type<sc_vector_subcore>, window_params = [{transform_indices = #map}, {transform_indices = #map}, {transform_indices = #map1}, {transform_indices = #map1}, {transform_indices = #map}, {transform_indices = #map}]} {
    %broadcast_in_dim3A = arith.constant 0.000000e+00 : f32
    %broadcast_in_dim3A_0 = vector.broadcast %broadcast_in_dim3A : f32 to vector<16xf32>
    %scan3A = arith.constant 0 : i32
    %scan3A_1 = arith.constant 16 : i32
    %scan3A_2 = arith.addi %scan3A, %scan3A_1 : i32
    %scan3A_3 = arith.constant 1 : i32
    scf.for %scan3A_26 = %scan3A to %scan3A_2 step %scan3A_3  : i32 {
      %mul3A_27 = arith.constant 1 : i32
      %mul3A_28 = arith.muli %scan3A_26, %mul3A_27 : i32
      %add3A_29 = arith.constant 0 : i32
      %add3A_30 = arith.addi %add3A_29, %mul3A_28 : i32
      %swap3A = arith.index_cast %add3A_30 : i32 to index
      %swap3A_31 = arith.constant 0 : index
      %swap3A_32 = tpu.vector_load %arg13[%swap3A, %swap3A_31] {strides = array<i32>} : memref<16x128xf32, #tpu.memory_space<vmem>>, vector<1x16xf32>,
      %swap3A_33 = vector.shape_cast %swap3A_32 : vector<1x16xf32> to vector<16xf32>
      %swap3A_34 = vector.shape_cast %broadcast_in_dim3A_0 : vector<16xf32> to vector<1x16xf32>
      tpu.vector_store %arg13[%swap3A, %swap3A_31], %swap3A_34 {strides = array<i32>} : memref<16x128xf32, #tpu.memory_space<vmem>>, vector<1x16xf32>,
      %swap3A_35 = arith.index_cast %add3A_30 : i32 to index
      %swap3A_36 = arith.constant 16 : index
      %swap3A_37 = tpu.vector_load %arg13[%swap3A_35, %swap3A_36] {strides = array<i32>} : memref<16x128xf32, #tpu.memory_space<vmem>>, vector<1x16xf32>,
      %swap3A_38 = vector.shape_cast %swap3A_37 : vector<1x16xf32> to vector<16xf32>
      %swap3A_39 = vector.shape_cast %broadcast_in_dim3A_0 : vector<16xf32> to vector<1x16xf32>
      tpu.vector_store %arg13[%swap3A_35, %swap3A_36], %swap3A_39 {strides = array<i32>} : memref<16x128xf32, #tpu.memory_space<vmem>>, vector<1x16xf32>,
      %swap3A_40 = arith.index_cast %add3A_30 : i32 to index
      %swap3A_41 = arith.constant 32 : index
      %swap3A_42 = tpu.vector_load %arg13[%swap3A_40, %swap3A_41] {strides = array<i32>} : memref<16x128xf32, #tpu.memory_space<vmem>>, vector<1x16xf32>,
      %swap3A_43 = vector.shape_cast %swap3A_42 : vector<1x16xf32> to vector<16xf32>
      %swap3A_44 = vector.shape_cast %broadcast_in_dim3A_0 : vector<16xf32> to vector<1x16xf32>
      tpu.vector_store %arg13[%swap3A_40, %swap3A_41], %swap3A_44 {strides = array<i32>} : memref<16x128xf32, #tpu.memory_space<vmem>>, vector<1x16xf32>,
      %swap3A_45 = arith.index_cast %add3A_30 : i32 to index
      %swap3A_46 = arith.constant 48 : index
      %swap3A_47 = tpu.vector_load %arg13[%swap3A_45, %swap3A_46] {strides = array<i32>} : memref<16x128xf32, #tpu.memory_space<vmem>>, vector<1x16xf32>,
      %swap3A_48 = vector.shape_cast %swap3A_47 : vector<1x16xf32> to vector<16xf32>
      %swap3A_49 = vector.shape_cast %broadcast_in_dim3A_0 : vector<16xf32> to vector<1x16xf32>
      tpu.vector_store %arg13[%swap3A_45, %swap3A_46], %swap3A_49 {strides = array<i32>} : memref<16x128xf32, #tpu.memory_space<vmem>>, vector<1x16xf32>,
      %swap3A_50 = arith.index_cast %add3A_30 : i32 to index
      %swap3A_51 = arith.constant 64 : index
      %swap3A_52 = tpu.vector_load %arg13[%swap3A_50, %swap3A_51] {strides = array<i32>} : memref<16x128xf32, #tpu.memory_space<vmem>>, vector<1x16xf32>,
      %swap3A_53 = vector.shape_cast %swap3A_52 : vector<1x16xf32> to vector<16xf32>
      %swap3A_54 = vector.shape_cast %broadcast_in_dim3A_0 : vector<16xf32> to vector<1x16xf32>
      tpu.vector_store %arg13[%swap3A_50, %swap3A_51], %swap3A_54 {strides = array<i32>} : memref<16x128xf32, #tpu.memory_space<vmem>>, vector<1x16xf32>,
      %swap3A_55 = arith.index_cast %add3A_30 : i32 to index
      %swap3A_56 = arith.constant 80 : index
      %swap3A_57 = tpu.vector_load %arg13[%swap3A_55, %swap3A_56] {strides = array<i32>} : memref<16x128xf32, #tpu.memory_space<vmem>>, vector<1x16xf32>,
      %swap3A_58 = vector.shape_cast %swap3A_57 : vector<1x16xf32> to vector<16xf32>
      %swap3A_59 = vector.shape_cast %broadcast_in_dim3A_0 : vector<16xf32> to vector<1x16xf32>
      tpu.vector_store %arg13[%swap3A_55, %swap3A_56], %swap3A_59 {strides = array<i32>} : memref<16x128xf32, #tpu.memory_space<vmem>>, vector<1x16xf32>,
      %swap3A_60 = arith.index_cast %add3A_30 : i32 to index
      %swap3A_61 = arith.constant 96 : index
      %swap3A_62 = tpu.vector_load %arg13[%swap3A_60, %swap3A_61] {strides = array<i32>} : memref<16x128xf32, #tpu.memory_space<vmem>>, vector<1x16xf32>,
      %swap3A_63 = vector.shape_cast %swap3A_62 : vector<1x16xf32> to vector<16xf32>
      %swap3A_64 = vector.shape_cast %broadcast_in_dim3A_0 : vector<16xf32> to vector<1x16xf32>
      tpu.vector_store %arg13[%swap3A_60, %swap3A_61], %swap3A_64 {strides = array<i32>} : memref<16x128xf32, #tpu.memory_space<vmem>>, vector<1x16xf32>,
      %swap3A_65 = arith.index_cast %add3A_30 : i32 to index
      %swap3A_66 = arith.constant 112 : index
      %swap3A_67 = tpu.vector_load %arg13[%swap3A_65, %swap3A_66] {strides = array<i32>} : memref<16x128xf32, #tpu.memory_space<vmem>>, vector<1x16xf32>,
      %swap3A_68 = vector.shape_cast %swap3A_67 : vector<1x16xf32> to vector<16xf32>
      %swap3A_69 = vector.shape_cast %broadcast_in_dim3A_0 : vector<16xf32> to vector<1x16xf32>
      tpu.vector_store %arg13[%swap3A_65, %swap3A_66], %swap3A_69 {strides = array<i32>} : memref<16x128xf32, #tpu.memory_space<vmem>>, vector<1x16xf32>,
    }
    %scan3A_4 = arith.constant 16 : i32
    %mul3A = arith.constant 640 : i32
    %mul3A_5 = arith.muli %arg1, %mul3A : i32
    %scan3A_6 = arith.constant 0 : i32
    %scan3A_7 = arith.constant 40 : i32
    %scan3A_8 = arith.addi %scan3A_6, %scan3A_7 : i32
    %scan3A_9 = arith.constant 1 : i32
    scf.for %scan3A_26 = %scan3A_6 to %scan3A_8 step %scan3A_9  : i32 {
      %mul3A_27 = arith.constant 1 : i32
      %mul3A_28 = arith.muli %scan3A_26, %mul3A_27 : i32
      %add3A_29 = arith.constant 0 : i32
      %add3A_30 = arith.addi %add3A_29, %mul3A_28 : i32
      %mul3A_31 = arith.constant 16 : i32
      %mul3A_32 = arith.muli %add3A_30, %mul3A_31 : i32
      %add3A_33 = arith.addi %mul3A_5, %mul3A_32 : i32
      "tpu.region"() ({
        %run_scoped3A = tpu.sem_alloc : memref<!tpu.dma_semaphore, #tpu.memory_space<semaphore_mem>>
        %dma_start3A = arith.constant 0 : i32
        %dma_start3A_34 = tpu.memref_slice %arg8[%add3A_33, %dma_start3A] : memref<10240x128xf32, #tpu.memory_space<vmem_shared>> -> memref<16x128xf32, #tpu.memory_space<vmem_shared>>
        %dma_start3A_35 = arith.constant 0 : i32
        %dma_start3A_36 = tpu.memref_slice %arg8[%add3A_33, %dma_start3A_35] : memref<10240x128xf32, #tpu.memory_space<vmem_shared>> -> memref<16x128xf32, #tpu.memory_space<vmem_shared>>
        tpu.enqueue_dma source(%arg13 : memref<16x128xf32, #tpu.memory_space<vmem>>) target(%dma_start3A_36 : memref<16x128xf32, #tpu.memory_space<vmem_shared>>) target_semaphore(%run_scoped3A : memref<!tpu.dma_semaphore, #tpu.memory_space<semaphore_mem>>)
        %dma_wait3A = arith.constant 0 : i32
        %dma_wait3A_37 = tpu.memref_slice %arg8[%add3A_33, %dma_wait3A] : memref<10240x128xf32, #tpu.memory_space<vmem_shared>> -> memref<16x128xf32, #tpu.memory_space<vmem_shared>>
        %dma_wait3A_38 = arith.constant 0 : i32
        %dma_wait3A_39 = tpu.memref_slice %arg8[%add3A_33, %dma_wait3A_38] : memref<10240x128xf32, #tpu.memory_space<vmem_shared>> -> memref<16x128xf32, #tpu.memory_space<vmem_shared>>
        tpu.wait_dma2 semaphore(%run_scoped3A : memref<!tpu.dma_semaphore, #tpu.memory_space<semaphore_mem>>) src(%arg13 : memref<16x128xf32, #tpu.memory_space<vmem>>) dst(%dma_wait3A_39 : memref<16x128xf32, #tpu.memory_space<vmem_shared>>)
        tpu.yield
      }) : () -> ()
    }
    %scan3A_10 = arith.constant 40 : i32
    %barrier3A = arith.constant 0 : index
    tpu.barrier barrier_id(%barrier3A)
    %mul3A_11 = arith.constant 16 : i32
    %mul3A_12 = arith.muli %arg0, %mul3A_11 : i32
    %add3A = arith.addi %mul3A_12, %arg1 : i32
    %mul3A_13 = arith.constant 10112 : i32
    %mul3A_14 = arith.muli %add3A, %mul3A_13 : i32
    %scan3A_15 = arith.constant 0 : i32
    %scan3A_16 = arith.constant 79 : i32
    %scan3A_17 = arith.addi %scan3A_15, %scan3A_16 : i32
    %scan3A_18 = arith.constant 1 : i32
    scf.for %scan3A_26 = %scan3A_15 to %scan3A_17 step %scan3A_18  : i32 {
      %mul3A_27 = arith.constant 1 : i32
      %mul3A_28 = arith.muli %scan3A_26, %mul3A_27 : i32
      %add3A_29 = arith.constant 0 : i32
      %add3A_30 = arith.addi %add3A_29, %mul3A_28 : i32
      %mul3A_31 = arith.constant 128 : i32
      %mul3A_32 = arith.muli %add3A_30, %mul3A_31 : i32
      %add3A_33 = arith.addi %mul3A_14, %mul3A_32 : i32
      "tpu.region"() ({
        %run_scoped3A = tpu.sem_alloc : memref<!tpu.dma_semaphore, #tpu.memory_space<semaphore_mem>>
        %dma_start3A_49 = tpu.memref_slice %arg4[%add3A_33] : memref<323584xi32, #tpu.memory_space<hbm>> -> memref<128xi32, #tpu.memory_space<hbm>>
        %dma_start3A_50 = tpu.memref_slice %arg4[%add3A_33] : memref<323584xi32, #tpu.memory_space<hbm>> -> memref<128xi32, #tpu.memory_space<hbm>>
        tpu.enqueue_dma source(%dma_start3A_50 : memref<128xi32, #tpu.memory_space<hbm>>) target(%arg9 : memref<128xi32, #tpu.memory_space<vmem>>) target_semaphore(%run_scoped3A : memref<!tpu.dma_semaphore, #tpu.memory_space<semaphore_mem>>)
        %dma_wait3A_51 = tpu.memref_slice %arg4[%add3A_33] : memref<323584xi32, #tpu.memory_space<hbm>> -> memref<128xi32, #tpu.memory_space<hbm>>
        %dma_wait3A_52 = tpu.memref_slice %arg4[%add3A_33] : memref<323584xi32, #tpu.memory_space<hbm>> -> memref<128xi32, #tpu.memory_space<hbm>>
        tpu.wait_dma2 semaphore(%run_scoped3A : memref<!tpu.dma_semaphore, #tpu.memory_space<semaphore_mem>>) src(%dma_wait3A_52 : memref<128xi32, #tpu.memory_space<hbm>>) dst(%arg9 : memref<128xi32, #tpu.memory_space<vmem>>)
        tpu.yield
      }) : () -> ()
      "tpu.region"() ({
        %run_scoped3A = tpu.sem_alloc : memref<!tpu.dma_semaphore, #tpu.memory_space<semaphore_mem>>
        %dma_start3A_49 = tpu.memref_slice %arg5[%add3A_33] : memref<323584xi32, #tpu.memory_space<hbm>> -> memref<128xi32, #tpu.memory_space<hbm>>
        %dma_start3A_50 = tpu.memref_slice %arg5[%add3A_33] : memref<323584xi32, #tpu.memory_space<hbm>> -> memref<128xi32, #tpu.memory_space<hbm>>
        tpu.enqueue_dma source(%dma_start3A_50 : memref<128xi32, #tpu.memory_space<hbm>>) target(%arg10 : memref<128xi32, #tpu.memory_space<vmem>>) target_semaphore(%run_scoped3A : memref<!tpu.dma_semaphore, #tpu.memory_space<semaphore_mem>>)
        %dma_wait3A_51 = tpu.memref_slice %arg5[%add3A_33] : memref<323584xi32, #tpu.memory_space<hbm>> -> memref<128xi32, #tpu.memory_space<hbm>>
        %dma_wait3A_52 = tpu.memref_slice %arg5[%add3A_33] : memref<323584xi32, #tpu.memory_space<hbm>> -> memref<128xi32, #tpu.memory_space<hbm>>
        tpu.wait_dma2 semaphore(%run_scoped3A : memref<!tpu.dma_semaphore, #tpu.memory_space<semaphore_mem>>) src(%dma_wait3A_52 : memref<128xi32, #tpu.memory_space<hbm>>) dst(%arg10 : memref<128xi32, #tpu.memory_space<vmem>>)
        tpu.yield
      }) : () -> ()
      %dma_start3A = arith.constant 0 : i32
      %dma_start3A_34 = arith.constant 0 : i32
      %dma_start3A_35 = tpu.memref_slice %arg2[%dma_start3A, %dma_start3A_34] : memref<10240x128xf32, #tpu.memory_space<hbm>> -> memref<10240x128xf32, #tpu.memory_space<hbm>>
      tpu.enqueue_indirect_dma source(%dma_start3A_35 : memref<10240x128xf32, #tpu.memory_space<hbm>>) target(%arg11 : memref<128x128xf32, #tpu.memory_space<vmem>>) offsets(%arg9 : memref<128xi32, #tpu.memory_space<vmem>>) semaphore(%arg14 : memref<!tpu.dma_semaphore, #tpu.memory_space<semaphore_mem>>)
      %dma_start3A_36 = arith.constant 0 : i32
      %dma_start3A_37 = arith.constant 0 : i32
      %dma_start3A_38 = tpu.memref_slice %arg3[%dma_start3A_36, %dma_start3A_37] : memref<10240x128xf32, #tpu.memory_space<hbm>> -> memref<10240x128xf32, #tpu.memory_space<hbm>>
      tpu.enqueue_indirect_dma source(%dma_start3A_38 : memref<10240x128xf32, #tpu.memory_space<hbm>>) target(%arg12 : memref<128x128xf32, #tpu.memory_space<vmem>>) offsets(%arg10 : memref<128xi32, #tpu.memory_space<vmem>>) semaphore(%arg15 : memref<!tpu.dma_semaphore, #tpu.memory_space<semaphore_mem>>)
      %dma_wait3A = arith.constant 0 : i32
      %dma_wait3A_39 = arith.constant 0 : i32
      %dma_wait3A_40 = tpu.memref_slice %arg2[%dma_wait3A, %dma_wait3A_39] : memref<10240x128xf32, #tpu.memory_space<hbm>> -> memref<10240x128xf32, #tpu.memory_space<hbm>>
      tpu.wait_indirect_dma semaphore(%arg14 : memref<!tpu.dma_semaphore, #tpu.memory_space<semaphore_mem>>) src(%dma_wait3A_40 : memref<10240x128xf32, #tpu.memory_space<hbm>>) dst(%arg11 : memref<128x128xf32, #tpu.memory_space<vmem>>)
      %dma_wait3A_41 = arith.constant 0 : i32
      %dma_wait3A_42 = arith.constant 0 : i32
      %dma_wait3A_43 = tpu.memref_slice %arg3[%dma_wait3A_41, %dma_wait3A_42] : memref<10240x128xf32, #tpu.memory_space<hbm>> -> memref<10240x128xf32, #tpu.memory_space<hbm>>
      tpu.wait_indirect_dma semaphore(%arg15 : memref<!tpu.dma_semaphore, #tpu.memory_space<semaphore_mem>>) src(%dma_wait3A_43 : memref<10240x128xf32, #tpu.memory_space<hbm>>) dst(%arg12 : memref<128x128xf32, #tpu.memory_space<vmem>>)
      %scan3A_44 = arith.constant 0 : i32
      %scan3A_45 = arith.constant 128 : i32
      %scan3A_46 = arith.addi %scan3A_44, %scan3A_45 : i32
      %scan3A_47 = arith.constant 1 : i32
      scf.for %scan3A_49 = %scan3A_44 to %scan3A_46 step %scan3A_47  : i32 {
        %mul3A_50 = arith.constant 1 : i32
        %mul3A_51 = arith.muli %scan3A_49, %mul3A_50 : i32
        %add3A_52 = arith.constant 0 : i32
        %add3A_53 = arith.addi %add3A_52, %mul3A_51 : i32
        %get3A = arith.index_cast %add3A_53 : i32 to index
        %get3A_54 = arith.constant 0 : index
        %get3A_55 = tpu.vector_load %arg11[%get3A, %get3A_54] {strides = array<i32>} : memref<128x128xf32, #tpu.memory_space<vmem>>, vector<1x16xf32>,
        %get3A_56 = vector.shape_cast %get3A_55 : vector<1x16xf32> to vector<16xf32>
        %get3A_57 = arith.index_cast %add3A_53 : i32 to index
        %get3A_58 = arith.constant 0 : index
        %get3A_59 = tpu.vector_load %arg12[%get3A_57, %get3A_58] {strides = array<i32>} : memref<128x128xf32, #tpu.memory_space<vmem>>, vector<1x16xf32>,
        %get3A_60 = vector.shape_cast %get3A_59 : vector<1x16xf32> to vector<16xf32>
        %add3A_61 = arith.addf %get3A_56, %get3A_60 : vector<16xf32>
        %min3A = arith.constant 0.000000e+00 : f32
        %min3A_62 = vector.broadcast %min3A : f32 to vector<16xf32>
        %min3A_63 = arith.minimumf %add3A_61, %min3A_62 : vector<16xf32>
        %max3A = arith.constant -1.750000e+01 : f32
        %max3A_64 = vector.broadcast %max3A : f32 to vector<16xf32>
        %max3A_65 = arith.maximumf %min3A_63, %max3A_64 : vector<16xf32>
        %mul3A_66 = arith.constant 3.125000e-02 : f32
        %mul3A_67 = vector.broadcast %mul3A_66 : f32 to vector<16xf32>
        %mul3A_68 = arith.mulf %max3A_65, %mul3A_67 : vector<16xf32>
        %mul3A_69 = arith.constant 2.48015876E-5 : f32
        %mul3A_70 = vector.broadcast %mul3A_69 : f32 to vector<16xf32>
        %mul3A_71 = arith.mulf %mul3A_68, %mul3A_70 : vector<16xf32>
        %add3A_72 = arith.constant 1.98412701E-4 : f32
        %add3A_73 = vector.broadcast %add3A_72 : f32 to vector<16xf32>
        %add3A_74 = arith.addf %mul3A_71, %add3A_73 : vector<16xf32>
        %mul3A_75 = arith.mulf %add3A_74, %mul3A_68 : vector<16xf32>
        %add3A_76 = arith.constant 0.00138888892 : f32
        %add3A_77 = vector.broadcast %add3A_76 : f32 to vector<16xf32>
        %add3A_78 = arith.addf %mul3A_75, %add3A_77 : vector<16xf32>
        %mul3A_79 = arith.mulf %add3A_78, %mul3A_68 : vector<16xf32>
        %add3A_80 = arith.constant 0.00833333377 : f32
        %add3A_81 = vector.broadcast %add3A_80 : f32 to vector<16xf32>
        %add3A_82 = arith.addf %mul3A_79, %add3A_81 : vector<16xf32>
        %mul3A_83 = arith.mulf %add3A_82, %mul3A_68 : vector<16xf32>
        %add3A_84 = arith.constant 0.0416666679 : f32
        %add3A_85 = vector.broadcast %add3A_84 : f32 to vector<16xf32>
        %add3A_86 = arith.addf %mul3A_83, %add3A_85 : vector<16xf32>
        %mul3A_87 = arith.mulf %add3A_86, %mul3A_68 : vector<16xf32>
        %add3A_88 = arith.constant 0.166666672 : f32
        %add3A_89 = vector.broadcast %add3A_88 : f32 to vector<16xf32>
        %add3A_90 = arith.addf %mul3A_87, %add3A_89 : vector<16xf32>
        %mul3A_91 = arith.mulf %add3A_90, %mul3A_68 : vector<16xf32>
        %add3A_92 = arith.constant 5.000000e-01 : f32
        %add3A_93 = vector.broadcast %add3A_92 : f32 to vector<16xf32>
        %add3A_94 = arith.addf %mul3A_91, %add3A_93 : vector<16xf32>
        %mul3A_95 = arith.mulf %add3A_94, %mul3A_68 : vector<16xf32>
        %add3A_96 = arith.constant 1.000000e+00 : f32
        %add3A_97 = vector.broadcast %add3A_96 : f32 to vector<16xf32>
        %add3A_98 = arith.addf %mul3A_95, %add3A_97 : vector<16xf32>
        %mul3A_99 = arith.mulf %add3A_98, %mul3A_68 : vector<16xf32>
        %add3A_100 = arith.constant 1.000000e+00 : f32
        %add3A_101 = vector.broadcast %add3A_100 : f32 to vector<16xf32>
        %add3A_102 = arith.addf %mul3A_99, %add3A_101 : vector<16xf32>
        %mul3A_103 = arith.mulf %add3A_102, %add3A_102 : vector<16xf32>
        %mul3A_104 = arith.mulf %mul3A_103, %mul3A_103 : vector<16xf32>
        %mul3A_105 = arith.mulf %mul3A_104, %mul3A_104 : vector<16xf32>
        %mul3A_106 = arith.mulf %mul3A_105, %mul3A_105 : vector<16xf32>
        %mul3A_107 = arith.mulf %mul3A_106, %mul3A_106 : vector<16xf32>
        %gt3A = arith.constant 0.000000e+00 : f32
        %gt3A_108 = vector.broadcast %gt3A : f32 to vector<16xf32>
        %gt3A_109 = arith.cmpf ogt, %add3A_61, %gt3A_108 : vector<16xf32>
        %mul3A_110 = arith.constant 1.05070102 : f32
        %mul3A_111 = vector.broadcast %mul3A_110 : f32 to vector<16xf32>
        %mul3A_112 = arith.mulf %mul3A_111, %add3A_61 : vector<16xf32>
        %mul3A_113 = arith.constant 1.75809932 : f32
        %mul3A_114 = vector.broadcast %mul3A_113 : f32 to vector<16xf32>
        %mul3A_115 = arith.mulf %mul3A_114, %mul3A_107 : vector<16xf32>
        %sub3A = arith.constant 1.75809932 : f32
        %sub3A_116 = vector.broadcast %sub3A : f32 to vector<16xf32>
        %sub3A_117 = arith.subf %mul3A_115, %sub3A_116 : vector<16xf32>
        %select_n3A = arith.select %gt3A_109, %mul3A_112, %sub3A_117 : vector<16xi1>, vector<16xf32>
        %swap3A = arith.index_cast %add3A_53 : i32 to index
        %swap3A_118 = arith.constant 0 : index
        %swap3A_119 = tpu.vector_load %arg11[%swap3A, %swap3A_118] {strides = array<i32>} : memref<128x128xf32, #tpu.memory_space<vmem>>, vector<1x16xf32>,
        %swap3A_120 = vector.shape_cast %swap3A_119 : vector<1x16xf32> to vector<16xf32>
        %swap3A_121 = vector.shape_cast %select_n3A : vector<16xf32> to vector<1x16xf32>
        tpu.vector_store %arg11[%swap3A, %swap3A_118], %swap3A_121 {strides = array<i32>} : memref<128x128xf32, #tpu.memory_space<vmem>>, vector<1x16xf32>,
        %get3A_122 = arith.index_cast %add3A_53 : i32 to index
        %get3A_123 = arith.constant 16 : index
        %get3A_124 = tpu.vector_load %arg11[%get3A_122, %get3A_123] {strides = array<i32>} : memref<128x128xf32, #tpu.memory_space<vmem>>, vector<1x16xf32>,
        %get3A_125 = vector.shape_cast %get3A_124 : vector<1x16xf32> to vector<16xf32>
        %get3A_126 = arith.index_cast %add3A_53 : i32 to index
        %get3A_127 = arith.constant 16 : index
        %get3A_128 = tpu.vector_load %arg12[%get3A_126, %get3A_127] {strides = array<i32>} : memref<128x128xf32, #tpu.memory_space<vmem>>, vector<1x16xf32>,
        %get3A_129 = vector.shape_cast %get3A_128 : vector<1x16xf32> to vector<16xf32>
        %add3A_130 = arith.addf %get3A_125, %get3A_129 : vector<16xf32>
        %min3A_131 = arith.constant 0.000000e+00 : f32
        %min3A_132 = vector.broadcast %min3A_131 : f32 to vector<16xf32>
        %min3A_133 = arith.minimumf %add3A_130, %min3A_132 : vector<16xf32>
        %max3A_134 = arith.constant -1.750000e+01 : f32
        %max3A_135 = vector.broadcast %max3A_134 : f32 to vector<16xf32>
        %max3A_136 = arith.maximumf %min3A_133, %max3A_135 : vector<16xf32>
        %mul3A_137 = arith.constant 3.125000e-02 : f32
        %mul3A_138 = vector.broadcast %mul3A_137 : f32 to vector<16xf32>
        %mul3A_139 = arith.mulf %max3A_136, %mul3A_138 : vector<16xf32>
        %mul3A_140 = arith.constant 2.48015876E-5 : f32
        %mul3A_141 = vector.broadcast %mul3A_140 : f32 to vector<16xf32>
        %mul3A_142 = arith.mulf %mul3A_139, %mul3A_141 : vector<16xf32>
        %add3A_143 = arith.constant 1.98412701E-4 : f32
        %add3A_144 = vector.broadcast %add3A_143 : f32 to vector<16xf32>
        %add3A_145 = arith.addf %mul3A_142, %add3A_144 : vector<16xf32>
        %mul3A_146 = arith.mulf %add3A_145, %mul3A_139 : vector<16xf32>
        %add3A_147 = arith.constant 0.00138888892 : f32
        %add3A_148 = vector.broadcast %add3A_147 : f32 to vector<16xf32>
        %add3A_149 = arith.addf %mul3A_146, %add3A_148 : vector<16xf32>
        %mul3A_150 = arith.mulf %add3A_149, %mul3A_139 : vector<16xf32>
        %add3A_151 = arith.constant 0.00833333377 : f32
        %add3A_152 = vector.broadcast %add3A_151 : f32 to vector<16xf32>
        %add3A_153 = arith.addf %mul3A_150, %add3A_152 : vector<16xf32>
        %mul3A_154 = arith.mulf %add3A_153, %mul3A_139 : vector<16xf32>
        %add3A_155 = arith.constant 0.0416666679 : f32
        %add3A_156 = vector.broadcast %add3A_155 : f32 to vector<16xf32>
        %add3A_157 = arith.addf %mul3A_154, %add3A_156 : vector<16xf32>
        %mul3A_158 = arith.mulf %add3A_157, %mul3A_139 : vector<16xf32>
        %add3A_159 = arith.constant 0.166666672 : f32
        %add3A_160 = vector.broadcast %add3A_159 : f32 to vector<16xf32>
        %add3A_161 = arith.addf %mul3A_158, %add3A_160 : vector<16xf32>
        %mul3A_162 = arith.mulf %add3A_161, %mul3A_139 : vector<16xf32>
        %add3A_163 = arith.constant 5.000000e-01 : f32
        %add3A_164 = vector.broadcast %add3A_163 : f32 to vector<16xf32>
        %add3A_165 = arith.addf %mul3A_162, %add3A_164 : vector<16xf32>
        %mul3A_166 = arith.mulf %add3A_165, %mul3A_139 : vector<16xf32>
        %add3A_167 = arith.constant 1.000000e+00 : f32
        %add3A_168 = vector.broadcast %add3A_167 : f32 to vector<16xf32>
        %add3A_169 = arith.addf %mul3A_166, %add3A_168 : vector<16xf32>
        %mul3A_170 = arith.mulf %add3A_169, %mul3A_139 : vector<16xf32>
        %add3A_171 = arith.constant 1.000000e+00 : f32
        %add3A_172 = vector.broadcast %add3A_171 : f32 to vector<16xf32>
        %add3A_173 = arith.addf %mul3A_170, %add3A_172 : vector<16xf32>
        %mul3A_174 = arith.mulf %add3A_173, %add3A_173 : vector<16xf32>
        %mul3A_175 = arith.mulf %mul3A_174, %mul3A_174 : vector<16xf32>
        %mul3A_176 = arith.mulf %mul3A_175, %mul3A_175 : vector<16xf32>
        %mul3A_177 = arith.mulf %mul3A_176, %mul3A_176 : vector<16xf32>
        %mul3A_178 = arith.mulf %mul3A_177, %mul3A_177 : vector<16xf32>
        %gt3A_179 = arith.constant 0.000000e+00 : f32
        %gt3A_180 = vector.broadcast %gt3A_179 : f32 to vector<16xf32>
        %gt3A_181 = arith.cmpf ogt, %add3A_130, %gt3A_180 : vector<16xf32>
        %mul3A_182 = arith.constant 1.05070102 : f32
        %mul3A_183 = vector.broadcast %mul3A_182 : f32 to vector<16xf32>
        %mul3A_184 = arith.mulf %mul3A_183, %add3A_130 : vector<16xf32>
        %mul3A_185 = arith.constant 1.75809932 : f32
        %mul3A_186 = vector.broadcast %mul3A_185 : f32 to vector<16xf32>
        %mul3A_187 = arith.mulf %mul3A_186, %mul3A_178 : vector<16xf32>
        %sub3A_188 = arith.constant 1.75809932 : f32
        %sub3A_189 = vector.broadcast %sub3A_188 : f32 to vector<16xf32>
        %sub3A_190 = arith.subf %mul3A_187, %sub3A_189 : vector<16xf32>
        %select_n3A_191 = arith.select %gt3A_181, %mul3A_184, %sub3A_190 : vector<16xi1>, vector<16xf32>
        %swap3A_192 = arith.index_cast %add3A_53 : i32 to index
        %swap3A_193 = arith.constant 16 : index
        %swap3A_194 = tpu.vector_load %arg11[%swap3A_192, %swap3A_193] {strides = array<i32>} : memref<128x128xf32, #tpu.memory_space<vmem>>, vector<1x16xf32>,
        %swap3A_195 = vector.shape_cast %swap3A_194 : vector<1x16xf32> to vector<16xf32>
        %swap3A_196 = vector.shape_cast %select_n3A_191 : vector<16xf32> to vector<1x16xf32>
        tpu.vector_store %arg11[%swap3A_192, %swap3A_193], %swap3A_196 {strides = array<i32>} : memref<128x128xf32, #tpu.memory_space<vmem>>, vector<1x16xf32>,
        %get3A_197 = arith.index_cast %add3A_53 : i32 to index
        %get3A_198 = arith.constant 32 : index
        %get3A_199 = tpu.vector_load %arg11[%get3A_197, %get3A_198] {strides = array<i32>} : memref<128x128xf32, #tpu.memory_space<vmem>>, vector<1x16xf32>,
        %get3A_200 = vector.shape_cast %get3A_199 : vector<1x16xf32> to vector<16xf32>
        %get3A_201 = arith.index_cast %add3A_53 : i32 to index
        %get3A_202 = arith.constant 32 : index
        %get3A_203 = tpu.vector_load %arg12[%get3A_201, %get3A_202] {strides = array<i32>} : memref<128x128xf32, #tpu.memory_space<vmem>>, vector<1x16xf32>,
        %get3A_204 = vector.shape_cast %get3A_203 : vector<1x16xf32> to vector<16xf32>
        %add3A_205 = arith.addf %get3A_200, %get3A_204 : vector<16xf32>
        %min3A_206 = arith.constant 0.000000e+00 : f32
        %min3A_207 = vector.broadcast %min3A_206 : f32 to vector<16xf32>
        %min3A_208 = arith.minimumf %add3A_205, %min3A_207 : vector<16xf32>
        %max3A_209 = arith.constant -1.750000e+01 : f32
        %max3A_210 = vector.broadcast %max3A_209 : f32 to vector<16xf32>
        %max3A_211 = arith.maximumf %min3A_208, %max3A_210 : vector<16xf32>
        %mul3A_212 = arith.constant 3.125000e-02 : f32
        %mul3A_213 = vector.broadcast %mul3A_212 : f32 to vector<16xf32>
        %mul3A_214 = arith.mulf %max3A_211, %mul3A_213 : vector<16xf32>
        %mul3A_215 = arith.constant 2.48015876E-5 : f32
        %mul3A_216 = vector.broadcast %mul3A_215 : f32 to vector<16xf32>
        %mul3A_217 = arith.mulf %mul3A_214, %mul3A_216 : vector<16xf32>
        %add3A_218 = arith.constant 1.98412701E-4 : f32
        %add3A_219 = vector.broadcast %add3A_218 : f32 to vector<16xf32>
        %add3A_220 = arith.addf %mul3A_217, %add3A_219 : vector<16xf32>
        %mul3A_221 = arith.mulf %add3A_220, %mul3A_214 : vector<16xf32>
        %add3A_222 = arith.constant 0.00138888892 : f32
        %add3A_223 = vector.broadcast %add3A_222 : f32 to vector<16xf32>
        %add3A_224 = arith.addf %mul3A_221, %add3A_223 : vector<16xf32>
        %mul3A_225 = arith.mulf %add3A_224, %mul3A_214 : vector<16xf32>
        %add3A_226 = arith.constant 0.00833333377 : f32
        %add3A_227 = vector.broadcast %add3A_226 : f32 to vector<16xf32>
        %add3A_228 = arith.addf %mul3A_225, %add3A_227 : vector<16xf32>
        %mul3A_229 = arith.mulf %add3A_228, %mul3A_214 : vector<16xf32>
        %add3A_230 = arith.constant 0.0416666679 : f32
        %add3A_231 = vector.broadcast %add3A_230 : f32 to vector<16xf32>
        %add3A_232 = arith.addf %mul3A_229, %add3A_231 : vector<16xf32>
        %mul3A_233 = arith.mulf %add3A_232, %mul3A_214 : vector<16xf32>
        %add3A_234 = arith.constant 0.166666672 : f32
        %add3A_235 = vector.broadcast %add3A_234 : f32 to vector<16xf32>
        %add3A_236 = arith.addf %mul3A_233, %add3A_235 : vector<16xf32>
        %mul3A_237 = arith.mulf %add3A_236, %mul3A_214 : vector<16xf32>
        %add3A_238 = arith.constant 5.000000e-01 : f32
        %add3A_239 = vector.broadcast %add3A_238 : f32 to vector<16xf32>
        %add3A_240 = arith.addf %mul3A_237, %add3A_239 : vector<16xf32>
        %mul3A_241 = arith.mulf %add3A_240, %mul3A_214 : vector<16xf32>
        %add3A_242 = arith.constant 1.000000e+00 : f32
        %add3A_243 = vector.broadcast %add3A_242 : f32 to vector<16xf32>
        %add3A_244 = arith.addf %mul3A_241, %add3A_243 : vector<16xf32>
        %mul3A_245 = arith.mulf %add3A_244, %mul3A_214 : vector<16xf32>
        %add3A_246 = arith.constant 1.000000e+00 : f32
        %add3A_247 = vector.broadcast %add3A_246 : f32 to vector<16xf32>
        %add3A_248 = arith.addf %mul3A_245, %add3A_247 : vector<16xf32>
        %mul3A_249 = arith.mulf %add3A_248, %add3A_248 : vector<16xf32>
        %mul3A_250 = arith.mulf %mul3A_249, %mul3A_249 : vector<16xf32>
        %mul3A_251 = arith.mulf %mul3A_250, %mul3A_250 : vector<16xf32>
        %mul3A_252 = arith.mulf %mul3A_251, %mul3A_251 : vector<16xf32>
        %mul3A_253 = arith.mulf %mul3A_252, %mul3A_252 : vector<16xf32>
        %gt3A_254 = arith.constant 0.000000e+00 : f32
        %gt3A_255 = vector.broadcast %gt3A_254 : f32 to vector<16xf32>
        %gt3A_256 = arith.cmpf ogt, %add3A_205, %gt3A_255 : vector<16xf32>
        %mul3A_257 = arith.constant 1.05070102 : f32
        %mul3A_258 = vector.broadcast %mul3A_257 : f32 to vector<16xf32>
        %mul3A_259 = arith.mulf %mul3A_258, %add3A_205 : vector<16xf32>
        %mul3A_260 = arith.constant 1.75809932 : f32
        %mul3A_261 = vector.broadcast %mul3A_260 : f32 to vector<16xf32>
        %mul3A_262 = arith.mulf %mul3A_261, %mul3A_253 : vector<16xf32>
        %sub3A_263 = arith.constant 1.75809932 : f32
        %sub3A_264 = vector.broadcast %sub3A_263 : f32 to vector<16xf32>
        %sub3A_265 = arith.subf %mul3A_262, %sub3A_264 : vector<16xf32>
        %select_n3A_266 = arith.select %gt3A_256, %mul3A_259, %sub3A_265 : vector<16xi1>, vector<16xf32>
        %swap3A_267 = arith.index_cast %add3A_53 : i32 to index
        %swap3A_268 = arith.constant 32 : index
        %swap3A_269 = tpu.vector_load %arg11[%swap3A_267, %swap3A_268] {strides = array<i32>} : memref<128x128xf32, #tpu.memory_space<vmem>>, vector<1x16xf32>,
        %swap3A_270 = vector.shape_cast %swap3A_269 : vector<1x16xf32> to vector<16xf32>
        %swap3A_271 = vector.shape_cast %select_n3A_266 : vector<16xf32> to vector<1x16xf32>
        tpu.vector_store %arg11[%swap3A_267, %swap3A_268], %swap3A_271 {strides = array<i32>} : memref<128x128xf32, #tpu.memory_space<vmem>>, vector<1x16xf32>,
        %get3A_272 = arith.index_cast %add3A_53 : i32 to index
        %get3A_273 = arith.constant 48 : index
        %get3A_274 = tpu.vector_load %arg11[%get3A_272, %get3A_273] {strides = array<i32>} : memref<128x128xf32, #tpu.memory_space<vmem>>, vector<1x16xf32>,
        %get3A_275 = vector.shape_cast %get3A_274 : vector<1x16xf32> to vector<16xf32>
        %get3A_276 = arith.index_cast %add3A_53 : i32 to index
        %get3A_277 = arith.constant 48 : index
        %get3A_278 = tpu.vector_load %arg12[%get3A_276, %get3A_277] {strides = array<i32>} : memref<128x128xf32, #tpu.memory_space<vmem>>, vector<1x16xf32>,
        %get3A_279 = vector.shape_cast %get3A_278 : vector<1x16xf32> to vector<16xf32>
        %add3A_280 = arith.addf %get3A_275, %get3A_279 : vector<16xf32>
        %min3A_281 = arith.constant 0.000000e+00 : f32
        %min3A_282 = vector.broadcast %min3A_281 : f32 to vector<16xf32>
        %min3A_283 = arith.minimumf %add3A_280, %min3A_282 : vector<16xf32>
        %max3A_284 = arith.constant -1.750000e+01 : f32
        %max3A_285 = vector.broadcast %max3A_284 : f32 to vector<16xf32>
        %max3A_286 = arith.maximumf %min3A_283, %max3A_285 : vector<16xf32>
        %mul3A_287 = arith.constant 3.125000e-02 : f32
        %mul3A_288 = vector.broadcast %mul3A_287 : f32 to vector<16xf32>
        %mul3A_289 = arith.mulf %max3A_286, %mul3A_288 : vector<16xf32>
        %mul3A_290 = arith.constant 2.48015876E-5 : f32
        %mul3A_291 = vector.broadcast %mul3A_290 : f32 to vector<16xf32>
        %mul3A_292 = arith.mulf %mul3A_289, %mul3A_291 : vector<16xf32>
        %add3A_293 = arith.constant 1.98412701E-4 : f32
        %add3A_294 = vector.broadcast %add3A_293 : f32 to vector<16xf32>
        %add3A_295 = arith.addf %mul3A_292, %add3A_294 : vector<16xf32>
        %mul3A_296 = arith.mulf %add3A_295, %mul3A_289 : vector<16xf32>
        %add3A_297 = arith.constant 0.00138888892 : f32
        %add3A_298 = vector.broadcast %add3A_297 : f32 to vector<16xf32>
        %add3A_299 = arith.addf %mul3A_296, %add3A_298 : vector<16xf32>
        %mul3A_300 = arith.mulf %add3A_299, %mul3A_289 : vector<16xf32>
        %add3A_301 = arith.constant 0.00833333377 : f32
        %add3A_302 = vector.broadcast %add3A_301 : f32 to vector<16xf32>
        %add3A_303 = arith.addf %mul3A_300, %add3A_302 : vector<16xf32>
        %mul3A_304 = arith.mulf %add3A_303, %mul3A_289 : vector<16xf32>
        %add3A_305 = arith.constant 0.0416666679 : f32
        %add3A_306 = vector.broadcast %add3A_305 : f32 to vector<16xf32>
        %add3A_307 = arith.addf %mul3A_304, %add3A_306 : vector<16xf32>
        %mul3A_308 = arith.mulf %add3A_307, %mul3A_289 : vector<16xf32>
        %add3A_309 = arith.constant 0.166666672 : f32
        %add3A_310 = vector.broadcast %add3A_309 : f32 to vector<16xf32>
        %add3A_311 = arith.addf %mul3A_308, %add3A_310 : vector<16xf32>
        %mul3A_312 = arith.mulf %add3A_311, %mul3A_289 : vector<16xf32>
        %add3A_313 = arith.constant 5.000000e-01 : f32
        %add3A_314 = vector.broadcast %add3A_313 : f32 to vector<16xf32>
        %add3A_315 = arith.addf %mul3A_312, %add3A_314 : vector<16xf32>
        %mul3A_316 = arith.mulf %add3A_315, %mul3A_289 : vector<16xf32>
        %add3A_317 = arith.constant 1.000000e+00 : f32
        %add3A_318 = vector.broadcast %add3A_317 : f32 to vector<16xf32>
        %add3A_319 = arith.addf %mul3A_316, %add3A_318 : vector<16xf32>
        %mul3A_320 = arith.mulf %add3A_319, %mul3A_289 : vector<16xf32>
        %add3A_321 = arith.constant 1.000000e+00 : f32
        %add3A_322 = vector.broadcast %add3A_321 : f32 to vector<16xf32>
        %add3A_323 = arith.addf %mul3A_320, %add3A_322 : vector<16xf32>
        %mul3A_324 = arith.mulf %add3A_323, %add3A_323 : vector<16xf32>
        %mul3A_325 = arith.mulf %mul3A_324, %mul3A_324 : vector<16xf32>
        %mul3A_326 = arith.mulf %mul3A_325, %mul3A_325 : vector<16xf32>
        %mul3A_327 = arith.mulf %mul3A_326, %mul3A_326 : vector<16xf32>
        %mul3A_328 = arith.mulf %mul3A_327, %mul3A_327 : vector<16xf32>
        %gt3A_329 = arith.constant 0.000000e+00 : f32
        %gt3A_330 = vector.broadcast %gt3A_329 : f32 to vector<16xf32>
        %gt3A_331 = arith.cmpf ogt, %add3A_280, %gt3A_330 : vector<16xf32>
        %mul3A_332 = arith.constant 1.05070102 : f32
        %mul3A_333 = vector.broadcast %mul3A_332 : f32 to vector<16xf32>
        %mul3A_334 = arith.mulf %mul3A_333, %add3A_280 : vector<16xf32>
        %mul3A_335 = arith.constant 1.75809932 : f32
        %mul3A_336 = vector.broadcast %mul3A_335 : f32 to vector<16xf32>
        %mul3A_337 = arith.mulf %mul3A_336, %mul3A_328 : vector<16xf32>
        %sub3A_338 = arith.constant 1.75809932 : f32
        %sub3A_339 = vector.broadcast %sub3A_338 : f32 to vector<16xf32>
        %sub3A_340 = arith.subf %mul3A_337, %sub3A_339 : vector<16xf32>
        %select_n3A_341 = arith.select %gt3A_331, %mul3A_334, %sub3A_340 : vector<16xi1>, vector<16xf32>
        %swap3A_342 = arith.index_cast %add3A_53 : i32 to index
        %swap3A_343 = arith.constant 48 : index
        %swap3A_344 = tpu.vector_load %arg11[%swap3A_342, %swap3A_343] {strides = array<i32>} : memref<128x128xf32, #tpu.memory_space<vmem>>, vector<1x16xf32>,
        %swap3A_345 = vector.shape_cast %swap3A_344 : vector<1x16xf32> to vector<16xf32>
        %swap3A_346 = vector.shape_cast %select_n3A_341 : vector<16xf32> to vector<1x16xf32>
        tpu.vector_store %arg11[%swap3A_342, %swap3A_343], %swap3A_346 {strides = array<i32>} : memref<128x128xf32, #tpu.memory_space<vmem>>, vector<1x16xf32>,
        %get3A_347 = arith.index_cast %add3A_53 : i32 to index
        %get3A_348 = arith.constant 64 : index
        %get3A_349 = tpu.vector_load %arg11[%get3A_347, %get3A_348] {strides = array<i32>} : memref<128x128xf32, #tpu.memory_space<vmem>>, vector<1x16xf32>,
        %get3A_350 = vector.shape_cast %get3A_349 : vector<1x16xf32> to vector<16xf32>
        %get3A_351 = arith.index_cast %add3A_53 : i32 to index
        %get3A_352 = arith.constant 64 : index
        %get3A_353 = tpu.vector_load %arg12[%get3A_351, %get3A_352] {strides = array<i32>} : memref<128x128xf32, #tpu.memory_space<vmem>>, vector<1x16xf32>,
        %get3A_354 = vector.shape_cast %get3A_353 : vector<1x16xf32> to vector<16xf32>
        %add3A_355 = arith.addf %get3A_350, %get3A_354 : vector<16xf32>
        %min3A_356 = arith.constant 0.000000e+00 : f32
        %min3A_357 = vector.broadcast %min3A_356 : f32 to vector<16xf32>
        %min3A_358 = arith.minimumf %add3A_355, %min3A_357 : vector<16xf32>
        %max3A_359 = arith.constant -1.750000e+01 : f32
        %max3A_360 = vector.broadcast %max3A_359 : f32 to vector<16xf32>
        %max3A_361 = arith.maximumf %min3A_358, %max3A_360 : vector<16xf32>
        %mul3A_362 = arith.constant 3.125000e-02 : f32
        %mul3A_363 = vector.broadcast %mul3A_362 : f32 to vector<16xf32>
        %mul3A_364 = arith.mulf %max3A_361, %mul3A_363 : vector<16xf32>
        %mul3A_365 = arith.constant 2.48015876E-5 : f32
        %mul3A_366 = vector.broadcast %mul3A_365 : f32 to vector<16xf32>
        %mul3A_367 = arith.mulf %mul3A_364, %mul3A_366 : vector<16xf32>
        %add3A_368 = arith.constant 1.98412701E-4 : f32
        %add3A_369 = vector.broadcast %add3A_368 : f32 to vector<16xf32>
        %add3A_370 = arith.addf %mul3A_367, %add3A_369 : vector<16xf32>
        %mul3A_371 = arith.mulf %add3A_370, %mul3A_364 : vector<16xf32>
        %add3A_372 = arith.constant 0.00138888892 : f32
        %add3A_373 = vector.broadcast %add3A_372 : f32 to vector<16xf32>
        %add3A_374 = arith.addf %mul3A_371, %add3A_373 : vector<16xf32>
        %mul3A_375 = arith.mulf %add3A_374, %mul3A_364 : vector<16xf32>
        %add3A_376 = arith.constant 0.00833333377 : f32
        %add3A_377 = vector.broadcast %add3A_376 : f32 to vector<16xf32>
        %add3A_378 = arith.addf %mul3A_375, %add3A_377 : vector<16xf32>
        %mul3A_379 = arith.mulf %add3A_378, %mul3A_364 : vector<16xf32>
        %add3A_380 = arith.constant 0.0416666679 : f32
        %add3A_381 = vector.broadcast %add3A_380 : f32 to vector<16xf32>
        %add3A_382 = arith.addf %mul3A_379, %add3A_381 : vector<16xf32>
        %mul3A_383 = arith.mulf %add3A_382, %mul3A_364 : vector<16xf32>
        %add3A_384 = arith.constant 0.166666672 : f32
        %add3A_385 = vector.broadcast %add3A_384 : f32 to vector<16xf32>
        %add3A_386 = arith.addf %mul3A_383, %add3A_385 : vector<16xf32>
        %mul3A_387 = arith.mulf %add3A_386, %mul3A_364 : vector<16xf32>
        %add3A_388 = arith.constant 5.000000e-01 : f32
        %add3A_389 = vector.broadcast %add3A_388 : f32 to vector<16xf32>
        %add3A_390 = arith.addf %mul3A_387, %add3A_389 : vector<16xf32>
        %mul3A_391 = arith.mulf %add3A_390, %mul3A_364 : vector<16xf32>
        %add3A_392 = arith.constant 1.000000e+00 : f32
        %add3A_393 = vector.broadcast %add3A_392 : f32 to vector<16xf32>
        %add3A_394 = arith.addf %mul3A_391, %add3A_393 : vector<16xf32>
        %mul3A_395 = arith.mulf %add3A_394, %mul3A_364 : vector<16xf32>
        %add3A_396 = arith.constant 1.000000e+00 : f32
        %add3A_397 = vector.broadcast %add3A_396 : f32 to vector<16xf32>
        %add3A_398 = arith.addf %mul3A_395, %add3A_397 : vector<16xf32>
        %mul3A_399 = arith.mulf %add3A_398, %add3A_398 : vector<16xf32>
        %mul3A_400 = arith.mulf %mul3A_399, %mul3A_399 : vector<16xf32>
        %mul3A_401 = arith.mulf %mul3A_400, %mul3A_400 : vector<16xf32>
        %mul3A_402 = arith.mulf %mul3A_401, %mul3A_401 : vector<16xf32>
        %mul3A_403 = arith.mulf %mul3A_402, %mul3A_402 : vector<16xf32>
        %gt3A_404 = arith.constant 0.000000e+00 : f32
        %gt3A_405 = vector.broadcast %gt3A_404 : f32 to vector<16xf32>
        %gt3A_406 = arith.cmpf ogt, %add3A_355, %gt3A_405 : vector<16xf32>
        %mul3A_407 = arith.constant 1.05070102 : f32
        %mul3A_408 = vector.broadcast %mul3A_407 : f32 to vector<16xf32>
        %mul3A_409 = arith.mulf %mul3A_408, %add3A_355 : vector<16xf32>
        %mul3A_410 = arith.constant 1.75809932 : f32
        %mul3A_411 = vector.broadcast %mul3A_410 : f32 to vector<16xf32>
        %mul3A_412 = arith.mulf %mul3A_411, %mul3A_403 : vector<16xf32>
        %sub3A_413 = arith.constant 1.75809932 : f32
        %sub3A_414 = vector.broadcast %sub3A_413 : f32 to vector<16xf32>
        %sub3A_415 = arith.subf %mul3A_412, %sub3A_414 : vector<16xf32>
        %select_n3A_416 = arith.select %gt3A_406, %mul3A_409, %sub3A_415 : vector<16xi1>, vector<16xf32>
        %swap3A_417 = arith.index_cast %add3A_53 : i32 to index
        %swap3A_418 = arith.constant 64 : index
        %swap3A_419 = tpu.vector_load %arg11[%swap3A_417, %swap3A_418] {strides = array<i32>} : memref<128x128xf32, #tpu.memory_space<vmem>>, vector<1x16xf32>,
        %swap3A_420 = vector.shape_cast %swap3A_419 : vector<1x16xf32> to vector<16xf32>
        %swap3A_421 = vector.shape_cast %select_n3A_416 : vector<16xf32> to vector<1x16xf32>
        tpu.vector_store %arg11[%swap3A_417, %swap3A_418], %swap3A_421 {strides = array<i32>} : memref<128x128xf32, #tpu.memory_space<vmem>>, vector<1x16xf32>,
        %get3A_422 = arith.index_cast %add3A_53 : i32 to index
        %get3A_423 = arith.constant 80 : index
        %get3A_424 = tpu.vector_load %arg11[%get3A_422, %get3A_423] {strides = array<i32>} : memref<128x128xf32, #tpu.memory_space<vmem>>, vector<1x16xf32>,
        %get3A_425 = vector.shape_cast %get3A_424 : vector<1x16xf32> to vector<16xf32>
        %get3A_426 = arith.index_cast %add3A_53 : i32 to index
        %get3A_427 = arith.constant 80 : index
        %get3A_428 = tpu.vector_load %arg12[%get3A_426, %get3A_427] {strides = array<i32>} : memref<128x128xf32, #tpu.memory_space<vmem>>, vector<1x16xf32>,
        %get3A_429 = vector.shape_cast %get3A_428 : vector<1x16xf32> to vector<16xf32>
        %add3A_430 = arith.addf %get3A_425, %get3A_429 : vector<16xf32>
        %min3A_431 = arith.constant 0.000000e+00 : f32
        %min3A_432 = vector.broadcast %min3A_431 : f32 to vector<16xf32>
        %min3A_433 = arith.minimumf %add3A_430, %min3A_432 : vector<16xf32>
        %max3A_434 = arith.constant -1.750000e+01 : f32
        %max3A_435 = vector.broadcast %max3A_434 : f32 to vector<16xf32>
        %max3A_436 = arith.maximumf %min3A_433, %max3A_435 : vector<16xf32>
        %mul3A_437 = arith.constant 3.125000e-02 : f32
        %mul3A_438 = vector.broadcast %mul3A_437 : f32 to vector<16xf32>
        %mul3A_439 = arith.mulf %max3A_436, %mul3A_438 : vector<16xf32>
        %mul3A_440 = arith.constant 2.48015876E-5 : f32
        %mul3A_441 = vector.broadcast %mul3A_440 : f32 to vector<16xf32>
        %mul3A_442 = arith.mulf %mul3A_439, %mul3A_441 : vector<16xf32>
        %add3A_443 = arith.constant 1.98412701E-4 : f32
        %add3A_444 = vector.broadcast %add3A_443 : f32 to vector<16xf32>
        %add3A_445 = arith.addf %mul3A_442, %add3A_444 : vector<16xf32>
        %mul3A_446 = arith.mulf %add3A_445, %mul3A_439 : vector<16xf32>
        %add3A_447 = arith.constant 0.00138888892 : f32
        %add3A_448 = vector.broadcast %add3A_447 : f32 to vector<16xf32>
        %add3A_449 = arith.addf %mul3A_446, %add3A_448 : vector<16xf32>
        %mul3A_450 = arith.mulf %add3A_449, %mul3A_439 : vector<16xf32>
        %add3A_451 = arith.constant 0.00833333377 : f32
        %add3A_452 = vector.broadcast %add3A_451 : f32 to vector<16xf32>
        %add3A_453 = arith.addf %mul3A_450, %add3A_452 : vector<16xf32>
        %mul3A_454 = arith.mulf %add3A_453, %mul3A_439 : vector<16xf32>
        %add3A_455 = arith.constant 0.0416666679 : f32
        %add3A_456 = vector.broadcast %add3A_455 : f32 to vector<16xf32>
        %add3A_457 = arith.addf %mul3A_454, %add3A_456 : vector<16xf32>
        %mul3A_458 = arith.mulf %add3A_457, %mul3A_439 : vector<16xf32>
        %add3A_459 = arith.constant 0.166666672 : f32
        %add3A_460 = vector.broadcast %add3A_459 : f32 to vector<16xf32>
        %add3A_461 = arith.addf %mul3A_458, %add3A_460 : vector<16xf32>
        %mul3A_462 = arith.mulf %add3A_461, %mul3A_439 : vector<16xf32>
        %add3A_463 = arith.constant 5.000000e-01 : f32
        %add3A_464 = vector.broadcast %add3A_463 : f32 to vector<16xf32>
        %add3A_465 = arith.addf %mul3A_462, %add3A_464 : vector<16xf32>
        %mul3A_466 = arith.mulf %add3A_465, %mul3A_439 : vector<16xf32>
        %add3A_467 = arith.constant 1.000000e+00 : f32
        %add3A_468 = vector.broadcast %add3A_467 : f32 to vector<16xf32>
        %add3A_469 = arith.addf %mul3A_466, %add3A_468 : vector<16xf32>
        %mul3A_470 = arith.mulf %add3A_469, %mul3A_439 : vector<16xf32>
        %add3A_471 = arith.constant 1.000000e+00 : f32
        %add3A_472 = vector.broadcast %add3A_471 : f32 to vector<16xf32>
        %add3A_473 = arith.addf %mul3A_470, %add3A_472 : vector<16xf32>
        %mul3A_474 = arith.mulf %add3A_473, %add3A_473 : vector<16xf32>
        %mul3A_475 = arith.mulf %mul3A_474, %mul3A_474 : vector<16xf32>
        %mul3A_476 = arith.mulf %mul3A_475, %mul3A_475 : vector<16xf32>
        %mul3A_477 = arith.mulf %mul3A_476, %mul3A_476 : vector<16xf32>
        %mul3A_478 = arith.mulf %mul3A_477, %mul3A_477 : vector<16xf32>
        %gt3A_479 = arith.constant 0.000000e+00 : f32
        %gt3A_480 = vector.broadcast %gt3A_479 : f32 to vector<16xf32>
        %gt3A_481 = arith.cmpf ogt, %add3A_430, %gt3A_480 : vector<16xf32>
        %mul3A_482 = arith.constant 1.05070102 : f32
        %mul3A_483 = vector.broadcast %mul3A_482 : f32 to vector<16xf32>
        %mul3A_484 = arith.mulf %mul3A_483, %add3A_430 : vector<16xf32>
        %mul3A_485 = arith.constant 1.75809932 : f32
        %mul3A_486 = vector.broadcast %mul3A_485 : f32 to vector<16xf32>
        %mul3A_487 = arith.mulf %mul3A_486, %mul3A_478 : vector<16xf32>
        %sub3A_488 = arith.constant 1.75809932 : f32
        %sub3A_489 = vector.broadcast %sub3A_488 : f32 to vector<16xf32>
        %sub3A_490 = arith.subf %mul3A_487, %sub3A_489 : vector<16xf32>
        %select_n3A_491 = arith.select %gt3A_481, %mul3A_484, %sub3A_490 : vector<16xi1>, vector<16xf32>
        %swap3A_492 = arith.index_cast %add3A_53 : i32 to index
        %swap3A_493 = arith.constant 80 : index
        %swap3A_494 = tpu.vector_load %arg11[%swap3A_492, %swap3A_493] {strides = array<i32>} : memref<128x128xf32, #tpu.memory_space<vmem>>, vector<1x16xf32>,
        %swap3A_495 = vector.shape_cast %swap3A_494 : vector<1x16xf32> to vector<16xf32>
        %swap3A_496 = vector.shape_cast %select_n3A_491 : vector<16xf32> to vector<1x16xf32>
        tpu.vector_store %arg11[%swap3A_492, %swap3A_493], %swap3A_496 {strides = array<i32>} : memref<128x128xf32, #tpu.memory_space<vmem>>, vector<1x16xf32>,
        %get3A_497 = arith.index_cast %add3A_53 : i32 to index
        %get3A_498 = arith.constant 96 : index
        %get3A_499 = tpu.vector_load %arg11[%get3A_497, %get3A_498] {strides = array<i32>} : memref<128x128xf32, #tpu.memory_space<vmem>>, vector<1x16xf32>,
        %get3A_500 = vector.shape_cast %get3A_499 : vector<1x16xf32> to vector<16xf32>
        %get3A_501 = arith.index_cast %add3A_53 : i32 to index
        %get3A_502 = arith.constant 96 : index
        %get3A_503 = tpu.vector_load %arg12[%get3A_501, %get3A_502] {strides = array<i32>} : memref<128x128xf32, #tpu.memory_space<vmem>>, vector<1x16xf32>,
        %get3A_504 = vector.shape_cast %get3A_503 : vector<1x16xf32> to vector<16xf32>
        %add3A_505 = arith.addf %get3A_500, %get3A_504 : vector<16xf32>
        %min3A_506 = arith.constant 0.000000e+00 : f32
        %min3A_507 = vector.broadcast %min3A_506 : f32 to vector<16xf32>
        %min3A_508 = arith.minimumf %add3A_505, %min3A_507 : vector<16xf32>
        %max3A_509 = arith.constant -1.750000e+01 : f32
        %max3A_510 = vector.broadcast %max3A_509 : f32 to vector<16xf32>
        %max3A_511 = arith.maximumf %min3A_508, %max3A_510 : vector<16xf32>
        %mul3A_512 = arith.constant 3.125000e-02 : f32
        %mul3A_513 = vector.broadcast %mul3A_512 : f32 to vector<16xf32>
        %mul3A_514 = arith.mulf %max3A_511, %mul3A_513 : vector<16xf32>
        %mul3A_515 = arith.constant 2.48015876E-5 : f32
        %mul3A_516 = vector.broadcast %mul3A_515 : f32 to vector<16xf32>
        %mul3A_517 = arith.mulf %mul3A_514, %mul3A_516 : vector<16xf32>
        %add3A_518 = arith.constant 1.98412701E-4 : f32
        %add3A_519 = vector.broadcast %add3A_518 : f32 to vector<16xf32>
        %add3A_520 = arith.addf %mul3A_517, %add3A_519 : vector<16xf32>
        %mul3A_521 = arith.mulf %add3A_520, %mul3A_514 : vector<16xf32>
        %add3A_522 = arith.constant 0.00138888892 : f32
        %add3A_523 = vector.broadcast %add3A_522 : f32 to vector<16xf32>
        %add3A_524 = arith.addf %mul3A_521, %add3A_523 : vector<16xf32>
        %mul3A_525 = arith.mulf %add3A_524, %mul3A_514 : vector<16xf32>
        %add3A_526 = arith.constant 0.00833333377 : f32
        %add3A_527 = vector.broadcast %add3A_526 : f32 to vector<16xf32>
        %add3A_528 = arith.addf %mul3A_525, %add3A_527 : vector<16xf32>
        %mul3A_529 = arith.mulf %add3A_528, %mul3A_514 : vector<16xf32>
        %add3A_530 = arith.constant 0.0416666679 : f32
        %add3A_531 = vector.broadcast %add3A_530 : f32 to vector<16xf32>
        %add3A_532 = arith.addf %mul3A_529, %add3A_531 : vector<16xf32>
        %mul3A_533 = arith.mulf %add3A_532, %mul3A_514 : vector<16xf32>
        %add3A_534 = arith.constant 0.166666672 : f32
        %add3A_535 = vector.broadcast %add3A_534 : f32 to vector<16xf32>
        %add3A_536 = arith.addf %mul3A_533, %add3A_535 : vector<16xf32>
        %mul3A_537 = arith.mulf %add3A_536, %mul3A_514 : vector<16xf32>
        %add3A_538 = arith.constant 5.000000e-01 : f32
        %add3A_539 = vector.broadcast %add3A_538 : f32 to vector<16xf32>
        %add3A_540 = arith.addf %mul3A_537, %add3A_539 : vector<16xf32>
        %mul3A_541 = arith.mulf %add3A_540, %mul3A_514 : vector<16xf32>
        %add3A_542 = arith.constant 1.000000e+00 : f32
        %add3A_543 = vector.broadcast %add3A_542 : f32 to vector<16xf32>
        %add3A_544 = arith.addf %mul3A_541, %add3A_543 : vector<16xf32>
        %mul3A_545 = arith.mulf %add3A_544, %mul3A_514 : vector<16xf32>
        %add3A_546 = arith.constant 1.000000e+00 : f32
        %add3A_547 = vector.broadcast %add3A_546 : f32 to vector<16xf32>
        %add3A_548 = arith.addf %mul3A_545, %add3A_547 : vector<16xf32>
        %mul3A_549 = arith.mulf %add3A_548, %add3A_548 : vector<16xf32>
        %mul3A_550 = arith.mulf %mul3A_549, %mul3A_549 : vector<16xf32>
        %mul3A_551 = arith.mulf %mul3A_550, %mul3A_550 : vector<16xf32>
        %mul3A_552 = arith.mulf %mul3A_551, %mul3A_551 : vector<16xf32>
        %mul3A_553 = arith.mulf %mul3A_552, %mul3A_552 : vector<16xf32>
        %gt3A_554 = arith.constant 0.000000e+00 : f32
        %gt3A_555 = vector.broadcast %gt3A_554 : f32 to vector<16xf32>
        %gt3A_556 = arith.cmpf ogt, %add3A_505, %gt3A_555 : vector<16xf32>
        %mul3A_557 = arith.constant 1.05070102 : f32
        %mul3A_558 = vector.broadcast %mul3A_557 : f32 to vector<16xf32>
        %mul3A_559 = arith.mulf %mul3A_558, %add3A_505 : vector<16xf32>
        %mul3A_560 = arith.constant 1.75809932 : f32
        %mul3A_561 = vector.broadcast %mul3A_560 : f32 to vector<16xf32>
        %mul3A_562 = arith.mulf %mul3A_561, %mul3A_553 : vector<16xf32>
        %sub3A_563 = arith.constant 1.75809932 : f32
        %sub3A_564 = vector.broadcast %sub3A_563 : f32 to vector<16xf32>
        %sub3A_565 = arith.subf %mul3A_562, %sub3A_564 : vector<16xf32>
        %select_n3A_566 = arith.select %gt3A_556, %mul3A_559, %sub3A_565 : vector<16xi1>, vector<16xf32>
        %swap3A_567 = arith.index_cast %add3A_53 : i32 to index
        %swap3A_568 = arith.constant 96 : index
        %swap3A_569 = tpu.vector_load %arg11[%swap3A_567, %swap3A_568] {strides = array<i32>} : memref<128x128xf32, #tpu.memory_space<vmem>>, vector<1x16xf32>,
        %swap3A_570 = vector.shape_cast %swap3A_569 : vector<1x16xf32> to vector<16xf32>
        %swap3A_571 = vector.shape_cast %select_n3A_566 : vector<16xf32> to vector<1x16xf32>
        tpu.vector_store %arg11[%swap3A_567, %swap3A_568], %swap3A_571 {strides = array<i32>} : memref<128x128xf32, #tpu.memory_space<vmem>>, vector<1x16xf32>,
        %get3A_572 = arith.index_cast %add3A_53 : i32 to index
        %get3A_573 = arith.constant 112 : index
        %get3A_574 = tpu.vector_load %arg11[%get3A_572, %get3A_573] {strides = array<i32>} : memref<128x128xf32, #tpu.memory_space<vmem>>, vector<1x16xf32>,
        %get3A_575 = vector.shape_cast %get3A_574 : vector<1x16xf32> to vector<16xf32>
        %get3A_576 = arith.index_cast %add3A_53 : i32 to index
        %get3A_577 = arith.constant 112 : index
        %get3A_578 = tpu.vector_load %arg12[%get3A_576, %get3A_577] {strides = array<i32>} : memref<128x128xf32, #tpu.memory_space<vmem>>, vector<1x16xf32>,
        %get3A_579 = vector.shape_cast %get3A_578 : vector<1x16xf32> to vector<16xf32>
        %add3A_580 = arith.addf %get3A_575, %get3A_579 : vector<16xf32>
        %min3A_581 = arith.constant 0.000000e+00 : f32
        %min3A_582 = vector.broadcast %min3A_581 : f32 to vector<16xf32>
        %min3A_583 = arith.minimumf %add3A_580, %min3A_582 : vector<16xf32>
        %max3A_584 = arith.constant -1.750000e+01 : f32
        %max3A_585 = vector.broadcast %max3A_584 : f32 to vector<16xf32>
        %max3A_586 = arith.maximumf %min3A_583, %max3A_585 : vector<16xf32>
        %mul3A_587 = arith.constant 3.125000e-02 : f32
        %mul3A_588 = vector.broadcast %mul3A_587 : f32 to vector<16xf32>
        %mul3A_589 = arith.mulf %max3A_586, %mul3A_588 : vector<16xf32>
        %mul3A_590 = arith.constant 2.48015876E-5 : f32
        %mul3A_591 = vector.broadcast %mul3A_590 : f32 to vector<16xf32>
        %mul3A_592 = arith.mulf %mul3A_589, %mul3A_591 : vector<16xf32>
        %add3A_593 = arith.constant 1.98412701E-4 : f32
        %add3A_594 = vector.broadcast %add3A_593 : f32 to vector<16xf32>
        %add3A_595 = arith.addf %mul3A_592, %add3A_594 : vector<16xf32>
        %mul3A_596 = arith.mulf %add3A_595, %mul3A_589 : vector<16xf32>
        %add3A_597 = arith.constant 0.00138888892 : f32
        %add3A_598 = vector.broadcast %add3A_597 : f32 to vector<16xf32>
        %add3A_599 = arith.addf %mul3A_596, %add3A_598 : vector<16xf32>
        %mul3A_600 = arith.mulf %add3A_599, %mul3A_589 : vector<16xf32>
        %add3A_601 = arith.constant 0.00833333377 : f32
        %add3A_602 = vector.broadcast %add3A_601 : f32 to vector<16xf32>
        %add3A_603 = arith.addf %mul3A_600, %add3A_602 : vector<16xf32>
        %mul3A_604 = arith.mulf %add3A_603, %mul3A_589 : vector<16xf32>
        %add3A_605 = arith.constant 0.0416666679 : f32
        %add3A_606 = vector.broadcast %add3A_605 : f32 to vector<16xf32>
        %add3A_607 = arith.addf %mul3A_604, %add3A_606 : vector<16xf32>
        %mul3A_608 = arith.mulf %add3A_607, %mul3A_589 : vector<16xf32>
        %add3A_609 = arith.constant 0.166666672 : f32
        %add3A_610 = vector.broadcast %add3A_609 : f32 to vector<16xf32>
        %add3A_611 = arith.addf %mul3A_608, %add3A_610 : vector<16xf32>
        %mul3A_612 = arith.mulf %add3A_611, %mul3A_589 : vector<16xf32>
        %add3A_613 = arith.constant 5.000000e-01 : f32
        %add3A_614 = vector.broadcast %add3A_613 : f32 to vector<16xf32>
        %add3A_615 = arith.addf %mul3A_612, %add3A_614 : vector<16xf32>
        %mul3A_616 = arith.mulf %add3A_615, %mul3A_589 : vector<16xf32>
        %add3A_617 = arith.constant 1.000000e+00 : f32
        %add3A_618 = vector.broadcast %add3A_617 : f32 to vector<16xf32>
        %add3A_619 = arith.addf %mul3A_616, %add3A_618 : vector<16xf32>
        %mul3A_620 = arith.mulf %add3A_619, %mul3A_589 : vector<16xf32>
        %add3A_621 = arith.constant 1.000000e+00 : f32
        %add3A_622 = vector.broadcast %add3A_621 : f32 to vector<16xf32>
        %add3A_623 = arith.addf %mul3A_620, %add3A_622 : vector<16xf32>
        %mul3A_624 = arith.mulf %add3A_623, %add3A_623 : vector<16xf32>
        %mul3A_625 = arith.mulf %mul3A_624, %mul3A_624 : vector<16xf32>
        %mul3A_626 = arith.mulf %mul3A_625, %mul3A_625 : vector<16xf32>
        %mul3A_627 = arith.mulf %mul3A_626, %mul3A_626 : vector<16xf32>
        %mul3A_628 = arith.mulf %mul3A_627, %mul3A_627 : vector<16xf32>
        %gt3A_629 = arith.constant 0.000000e+00 : f32
        %gt3A_630 = vector.broadcast %gt3A_629 : f32 to vector<16xf32>
        %gt3A_631 = arith.cmpf ogt, %add3A_580, %gt3A_630 : vector<16xf32>
        %mul3A_632 = arith.constant 1.05070102 : f32
        %mul3A_633 = vector.broadcast %mul3A_632 : f32 to vector<16xf32>
        %mul3A_634 = arith.mulf %mul3A_633, %add3A_580 : vector<16xf32>
        %mul3A_635 = arith.constant 1.75809932 : f32
        %mul3A_636 = vector.broadcast %mul3A_635 : f32 to vector<16xf32>
        %mul3A_637 = arith.mulf %mul3A_636, %mul3A_628 : vector<16xf32>
        %sub3A_638 = arith.constant 1.75809932 : f32
        %sub3A_639 = vector.broadcast %sub3A_638 : f32 to vector<16xf32>
        %sub3A_640 = arith.subf %mul3A_637, %sub3A_639 : vector<16xf32>
        %select_n3A_641 = arith.select %gt3A_631, %mul3A_634, %sub3A_640 : vector<16xi1>, vector<16xf32>
        %swap3A_642 = arith.index_cast %add3A_53 : i32 to index
        %swap3A_643 = arith.constant 112 : index
        %swap3A_644 = tpu.vector_load %arg11[%swap3A_642, %swap3A_643] {strides = array<i32>} : memref<128x128xf32, #tpu.memory_space<vmem>>, vector<1x16xf32>,
        %swap3A_645 = vector.shape_cast %swap3A_644 : vector<1x16xf32> to vector<16xf32>
        %swap3A_646 = vector.shape_cast %select_n3A_641 : vector<16xf32> to vector<1x16xf32>
        tpu.vector_store %arg11[%swap3A_642, %swap3A_643], %swap3A_646 {strides = array<i32>} : memref<128x128xf32, #tpu.memory_space<vmem>>, vector<1x16xf32>,
      }
      %scan3A_48 = arith.constant 128 : i32
      "tpu.region"() ({
        %run_scoped3A = tpu.sem_alloc : memref<!tpu.dma_semaphore, #tpu.memory_space<semaphore_mem>>
        %dma_start3A_49 = arith.constant 0 : i32
        %dma_start3A_50 = arith.constant 0 : i32
        %dma_start3A_51 = tpu.memref_slice %arg8[%dma_start3A_49, %dma_start3A_50] : memref<10240x128xf32, #tpu.memory_space<vmem_shared>> -> memref<10240x128xf32, #tpu.memory_space<vmem_shared>>
        tpu.enqueue_indirect_dma source(%arg11 : memref<128x128xf32, #tpu.memory_space<vmem>>) target(%dma_start3A_51 : memref<10240x128xf32, #tpu.memory_space<vmem_shared>>) offsets(%arg10 : memref<128xi32, #tpu.memory_space<vmem>>) semaphore(%run_scoped3A : memref<!tpu.dma_semaphore, #tpu.memory_space<semaphore_mem>>) {add = true}
        %dma_wait3A_52 = arith.constant 0 : i32
        %dma_wait3A_53 = arith.constant 0 : i32
        %dma_wait3A_54 = tpu.memref_slice %arg8[%dma_wait3A_52, %dma_wait3A_53] : memref<10240x128xf32, #tpu.memory_space<vmem_shared>> -> memref<10240x128xf32, #tpu.memory_space<vmem_shared>>
        tpu.wait_indirect_dma semaphore(%run_scoped3A : memref<!tpu.dma_semaphore, #tpu.memory_space<semaphore_mem>>) src(%arg11 : memref<128x128xf32, #tpu.memory_space<vmem>>) dst(%dma_wait3A_54 : memref<10240x128xf32, #tpu.memory_space<vmem_shared>>)
        tpu.yield
      }) : () -> ()
    }
    %scan3A_19 = arith.constant 79 : i32
    %barrier3A_20 = arith.constant 0 : index
    tpu.barrier barrier_id(%barrier3A_20)
    %scan3A_21 = arith.constant 0 : i32
    %scan3A_22 = arith.constant 5 : i32
    %scan3A_23 = arith.addi %scan3A_21, %scan3A_22 : i32
    %scan3A_24 = arith.constant 1 : i32
    scf.for %scan3A_26 = %scan3A_21 to %scan3A_23 step %scan3A_24  : i32 {
      %mul3A_27 = arith.constant 1 : i32
      %mul3A_28 = arith.muli %scan3A_26, %mul3A_27 : i32
      %add3A_29 = arith.constant 0 : i32
      %add3A_30 = arith.addi %add3A_29, %mul3A_28 : i32
      %mul3A_31 = arith.constant 640 : i32
      %mul3A_32 = arith.muli %arg1, %mul3A_31 : i32
      %mul3A_33 = arith.constant 128 : i32
      %mul3A_34 = arith.muli %add3A_30, %mul3A_33 : i32
      %add3A_35 = arith.addi %mul3A_32, %mul3A_34 : i32
      "tpu.region"() ({
        %run_scoped3A = tpu.sem_alloc : memref<!tpu.dma_semaphore, #tpu.memory_space<semaphore_mem>>
        %dma_start3A = arith.constant 0 : i32
        %dma_start3A_43 = tpu.memref_slice %arg8[%add3A_35, %dma_start3A] : memref<10240x128xf32, #tpu.memory_space<vmem_shared>> -> memref<128x128xf32, #tpu.memory_space<vmem_shared>>
        %dma_start3A_44 = arith.constant 0 : i32
        %dma_start3A_45 = tpu.memref_slice %arg8[%add3A_35, %dma_start3A_44] : memref<10240x128xf32, #tpu.memory_space<vmem_shared>> -> memref<128x128xf32, #tpu.memory_space<vmem_shared>>
        tpu.enqueue_dma source(%dma_start3A_45 : memref<128x128xf32, #tpu.memory_space<vmem_shared>>) target(%arg11 : memref<128x128xf32, #tpu.memory_space<vmem>>) target_semaphore(%run_scoped3A : memref<!tpu.dma_semaphore, #tpu.memory_space<semaphore_mem>>)
        %dma_wait3A = arith.constant 0 : i32
        %dma_wait3A_46 = tpu.memref_slice %arg8[%add3A_35, %dma_wait3A] : memref<10240x128xf32, #tpu.memory_space<vmem_shared>> -> memref<128x128xf32, #tpu.memory_space<vmem_shared>>
        %dma_wait3A_47 = arith.constant 0 : i32
        %dma_wait3A_48 = tpu.memref_slice %arg8[%add3A_35, %dma_wait3A_47] : memref<10240x128xf32, #tpu.memory_space<vmem_shared>> -> memref<128x128xf32, #tpu.memory_space<vmem_shared>>
        tpu.wait_dma2 semaphore(%run_scoped3A : memref<!tpu.dma_semaphore, #tpu.memory_space<semaphore_mem>>) src(%dma_wait3A_48 : memref<128x128xf32, #tpu.memory_space<vmem_shared>>) dst(%arg11 : memref<128x128xf32, #tpu.memory_space<vmem>>)
        tpu.yield
      }) : () -> ()
      %eq3A = arith.constant 0 : i32
      %eq3A_36 = arith.cmpi eq, %arg0, %eq3A : i32
      %convert_element_type3A = arith.extui %eq3A_36 : i1 to i32
      %cond3A = arith.constant 0 : i32
      %cond3A_37 = arith.cmpi ne, %convert_element_type3A, %cond3A : i32
      scf.if %cond3A_37 {
        "tpu.region"() ({
          %run_scoped3A = tpu.sem_alloc : memref<!tpu.dma_semaphore, #tpu.memory_space<semaphore_mem>>
          %dma_start3A = arith.constant 0 : i32
          %dma_start3A_43 = tpu.memref_slice %arg6[%add3A_35, %dma_start3A] : memref<10240x128xf32, #tpu.memory_space<hbm>> -> memref<128x128xf32, #tpu.memory_space<hbm>>
          %dma_start3A_44 = arith.constant 0 : i32
          %dma_start3A_45 = tpu.memref_slice %arg6[%add3A_35, %dma_start3A_44] : memref<10240x128xf32, #tpu.memory_space<hbm>> -> memref<128x128xf32, #tpu.memory_space<hbm>>
          tpu.enqueue_dma source(%arg11 : memref<128x128xf32, #tpu.memory_space<vmem>>) target(%dma_start3A_45 : memref<128x128xf32, #tpu.memory_space<hbm>>) target_semaphore(%run_scoped3A : memref<!tpu.dma_semaphore, #tpu.memory_space<semaphore_mem>>)
          %dma_wait3A = arith.constant 0 : i32
          %dma_wait3A_46 = tpu.memref_slice %arg6[%add3A_35, %dma_wait3A] : memref<10240x128xf32, #tpu.memory_space<hbm>> -> memref<128x128xf32, #tpu.memory_space<hbm>>
          %dma_wait3A_47 = arith.constant 0 : i32
          %dma_wait3A_48 = tpu.memref_slice %arg6[%add3A_35, %dma_wait3A_47] : memref<10240x128xf32, #tpu.memory_space<hbm>> -> memref<128x128xf32, #tpu.memory_space<hbm>>
          tpu.wait_dma2 semaphore(%run_scoped3A : memref<!tpu.dma_semaphore, #tpu.memory_space<semaphore_mem>>) src(%arg11 : memref<128x128xf32, #tpu.memory_space<vmem>>) dst(%dma_wait3A_48 : memref<128x128xf32, #tpu.memory_space<hbm>>)
          tpu.yield
        }) : () -> ()
      } else {
      }
      %eq3A_38 = arith.constant 1 : i32
      %eq3A_39 = arith.cmpi eq, %arg0, %eq3A_38 : i32
      %convert_element_type3A_40 = arith.extui %eq3A_39 : i1 to i32
      %cond3A_41 = arith.constant 0 : i32
      %cond3A_42 = arith.cmpi ne, %convert_element_type3A_40, %cond3A_41 : i32
      scf.if %cond3A_42 {
        "tpu.region"() ({
          %run_scoped3A = tpu.sem_alloc : memref<!tpu.dma_semaphore, #tpu.memory_space<semaphore_mem>>
          %dma_start3A = arith.constant 0 : i32
          %dma_start3A_43 = tpu.memref_slice %arg7[%add3A_35, %dma_start3A] : memref<10240x128xf32, #tpu.memory_space<hbm>> -> memref<128x128xf32, #tpu.memory_space<hbm>>
          %dma_start3A_44 = arith.constant 0 : i32
          %dma_start3A_45 = tpu.memref_slice %arg7[%add3A_35, %dma_start3A_44] : memref<10240x128xf32, #tpu.memory_space<hbm>> -> memref<128x128xf32, #tpu.memory_space<hbm>>
          tpu.enqueue_dma source(%arg11 : memref<128x128xf32, #tpu.memory_space<vmem>>) target(%dma_start3A_45 : memref<128x128xf32, #tpu.memory_space<hbm>>) target_semaphore(%run_scoped3A : memref<!tpu.dma_semaphore, #tpu.memory_space<semaphore_mem>>)
          %dma_wait3A = arith.constant 0 : i32
          %dma_wait3A_46 = tpu.memref_slice %arg7[%add3A_35, %dma_wait3A] : memref<10240x128xf32, #tpu.memory_space<hbm>> -> memref<128x128xf32, #tpu.memory_space<hbm>>
          %dma_wait3A_47 = arith.constant 0 : i32
          %dma_wait3A_48 = tpu.memref_slice %arg7[%add3A_35, %dma_wait3A_47] : memref<10240x128xf32, #tpu.memory_space<hbm>> -> memref<128x128xf32, #tpu.memory_space<hbm>>
          tpu.wait_dma2 semaphore(%run_scoped3A : memref<!tpu.dma_semaphore, #tpu.memory_space<semaphore_mem>>) src(%arg11 : memref<128x128xf32, #tpu.memory_space<vmem>>) dst(%dma_wait3A_48 : memref<128x128xf32, #tpu.memory_space<hbm>>)
          tpu.yield
        }) : () -> ()
      } else {
      }
    }
    %scan3A_25 = arith.constant 5 : i32
    return
  }
}

#map = affine_map<(d0, d1) -> (0, 0)>
#map1 = affine_map<(d0, d1) -> (0)>
module attributes {stable_mosaic.version = 14 : i64} {
  func.func @_sc_edge_body(%arg0: i32, %arg1: i32, %arg2: memref<10240x128xf32, #tpu.memory_space<hbm>>, %arg3: memref<10240x128xf32, #tpu.memory_space<hbm>>, %arg4: memref<323584xi32, #tpu.memory_space<hbm>>, %arg5: memref<323584xi32, #tpu.memory_space<hbm>>, %arg6: memref<10240x128xf32, #tpu.memory_space<hbm>>, %arg7: memref<10240x128xf32, #tpu.memory_space<hbm>>, %arg8: memref<10240x128xf32, #tpu.memory_space<vmem_shared>>, %arg9: memref<128xi32, #tpu.memory_space<vmem>>, %arg10: memref<128xi32, #tpu.memory_space<vmem>>, %arg11: memref<128x128xf32, #tpu.memory_space<vmem>>, %arg12: memref<128x128xf32, #tpu.memory_space<vmem>>, %arg13: memref<16x128xf32, #tpu.memory_space<vmem>>, %arg14: memref<!tpu.dma_semaphore, #tpu.memory_space<semaphore_mem>>, %arg15: memref<!tpu.dma_semaphore, #tpu.memory_space<semaphore_mem>>) attributes {dimension_semantics = [#tpu.dimension_semantics<core_parallel>, #tpu.dimension_semantics<subcore_parallel>], iteration_bounds = array<i64: 2, 16>, scalar_prefetch = 0 : i64, scratch_operands = 8 : i64, tpu.core_type = #tpu.core_type<sc_vector_subcore>, window_params = [{transform_indices = #map}, {transform_indices = #map}, {transform_indices = #map1}, {transform_indices = #map1}, {transform_indices = #map}, {transform_indices = #map}]} {
    %broadcast_in_dim3A = arith.constant 0.000000e+00 : f32
    %broadcast_in_dim3A_0 = vector.broadcast %broadcast_in_dim3A : f32 to vector<16xf32>
    %scan3A = arith.constant 0 : i32
    %scan3A_1 = arith.constant 16 : i32
    %scan3A_2 = arith.addi %scan3A, %scan3A_1 : i32
    %scan3A_3 = arith.constant 1 : i32
    scf.for %scan3A_26 = %scan3A to %scan3A_2 step %scan3A_3  : i32 {
      %mul3A_27 = arith.constant 1 : i32
      %mul3A_28 = arith.muli %scan3A_26, %mul3A_27 : i32
      %add3A_29 = arith.constant 0 : i32
      %add3A_30 = arith.addi %add3A_29, %mul3A_28 : i32
      %swap3A = arith.index_cast %add3A_30 : i32 to index
      %swap3A_31 = arith.constant 0 : index
      %swap3A_32 = tpu.vector_load %arg13[%swap3A, %swap3A_31] {strides = array<i32>} : memref<16x128xf32, #tpu.memory_space<vmem>>, vector<1x16xf32>,
      %swap3A_33 = vector.shape_cast %swap3A_32 : vector<1x16xf32> to vector<16xf32>
      %swap3A_34 = vector.shape_cast %broadcast_in_dim3A_0 : vector<16xf32> to vector<1x16xf32>
      tpu.vector_store %arg13[%swap3A, %swap3A_31], %swap3A_34 {strides = array<i32>} : memref<16x128xf32, #tpu.memory_space<vmem>>, vector<1x16xf32>,
      %swap3A_35 = arith.index_cast %add3A_30 : i32 to index
      %swap3A_36 = arith.constant 16 : index
      %swap3A_37 = tpu.vector_load %arg13[%swap3A_35, %swap3A_36] {strides = array<i32>} : memref<16x128xf32, #tpu.memory_space<vmem>>, vector<1x16xf32>,
      %swap3A_38 = vector.shape_cast %swap3A_37 : vector<1x16xf32> to vector<16xf32>
      %swap3A_39 = vector.shape_cast %broadcast_in_dim3A_0 : vector<16xf32> to vector<1x16xf32>
      tpu.vector_store %arg13[%swap3A_35, %swap3A_36], %swap3A_39 {strides = array<i32>} : memref<16x128xf32, #tpu.memory_space<vmem>>, vector<1x16xf32>,
      %swap3A_40 = arith.index_cast %add3A_30 : i32 to index
      %swap3A_41 = arith.constant 32 : index
      %swap3A_42 = tpu.vector_load %arg13[%swap3A_40, %swap3A_41] {strides = array<i32>} : memref<16x128xf32, #tpu.memory_space<vmem>>, vector<1x16xf32>,
      %swap3A_43 = vector.shape_cast %swap3A_42 : vector<1x16xf32> to vector<16xf32>
      %swap3A_44 = vector.shape_cast %broadcast_in_dim3A_0 : vector<16xf32> to vector<1x16xf32>
      tpu.vector_store %arg13[%swap3A_40, %swap3A_41], %swap3A_44 {strides = array<i32>} : memref<16x128xf32, #tpu.memory_space<vmem>>, vector<1x16xf32>,
      %swap3A_45 = arith.index_cast %add3A_30 : i32 to index
      %swap3A_46 = arith.constant 48 : index
      %swap3A_47 = tpu.vector_load %arg13[%swap3A_45, %swap3A_46] {strides = array<i32>} : memref<16x128xf32, #tpu.memory_space<vmem>>, vector<1x16xf32>,
      %swap3A_48 = vector.shape_cast %swap3A_47 : vector<1x16xf32> to vector<16xf32>
      %swap3A_49 = vector.shape_cast %broadcast_in_dim3A_0 : vector<16xf32> to vector<1x16xf32>
      tpu.vector_store %arg13[%swap3A_45, %swap3A_46], %swap3A_49 {strides = array<i32>} : memref<16x128xf32, #tpu.memory_space<vmem>>, vector<1x16xf32>,
      %swap3A_50 = arith.index_cast %add3A_30 : i32 to index
      %swap3A_51 = arith.constant 64 : index
      %swap3A_52 = tpu.vector_load %arg13[%swap3A_50, %swap3A_51] {strides = array<i32>} : memref<16x128xf32, #tpu.memory_space<vmem>>, vector<1x16xf32>,
      %swap3A_53 = vector.shape_cast %swap3A_52 : vector<1x16xf32> to vector<16xf32>
      %swap3A_54 = vector.shape_cast %broadcast_in_dim3A_0 : vector<16xf32> to vector<1x16xf32>
      tpu.vector_store %arg13[%swap3A_50, %swap3A_51], %swap3A_54 {strides = array<i32>} : memref<16x128xf32, #tpu.memory_space<vmem>>, vector<1x16xf32>,
      %swap3A_55 = arith.index_cast %add3A_30 : i32 to index
      %swap3A_56 = arith.constant 80 : index
      %swap3A_57 = tpu.vector_load %arg13[%swap3A_55, %swap3A_56] {strides = array<i32>} : memref<16x128xf32, #tpu.memory_space<vmem>>, vector<1x16xf32>,
      %swap3A_58 = vector.shape_cast %swap3A_57 : vector<1x16xf32> to vector<16xf32>
      %swap3A_59 = vector.shape_cast %broadcast_in_dim3A_0 : vector<16xf32> to vector<1x16xf32>
      tpu.vector_store %arg13[%swap3A_55, %swap3A_56], %swap3A_59 {strides = array<i32>} : memref<16x128xf32, #tpu.memory_space<vmem>>, vector<1x16xf32>,
      %swap3A_60 = arith.index_cast %add3A_30 : i32 to index
      %swap3A_61 = arith.constant 96 : index
      %swap3A_62 = tpu.vector_load %arg13[%swap3A_60, %swap3A_61] {strides = array<i32>} : memref<16x128xf32, #tpu.memory_space<vmem>>, vector<1x16xf32>,
      %swap3A_63 = vector.shape_cast %swap3A_62 : vector<1x16xf32> to vector<16xf32>
      %swap3A_64 = vector.shape_cast %broadcast_in_dim3A_0 : vector<16xf32> to vector<1x16xf32>
      tpu.vector_store %arg13[%swap3A_60, %swap3A_61], %swap3A_64 {strides = array<i32>} : memref<16x128xf32, #tpu.memory_space<vmem>>, vector<1x16xf32>,
      %swap3A_65 = arith.index_cast %add3A_30 : i32 to index
      %swap3A_66 = arith.constant 112 : index
      %swap3A_67 = tpu.vector_load %arg13[%swap3A_65, %swap3A_66] {strides = array<i32>} : memref<16x128xf32, #tpu.memory_space<vmem>>, vector<1x16xf32>,
      %swap3A_68 = vector.shape_cast %swap3A_67 : vector<1x16xf32> to vector<16xf32>
      %swap3A_69 = vector.shape_cast %broadcast_in_dim3A_0 : vector<16xf32> to vector<1x16xf32>
      tpu.vector_store %arg13[%swap3A_65, %swap3A_66], %swap3A_69 {strides = array<i32>} : memref<16x128xf32, #tpu.memory_space<vmem>>, vector<1x16xf32>,
    }
    %scan3A_4 = arith.constant 16 : i32
    %mul3A = arith.constant 640 : i32
    %mul3A_5 = arith.muli %arg1, %mul3A : i32
    %scan3A_6 = arith.constant 0 : i32
    %scan3A_7 = arith.constant 40 : i32
    %scan3A_8 = arith.addi %scan3A_6, %scan3A_7 : i32
    %scan3A_9 = arith.constant 1 : i32
    scf.for %scan3A_26 = %scan3A_6 to %scan3A_8 step %scan3A_9  : i32 {
      %mul3A_27 = arith.constant 1 : i32
      %mul3A_28 = arith.muli %scan3A_26, %mul3A_27 : i32
      %add3A_29 = arith.constant 0 : i32
      %add3A_30 = arith.addi %add3A_29, %mul3A_28 : i32
      %mul3A_31 = arith.constant 16 : i32
      %mul3A_32 = arith.muli %add3A_30, %mul3A_31 : i32
      %add3A_33 = arith.addi %mul3A_5, %mul3A_32 : i32
      "tpu.region"() ({
        %run_scoped3A = tpu.sem_alloc : memref<!tpu.dma_semaphore, #tpu.memory_space<semaphore_mem>>
        %dma_start3A = arith.constant 0 : i32
        %dma_start3A_34 = tpu.memref_slice %arg8[%add3A_33, %dma_start3A] : memref<10240x128xf32, #tpu.memory_space<vmem_shared>> -> memref<16x128xf32, #tpu.memory_space<vmem_shared>>
        %dma_start3A_35 = arith.constant 0 : i32
        %dma_start3A_36 = tpu.memref_slice %arg8[%add3A_33, %dma_start3A_35] : memref<10240x128xf32, #tpu.memory_space<vmem_shared>> -> memref<16x128xf32, #tpu.memory_space<vmem_shared>>
        tpu.enqueue_dma source(%arg13 : memref<16x128xf32, #tpu.memory_space<vmem>>) target(%dma_start3A_36 : memref<16x128xf32, #tpu.memory_space<vmem_shared>>) target_semaphore(%run_scoped3A : memref<!tpu.dma_semaphore, #tpu.memory_space<semaphore_mem>>)
        %dma_wait3A = arith.constant 0 : i32
        %dma_wait3A_37 = tpu.memref_slice %arg8[%add3A_33, %dma_wait3A] : memref<10240x128xf32, #tpu.memory_space<vmem_shared>> -> memref<16x128xf32, #tpu.memory_space<vmem_shared>>
        %dma_wait3A_38 = arith.constant 0 : i32
        %dma_wait3A_39 = tpu.memref_slice %arg8[%add3A_33, %dma_wait3A_38] : memref<10240x128xf32, #tpu.memory_space<vmem_shared>> -> memref<16x128xf32, #tpu.memory_space<vmem_shared>>
        tpu.wait_dma2 semaphore(%run_scoped3A : memref<!tpu.dma_semaphore, #tpu.memory_space<semaphore_mem>>) src(%arg13 : memref<16x128xf32, #tpu.memory_space<vmem>>) dst(%dma_wait3A_39 : memref<16x128xf32, #tpu.memory_space<vmem_shared>>)
        tpu.yield
      }) : () -> ()
    }
    %scan3A_10 = arith.constant 40 : i32
    %barrier3A = arith.constant 0 : index
    tpu.barrier barrier_id(%barrier3A)
    %mul3A_11 = arith.constant 16 : i32
    %mul3A_12 = arith.muli %arg0, %mul3A_11 : i32
    %add3A = arith.addi %mul3A_12, %arg1 : i32
    %mul3A_13 = arith.constant 10112 : i32
    %mul3A_14 = arith.muli %add3A, %mul3A_13 : i32
    %scan3A_15 = arith.constant 0 : i32
    %scan3A_16 = arith.constant 79 : i32
    %scan3A_17 = arith.addi %scan3A_15, %scan3A_16 : i32
    %scan3A_18 = arith.constant 1 : i32
    scf.for %scan3A_26 = %scan3A_15 to %scan3A_17 step %scan3A_18  : i32 {
      %mul3A_27 = arith.constant 1 : i32
      %mul3A_28 = arith.muli %scan3A_26, %mul3A_27 : i32
      %add3A_29 = arith.constant 0 : i32
      %add3A_30 = arith.addi %add3A_29, %mul3A_28 : i32
      %mul3A_31 = arith.constant 128 : i32
      %mul3A_32 = arith.muli %add3A_30, %mul3A_31 : i32
      %add3A_33 = arith.addi %mul3A_14, %mul3A_32 : i32
      "tpu.region"() ({
        %run_scoped3A = tpu.sem_alloc : memref<!tpu.dma_semaphore, #tpu.memory_space<semaphore_mem>>
        %dma_start3A_49 = tpu.memref_slice %arg4[%add3A_33] : memref<323584xi32, #tpu.memory_space<hbm>> -> memref<128xi32, #tpu.memory_space<hbm>>
        %dma_start3A_50 = tpu.memref_slice %arg4[%add3A_33] : memref<323584xi32, #tpu.memory_space<hbm>> -> memref<128xi32, #tpu.memory_space<hbm>>
        tpu.enqueue_dma source(%dma_start3A_50 : memref<128xi32, #tpu.memory_space<hbm>>) target(%arg9 : memref<128xi32, #tpu.memory_space<vmem>>) target_semaphore(%run_scoped3A : memref<!tpu.dma_semaphore, #tpu.memory_space<semaphore_mem>>)
        %dma_wait3A_51 = tpu.memref_slice %arg4[%add3A_33] : memref<323584xi32, #tpu.memory_space<hbm>> -> memref<128xi32, #tpu.memory_space<hbm>>
        %dma_wait3A_52 = tpu.memref_slice %arg4[%add3A_33] : memref<323584xi32, #tpu.memory_space<hbm>> -> memref<128xi32, #tpu.memory_space<hbm>>
        tpu.wait_dma2 semaphore(%run_scoped3A : memref<!tpu.dma_semaphore, #tpu.memory_space<semaphore_mem>>) src(%dma_wait3A_52 : memref<128xi32, #tpu.memory_space<hbm>>) dst(%arg9 : memref<128xi32, #tpu.memory_space<vmem>>)
        tpu.yield
      }) : () -> ()
      "tpu.region"() ({
        %run_scoped3A = tpu.sem_alloc : memref<!tpu.dma_semaphore, #tpu.memory_space<semaphore_mem>>
        %dma_start3A_49 = tpu.memref_slice %arg5[%add3A_33] : memref<323584xi32, #tpu.memory_space<hbm>> -> memref<128xi32, #tpu.memory_space<hbm>>
        %dma_start3A_50 = tpu.memref_slice %arg5[%add3A_33] : memref<323584xi32, #tpu.memory_space<hbm>> -> memref<128xi32, #tpu.memory_space<hbm>>
        tpu.enqueue_dma source(%dma_start3A_50 : memref<128xi32, #tpu.memory_space<hbm>>) target(%arg10 : memref<128xi32, #tpu.memory_space<vmem>>) target_semaphore(%run_scoped3A : memref<!tpu.dma_semaphore, #tpu.memory_space<semaphore_mem>>)
        %dma_wait3A_51 = tpu.memref_slice %arg5[%add3A_33] : memref<323584xi32, #tpu.memory_space<hbm>> -> memref<128xi32, #tpu.memory_space<hbm>>
        %dma_wait3A_52 = tpu.memref_slice %arg5[%add3A_33] : memref<323584xi32, #tpu.memory_space<hbm>> -> memref<128xi32, #tpu.memory_space<hbm>>
        tpu.wait_dma2 semaphore(%run_scoped3A : memref<!tpu.dma_semaphore, #tpu.memory_space<semaphore_mem>>) src(%dma_wait3A_52 : memref<128xi32, #tpu.memory_space<hbm>>) dst(%arg10 : memref<128xi32, #tpu.memory_space<vmem>>)
        tpu.yield
      }) : () -> ()
      %dma_start3A = arith.constant 0 : i32
      %dma_start3A_34 = arith.constant 0 : i32
      %dma_start3A_35 = tpu.memref_slice %arg2[%dma_start3A, %dma_start3A_34] : memref<10240x128xf32, #tpu.memory_space<hbm>> -> memref<10240x128xf32, #tpu.memory_space<hbm>>
      tpu.enqueue_indirect_dma source(%dma_start3A_35 : memref<10240x128xf32, #tpu.memory_space<hbm>>) target(%arg11 : memref<128x128xf32, #tpu.memory_space<vmem>>) offsets(%arg9 : memref<128xi32, #tpu.memory_space<vmem>>) semaphore(%arg14 : memref<!tpu.dma_semaphore, #tpu.memory_space<semaphore_mem>>)
      %dma_start3A_36 = arith.constant 0 : i32
      %dma_start3A_37 = arith.constant 0 : i32
      %dma_start3A_38 = tpu.memref_slice %arg3[%dma_start3A_36, %dma_start3A_37] : memref<10240x128xf32, #tpu.memory_space<hbm>> -> memref<10240x128xf32, #tpu.memory_space<hbm>>
      tpu.enqueue_indirect_dma source(%dma_start3A_38 : memref<10240x128xf32, #tpu.memory_space<hbm>>) target(%arg12 : memref<128x128xf32, #tpu.memory_space<vmem>>) offsets(%arg10 : memref<128xi32, #tpu.memory_space<vmem>>) semaphore(%arg15 : memref<!tpu.dma_semaphore, #tpu.memory_space<semaphore_mem>>)
      %dma_wait3A = arith.constant 0 : i32
      %dma_wait3A_39 = arith.constant 0 : i32
      %dma_wait3A_40 = tpu.memref_slice %arg2[%dma_wait3A, %dma_wait3A_39] : memref<10240x128xf32, #tpu.memory_space<hbm>> -> memref<10240x128xf32, #tpu.memory_space<hbm>>
      tpu.wait_indirect_dma semaphore(%arg14 : memref<!tpu.dma_semaphore, #tpu.memory_space<semaphore_mem>>) src(%dma_wait3A_40 : memref<10240x128xf32, #tpu.memory_space<hbm>>) dst(%arg11 : memref<128x128xf32, #tpu.memory_space<vmem>>)
      %dma_wait3A_41 = arith.constant 0 : i32
      %dma_wait3A_42 = arith.constant 0 : i32
      %dma_wait3A_43 = tpu.memref_slice %arg3[%dma_wait3A_41, %dma_wait3A_42] : memref<10240x128xf32, #tpu.memory_space<hbm>> -> memref<10240x128xf32, #tpu.memory_space<hbm>>
      tpu.wait_indirect_dma semaphore(%arg15 : memref<!tpu.dma_semaphore, #tpu.memory_space<semaphore_mem>>) src(%dma_wait3A_43 : memref<10240x128xf32, #tpu.memory_space<hbm>>) dst(%arg12 : memref<128x128xf32, #tpu.memory_space<vmem>>)
      %scan3A_44 = arith.constant 0 : i32
      %scan3A_45 = arith.constant 128 : i32
      %scan3A_46 = arith.addi %scan3A_44, %scan3A_45 : i32
      %scan3A_47 = arith.constant 1 : i32
      scf.for %scan3A_49 = %scan3A_44 to %scan3A_46 step %scan3A_47  : i32 {
        %mul3A_50 = arith.constant 1 : i32
        %mul3A_51 = arith.muli %scan3A_49, %mul3A_50 : i32
        %add3A_52 = arith.constant 0 : i32
        %add3A_53 = arith.addi %add3A_52, %mul3A_51 : i32
        %get3A = arith.index_cast %add3A_53 : i32 to index
        %get3A_54 = arith.constant 0 : index
        %get3A_55 = tpu.vector_load %arg11[%get3A, %get3A_54] {strides = array<i32>} : memref<128x128xf32, #tpu.memory_space<vmem>>, vector<1x16xf32>,
        %get3A_56 = vector.shape_cast %get3A_55 : vector<1x16xf32> to vector<16xf32>
        %get3A_57 = arith.index_cast %add3A_53 : i32 to index
        %get3A_58 = arith.constant 0 : index
        %get3A_59 = tpu.vector_load %arg12[%get3A_57, %get3A_58] {strides = array<i32>} : memref<128x128xf32, #tpu.memory_space<vmem>>, vector<1x16xf32>,
        %get3A_60 = vector.shape_cast %get3A_59 : vector<1x16xf32> to vector<16xf32>
        %add3A_61 = arith.addf %get3A_56, %get3A_60 : vector<16xf32>
        %min3A = arith.constant 0.000000e+00 : f32
        %min3A_62 = vector.broadcast %min3A : f32 to vector<16xf32>
        %min3A_63 = arith.minimumf %add3A_61, %min3A_62 : vector<16xf32>
        %max3A = arith.constant -1.750000e+01 : f32
        %max3A_64 = vector.broadcast %max3A : f32 to vector<16xf32>
        %max3A_65 = arith.maximumf %min3A_63, %max3A_64 : vector<16xf32>
        %mul3A_66 = arith.constant 3.125000e-02 : f32
        %mul3A_67 = vector.broadcast %mul3A_66 : f32 to vector<16xf32>
        %mul3A_68 = arith.mulf %max3A_65, %mul3A_67 : vector<16xf32>
        %mul3A_69 = arith.constant 2.48015876E-5 : f32
        %mul3A_70 = vector.broadcast %mul3A_69 : f32 to vector<16xf32>
        %mul3A_71 = arith.mulf %mul3A_68, %mul3A_70 : vector<16xf32>
        %add3A_72 = arith.constant 1.98412701E-4 : f32
        %add3A_73 = vector.broadcast %add3A_72 : f32 to vector<16xf32>
        %add3A_74 = arith.addf %mul3A_71, %add3A_73 : vector<16xf32>
        %mul3A_75 = arith.mulf %add3A_74, %mul3A_68 : vector<16xf32>
        %add3A_76 = arith.constant 0.00138888892 : f32
        %add3A_77 = vector.broadcast %add3A_76 : f32 to vector<16xf32>
        %add3A_78 = arith.addf %mul3A_75, %add3A_77 : vector<16xf32>
        %mul3A_79 = arith.mulf %add3A_78, %mul3A_68 : vector<16xf32>
        %add3A_80 = arith.constant 0.00833333377 : f32
        %add3A_81 = vector.broadcast %add3A_80 : f32 to vector<16xf32>
        %add3A_82 = arith.addf %mul3A_79, %add3A_81 : vector<16xf32>
        %mul3A_83 = arith.mulf %add3A_82, %mul3A_68 : vector<16xf32>
        %add3A_84 = arith.constant 0.0416666679 : f32
        %add3A_85 = vector.broadcast %add3A_84 : f32 to vector<16xf32>
        %add3A_86 = arith.addf %mul3A_83, %add3A_85 : vector<16xf32>
        %mul3A_87 = arith.mulf %add3A_86, %mul3A_68 : vector<16xf32>
        %add3A_88 = arith.constant 0.166666672 : f32
        %add3A_89 = vector.broadcast %add3A_88 : f32 to vector<16xf32>
        %add3A_90 = arith.addf %mul3A_87, %add3A_89 : vector<16xf32>
        %mul3A_91 = arith.mulf %add3A_90, %mul3A_68 : vector<16xf32>
        %add3A_92 = arith.constant 5.000000e-01 : f32
        %add3A_93 = vector.broadcast %add3A_92 : f32 to vector<16xf32>
        %add3A_94 = arith.addf %mul3A_91, %add3A_93 : vector<16xf32>
        %mul3A_95 = arith.mulf %add3A_94, %mul3A_68 : vector<16xf32>
        %add3A_96 = arith.constant 1.000000e+00 : f32
        %add3A_97 = vector.broadcast %add3A_96 : f32 to vector<16xf32>
        %add3A_98 = arith.addf %mul3A_95, %add3A_97 : vector<16xf32>
        %mul3A_99 = arith.mulf %add3A_98, %mul3A_68 : vector<16xf32>
        %add3A_100 = arith.constant 1.000000e+00 : f32
        %add3A_101 = vector.broadcast %add3A_100 : f32 to vector<16xf32>
        %add3A_102 = arith.addf %mul3A_99, %add3A_101 : vector<16xf32>
        %mul3A_103 = arith.mulf %add3A_102, %add3A_102 : vector<16xf32>
        %mul3A_104 = arith.mulf %mul3A_103, %mul3A_103 : vector<16xf32>
        %mul3A_105 = arith.mulf %mul3A_104, %mul3A_104 : vector<16xf32>
        %mul3A_106 = arith.mulf %mul3A_105, %mul3A_105 : vector<16xf32>
        %mul3A_107 = arith.mulf %mul3A_106, %mul3A_106 : vector<16xf32>
        %gt3A = arith.constant 0.000000e+00 : f32
        %gt3A_108 = vector.broadcast %gt3A : f32 to vector<16xf32>
        %gt3A_109 = arith.cmpf ogt, %add3A_61, %gt3A_108 : vector<16xf32>
        %mul3A_110 = arith.constant 1.05070102 : f32
        %mul3A_111 = vector.broadcast %mul3A_110 : f32 to vector<16xf32>
        %mul3A_112 = arith.mulf %mul3A_111, %add3A_61 : vector<16xf32>
        %mul3A_113 = arith.constant 1.75809932 : f32
        %mul3A_114 = vector.broadcast %mul3A_113 : f32 to vector<16xf32>
        %mul3A_115 = arith.mulf %mul3A_114, %mul3A_107 : vector<16xf32>
        %sub3A = arith.constant 1.75809932 : f32
        %sub3A_116 = vector.broadcast %sub3A : f32 to vector<16xf32>
        %sub3A_117 = arith.subf %mul3A_115, %sub3A_116 : vector<16xf32>
        %select_n3A = arith.select %gt3A_109, %mul3A_112, %sub3A_117 : vector<16xi1>, vector<16xf32>
        %swap3A = arith.index_cast %add3A_53 : i32 to index
        %swap3A_118 = arith.constant 0 : index
        %swap3A_119 = tpu.vector_load %arg11[%swap3A, %swap3A_118] {strides = array<i32>} : memref<128x128xf32, #tpu.memory_space<vmem>>, vector<1x16xf32>,
        %swap3A_120 = vector.shape_cast %swap3A_119 : vector<1x16xf32> to vector<16xf32>
        %swap3A_121 = vector.shape_cast %select_n3A : vector<16xf32> to vector<1x16xf32>
        tpu.vector_store %arg11[%swap3A, %swap3A_118], %swap3A_121 {strides = array<i32>} : memref<128x128xf32, #tpu.memory_space<vmem>>, vector<1x16xf32>,
        %get3A_122 = arith.index_cast %add3A_53 : i32 to index
        %get3A_123 = arith.constant 16 : index
        %get3A_124 = tpu.vector_load %arg11[%get3A_122, %get3A_123] {strides = array<i32>} : memref<128x128xf32, #tpu.memory_space<vmem>>, vector<1x16xf32>,
        %get3A_125 = vector.shape_cast %get3A_124 : vector<1x16xf32> to vector<16xf32>
        %get3A_126 = arith.index_cast %add3A_53 : i32 to index
        %get3A_127 = arith.constant 16 : index
        %get3A_128 = tpu.vector_load %arg12[%get3A_126, %get3A_127] {strides = array<i32>} : memref<128x128xf32, #tpu.memory_space<vmem>>, vector<1x16xf32>,
        %get3A_129 = vector.shape_cast %get3A_128 : vector<1x16xf32> to vector<16xf32>
        %add3A_130 = arith.addf %get3A_125, %get3A_129 : vector<16xf32>
        %min3A_131 = arith.constant 0.000000e+00 : f32
        %min3A_132 = vector.broadcast %min3A_131 : f32 to vector<16xf32>
        %min3A_133 = arith.minimumf %add3A_130, %min3A_132 : vector<16xf32>
        %max3A_134 = arith.constant -1.750000e+01 : f32
        %max3A_135 = vector.broadcast %max3A_134 : f32 to vector<16xf32>
        %max3A_136 = arith.maximumf %min3A_133, %max3A_135 : vector<16xf32>
        %mul3A_137 = arith.constant 3.125000e-02 : f32
        %mul3A_138 = vector.broadcast %mul3A_137 : f32 to vector<16xf32>
        %mul3A_139 = arith.mulf %max3A_136, %mul3A_138 : vector<16xf32>
        %mul3A_140 = arith.constant 2.48015876E-5 : f32
        %mul3A_141 = vector.broadcast %mul3A_140 : f32 to vector<16xf32>
        %mul3A_142 = arith.mulf %mul3A_139, %mul3A_141 : vector<16xf32>
        %add3A_143 = arith.constant 1.98412701E-4 : f32
        %add3A_144 = vector.broadcast %add3A_143 : f32 to vector<16xf32>
        %add3A_145 = arith.addf %mul3A_142, %add3A_144 : vector<16xf32>
        %mul3A_146 = arith.mulf %add3A_145, %mul3A_139 : vector<16xf32>
        %add3A_147 = arith.constant 0.00138888892 : f32
        %add3A_148 = vector.broadcast %add3A_147 : f32 to vector<16xf32>
        %add3A_149 = arith.addf %mul3A_146, %add3A_148 : vector<16xf32>
        %mul3A_150 = arith.mulf %add3A_149, %mul3A_139 : vector<16xf32>
        %add3A_151 = arith.constant 0.00833333377 : f32
        %add3A_152 = vector.broadcast %add3A_151 : f32 to vector<16xf32>
        %add3A_153 = arith.addf %mul3A_150, %add3A_152 : vector<16xf32>
        %mul3A_154 = arith.mulf %add3A_153, %mul3A_139 : vector<16xf32>
        %add3A_155 = arith.constant 0.0416666679 : f32
        %add3A_156 = vector.broadcast %add3A_155 : f32 to vector<16xf32>
        %add3A_157 = arith.addf %mul3A_154, %add3A_156 : vector<16xf32>
        %mul3A_158 = arith.mulf %add3A_157, %mul3A_139 : vector<16xf32>
        %add3A_159 = arith.constant 0.166666672 : f32
        %add3A_160 = vector.broadcast %add3A_159 : f32 to vector<16xf32>
        %add3A_161 = arith.addf %mul3A_158, %add3A_160 : vector<16xf32>
        %mul3A_162 = arith.mulf %add3A_161, %mul3A_139 : vector<16xf32>
        %add3A_163 = arith.constant 5.000000e-01 : f32
        %add3A_164 = vector.broadcast %add3A_163 : f32 to vector<16xf32>
        %add3A_165 = arith.addf %mul3A_162, %add3A_164 : vector<16xf32>
        %mul3A_166 = arith.mulf %add3A_165, %mul3A_139 : vector<16xf32>
        %add3A_167 = arith.constant 1.000000e+00 : f32
        %add3A_168 = vector.broadcast %add3A_167 : f32 to vector<16xf32>
        %add3A_169 = arith.addf %mul3A_166, %add3A_168 : vector<16xf32>
        %mul3A_170 = arith.mulf %add3A_169, %mul3A_139 : vector<16xf32>
        %add3A_171 = arith.constant 1.000000e+00 : f32
        %add3A_172 = vector.broadcast %add3A_171 : f32 to vector<16xf32>
        %add3A_173 = arith.addf %mul3A_170, %add3A_172 : vector<16xf32>
        %mul3A_174 = arith.mulf %add3A_173, %add3A_173 : vector<16xf32>
        %mul3A_175 = arith.mulf %mul3A_174, %mul3A_174 : vector<16xf32>
        %mul3A_176 = arith.mulf %mul3A_175, %mul3A_175 : vector<16xf32>
        %mul3A_177 = arith.mulf %mul3A_176, %mul3A_176 : vector<16xf32>
        %mul3A_178 = arith.mulf %mul3A_177, %mul3A_177 : vector<16xf32>
        %gt3A_179 = arith.constant 0.000000e+00 : f32
        %gt3A_180 = vector.broadcast %gt3A_179 : f32 to vector<16xf32>
        %gt3A_181 = arith.cmpf ogt, %add3A_130, %gt3A_180 : vector<16xf32>
        %mul3A_182 = arith.constant 1.05070102 : f32
        %mul3A_183 = vector.broadcast %mul3A_182 : f32 to vector<16xf32>
        %mul3A_184 = arith.mulf %mul3A_183, %add3A_130 : vector<16xf32>
        %mul3A_185 = arith.constant 1.75809932 : f32
        %mul3A_186 = vector.broadcast %mul3A_185 : f32 to vector<16xf32>
        %mul3A_187 = arith.mulf %mul3A_186, %mul3A_178 : vector<16xf32>
        %sub3A_188 = arith.constant 1.75809932 : f32
        %sub3A_189 = vector.broadcast %sub3A_188 : f32 to vector<16xf32>
        %sub3A_190 = arith.subf %mul3A_187, %sub3A_189 : vector<16xf32>
        %select_n3A_191 = arith.select %gt3A_181, %mul3A_184, %sub3A_190 : vector<16xi1>, vector<16xf32>
        %swap3A_192 = arith.index_cast %add3A_53 : i32 to index
        %swap3A_193 = arith.constant 16 : index
        %swap3A_194 = tpu.vector_load %arg11[%swap3A_192, %swap3A_193] {strides = array<i32>} : memref<128x128xf32, #tpu.memory_space<vmem>>, vector<1x16xf32>,
        %swap3A_195 = vector.shape_cast %swap3A_194 : vector<1x16xf32> to vector<16xf32>
        %swap3A_196 = vector.shape_cast %select_n3A_191 : vector<16xf32> to vector<1x16xf32>
        tpu.vector_store %arg11[%swap3A_192, %swap3A_193], %swap3A_196 {strides = array<i32>} : memref<128x128xf32, #tpu.memory_space<vmem>>, vector<1x16xf32>,
        %get3A_197 = arith.index_cast %add3A_53 : i32 to index
        %get3A_198 = arith.constant 32 : index
        %get3A_199 = tpu.vector_load %arg11[%get3A_197, %get3A_198] {strides = array<i32>} : memref<128x128xf32, #tpu.memory_space<vmem>>, vector<1x16xf32>,
        %get3A_200 = vector.shape_cast %get3A_199 : vector<1x16xf32> to vector<16xf32>
        %get3A_201 = arith.index_cast %add3A_53 : i32 to index
        %get3A_202 = arith.constant 32 : index
        %get3A_203 = tpu.vector_load %arg12[%get3A_201, %get3A_202] {strides = array<i32>} : memref<128x128xf32, #tpu.memory_space<vmem>>, vector<1x16xf32>,
        %get3A_204 = vector.shape_cast %get3A_203 : vector<1x16xf32> to vector<16xf32>
        %add3A_205 = arith.addf %get3A_200, %get3A_204 : vector<16xf32>
        %min3A_206 = arith.constant 0.000000e+00 : f32
        %min3A_207 = vector.broadcast %min3A_206 : f32 to vector<16xf32>
        %min3A_208 = arith.minimumf %add3A_205, %min3A_207 : vector<16xf32>
        %max3A_209 = arith.constant -1.750000e+01 : f32
        %max3A_210 = vector.broadcast %max3A_209 : f32 to vector<16xf32>
        %max3A_211 = arith.maximumf %min3A_208, %max3A_210 : vector<16xf32>
        %mul3A_212 = arith.constant 3.125000e-02 : f32
        %mul3A_213 = vector.broadcast %mul3A_212 : f32 to vector<16xf32>
        %mul3A_214 = arith.mulf %max3A_211, %mul3A_213 : vector<16xf32>
        %mul3A_215 = arith.constant 2.48015876E-5 : f32
        %mul3A_216 = vector.broadcast %mul3A_215 : f32 to vector<16xf32>
        %mul3A_217 = arith.mulf %mul3A_214, %mul3A_216 : vector<16xf32>
        %add3A_218 = arith.constant 1.98412701E-4 : f32
        %add3A_219 = vector.broadcast %add3A_218 : f32 to vector<16xf32>
        %add3A_220 = arith.addf %mul3A_217, %add3A_219 : vector<16xf32>
        %mul3A_221 = arith.mulf %add3A_220, %mul3A_214 : vector<16xf32>
        %add3A_222 = arith.constant 0.00138888892 : f32
        %add3A_223 = vector.broadcast %add3A_222 : f32 to vector<16xf32>
        %add3A_224 = arith.addf %mul3A_221, %add3A_223 : vector<16xf32>
        %mul3A_225 = arith.mulf %add3A_224, %mul3A_214 : vector<16xf32>
        %add3A_226 = arith.constant 0.00833333377 : f32
        %add3A_227 = vector.broadcast %add3A_226 : f32 to vector<16xf32>
        %add3A_228 = arith.addf %mul3A_225, %add3A_227 : vector<16xf32>
        %mul3A_229 = arith.mulf %add3A_228, %mul3A_214 : vector<16xf32>
        %add3A_230 = arith.constant 0.0416666679 : f32
        %add3A_231 = vector.broadcast %add3A_230 : f32 to vector<16xf32>
        %add3A_232 = arith.addf %mul3A_229, %add3A_231 : vector<16xf32>
        %mul3A_233 = arith.mulf %add3A_232, %mul3A_214 : vector<16xf32>
        %add3A_234 = arith.constant 0.166666672 : f32
        %add3A_235 = vector.broadcast %add3A_234 : f32 to vector<16xf32>
        %add3A_236 = arith.addf %mul3A_233, %add3A_235 : vector<16xf32>
        %mul3A_237 = arith.mulf %add3A_236, %mul3A_214 : vector<16xf32>
        %add3A_238 = arith.constant 5.000000e-01 : f32
        %add3A_239 = vector.broadcast %add3A_238 : f32 to vector<16xf32>
        %add3A_240 = arith.addf %mul3A_237, %add3A_239 : vector<16xf32>
        %mul3A_241 = arith.mulf %add3A_240, %mul3A_214 : vector<16xf32>
        %add3A_242 = arith.constant 1.000000e+00 : f32
        %add3A_243 = vector.broadcast %add3A_242 : f32 to vector<16xf32>
        %add3A_244 = arith.addf %mul3A_241, %add3A_243 : vector<16xf32>
        %mul3A_245 = arith.mulf %add3A_244, %mul3A_214 : vector<16xf32>
        %add3A_246 = arith.constant 1.000000e+00 : f32
        %add3A_247 = vector.broadcast %add3A_246 : f32 to vector<16xf32>
        %add3A_248 = arith.addf %mul3A_245, %add3A_247 : vector<16xf32>
        %mul3A_249 = arith.mulf %add3A_248, %add3A_248 : vector<16xf32>
        %mul3A_250 = arith.mulf %mul3A_249, %mul3A_249 : vector<16xf32>
        %mul3A_251 = arith.mulf %mul3A_250, %mul3A_250 : vector<16xf32>
        %mul3A_252 = arith.mulf %mul3A_251, %mul3A_251 : vector<16xf32>
        %mul3A_253 = arith.mulf %mul3A_252, %mul3A_252 : vector<16xf32>
        %gt3A_254 = arith.constant 0.000000e+00 : f32
        %gt3A_255 = vector.broadcast %gt3A_254 : f32 to vector<16xf32>
        %gt3A_256 = arith.cmpf ogt, %add3A_205, %gt3A_255 : vector<16xf32>
        %mul3A_257 = arith.constant 1.05070102 : f32
        %mul3A_258 = vector.broadcast %mul3A_257 : f32 to vector<16xf32>
        %mul3A_259 = arith.mulf %mul3A_258, %add3A_205 : vector<16xf32>
        %mul3A_260 = arith.constant 1.75809932 : f32
        %mul3A_261 = vector.broadcast %mul3A_260 : f32 to vector<16xf32>
        %mul3A_262 = arith.mulf %mul3A_261, %mul3A_253 : vector<16xf32>
        %sub3A_263 = arith.constant 1.75809932 : f32
        %sub3A_264 = vector.broadcast %sub3A_263 : f32 to vector<16xf32>
        %sub3A_265 = arith.subf %mul3A_262, %sub3A_264 : vector<16xf32>
        %select_n3A_266 = arith.select %gt3A_256, %mul3A_259, %sub3A_265 : vector<16xi1>, vector<16xf32>
        %swap3A_267 = arith.index_cast %add3A_53 : i32 to index
        %swap3A_268 = arith.constant 32 : index
        %swap3A_269 = tpu.vector_load %arg11[%swap3A_267, %swap3A_268] {strides = array<i32>} : memref<128x128xf32, #tpu.memory_space<vmem>>, vector<1x16xf32>,
        %swap3A_270 = vector.shape_cast %swap3A_269 : vector<1x16xf32> to vector<16xf32>
        %swap3A_271 = vector.shape_cast %select_n3A_266 : vector<16xf32> to vector<1x16xf32>
        tpu.vector_store %arg11[%swap3A_267, %swap3A_268], %swap3A_271 {strides = array<i32>} : memref<128x128xf32, #tpu.memory_space<vmem>>, vector<1x16xf32>,
        %get3A_272 = arith.index_cast %add3A_53 : i32 to index
        %get3A_273 = arith.constant 48 : index
        %get3A_274 = tpu.vector_load %arg11[%get3A_272, %get3A_273] {strides = array<i32>} : memref<128x128xf32, #tpu.memory_space<vmem>>, vector<1x16xf32>,
        %get3A_275 = vector.shape_cast %get3A_274 : vector<1x16xf32> to vector<16xf32>
        %get3A_276 = arith.index_cast %add3A_53 : i32 to index
        %get3A_277 = arith.constant 48 : index
        %get3A_278 = tpu.vector_load %arg12[%get3A_276, %get3A_277] {strides = array<i32>} : memref<128x128xf32, #tpu.memory_space<vmem>>, vector<1x16xf32>,
        %get3A_279 = vector.shape_cast %get3A_278 : vector<1x16xf32> to vector<16xf32>
        %add3A_280 = arith.addf %get3A_275, %get3A_279 : vector<16xf32>
        %min3A_281 = arith.constant 0.000000e+00 : f32
        %min3A_282 = vector.broadcast %min3A_281 : f32 to vector<16xf32>
        %min3A_283 = arith.minimumf %add3A_280, %min3A_282 : vector<16xf32>
        %max3A_284 = arith.constant -1.750000e+01 : f32
        %max3A_285 = vector.broadcast %max3A_284 : f32 to vector<16xf32>
        %max3A_286 = arith.maximumf %min3A_283, %max3A_285 : vector<16xf32>
        %mul3A_287 = arith.constant 3.125000e-02 : f32
        %mul3A_288 = vector.broadcast %mul3A_287 : f32 to vector<16xf32>
        %mul3A_289 = arith.mulf %max3A_286, %mul3A_288 : vector<16xf32>
        %mul3A_290 = arith.constant 2.48015876E-5 : f32
        %mul3A_291 = vector.broadcast %mul3A_290 : f32 to vector<16xf32>
        %mul3A_292 = arith.mulf %mul3A_289, %mul3A_291 : vector<16xf32>
        %add3A_293 = arith.constant 1.98412701E-4 : f32
        %add3A_294 = vector.broadcast %add3A_293 : f32 to vector<16xf32>
        %add3A_295 = arith.addf %mul3A_292, %add3A_294 : vector<16xf32>
        %mul3A_296 = arith.mulf %add3A_295, %mul3A_289 : vector<16xf32>
        %add3A_297 = arith.constant 0.00138888892 : f32
        %add3A_298 = vector.broadcast %add3A_297 : f32 to vector<16xf32>
        %add3A_299 = arith.addf %mul3A_296, %add3A_298 : vector<16xf32>
        %mul3A_300 = arith.mulf %add3A_299, %mul3A_289 : vector<16xf32>
        %add3A_301 = arith.constant 0.00833333377 : f32
        %add3A_302 = vector.broadcast %add3A_301 : f32 to vector<16xf32>
        %add3A_303 = arith.addf %mul3A_300, %add3A_302 : vector<16xf32>
        %mul3A_304 = arith.mulf %add3A_303, %mul3A_289 : vector<16xf32>
        %add3A_305 = arith.constant 0.0416666679 : f32
        %add3A_306 = vector.broadcast %add3A_305 : f32 to vector<16xf32>
        %add3A_307 = arith.addf %mul3A_304, %add3A_306 : vector<16xf32>
        %mul3A_308 = arith.mulf %add3A_307, %mul3A_289 : vector<16xf32>
        %add3A_309 = arith.constant 0.166666672 : f32
        %add3A_310 = vector.broadcast %add3A_309 : f32 to vector<16xf32>
        %add3A_311 = arith.addf %mul3A_308, %add3A_310 : vector<16xf32>
        %mul3A_312 = arith.mulf %add3A_311, %mul3A_289 : vector<16xf32>
        %add3A_313 = arith.constant 5.000000e-01 : f32
        %add3A_314 = vector.broadcast %add3A_313 : f32 to vector<16xf32>
        %add3A_315 = arith.addf %mul3A_312, %add3A_314 : vector<16xf32>
        %mul3A_316 = arith.mulf %add3A_315, %mul3A_289 : vector<16xf32>
        %add3A_317 = arith.constant 1.000000e+00 : f32
        %add3A_318 = vector.broadcast %add3A_317 : f32 to vector<16xf32>
        %add3A_319 = arith.addf %mul3A_316, %add3A_318 : vector<16xf32>
        %mul3A_320 = arith.mulf %add3A_319, %mul3A_289 : vector<16xf32>
        %add3A_321 = arith.constant 1.000000e+00 : f32
        %add3A_322 = vector.broadcast %add3A_321 : f32 to vector<16xf32>
        %add3A_323 = arith.addf %mul3A_320, %add3A_322 : vector<16xf32>
        %mul3A_324 = arith.mulf %add3A_323, %add3A_323 : vector<16xf32>
        %mul3A_325 = arith.mulf %mul3A_324, %mul3A_324 : vector<16xf32>
        %mul3A_326 = arith.mulf %mul3A_325, %mul3A_325 : vector<16xf32>
        %mul3A_327 = arith.mulf %mul3A_326, %mul3A_326 : vector<16xf32>
        %mul3A_328 = arith.mulf %mul3A_327, %mul3A_327 : vector<16xf32>
        %gt3A_329 = arith.constant 0.000000e+00 : f32
        %gt3A_330 = vector.broadcast %gt3A_329 : f32 to vector<16xf32>
        %gt3A_331 = arith.cmpf ogt, %add3A_280, %gt3A_330 : vector<16xf32>
        %mul3A_332 = arith.constant 1.05070102 : f32
        %mul3A_333 = vector.broadcast %mul3A_332 : f32 to vector<16xf32>
        %mul3A_334 = arith.mulf %mul3A_333, %add3A_280 : vector<16xf32>
        %mul3A_335 = arith.constant 1.75809932 : f32
        %mul3A_336 = vector.broadcast %mul3A_335 : f32 to vector<16xf32>
        %mul3A_337 = arith.mulf %mul3A_336, %mul3A_328 : vector<16xf32>
        %sub3A_338 = arith.constant 1.75809932 : f32
        %sub3A_339 = vector.broadcast %sub3A_338 : f32 to vector<16xf32>
        %sub3A_340 = arith.subf %mul3A_337, %sub3A_339 : vector<16xf32>
        %select_n3A_341 = arith.select %gt3A_331, %mul3A_334, %sub3A_340 : vector<16xi1>, vector<16xf32>
        %swap3A_342 = arith.index_cast %add3A_53 : i32 to index
        %swap3A_343 = arith.constant 48 : index
        %swap3A_344 = tpu.vector_load %arg11[%swap3A_342, %swap3A_343] {strides = array<i32>} : memref<128x128xf32, #tpu.memory_space<vmem>>, vector<1x16xf32>,
        %swap3A_345 = vector.shape_cast %swap3A_344 : vector<1x16xf32> to vector<16xf32>
        %swap3A_346 = vector.shape_cast %select_n3A_341 : vector<16xf32> to vector<1x16xf32>
        tpu.vector_store %arg11[%swap3A_342, %swap3A_343], %swap3A_346 {strides = array<i32>} : memref<128x128xf32, #tpu.memory_space<vmem>>, vector<1x16xf32>,
        %get3A_347 = arith.index_cast %add3A_53 : i32 to index
        %get3A_348 = arith.constant 64 : index
        %get3A_349 = tpu.vector_load %arg11[%get3A_347, %get3A_348] {strides = array<i32>} : memref<128x128xf32, #tpu.memory_space<vmem>>, vector<1x16xf32>,
        %get3A_350 = vector.shape_cast %get3A_349 : vector<1x16xf32> to vector<16xf32>
        %get3A_351 = arith.index_cast %add3A_53 : i32 to index
        %get3A_352 = arith.constant 64 : index
        %get3A_353 = tpu.vector_load %arg12[%get3A_351, %get3A_352] {strides = array<i32>} : memref<128x128xf32, #tpu.memory_space<vmem>>, vector<1x16xf32>,
        %get3A_354 = vector.shape_cast %get3A_353 : vector<1x16xf32> to vector<16xf32>
        %add3A_355 = arith.addf %get3A_350, %get3A_354 : vector<16xf32>
        %min3A_356 = arith.constant 0.000000e+00 : f32
        %min3A_357 = vector.broadcast %min3A_356 : f32 to vector<16xf32>
        %min3A_358 = arith.minimumf %add3A_355, %min3A_357 : vector<16xf32>
        %max3A_359 = arith.constant -1.750000e+01 : f32
        %max3A_360 = vector.broadcast %max3A_359 : f32 to vector<16xf32>
        %max3A_361 = arith.maximumf %min3A_358, %max3A_360 : vector<16xf32>
        %mul3A_362 = arith.constant 3.125000e-02 : f32
        %mul3A_363 = vector.broadcast %mul3A_362 : f32 to vector<16xf32>
        %mul3A_364 = arith.mulf %max3A_361, %mul3A_363 : vector<16xf32>
        %mul3A_365 = arith.constant 2.48015876E-5 : f32
        %mul3A_366 = vector.broadcast %mul3A_365 : f32 to vector<16xf32>
        %mul3A_367 = arith.mulf %mul3A_364, %mul3A_366 : vector<16xf32>
        %add3A_368 = arith.constant 1.98412701E-4 : f32
        %add3A_369 = vector.broadcast %add3A_368 : f32 to vector<16xf32>
        %add3A_370 = arith.addf %mul3A_367, %add3A_369 : vector<16xf32>
        %mul3A_371 = arith.mulf %add3A_370, %mul3A_364 : vector<16xf32>
        %add3A_372 = arith.constant 0.00138888892 : f32
        %add3A_373 = vector.broadcast %add3A_372 : f32 to vector<16xf32>
        %add3A_374 = arith.addf %mul3A_371, %add3A_373 : vector<16xf32>
        %mul3A_375 = arith.mulf %add3A_374, %mul3A_364 : vector<16xf32>
        %add3A_376 = arith.constant 0.00833333377 : f32
        %add3A_377 = vector.broadcast %add3A_376 : f32 to vector<16xf32>
        %add3A_378 = arith.addf %mul3A_375, %add3A_377 : vector<16xf32>
        %mul3A_379 = arith.mulf %add3A_378, %mul3A_364 : vector<16xf32>
        %add3A_380 = arith.constant 0.0416666679 : f32
        %add3A_381 = vector.broadcast %add3A_380 : f32 to vector<16xf32>
        %add3A_382 = arith.addf %mul3A_379, %add3A_381 : vector<16xf32>
        %mul3A_383 = arith.mulf %add3A_382, %mul3A_364 : vector<16xf32>
        %add3A_384 = arith.constant 0.166666672 : f32
        %add3A_385 = vector.broadcast %add3A_384 : f32 to vector<16xf32>
        %add3A_386 = arith.addf %mul3A_383, %add3A_385 : vector<16xf32>
        %mul3A_387 = arith.mulf %add3A_386, %mul3A_364 : vector<16xf32>
        %add3A_388 = arith.constant 5.000000e-01 : f32
        %add3A_389 = vector.broadcast %add3A_388 : f32 to vector<16xf32>
        %add3A_390 = arith.addf %mul3A_387, %add3A_389 : vector<16xf32>
        %mul3A_391 = arith.mulf %add3A_390, %mul3A_364 : vector<16xf32>
        %add3A_392 = arith.constant 1.000000e+00 : f32
        %add3A_393 = vector.broadcast %add3A_392 : f32 to vector<16xf32>
        %add3A_394 = arith.addf %mul3A_391, %add3A_393 : vector<16xf32>
        %mul3A_395 = arith.mulf %add3A_394, %mul3A_364 : vector<16xf32>
        %add3A_396 = arith.constant 1.000000e+00 : f32
        %add3A_397 = vector.broadcast %add3A_396 : f32 to vector<16xf32>
        %add3A_398 = arith.addf %mul3A_395, %add3A_397 : vector<16xf32>
        %mul3A_399 = arith.mulf %add3A_398, %add3A_398 : vector<16xf32>
        %mul3A_400 = arith.mulf %mul3A_399, %mul3A_399 : vector<16xf32>
        %mul3A_401 = arith.mulf %mul3A_400, %mul3A_400 : vector<16xf32>
        %mul3A_402 = arith.mulf %mul3A_401, %mul3A_401 : vector<16xf32>
        %mul3A_403 = arith.mulf %mul3A_402, %mul3A_402 : vector<16xf32>
        %gt3A_404 = arith.constant 0.000000e+00 : f32
        %gt3A_405 = vector.broadcast %gt3A_404 : f32 to vector<16xf32>
        %gt3A_406 = arith.cmpf ogt, %add3A_355, %gt3A_405 : vector<16xf32>
        %mul3A_407 = arith.constant 1.05070102 : f32
        %mul3A_408 = vector.broadcast %mul3A_407 : f32 to vector<16xf32>
        %mul3A_409 = arith.mulf %mul3A_408, %add3A_355 : vector<16xf32>
        %mul3A_410 = arith.constant 1.75809932 : f32
        %mul3A_411 = vector.broadcast %mul3A_410 : f32 to vector<16xf32>
        %mul3A_412 = arith.mulf %mul3A_411, %mul3A_403 : vector<16xf32>
        %sub3A_413 = arith.constant 1.75809932 : f32
        %sub3A_414 = vector.broadcast %sub3A_413 : f32 to vector<16xf32>
        %sub3A_415 = arith.subf %mul3A_412, %sub3A_414 : vector<16xf32>
        %select_n3A_416 = arith.select %gt3A_406, %mul3A_409, %sub3A_415 : vector<16xi1>, vector<16xf32>
        %swap3A_417 = arith.index_cast %add3A_53 : i32 to index
        %swap3A_418 = arith.constant 64 : index
        %swap3A_419 = tpu.vector_load %arg11[%swap3A_417, %swap3A_418] {strides = array<i32>} : memref<128x128xf32, #tpu.memory_space<vmem>>, vector<1x16xf32>,
        %swap3A_420 = vector.shape_cast %swap3A_419 : vector<1x16xf32> to vector<16xf32>
        %swap3A_421 = vector.shape_cast %select_n3A_416 : vector<16xf32> to vector<1x16xf32>
        tpu.vector_store %arg11[%swap3A_417, %swap3A_418], %swap3A_421 {strides = array<i32>} : memref<128x128xf32, #tpu.memory_space<vmem>>, vector<1x16xf32>,
        %get3A_422 = arith.index_cast %add3A_53 : i32 to index
        %get3A_423 = arith.constant 80 : index
        %get3A_424 = tpu.vector_load %arg11[%get3A_422, %get3A_423] {strides = array<i32>} : memref<128x128xf32, #tpu.memory_space<vmem>>, vector<1x16xf32>,
        %get3A_425 = vector.shape_cast %get3A_424 : vector<1x16xf32> to vector<16xf32>
        %get3A_426 = arith.index_cast %add3A_53 : i32 to index
        %get3A_427 = arith.constant 80 : index
        %get3A_428 = tpu.vector_load %arg12[%get3A_426, %get3A_427] {strides = array<i32>} : memref<128x128xf32, #tpu.memory_space<vmem>>, vector<1x16xf32>,
        %get3A_429 = vector.shape_cast %get3A_428 : vector<1x16xf32> to vector<16xf32>
        %add3A_430 = arith.addf %get3A_425, %get3A_429 : vector<16xf32>
        %min3A_431 = arith.constant 0.000000e+00 : f32
        %min3A_432 = vector.broadcast %min3A_431 : f32 to vector<16xf32>
        %min3A_433 = arith.minimumf %add3A_430, %min3A_432 : vector<16xf32>
        %max3A_434 = arith.constant -1.750000e+01 : f32
        %max3A_435 = vector.broadcast %max3A_434 : f32 to vector<16xf32>
        %max3A_436 = arith.maximumf %min3A_433, %max3A_435 : vector<16xf32>
        %mul3A_437 = arith.constant 3.125000e-02 : f32
        %mul3A_438 = vector.broadcast %mul3A_437 : f32 to vector<16xf32>
        %mul3A_439 = arith.mulf %max3A_436, %mul3A_438 : vector<16xf32>
        %mul3A_440 = arith.constant 2.48015876E-5 : f32
        %mul3A_441 = vector.broadcast %mul3A_440 : f32 to vector<16xf32>
        %mul3A_442 = arith.mulf %mul3A_439, %mul3A_441 : vector<16xf32>
        %add3A_443 = arith.constant 1.98412701E-4 : f32
        %add3A_444 = vector.broadcast %add3A_443 : f32 to vector<16xf32>
        %add3A_445 = arith.addf %mul3A_442, %add3A_444 : vector<16xf32>
        %mul3A_446 = arith.mulf %add3A_445, %mul3A_439 : vector<16xf32>
        %add3A_447 = arith.constant 0.00138888892 : f32
        %add3A_448 = vector.broadcast %add3A_447 : f32 to vector<16xf32>
        %add3A_449 = arith.addf %mul3A_446, %add3A_448 : vector<16xf32>
        %mul3A_450 = arith.mulf %add3A_449, %mul3A_439 : vector<16xf32>
        %add3A_451 = arith.constant 0.00833333377 : f32
        %add3A_452 = vector.broadcast %add3A_451 : f32 to vector<16xf32>
        %add3A_453 = arith.addf %mul3A_450, %add3A_452 : vector<16xf32>
        %mul3A_454 = arith.mulf %add3A_453, %mul3A_439 : vector<16xf32>
        %add3A_455 = arith.constant 0.0416666679 : f32
        %add3A_456 = vector.broadcast %add3A_455 : f32 to vector<16xf32>
        %add3A_457 = arith.addf %mul3A_454, %add3A_456 : vector<16xf32>
        %mul3A_458 = arith.mulf %add3A_457, %mul3A_439 : vector<16xf32>
        %add3A_459 = arith.constant 0.166666672 : f32
        %add3A_460 = vector.broadcast %add3A_459 : f32 to vector<16xf32>
        %add3A_461 = arith.addf %mul3A_458, %add3A_460 : vector<16xf32>
        %mul3A_462 = arith.mulf %add3A_461, %mul3A_439 : vector<16xf32>
        %add3A_463 = arith.constant 5.000000e-01 : f32
        %add3A_464 = vector.broadcast %add3A_463 : f32 to vector<16xf32>
        %add3A_465 = arith.addf %mul3A_462, %add3A_464 : vector<16xf32>
        %mul3A_466 = arith.mulf %add3A_465, %mul3A_439 : vector<16xf32>
        %add3A_467 = arith.constant 1.000000e+00 : f32
        %add3A_468 = vector.broadcast %add3A_467 : f32 to vector<16xf32>
        %add3A_469 = arith.addf %mul3A_466, %add3A_468 : vector<16xf32>
        %mul3A_470 = arith.mulf %add3A_469, %mul3A_439 : vector<16xf32>
        %add3A_471 = arith.constant 1.000000e+00 : f32
        %add3A_472 = vector.broadcast %add3A_471 : f32 to vector<16xf32>
        %add3A_473 = arith.addf %mul3A_470, %add3A_472 : vector<16xf32>
        %mul3A_474 = arith.mulf %add3A_473, %add3A_473 : vector<16xf32>
        %mul3A_475 = arith.mulf %mul3A_474, %mul3A_474 : vector<16xf32>
        %mul3A_476 = arith.mulf %mul3A_475, %mul3A_475 : vector<16xf32>
        %mul3A_477 = arith.mulf %mul3A_476, %mul3A_476 : vector<16xf32>
        %mul3A_478 = arith.mulf %mul3A_477, %mul3A_477 : vector<16xf32>
        %gt3A_479 = arith.constant 0.000000e+00 : f32
        %gt3A_480 = vector.broadcast %gt3A_479 : f32 to vector<16xf32>
        %gt3A_481 = arith.cmpf ogt, %add3A_430, %gt3A_480 : vector<16xf32>
        %mul3A_482 = arith.constant 1.05070102 : f32
        %mul3A_483 = vector.broadcast %mul3A_482 : f32 to vector<16xf32>
        %mul3A_484 = arith.mulf %mul3A_483, %add3A_430 : vector<16xf32>
        %mul3A_485 = arith.constant 1.75809932 : f32
        %mul3A_486 = vector.broadcast %mul3A_485 : f32 to vector<16xf32>
        %mul3A_487 = arith.mulf %mul3A_486, %mul3A_478 : vector<16xf32>
        %sub3A_488 = arith.constant 1.75809932 : f32
        %sub3A_489 = vector.broadcast %sub3A_488 : f32 to vector<16xf32>
        %sub3A_490 = arith.subf %mul3A_487, %sub3A_489 : vector<16xf32>
        %select_n3A_491 = arith.select %gt3A_481, %mul3A_484, %sub3A_490 : vector<16xi1>, vector<16xf32>
        %swap3A_492 = arith.index_cast %add3A_53 : i32 to index
        %swap3A_493 = arith.constant 80 : index
        %swap3A_494 = tpu.vector_load %arg11[%swap3A_492, %swap3A_493] {strides = array<i32>} : memref<128x128xf32, #tpu.memory_space<vmem>>, vector<1x16xf32>,
        %swap3A_495 = vector.shape_cast %swap3A_494 : vector<1x16xf32> to vector<16xf32>
        %swap3A_496 = vector.shape_cast %select_n3A_491 : vector<16xf32> to vector<1x16xf32>
        tpu.vector_store %arg11[%swap3A_492, %swap3A_493], %swap3A_496 {strides = array<i32>} : memref<128x128xf32, #tpu.memory_space<vmem>>, vector<1x16xf32>,
        %get3A_497 = arith.index_cast %add3A_53 : i32 to index
        %get3A_498 = arith.constant 96 : index
        %get3A_499 = tpu.vector_load %arg11[%get3A_497, %get3A_498] {strides = array<i32>} : memref<128x128xf32, #tpu.memory_space<vmem>>, vector<1x16xf32>,
        %get3A_500 = vector.shape_cast %get3A_499 : vector<1x16xf32> to vector<16xf32>
        %get3A_501 = arith.index_cast %add3A_53 : i32 to index
        %get3A_502 = arith.constant 96 : index
        %get3A_503 = tpu.vector_load %arg12[%get3A_501, %get3A_502] {strides = array<i32>} : memref<128x128xf32, #tpu.memory_space<vmem>>, vector<1x16xf32>,
        %get3A_504 = vector.shape_cast %get3A_503 : vector<1x16xf32> to vector<16xf32>
        %add3A_505 = arith.addf %get3A_500, %get3A_504 : vector<16xf32>
        %min3A_506 = arith.constant 0.000000e+00 : f32
        %min3A_507 = vector.broadcast %min3A_506 : f32 to vector<16xf32>
        %min3A_508 = arith.minimumf %add3A_505, %min3A_507 : vector<16xf32>
        %max3A_509 = arith.constant -1.750000e+01 : f32
        %max3A_510 = vector.broadcast %max3A_509 : f32 to vector<16xf32>
        %max3A_511 = arith.maximumf %min3A_508, %max3A_510 : vector<16xf32>
        %mul3A_512 = arith.constant 3.125000e-02 : f32
        %mul3A_513 = vector.broadcast %mul3A_512 : f32 to vector<16xf32>
        %mul3A_514 = arith.mulf %max3A_511, %mul3A_513 : vector<16xf32>
        %mul3A_515 = arith.constant 2.48015876E-5 : f32
        %mul3A_516 = vector.broadcast %mul3A_515 : f32 to vector<16xf32>
        %mul3A_517 = arith.mulf %mul3A_514, %mul3A_516 : vector<16xf32>
        %add3A_518 = arith.constant 1.98412701E-4 : f32
        %add3A_519 = vector.broadcast %add3A_518 : f32 to vector<16xf32>
        %add3A_520 = arith.addf %mul3A_517, %add3A_519 : vector<16xf32>
        %mul3A_521 = arith.mulf %add3A_520, %mul3A_514 : vector<16xf32>
        %add3A_522 = arith.constant 0.00138888892 : f32
        %add3A_523 = vector.broadcast %add3A_522 : f32 to vector<16xf32>
        %add3A_524 = arith.addf %mul3A_521, %add3A_523 : vector<16xf32>
        %mul3A_525 = arith.mulf %add3A_524, %mul3A_514 : vector<16xf32>
        %add3A_526 = arith.constant 0.00833333377 : f32
        %add3A_527 = vector.broadcast %add3A_526 : f32 to vector<16xf32>
        %add3A_528 = arith.addf %mul3A_525, %add3A_527 : vector<16xf32>
        %mul3A_529 = arith.mulf %add3A_528, %mul3A_514 : vector<16xf32>
        %add3A_530 = arith.constant 0.0416666679 : f32
        %add3A_531 = vector.broadcast %add3A_530 : f32 to vector<16xf32>
        %add3A_532 = arith.addf %mul3A_529, %add3A_531 : vector<16xf32>
        %mul3A_533 = arith.mulf %add3A_532, %mul3A_514 : vector<16xf32>
        %add3A_534 = arith.constant 0.166666672 : f32
        %add3A_535 = vector.broadcast %add3A_534 : f32 to vector<16xf32>
        %add3A_536 = arith.addf %mul3A_533, %add3A_535 : vector<16xf32>
        %mul3A_537 = arith.mulf %add3A_536, %mul3A_514 : vector<16xf32>
        %add3A_538 = arith.constant 5.000000e-01 : f32
        %add3A_539 = vector.broadcast %add3A_538 : f32 to vector<16xf32>
        %add3A_540 = arith.addf %mul3A_537, %add3A_539 : vector<16xf32>
        %mul3A_541 = arith.mulf %add3A_540, %mul3A_514 : vector<16xf32>
        %add3A_542 = arith.constant 1.000000e+00 : f32
        %add3A_543 = vector.broadcast %add3A_542 : f32 to vector<16xf32>
        %add3A_544 = arith.addf %mul3A_541, %add3A_543 : vector<16xf32>
        %mul3A_545 = arith.mulf %add3A_544, %mul3A_514 : vector<16xf32>
        %add3A_546 = arith.constant 1.000000e+00 : f32
        %add3A_547 = vector.broadcast %add3A_546 : f32 to vector<16xf32>
        %add3A_548 = arith.addf %mul3A_545, %add3A_547 : vector<16xf32>
        %mul3A_549 = arith.mulf %add3A_548, %add3A_548 : vector<16xf32>
        %mul3A_550 = arith.mulf %mul3A_549, %mul3A_549 : vector<16xf32>
        %mul3A_551 = arith.mulf %mul3A_550, %mul3A_550 : vector<16xf32>
        %mul3A_552 = arith.mulf %mul3A_551, %mul3A_551 : vector<16xf32>
        %mul3A_553 = arith.mulf %mul3A_552, %mul3A_552 : vector<16xf32>
        %gt3A_554 = arith.constant 0.000000e+00 : f32
        %gt3A_555 = vector.broadcast %gt3A_554 : f32 to vector<16xf32>
        %gt3A_556 = arith.cmpf ogt, %add3A_505, %gt3A_555 : vector<16xf32>
        %mul3A_557 = arith.constant 1.05070102 : f32
        %mul3A_558 = vector.broadcast %mul3A_557 : f32 to vector<16xf32>
        %mul3A_559 = arith.mulf %mul3A_558, %add3A_505 : vector<16xf32>
        %mul3A_560 = arith.constant 1.75809932 : f32
        %mul3A_561 = vector.broadcast %mul3A_560 : f32 to vector<16xf32>
        %mul3A_562 = arith.mulf %mul3A_561, %mul3A_553 : vector<16xf32>
        %sub3A_563 = arith.constant 1.75809932 : f32
        %sub3A_564 = vector.broadcast %sub3A_563 : f32 to vector<16xf32>
        %sub3A_565 = arith.subf %mul3A_562, %sub3A_564 : vector<16xf32>
        %select_n3A_566 = arith.select %gt3A_556, %mul3A_559, %sub3A_565 : vector<16xi1>, vector<16xf32>
        %swap3A_567 = arith.index_cast %add3A_53 : i32 to index
        %swap3A_568 = arith.constant 96 : index
        %swap3A_569 = tpu.vector_load %arg11[%swap3A_567, %swap3A_568] {strides = array<i32>} : memref<128x128xf32, #tpu.memory_space<vmem>>, vector<1x16xf32>,
        %swap3A_570 = vector.shape_cast %swap3A_569 : vector<1x16xf32> to vector<16xf32>
        %swap3A_571 = vector.shape_cast %select_n3A_566 : vector<16xf32> to vector<1x16xf32>
        tpu.vector_store %arg11[%swap3A_567, %swap3A_568], %swap3A_571 {strides = array<i32>} : memref<128x128xf32, #tpu.memory_space<vmem>>, vector<1x16xf32>,
        %get3A_572 = arith.index_cast %add3A_53 : i32 to index
        %get3A_573 = arith.constant 112 : index
        %get3A_574 = tpu.vector_load %arg11[%get3A_572, %get3A_573] {strides = array<i32>} : memref<128x128xf32, #tpu.memory_space<vmem>>, vector<1x16xf32>,
        %get3A_575 = vector.shape_cast %get3A_574 : vector<1x16xf32> to vector<16xf32>
        %get3A_576 = arith.index_cast %add3A_53 : i32 to index
        %get3A_577 = arith.constant 112 : index
        %get3A_578 = tpu.vector_load %arg12[%get3A_576, %get3A_577] {strides = array<i32>} : memref<128x128xf32, #tpu.memory_space<vmem>>, vector<1x16xf32>,
        %get3A_579 = vector.shape_cast %get3A_578 : vector<1x16xf32> to vector<16xf32>
        %add3A_580 = arith.addf %get3A_575, %get3A_579 : vector<16xf32>
        %min3A_581 = arith.constant 0.000000e+00 : f32
        %min3A_582 = vector.broadcast %min3A_581 : f32 to vector<16xf32>
        %min3A_583 = arith.minimumf %add3A_580, %min3A_582 : vector<16xf32>
        %max3A_584 = arith.constant -1.750000e+01 : f32
        %max3A_585 = vector.broadcast %max3A_584 : f32 to vector<16xf32>
        %max3A_586 = arith.maximumf %min3A_583, %max3A_585 : vector<16xf32>
        %mul3A_587 = arith.constant 3.125000e-02 : f32
        %mul3A_588 = vector.broadcast %mul3A_587 : f32 to vector<16xf32>
        %mul3A_589 = arith.mulf %max3A_586, %mul3A_588 : vector<16xf32>
        %mul3A_590 = arith.constant 2.48015876E-5 : f32
        %mul3A_591 = vector.broadcast %mul3A_590 : f32 to vector<16xf32>
        %mul3A_592 = arith.mulf %mul3A_589, %mul3A_591 : vector<16xf32>
        %add3A_593 = arith.constant 1.98412701E-4 : f32
        %add3A_594 = vector.broadcast %add3A_593 : f32 to vector<16xf32>
        %add3A_595 = arith.addf %mul3A_592, %add3A_594 : vector<16xf32>
        %mul3A_596 = arith.mulf %add3A_595, %mul3A_589 : vector<16xf32>
        %add3A_597 = arith.constant 0.00138888892 : f32
        %add3A_598 = vector.broadcast %add3A_597 : f32 to vector<16xf32>
        %add3A_599 = arith.addf %mul3A_596, %add3A_598 : vector<16xf32>
        %mul3A_600 = arith.mulf %add3A_599, %mul3A_589 : vector<16xf32>
        %add3A_601 = arith.constant 0.00833333377 : f32
        %add3A_602 = vector.broadcast %add3A_601 : f32 to vector<16xf32>
        %add3A_603 = arith.addf %mul3A_600, %add3A_602 : vector<16xf32>
        %mul3A_604 = arith.mulf %add3A_603, %mul3A_589 : vector<16xf32>
        %add3A_605 = arith.constant 0.0416666679 : f32
        %add3A_606 = vector.broadcast %add3A_605 : f32 to vector<16xf32>
        %add3A_607 = arith.addf %mul3A_604, %add3A_606 : vector<16xf32>
        %mul3A_608 = arith.mulf %add3A_607, %mul3A_589 : vector<16xf32>
        %add3A_609 = arith.constant 0.166666672 : f32
        %add3A_610 = vector.broadcast %add3A_609 : f32 to vector<16xf32>
        %add3A_611 = arith.addf %mul3A_608, %add3A_610 : vector<16xf32>
        %mul3A_612 = arith.mulf %add3A_611, %mul3A_589 : vector<16xf32>
        %add3A_613 = arith.constant 5.000000e-01 : f32
        %add3A_614 = vector.broadcast %add3A_613 : f32 to vector<16xf32>
        %add3A_615 = arith.addf %mul3A_612, %add3A_614 : vector<16xf32>
        %mul3A_616 = arith.mulf %add3A_615, %mul3A_589 : vector<16xf32>
        %add3A_617 = arith.constant 1.000000e+00 : f32
        %add3A_618 = vector.broadcast %add3A_617 : f32 to vector<16xf32>
        %add3A_619 = arith.addf %mul3A_616, %add3A_618 : vector<16xf32>
        %mul3A_620 = arith.mulf %add3A_619, %mul3A_589 : vector<16xf32>
        %add3A_621 = arith.constant 1.000000e+00 : f32
        %add3A_622 = vector.broadcast %add3A_621 : f32 to vector<16xf32>
        %add3A_623 = arith.addf %mul3A_620, %add3A_622 : vector<16xf32>
        %mul3A_624 = arith.mulf %add3A_623, %add3A_623 : vector<16xf32>
        %mul3A_625 = arith.mulf %mul3A_624, %mul3A_624 : vector<16xf32>
        %mul3A_626 = arith.mulf %mul3A_625, %mul3A_625 : vector<16xf32>
        %mul3A_627 = arith.mulf %mul3A_626, %mul3A_626 : vector<16xf32>
        %mul3A_628 = arith.mulf %mul3A_627, %mul3A_627 : vector<16xf32>
        %gt3A_629 = arith.constant 0.000000e+00 : f32
        %gt3A_630 = vector.broadcast %gt3A_629 : f32 to vector<16xf32>
        %gt3A_631 = arith.cmpf ogt, %add3A_580, %gt3A_630 : vector<16xf32>
        %mul3A_632 = arith.constant 1.05070102 : f32
        %mul3A_633 = vector.broadcast %mul3A_632 : f32 to vector<16xf32>
        %mul3A_634 = arith.mulf %mul3A_633, %add3A_580 : vector<16xf32>
        %mul3A_635 = arith.constant 1.75809932 : f32
        %mul3A_636 = vector.broadcast %mul3A_635 : f32 to vector<16xf32>
        %mul3A_637 = arith.mulf %mul3A_636, %mul3A_628 : vector<16xf32>
        %sub3A_638 = arith.constant 1.75809932 : f32
        %sub3A_639 = vector.broadcast %sub3A_638 : f32 to vector<16xf32>
        %sub3A_640 = arith.subf %mul3A_637, %sub3A_639 : vector<16xf32>
        %select_n3A_641 = arith.select %gt3A_631, %mul3A_634, %sub3A_640 : vector<16xi1>, vector<16xf32>
        %swap3A_642 = arith.index_cast %add3A_53 : i32 to index
        %swap3A_643 = arith.constant 112 : index
        %swap3A_644 = tpu.vector_load %arg11[%swap3A_642, %swap3A_643] {strides = array<i32>} : memref<128x128xf32, #tpu.memory_space<vmem>>, vector<1x16xf32>,
        %swap3A_645 = vector.shape_cast %swap3A_644 : vector<1x16xf32> to vector<16xf32>
        %swap3A_646 = vector.shape_cast %select_n3A_641 : vector<16xf32> to vector<1x16xf32>
        tpu.vector_store %arg11[%swap3A_642, %swap3A_643], %swap3A_646 {strides = array<i32>} : memref<128x128xf32, #tpu.memory_space<vmem>>, vector<1x16xf32>,
      }
      %scan3A_48 = arith.constant 128 : i32
      "tpu.region"() ({
        %run_scoped3A = tpu.sem_alloc : memref<!tpu.dma_semaphore, #tpu.memory_space<semaphore_mem>>
        %dma_start3A_49 = arith.constant 0 : i32
        %dma_start3A_50 = arith.constant 0 : i32
        %dma_start3A_51 = tpu.memref_slice %arg8[%dma_start3A_49, %dma_start3A_50] : memref<10240x128xf32, #tpu.memory_space<vmem_shared>> -> memref<10240x128xf32, #tpu.memory_space<vmem_shared>>
        tpu.enqueue_indirect_dma source(%arg11 : memref<128x128xf32, #tpu.memory_space<vmem>>) target(%dma_start3A_51 : memref<10240x128xf32, #tpu.memory_space<vmem_shared>>) offsets(%arg10 : memref<128xi32, #tpu.memory_space<vmem>>) semaphore(%run_scoped3A : memref<!tpu.dma_semaphore, #tpu.memory_space<semaphore_mem>>) {add = true}
        %dma_wait3A_52 = arith.constant 0 : i32
        %dma_wait3A_53 = arith.constant 0 : i32
        %dma_wait3A_54 = tpu.memref_slice %arg8[%dma_wait3A_52, %dma_wait3A_53] : memref<10240x128xf32, #tpu.memory_space<vmem_shared>> -> memref<10240x128xf32, #tpu.memory_space<vmem_shared>>
        tpu.wait_indirect_dma semaphore(%run_scoped3A : memref<!tpu.dma_semaphore, #tpu.memory_space<semaphore_mem>>) src(%arg11 : memref<128x128xf32, #tpu.memory_space<vmem>>) dst(%dma_wait3A_54 : memref<10240x128xf32, #tpu.memory_space<vmem_shared>>)
        tpu.yield
      }) : () -> ()
    }
    %scan3A_19 = arith.constant 79 : i32
    %barrier3A_20 = arith.constant 0 : index
    tpu.barrier barrier_id(%barrier3A_20)
    %scan3A_21 = arith.constant 0 : i32
    %scan3A_22 = arith.constant 5 : i32
    %scan3A_23 = arith.addi %scan3A_21, %scan3A_22 : i32
    %scan3A_24 = arith.constant 1 : i32
    scf.for %scan3A_26 = %scan3A_21 to %scan3A_23 step %scan3A_24  : i32 {
      %mul3A_27 = arith.constant 1 : i32
      %mul3A_28 = arith.muli %scan3A_26, %mul3A_27 : i32
      %add3A_29 = arith.constant 0 : i32
      %add3A_30 = arith.addi %add3A_29, %mul3A_28 : i32
      %mul3A_31 = arith.constant 640 : i32
      %mul3A_32 = arith.muli %arg1, %mul3A_31 : i32
      %mul3A_33 = arith.constant 128 : i32
      %mul3A_34 = arith.muli %add3A_30, %mul3A_33 : i32
      %add3A_35 = arith.addi %mul3A_32, %mul3A_34 : i32
      "tpu.region"() ({
        %run_scoped3A = tpu.sem_alloc : memref<!tpu.dma_semaphore, #tpu.memory_space<semaphore_mem>>
        %dma_start3A = arith.constant 0 : i32
        %dma_start3A_43 = tpu.memref_slice %arg8[%add3A_35, %dma_start3A] : memref<10240x128xf32, #tpu.memory_space<vmem_shared>> -> memref<128x128xf32, #tpu.memory_space<vmem_shared>>
        %dma_start3A_44 = arith.constant 0 : i32
        %dma_start3A_45 = tpu.memref_slice %arg8[%add3A_35, %dma_start3A_44] : memref<10240x128xf32, #tpu.memory_space<vmem_shared>> -> memref<128x128xf32, #tpu.memory_space<vmem_shared>>
        tpu.enqueue_dma source(%dma_start3A_45 : memref<128x128xf32, #tpu.memory_space<vmem_shared>>) target(%arg11 : memref<128x128xf32, #tpu.memory_space<vmem>>) target_semaphore(%run_scoped3A : memref<!tpu.dma_semaphore, #tpu.memory_space<semaphore_mem>>)
        %dma_wait3A = arith.constant 0 : i32
        %dma_wait3A_46 = tpu.memref_slice %arg8[%add3A_35, %dma_wait3A] : memref<10240x128xf32, #tpu.memory_space<vmem_shared>> -> memref<128x128xf32, #tpu.memory_space<vmem_shared>>
        %dma_wait3A_47 = arith.constant 0 : i32
        %dma_wait3A_48 = tpu.memref_slice %arg8[%add3A_35, %dma_wait3A_47] : memref<10240x128xf32, #tpu.memory_space<vmem_shared>> -> memref<128x128xf32, #tpu.memory_space<vmem_shared>>
        tpu.wait_dma2 semaphore(%run_scoped3A : memref<!tpu.dma_semaphore, #tpu.memory_space<semaphore_mem>>) src(%dma_wait3A_48 : memref<128x128xf32, #tpu.memory_space<vmem_shared>>) dst(%arg11 : memref<128x128xf32, #tpu.memory_space<vmem>>)
        tpu.yield
      }) : () -> ()
      %eq3A = arith.constant 0 : i32
      %eq3A_36 = arith.cmpi eq, %arg0, %eq3A : i32
      %convert_element_type3A = arith.extui %eq3A_36 : i1 to i32
      %cond3A = arith.constant 0 : i32
      %cond3A_37 = arith.cmpi ne, %convert_element_type3A, %cond3A : i32
      scf.if %cond3A_37 {
        "tpu.region"() ({
          %run_scoped3A = tpu.sem_alloc : memref<!tpu.dma_semaphore, #tpu.memory_space<semaphore_mem>>
          %dma_start3A = arith.constant 0 : i32
          %dma_start3A_43 = tpu.memref_slice %arg6[%add3A_35, %dma_start3A] : memref<10240x128xf32, #tpu.memory_space<hbm>> -> memref<128x128xf32, #tpu.memory_space<hbm>>
          %dma_start3A_44 = arith.constant 0 : i32
          %dma_start3A_45 = tpu.memref_slice %arg6[%add3A_35, %dma_start3A_44] : memref<10240x128xf32, #tpu.memory_space<hbm>> -> memref<128x128xf32, #tpu.memory_space<hbm>>
          tpu.enqueue_dma source(%arg11 : memref<128x128xf32, #tpu.memory_space<vmem>>) target(%dma_start3A_45 : memref<128x128xf32, #tpu.memory_space<hbm>>) target_semaphore(%run_scoped3A : memref<!tpu.dma_semaphore, #tpu.memory_space<semaphore_mem>>)
          %dma_wait3A = arith.constant 0 : i32
          %dma_wait3A_46 = tpu.memref_slice %arg6[%add3A_35, %dma_wait3A] : memref<10240x128xf32, #tpu.memory_space<hbm>> -> memref<128x128xf32, #tpu.memory_space<hbm>>
          %dma_wait3A_47 = arith.constant 0 : i32
          %dma_wait3A_48 = tpu.memref_slice %arg6[%add3A_35, %dma_wait3A_47] : memref<10240x128xf32, #tpu.memory_space<hbm>> -> memref<128x128xf32, #tpu.memory_space<hbm>>
          tpu.wait_dma2 semaphore(%run_scoped3A : memref<!tpu.dma_semaphore, #tpu.memory_space<semaphore_mem>>) src(%arg11 : memref<128x128xf32, #tpu.memory_space<vmem>>) dst(%dma_wait3A_48 : memref<128x128xf32, #tpu.memory_space<hbm>>)
          tpu.yield
        }) : () -> ()
      } else {
      }
      %eq3A_38 = arith.constant 1 : i32
      %eq3A_39 = arith.cmpi eq, %arg0, %eq3A_38 : i32
      %convert_element_type3A_40 = arith.extui %eq3A_39 : i1 to i32
      %cond3A_41 = arith.constant 0 : i32
      %cond3A_42 = arith.cmpi ne, %convert_element_type3A_40, %cond3A_41 : i32
      scf.if %cond3A_42 {
        "tpu.region"() ({
          %run_scoped3A = tpu.sem_alloc : memref<!tpu.dma_semaphore, #tpu.memory_space<semaphore_mem>>
          %dma_start3A = arith.constant 0 : i32
          %dma_start3A_43 = tpu.memref_slice %arg7[%add3A_35, %dma_start3A] : memref<10240x128xf32, #tpu.memory_space<hbm>> -> memref<128x128xf32, #tpu.memory_space<hbm>>
          %dma_start3A_44 = arith.constant 0 : i32
          %dma_start3A_45 = tpu.memref_slice %arg7[%add3A_35, %dma_start3A_44] : memref<10240x128xf32, #tpu.memory_space<hbm>> -> memref<128x128xf32, #tpu.memory_space<hbm>>
          tpu.enqueue_dma source(%arg11 : memref<128x128xf32, #tpu.memory_space<vmem>>) target(%dma_start3A_45 : memref<128x128xf32, #tpu.memory_space<hbm>>) target_semaphore(%run_scoped3A : memref<!tpu.dma_semaphore, #tpu.memory_space<semaphore_mem>>)
          %dma_wait3A = arith.constant 0 : i32
          %dma_wait3A_46 = tpu.memref_slice %arg7[%add3A_35, %dma_wait3A] : memref<10240x128xf32, #tpu.memory_space<hbm>> -> memref<128x128xf32, #tpu.memory_space<hbm>>
          %dma_wait3A_47 = arith.constant 0 : i32
          %dma_wait3A_48 = tpu.memref_slice %arg7[%add3A_35, %dma_wait3A_47] : memref<10240x128xf32, #tpu.memory_space<hbm>> -> memref<128x128xf32, #tpu.memory_space<hbm>>
          tpu.wait_dma2 semaphore(%run_scoped3A : memref<!tpu.dma_semaphore, #tpu.memory_space<semaphore_mem>>) src(%arg11 : memref<128x128xf32, #tpu.memory_space<vmem>>) dst(%dma_wait3A_48 : memref<128x128xf32, #tpu.memory_space<hbm>>)
          tpu.yield
        }) : () -> ()
      } else {
      }
    }
    %scan3A_25 = arith.constant 5 : i32
    return
  }
}

#map = affine_map<(d0, d1) -> (0, 0)>
#map1 = affine_map<(d0, d1) -> (0)>
module attributes {stable_mosaic.version = 14 : i64} {
  func.func @_sc_edge_body(%arg0: i32, %arg1: i32, %arg2: memref<10240x128xf32, #tpu.memory_space<hbm>>, %arg3: memref<10240x128xf32, #tpu.memory_space<hbm>>, %arg4: memref<323584xi32, #tpu.memory_space<hbm>>, %arg5: memref<323584xi32, #tpu.memory_space<hbm>>, %arg6: memref<10240x128xf32, #tpu.memory_space<hbm>>, %arg7: memref<10240x128xf32, #tpu.memory_space<hbm>>, %arg8: memref<10240x128xf32, #tpu.memory_space<vmem_shared>>, %arg9: memref<128xi32, #tpu.memory_space<vmem>>, %arg10: memref<128xi32, #tpu.memory_space<vmem>>, %arg11: memref<128x128xf32, #tpu.memory_space<vmem>>, %arg12: memref<128x128xf32, #tpu.memory_space<vmem>>, %arg13: memref<16x128xf32, #tpu.memory_space<vmem>>, %arg14: memref<!tpu.dma_semaphore, #tpu.memory_space<semaphore_mem>>, %arg15: memref<!tpu.dma_semaphore, #tpu.memory_space<semaphore_mem>>) attributes {dimension_semantics = [#tpu.dimension_semantics<core_parallel>, #tpu.dimension_semantics<subcore_parallel>], iteration_bounds = array<i64: 2, 16>, scalar_prefetch = 0 : i64, scratch_operands = 8 : i64, tpu.core_type = #tpu.core_type<sc_vector_subcore>, window_params = [{transform_indices = #map}, {transform_indices = #map}, {transform_indices = #map1}, {transform_indices = #map1}, {transform_indices = #map}, {transform_indices = #map}]} {
    %broadcast_in_dim3A = arith.constant 0.000000e+00 : f32
    %broadcast_in_dim3A_0 = vector.broadcast %broadcast_in_dim3A : f32 to vector<16xf32>
    %scan3A = arith.constant 0 : i32
    %scan3A_1 = arith.constant 16 : i32
    %scan3A_2 = arith.addi %scan3A, %scan3A_1 : i32
    %scan3A_3 = arith.constant 1 : i32
    scf.for %scan3A_26 = %scan3A to %scan3A_2 step %scan3A_3  : i32 {
      %mul3A_27 = arith.constant 1 : i32
      %mul3A_28 = arith.muli %scan3A_26, %mul3A_27 : i32
      %add3A_29 = arith.constant 0 : i32
      %add3A_30 = arith.addi %add3A_29, %mul3A_28 : i32
      %swap3A = arith.index_cast %add3A_30 : i32 to index
      %swap3A_31 = arith.constant 0 : index
      %swap3A_32 = tpu.vector_load %arg13[%swap3A, %swap3A_31] {strides = array<i32>} : memref<16x128xf32, #tpu.memory_space<vmem>>, vector<1x16xf32>,
      %swap3A_33 = vector.shape_cast %swap3A_32 : vector<1x16xf32> to vector<16xf32>
      %swap3A_34 = vector.shape_cast %broadcast_in_dim3A_0 : vector<16xf32> to vector<1x16xf32>
      tpu.vector_store %arg13[%swap3A, %swap3A_31], %swap3A_34 {strides = array<i32>} : memref<16x128xf32, #tpu.memory_space<vmem>>, vector<1x16xf32>,
      %swap3A_35 = arith.index_cast %add3A_30 : i32 to index
      %swap3A_36 = arith.constant 16 : index
      %swap3A_37 = tpu.vector_load %arg13[%swap3A_35, %swap3A_36] {strides = array<i32>} : memref<16x128xf32, #tpu.memory_space<vmem>>, vector<1x16xf32>,
      %swap3A_38 = vector.shape_cast %swap3A_37 : vector<1x16xf32> to vector<16xf32>
      %swap3A_39 = vector.shape_cast %broadcast_in_dim3A_0 : vector<16xf32> to vector<1x16xf32>
      tpu.vector_store %arg13[%swap3A_35, %swap3A_36], %swap3A_39 {strides = array<i32>} : memref<16x128xf32, #tpu.memory_space<vmem>>, vector<1x16xf32>,
      %swap3A_40 = arith.index_cast %add3A_30 : i32 to index
      %swap3A_41 = arith.constant 32 : index
      %swap3A_42 = tpu.vector_load %arg13[%swap3A_40, %swap3A_41] {strides = array<i32>} : memref<16x128xf32, #tpu.memory_space<vmem>>, vector<1x16xf32>,
      %swap3A_43 = vector.shape_cast %swap3A_42 : vector<1x16xf32> to vector<16xf32>
      %swap3A_44 = vector.shape_cast %broadcast_in_dim3A_0 : vector<16xf32> to vector<1x16xf32>
      tpu.vector_store %arg13[%swap3A_40, %swap3A_41], %swap3A_44 {strides = array<i32>} : memref<16x128xf32, #tpu.memory_space<vmem>>, vector<1x16xf32>,
      %swap3A_45 = arith.index_cast %add3A_30 : i32 to index
      %swap3A_46 = arith.constant 48 : index
      %swap3A_47 = tpu.vector_load %arg13[%swap3A_45, %swap3A_46] {strides = array<i32>} : memref<16x128xf32, #tpu.memory_space<vmem>>, vector<1x16xf32>,
      %swap3A_48 = vector.shape_cast %swap3A_47 : vector<1x16xf32> to vector<16xf32>
      %swap3A_49 = vector.shape_cast %broadcast_in_dim3A_0 : vector<16xf32> to vector<1x16xf32>
      tpu.vector_store %arg13[%swap3A_45, %swap3A_46], %swap3A_49 {strides = array<i32>} : memref<16x128xf32, #tpu.memory_space<vmem>>, vector<1x16xf32>,
      %swap3A_50 = arith.index_cast %add3A_30 : i32 to index
      %swap3A_51 = arith.constant 64 : index
      %swap3A_52 = tpu.vector_load %arg13[%swap3A_50, %swap3A_51] {strides = array<i32>} : memref<16x128xf32, #tpu.memory_space<vmem>>, vector<1x16xf32>,
      %swap3A_53 = vector.shape_cast %swap3A_52 : vector<1x16xf32> to vector<16xf32>
      %swap3A_54 = vector.shape_cast %broadcast_in_dim3A_0 : vector<16xf32> to vector<1x16xf32>
      tpu.vector_store %arg13[%swap3A_50, %swap3A_51], %swap3A_54 {strides = array<i32>} : memref<16x128xf32, #tpu.memory_space<vmem>>, vector<1x16xf32>,
      %swap3A_55 = arith.index_cast %add3A_30 : i32 to index
      %swap3A_56 = arith.constant 80 : index
      %swap3A_57 = tpu.vector_load %arg13[%swap3A_55, %swap3A_56] {strides = array<i32>} : memref<16x128xf32, #tpu.memory_space<vmem>>, vector<1x16xf32>,
      %swap3A_58 = vector.shape_cast %swap3A_57 : vector<1x16xf32> to vector<16xf32>
      %swap3A_59 = vector.shape_cast %broadcast_in_dim3A_0 : vector<16xf32> to vector<1x16xf32>
      tpu.vector_store %arg13[%swap3A_55, %swap3A_56], %swap3A_59 {strides = array<i32>} : memref<16x128xf32, #tpu.memory_space<vmem>>, vector<1x16xf32>,
      %swap3A_60 = arith.index_cast %add3A_30 : i32 to index
      %swap3A_61 = arith.constant 96 : index
      %swap3A_62 = tpu.vector_load %arg13[%swap3A_60, %swap3A_61] {strides = array<i32>} : memref<16x128xf32, #tpu.memory_space<vmem>>, vector<1x16xf32>,
      %swap3A_63 = vector.shape_cast %swap3A_62 : vector<1x16xf32> to vector<16xf32>
      %swap3A_64 = vector.shape_cast %broadcast_in_dim3A_0 : vector<16xf32> to vector<1x16xf32>
      tpu.vector_store %arg13[%swap3A_60, %swap3A_61], %swap3A_64 {strides = array<i32>} : memref<16x128xf32, #tpu.memory_space<vmem>>, vector<1x16xf32>,
      %swap3A_65 = arith.index_cast %add3A_30 : i32 to index
      %swap3A_66 = arith.constant 112 : index
      %swap3A_67 = tpu.vector_load %arg13[%swap3A_65, %swap3A_66] {strides = array<i32>} : memref<16x128xf32, #tpu.memory_space<vmem>>, vector<1x16xf32>,
      %swap3A_68 = vector.shape_cast %swap3A_67 : vector<1x16xf32> to vector<16xf32>
      %swap3A_69 = vector.shape_cast %broadcast_in_dim3A_0 : vector<16xf32> to vector<1x16xf32>
      tpu.vector_store %arg13[%swap3A_65, %swap3A_66], %swap3A_69 {strides = array<i32>} : memref<16x128xf32, #tpu.memory_space<vmem>>, vector<1x16xf32>,
    }
    %scan3A_4 = arith.constant 16 : i32
    %mul3A = arith.constant 640 : i32
    %mul3A_5 = arith.muli %arg1, %mul3A : i32
    %scan3A_6 = arith.constant 0 : i32
    %scan3A_7 = arith.constant 40 : i32
    %scan3A_8 = arith.addi %scan3A_6, %scan3A_7 : i32
    %scan3A_9 = arith.constant 1 : i32
    scf.for %scan3A_26 = %scan3A_6 to %scan3A_8 step %scan3A_9  : i32 {
      %mul3A_27 = arith.constant 1 : i32
      %mul3A_28 = arith.muli %scan3A_26, %mul3A_27 : i32
      %add3A_29 = arith.constant 0 : i32
      %add3A_30 = arith.addi %add3A_29, %mul3A_28 : i32
      %mul3A_31 = arith.constant 16 : i32
      %mul3A_32 = arith.muli %add3A_30, %mul3A_31 : i32
      %add3A_33 = arith.addi %mul3A_5, %mul3A_32 : i32
      "tpu.region"() ({
        %run_scoped3A = tpu.sem_alloc : memref<!tpu.dma_semaphore, #tpu.memory_space<semaphore_mem>>
        %dma_start3A = arith.constant 0 : i32
        %dma_start3A_34 = tpu.memref_slice %arg8[%add3A_33, %dma_start3A] : memref<10240x128xf32, #tpu.memory_space<vmem_shared>> -> memref<16x128xf32, #tpu.memory_space<vmem_shared>>
        %dma_start3A_35 = arith.constant 0 : i32
        %dma_start3A_36 = tpu.memref_slice %arg8[%add3A_33, %dma_start3A_35] : memref<10240x128xf32, #tpu.memory_space<vmem_shared>> -> memref<16x128xf32, #tpu.memory_space<vmem_shared>>
        tpu.enqueue_dma source(%arg13 : memref<16x128xf32, #tpu.memory_space<vmem>>) target(%dma_start3A_36 : memref<16x128xf32, #tpu.memory_space<vmem_shared>>) target_semaphore(%run_scoped3A : memref<!tpu.dma_semaphore, #tpu.memory_space<semaphore_mem>>)
        %dma_wait3A = arith.constant 0 : i32
        %dma_wait3A_37 = tpu.memref_slice %arg8[%add3A_33, %dma_wait3A] : memref<10240x128xf32, #tpu.memory_space<vmem_shared>> -> memref<16x128xf32, #tpu.memory_space<vmem_shared>>
        %dma_wait3A_38 = arith.constant 0 : i32
        %dma_wait3A_39 = tpu.memref_slice %arg8[%add3A_33, %dma_wait3A_38] : memref<10240x128xf32, #tpu.memory_space<vmem_shared>> -> memref<16x128xf32, #tpu.memory_space<vmem_shared>>
        tpu.wait_dma2 semaphore(%run_scoped3A : memref<!tpu.dma_semaphore, #tpu.memory_space<semaphore_mem>>) src(%arg13 : memref<16x128xf32, #tpu.memory_space<vmem>>) dst(%dma_wait3A_39 : memref<16x128xf32, #tpu.memory_space<vmem_shared>>)
        tpu.yield
      }) : () -> ()
    }
    %scan3A_10 = arith.constant 40 : i32
    %barrier3A = arith.constant 0 : index
    tpu.barrier barrier_id(%barrier3A)
    %mul3A_11 = arith.constant 16 : i32
    %mul3A_12 = arith.muli %arg0, %mul3A_11 : i32
    %add3A = arith.addi %mul3A_12, %arg1 : i32
    %mul3A_13 = arith.constant 10112 : i32
    %mul3A_14 = arith.muli %add3A, %mul3A_13 : i32
    %scan3A_15 = arith.constant 0 : i32
    %scan3A_16 = arith.constant 79 : i32
    %scan3A_17 = arith.addi %scan3A_15, %scan3A_16 : i32
    %scan3A_18 = arith.constant 1 : i32
    scf.for %scan3A_26 = %scan3A_15 to %scan3A_17 step %scan3A_18  : i32 {
      %mul3A_27 = arith.constant 1 : i32
      %mul3A_28 = arith.muli %scan3A_26, %mul3A_27 : i32
      %add3A_29 = arith.constant 0 : i32
      %add3A_30 = arith.addi %add3A_29, %mul3A_28 : i32
      %mul3A_31 = arith.constant 128 : i32
      %mul3A_32 = arith.muli %add3A_30, %mul3A_31 : i32
      %add3A_33 = arith.addi %mul3A_14, %mul3A_32 : i32
      "tpu.region"() ({
        %run_scoped3A = tpu.sem_alloc : memref<!tpu.dma_semaphore, #tpu.memory_space<semaphore_mem>>
        %dma_start3A_49 = tpu.memref_slice %arg4[%add3A_33] : memref<323584xi32, #tpu.memory_space<hbm>> -> memref<128xi32, #tpu.memory_space<hbm>>
        %dma_start3A_50 = tpu.memref_slice %arg4[%add3A_33] : memref<323584xi32, #tpu.memory_space<hbm>> -> memref<128xi32, #tpu.memory_space<hbm>>
        tpu.enqueue_dma source(%dma_start3A_50 : memref<128xi32, #tpu.memory_space<hbm>>) target(%arg9 : memref<128xi32, #tpu.memory_space<vmem>>) target_semaphore(%run_scoped3A : memref<!tpu.dma_semaphore, #tpu.memory_space<semaphore_mem>>)
        %dma_wait3A_51 = tpu.memref_slice %arg4[%add3A_33] : memref<323584xi32, #tpu.memory_space<hbm>> -> memref<128xi32, #tpu.memory_space<hbm>>
        %dma_wait3A_52 = tpu.memref_slice %arg4[%add3A_33] : memref<323584xi32, #tpu.memory_space<hbm>> -> memref<128xi32, #tpu.memory_space<hbm>>
        tpu.wait_dma2 semaphore(%run_scoped3A : memref<!tpu.dma_semaphore, #tpu.memory_space<semaphore_mem>>) src(%dma_wait3A_52 : memref<128xi32, #tpu.memory_space<hbm>>) dst(%arg9 : memref<128xi32, #tpu.memory_space<vmem>>)
        tpu.yield
      }) : () -> ()
      "tpu.region"() ({
        %run_scoped3A = tpu.sem_alloc : memref<!tpu.dma_semaphore, #tpu.memory_space<semaphore_mem>>
        %dma_start3A_49 = tpu.memref_slice %arg5[%add3A_33] : memref<323584xi32, #tpu.memory_space<hbm>> -> memref<128xi32, #tpu.memory_space<hbm>>
        %dma_start3A_50 = tpu.memref_slice %arg5[%add3A_33] : memref<323584xi32, #tpu.memory_space<hbm>> -> memref<128xi32, #tpu.memory_space<hbm>>
        tpu.enqueue_dma source(%dma_start3A_50 : memref<128xi32, #tpu.memory_space<hbm>>) target(%arg10 : memref<128xi32, #tpu.memory_space<vmem>>) target_semaphore(%run_scoped3A : memref<!tpu.dma_semaphore, #tpu.memory_space<semaphore_mem>>)
        %dma_wait3A_51 = tpu.memref_slice %arg5[%add3A_33] : memref<323584xi32, #tpu.memory_space<hbm>> -> memref<128xi32, #tpu.memory_space<hbm>>
        %dma_wait3A_52 = tpu.memref_slice %arg5[%add3A_33] : memref<323584xi32, #tpu.memory_space<hbm>> -> memref<128xi32, #tpu.memory_space<hbm>>
        tpu.wait_dma2 semaphore(%run_scoped3A : memref<!tpu.dma_semaphore, #tpu.memory_space<semaphore_mem>>) src(%dma_wait3A_52 : memref<128xi32, #tpu.memory_space<hbm>>) dst(%arg10 : memref<128xi32, #tpu.memory_space<vmem>>)
        tpu.yield
      }) : () -> ()
      %dma_start3A = arith.constant 0 : i32
      %dma_start3A_34 = arith.constant 0 : i32
      %dma_start3A_35 = tpu.memref_slice %arg2[%dma_start3A, %dma_start3A_34] : memref<10240x128xf32, #tpu.memory_space<hbm>> -> memref<10240x128xf32, #tpu.memory_space<hbm>>
      tpu.enqueue_indirect_dma source(%dma_start3A_35 : memref<10240x128xf32, #tpu.memory_space<hbm>>) target(%arg11 : memref<128x128xf32, #tpu.memory_space<vmem>>) offsets(%arg9 : memref<128xi32, #tpu.memory_space<vmem>>) semaphore(%arg14 : memref<!tpu.dma_semaphore, #tpu.memory_space<semaphore_mem>>)
      %dma_start3A_36 = arith.constant 0 : i32
      %dma_start3A_37 = arith.constant 0 : i32
      %dma_start3A_38 = tpu.memref_slice %arg3[%dma_start3A_36, %dma_start3A_37] : memref<10240x128xf32, #tpu.memory_space<hbm>> -> memref<10240x128xf32, #tpu.memory_space<hbm>>
      tpu.enqueue_indirect_dma source(%dma_start3A_38 : memref<10240x128xf32, #tpu.memory_space<hbm>>) target(%arg12 : memref<128x128xf32, #tpu.memory_space<vmem>>) offsets(%arg10 : memref<128xi32, #tpu.memory_space<vmem>>) semaphore(%arg15 : memref<!tpu.dma_semaphore, #tpu.memory_space<semaphore_mem>>)
      %dma_wait3A = arith.constant 0 : i32
      %dma_wait3A_39 = arith.constant 0 : i32
      %dma_wait3A_40 = tpu.memref_slice %arg2[%dma_wait3A, %dma_wait3A_39] : memref<10240x128xf32, #tpu.memory_space<hbm>> -> memref<10240x128xf32, #tpu.memory_space<hbm>>
      tpu.wait_indirect_dma semaphore(%arg14 : memref<!tpu.dma_semaphore, #tpu.memory_space<semaphore_mem>>) src(%dma_wait3A_40 : memref<10240x128xf32, #tpu.memory_space<hbm>>) dst(%arg11 : memref<128x128xf32, #tpu.memory_space<vmem>>)
      %dma_wait3A_41 = arith.constant 0 : i32
      %dma_wait3A_42 = arith.constant 0 : i32
      %dma_wait3A_43 = tpu.memref_slice %arg3[%dma_wait3A_41, %dma_wait3A_42] : memref<10240x128xf32, #tpu.memory_space<hbm>> -> memref<10240x128xf32, #tpu.memory_space<hbm>>
      tpu.wait_indirect_dma semaphore(%arg15 : memref<!tpu.dma_semaphore, #tpu.memory_space<semaphore_mem>>) src(%dma_wait3A_43 : memref<10240x128xf32, #tpu.memory_space<hbm>>) dst(%arg12 : memref<128x128xf32, #tpu.memory_space<vmem>>)
      %scan3A_44 = arith.constant 0 : i32
      %scan3A_45 = arith.constant 128 : i32
      %scan3A_46 = arith.addi %scan3A_44, %scan3A_45 : i32
      %scan3A_47 = arith.constant 1 : i32
      scf.for %scan3A_49 = %scan3A_44 to %scan3A_46 step %scan3A_47  : i32 {
        %mul3A_50 = arith.constant 1 : i32
        %mul3A_51 = arith.muli %scan3A_49, %mul3A_50 : i32
        %add3A_52 = arith.constant 0 : i32
        %add3A_53 = arith.addi %add3A_52, %mul3A_51 : i32
        %get3A = arith.index_cast %add3A_53 : i32 to index
        %get3A_54 = arith.constant 0 : index
        %get3A_55 = tpu.vector_load %arg11[%get3A, %get3A_54] {strides = array<i32>} : memref<128x128xf32, #tpu.memory_space<vmem>>, vector<1x16xf32>,
        %get3A_56 = vector.shape_cast %get3A_55 : vector<1x16xf32> to vector<16xf32>
        %get3A_57 = arith.index_cast %add3A_53 : i32 to index
        %get3A_58 = arith.constant 0 : index
        %get3A_59 = tpu.vector_load %arg12[%get3A_57, %get3A_58] {strides = array<i32>} : memref<128x128xf32, #tpu.memory_space<vmem>>, vector<1x16xf32>,
        %get3A_60 = vector.shape_cast %get3A_59 : vector<1x16xf32> to vector<16xf32>
        %add3A_61 = arith.addf %get3A_56, %get3A_60 : vector<16xf32>
        %min3A = arith.constant 0.000000e+00 : f32
        %min3A_62 = vector.broadcast %min3A : f32 to vector<16xf32>
        %min3A_63 = arith.minimumf %add3A_61, %min3A_62 : vector<16xf32>
        %max3A = arith.constant -1.750000e+01 : f32
        %max3A_64 = vector.broadcast %max3A : f32 to vector<16xf32>
        %max3A_65 = arith.maximumf %min3A_63, %max3A_64 : vector<16xf32>
        %mul3A_66 = arith.constant 3.125000e-02 : f32
        %mul3A_67 = vector.broadcast %mul3A_66 : f32 to vector<16xf32>
        %mul3A_68 = arith.mulf %max3A_65, %mul3A_67 : vector<16xf32>
        %mul3A_69 = arith.constant 2.48015876E-5 : f32
        %mul3A_70 = vector.broadcast %mul3A_69 : f32 to vector<16xf32>
        %mul3A_71 = arith.mulf %mul3A_68, %mul3A_70 : vector<16xf32>
        %add3A_72 = arith.constant 1.98412701E-4 : f32
        %add3A_73 = vector.broadcast %add3A_72 : f32 to vector<16xf32>
        %add3A_74 = arith.addf %mul3A_71, %add3A_73 : vector<16xf32>
        %mul3A_75 = arith.mulf %add3A_74, %mul3A_68 : vector<16xf32>
        %add3A_76 = arith.constant 0.00138888892 : f32
        %add3A_77 = vector.broadcast %add3A_76 : f32 to vector<16xf32>
        %add3A_78 = arith.addf %mul3A_75, %add3A_77 : vector<16xf32>
        %mul3A_79 = arith.mulf %add3A_78, %mul3A_68 : vector<16xf32>
        %add3A_80 = arith.constant 0.00833333377 : f32
        %add3A_81 = vector.broadcast %add3A_80 : f32 to vector<16xf32>
        %add3A_82 = arith.addf %mul3A_79, %add3A_81 : vector<16xf32>
        %mul3A_83 = arith.mulf %add3A_82, %mul3A_68 : vector<16xf32>
        %add3A_84 = arith.constant 0.0416666679 : f32
        %add3A_85 = vector.broadcast %add3A_84 : f32 to vector<16xf32>
        %add3A_86 = arith.addf %mul3A_83, %add3A_85 : vector<16xf32>
        %mul3A_87 = arith.mulf %add3A_86, %mul3A_68 : vector<16xf32>
        %add3A_88 = arith.constant 0.166666672 : f32
        %add3A_89 = vector.broadcast %add3A_88 : f32 to vector<16xf32>
        %add3A_90 = arith.addf %mul3A_87, %add3A_89 : vector<16xf32>
        %mul3A_91 = arith.mulf %add3A_90, %mul3A_68 : vector<16xf32>
        %add3A_92 = arith.constant 5.000000e-01 : f32
        %add3A_93 = vector.broadcast %add3A_92 : f32 to vector<16xf32>
        %add3A_94 = arith.addf %mul3A_91, %add3A_93 : vector<16xf32>
        %mul3A_95 = arith.mulf %add3A_94, %mul3A_68 : vector<16xf32>
        %add3A_96 = arith.constant 1.000000e+00 : f32
        %add3A_97 = vector.broadcast %add3A_96 : f32 to vector<16xf32>
        %add3A_98 = arith.addf %mul3A_95, %add3A_97 : vector<16xf32>
        %mul3A_99 = arith.mulf %add3A_98, %mul3A_68 : vector<16xf32>
        %add3A_100 = arith.constant 1.000000e+00 : f32
        %add3A_101 = vector.broadcast %add3A_100 : f32 to vector<16xf32>
        %add3A_102 = arith.addf %mul3A_99, %add3A_101 : vector<16xf32>
        %mul3A_103 = arith.mulf %add3A_102, %add3A_102 : vector<16xf32>
        %mul3A_104 = arith.mulf %mul3A_103, %mul3A_103 : vector<16xf32>
        %mul3A_105 = arith.mulf %mul3A_104, %mul3A_104 : vector<16xf32>
        %mul3A_106 = arith.mulf %mul3A_105, %mul3A_105 : vector<16xf32>
        %mul3A_107 = arith.mulf %mul3A_106, %mul3A_106 : vector<16xf32>
        %gt3A = arith.constant 0.000000e+00 : f32
        %gt3A_108 = vector.broadcast %gt3A : f32 to vector<16xf32>
        %gt3A_109 = arith.cmpf ogt, %add3A_61, %gt3A_108 : vector<16xf32>
        %mul3A_110 = arith.constant 1.05070102 : f32
        %mul3A_111 = vector.broadcast %mul3A_110 : f32 to vector<16xf32>
        %mul3A_112 = arith.mulf %mul3A_111, %add3A_61 : vector<16xf32>
        %mul3A_113 = arith.constant 1.75809932 : f32
        %mul3A_114 = vector.broadcast %mul3A_113 : f32 to vector<16xf32>
        %mul3A_115 = arith.mulf %mul3A_114, %mul3A_107 : vector<16xf32>
        %sub3A = arith.constant 1.75809932 : f32
        %sub3A_116 = vector.broadcast %sub3A : f32 to vector<16xf32>
        %sub3A_117 = arith.subf %mul3A_115, %sub3A_116 : vector<16xf32>
        %select_n3A = arith.select %gt3A_109, %mul3A_112, %sub3A_117 : vector<16xi1>, vector<16xf32>
        %swap3A = arith.index_cast %add3A_53 : i32 to index
        %swap3A_118 = arith.constant 0 : index
        %swap3A_119 = tpu.vector_load %arg11[%swap3A, %swap3A_118] {strides = array<i32>} : memref<128x128xf32, #tpu.memory_space<vmem>>, vector<1x16xf32>,
        %swap3A_120 = vector.shape_cast %swap3A_119 : vector<1x16xf32> to vector<16xf32>
        %swap3A_121 = vector.shape_cast %select_n3A : vector<16xf32> to vector<1x16xf32>
        tpu.vector_store %arg11[%swap3A, %swap3A_118], %swap3A_121 {strides = array<i32>} : memref<128x128xf32, #tpu.memory_space<vmem>>, vector<1x16xf32>,
        %get3A_122 = arith.index_cast %add3A_53 : i32 to index
        %get3A_123 = arith.constant 16 : index
        %get3A_124 = tpu.vector_load %arg11[%get3A_122, %get3A_123] {strides = array<i32>} : memref<128x128xf32, #tpu.memory_space<vmem>>, vector<1x16xf32>,
        %get3A_125 = vector.shape_cast %get3A_124 : vector<1x16xf32> to vector<16xf32>
        %get3A_126 = arith.index_cast %add3A_53 : i32 to index
        %get3A_127 = arith.constant 16 : index
        %get3A_128 = tpu.vector_load %arg12[%get3A_126, %get3A_127] {strides = array<i32>} : memref<128x128xf32, #tpu.memory_space<vmem>>, vector<1x16xf32>,
        %get3A_129 = vector.shape_cast %get3A_128 : vector<1x16xf32> to vector<16xf32>
        %add3A_130 = arith.addf %get3A_125, %get3A_129 : vector<16xf32>
        %min3A_131 = arith.constant 0.000000e+00 : f32
        %min3A_132 = vector.broadcast %min3A_131 : f32 to vector<16xf32>
        %min3A_133 = arith.minimumf %add3A_130, %min3A_132 : vector<16xf32>
        %max3A_134 = arith.constant -1.750000e+01 : f32
        %max3A_135 = vector.broadcast %max3A_134 : f32 to vector<16xf32>
        %max3A_136 = arith.maximumf %min3A_133, %max3A_135 : vector<16xf32>
        %mul3A_137 = arith.constant 3.125000e-02 : f32
        %mul3A_138 = vector.broadcast %mul3A_137 : f32 to vector<16xf32>
        %mul3A_139 = arith.mulf %max3A_136, %mul3A_138 : vector<16xf32>
        %mul3A_140 = arith.constant 2.48015876E-5 : f32
        %mul3A_141 = vector.broadcast %mul3A_140 : f32 to vector<16xf32>
        %mul3A_142 = arith.mulf %mul3A_139, %mul3A_141 : vector<16xf32>
        %add3A_143 = arith.constant 1.98412701E-4 : f32
        %add3A_144 = vector.broadcast %add3A_143 : f32 to vector<16xf32>
        %add3A_145 = arith.addf %mul3A_142, %add3A_144 : vector<16xf32>
        %mul3A_146 = arith.mulf %add3A_145, %mul3A_139 : vector<16xf32>
        %add3A_147 = arith.constant 0.00138888892 : f32
        %add3A_148 = vector.broadcast %add3A_147 : f32 to vector<16xf32>
        %add3A_149 = arith.addf %mul3A_146, %add3A_148 : vector<16xf32>
        %mul3A_150 = arith.mulf %add3A_149, %mul3A_139 : vector<16xf32>
        %add3A_151 = arith.constant 0.00833333377 : f32
        %add3A_152 = vector.broadcast %add3A_151 : f32 to vector<16xf32>
        %add3A_153 = arith.addf %mul3A_150, %add3A_152 : vector<16xf32>
        %mul3A_154 = arith.mulf %add3A_153, %mul3A_139 : vector<16xf32>
        %add3A_155 = arith.constant 0.0416666679 : f32
        %add3A_156 = vector.broadcast %add3A_155 : f32 to vector<16xf32>
        %add3A_157 = arith.addf %mul3A_154, %add3A_156 : vector<16xf32>
        %mul3A_158 = arith.mulf %add3A_157, %mul3A_139 : vector<16xf32>
        %add3A_159 = arith.constant 0.166666672 : f32
        %add3A_160 = vector.broadcast %add3A_159 : f32 to vector<16xf32>
        %add3A_161 = arith.addf %mul3A_158, %add3A_160 : vector<16xf32>
        %mul3A_162 = arith.mulf %add3A_161, %mul3A_139 : vector<16xf32>
        %add3A_163 = arith.constant 5.000000e-01 : f32
        %add3A_164 = vector.broadcast %add3A_163 : f32 to vector<16xf32>
        %add3A_165 = arith.addf %mul3A_162, %add3A_164 : vector<16xf32>
        %mul3A_166 = arith.mulf %add3A_165, %mul3A_139 : vector<16xf32>
        %add3A_167 = arith.constant 1.000000e+00 : f32
        %add3A_168 = vector.broadcast %add3A_167 : f32 to vector<16xf32>
        %add3A_169 = arith.addf %mul3A_166, %add3A_168 : vector<16xf32>
        %mul3A_170 = arith.mulf %add3A_169, %mul3A_139 : vector<16xf32>
        %add3A_171 = arith.constant 1.000000e+00 : f32
        %add3A_172 = vector.broadcast %add3A_171 : f32 to vector<16xf32>
        %add3A_173 = arith.addf %mul3A_170, %add3A_172 : vector<16xf32>
        %mul3A_174 = arith.mulf %add3A_173, %add3A_173 : vector<16xf32>
        %mul3A_175 = arith.mulf %mul3A_174, %mul3A_174 : vector<16xf32>
        %mul3A_176 = arith.mulf %mul3A_175, %mul3A_175 : vector<16xf32>
        %mul3A_177 = arith.mulf %mul3A_176, %mul3A_176 : vector<16xf32>
        %mul3A_178 = arith.mulf %mul3A_177, %mul3A_177 : vector<16xf32>
        %gt3A_179 = arith.constant 0.000000e+00 : f32
        %gt3A_180 = vector.broadcast %gt3A_179 : f32 to vector<16xf32>
        %gt3A_181 = arith.cmpf ogt, %add3A_130, %gt3A_180 : vector<16xf32>
        %mul3A_182 = arith.constant 1.05070102 : f32
        %mul3A_183 = vector.broadcast %mul3A_182 : f32 to vector<16xf32>
        %mul3A_184 = arith.mulf %mul3A_183, %add3A_130 : vector<16xf32>
        %mul3A_185 = arith.constant 1.75809932 : f32
        %mul3A_186 = vector.broadcast %mul3A_185 : f32 to vector<16xf32>
        %mul3A_187 = arith.mulf %mul3A_186, %mul3A_178 : vector<16xf32>
        %sub3A_188 = arith.constant 1.75809932 : f32
        %sub3A_189 = vector.broadcast %sub3A_188 : f32 to vector<16xf32>
        %sub3A_190 = arith.subf %mul3A_187, %sub3A_189 : vector<16xf32>
        %select_n3A_191 = arith.select %gt3A_181, %mul3A_184, %sub3A_190 : vector<16xi1>, vector<16xf32>
        %swap3A_192 = arith.index_cast %add3A_53 : i32 to index
        %swap3A_193 = arith.constant 16 : index
        %swap3A_194 = tpu.vector_load %arg11[%swap3A_192, %swap3A_193] {strides = array<i32>} : memref<128x128xf32, #tpu.memory_space<vmem>>, vector<1x16xf32>,
        %swap3A_195 = vector.shape_cast %swap3A_194 : vector<1x16xf32> to vector<16xf32>
        %swap3A_196 = vector.shape_cast %select_n3A_191 : vector<16xf32> to vector<1x16xf32>
        tpu.vector_store %arg11[%swap3A_192, %swap3A_193], %swap3A_196 {strides = array<i32>} : memref<128x128xf32, #tpu.memory_space<vmem>>, vector<1x16xf32>,
        %get3A_197 = arith.index_cast %add3A_53 : i32 to index
        %get3A_198 = arith.constant 32 : index
        %get3A_199 = tpu.vector_load %arg11[%get3A_197, %get3A_198] {strides = array<i32>} : memref<128x128xf32, #tpu.memory_space<vmem>>, vector<1x16xf32>,
        %get3A_200 = vector.shape_cast %get3A_199 : vector<1x16xf32> to vector<16xf32>
        %get3A_201 = arith.index_cast %add3A_53 : i32 to index
        %get3A_202 = arith.constant 32 : index
        %get3A_203 = tpu.vector_load %arg12[%get3A_201, %get3A_202] {strides = array<i32>} : memref<128x128xf32, #tpu.memory_space<vmem>>, vector<1x16xf32>,
        %get3A_204 = vector.shape_cast %get3A_203 : vector<1x16xf32> to vector<16xf32>
        %add3A_205 = arith.addf %get3A_200, %get3A_204 : vector<16xf32>
        %min3A_206 = arith.constant 0.000000e+00 : f32
        %min3A_207 = vector.broadcast %min3A_206 : f32 to vector<16xf32>
        %min3A_208 = arith.minimumf %add3A_205, %min3A_207 : vector<16xf32>
        %max3A_209 = arith.constant -1.750000e+01 : f32
        %max3A_210 = vector.broadcast %max3A_209 : f32 to vector<16xf32>
        %max3A_211 = arith.maximumf %min3A_208, %max3A_210 : vector<16xf32>
        %mul3A_212 = arith.constant 3.125000e-02 : f32
        %mul3A_213 = vector.broadcast %mul3A_212 : f32 to vector<16xf32>
        %mul3A_214 = arith.mulf %max3A_211, %mul3A_213 : vector<16xf32>
        %mul3A_215 = arith.constant 2.48015876E-5 : f32
        %mul3A_216 = vector.broadcast %mul3A_215 : f32 to vector<16xf32>
        %mul3A_217 = arith.mulf %mul3A_214, %mul3A_216 : vector<16xf32>
        %add3A_218 = arith.constant 1.98412701E-4 : f32
        %add3A_219 = vector.broadcast %add3A_218 : f32 to vector<16xf32>
        %add3A_220 = arith.addf %mul3A_217, %add3A_219 : vector<16xf32>
        %mul3A_221 = arith.mulf %add3A_220, %mul3A_214 : vector<16xf32>
        %add3A_222 = arith.constant 0.00138888892 : f32
        %add3A_223 = vector.broadcast %add3A_222 : f32 to vector<16xf32>
        %add3A_224 = arith.addf %mul3A_221, %add3A_223 : vector<16xf32>
        %mul3A_225 = arith.mulf %add3A_224, %mul3A_214 : vector<16xf32>
        %add3A_226 = arith.constant 0.00833333377 : f32
        %add3A_227 = vector.broadcast %add3A_226 : f32 to vector<16xf32>
        %add3A_228 = arith.addf %mul3A_225, %add3A_227 : vector<16xf32>
        %mul3A_229 = arith.mulf %add3A_228, %mul3A_214 : vector<16xf32>
        %add3A_230 = arith.constant 0.0416666679 : f32
        %add3A_231 = vector.broadcast %add3A_230 : f32 to vector<16xf32>
        %add3A_232 = arith.addf %mul3A_229, %add3A_231 : vector<16xf32>
        %mul3A_233 = arith.mulf %add3A_232, %mul3A_214 : vector<16xf32>
        %add3A_234 = arith.constant 0.166666672 : f32
        %add3A_235 = vector.broadcast %add3A_234 : f32 to vector<16xf32>
        %add3A_236 = arith.addf %mul3A_233, %add3A_235 : vector<16xf32>
        %mul3A_237 = arith.mulf %add3A_236, %mul3A_214 : vector<16xf32>
        %add3A_238 = arith.constant 5.000000e-01 : f32
        %add3A_239 = vector.broadcast %add3A_238 : f32 to vector<16xf32>
        %add3A_240 = arith.addf %mul3A_237, %add3A_239 : vector<16xf32>
        %mul3A_241 = arith.mulf %add3A_240, %mul3A_214 : vector<16xf32>
        %add3A_242 = arith.constant 1.000000e+00 : f32
        %add3A_243 = vector.broadcast %add3A_242 : f32 to vector<16xf32>
        %add3A_244 = arith.addf %mul3A_241, %add3A_243 : vector<16xf32>
        %mul3A_245 = arith.mulf %add3A_244, %mul3A_214 : vector<16xf32>
        %add3A_246 = arith.constant 1.000000e+00 : f32
        %add3A_247 = vector.broadcast %add3A_246 : f32 to vector<16xf32>
        %add3A_248 = arith.addf %mul3A_245, %add3A_247 : vector<16xf32>
        %mul3A_249 = arith.mulf %add3A_248, %add3A_248 : vector<16xf32>
        %mul3A_250 = arith.mulf %mul3A_249, %mul3A_249 : vector<16xf32>
        %mul3A_251 = arith.mulf %mul3A_250, %mul3A_250 : vector<16xf32>
        %mul3A_252 = arith.mulf %mul3A_251, %mul3A_251 : vector<16xf32>
        %mul3A_253 = arith.mulf %mul3A_252, %mul3A_252 : vector<16xf32>
        %gt3A_254 = arith.constant 0.000000e+00 : f32
        %gt3A_255 = vector.broadcast %gt3A_254 : f32 to vector<16xf32>
        %gt3A_256 = arith.cmpf ogt, %add3A_205, %gt3A_255 : vector<16xf32>
        %mul3A_257 = arith.constant 1.05070102 : f32
        %mul3A_258 = vector.broadcast %mul3A_257 : f32 to vector<16xf32>
        %mul3A_259 = arith.mulf %mul3A_258, %add3A_205 : vector<16xf32>
        %mul3A_260 = arith.constant 1.75809932 : f32
        %mul3A_261 = vector.broadcast %mul3A_260 : f32 to vector<16xf32>
        %mul3A_262 = arith.mulf %mul3A_261, %mul3A_253 : vector<16xf32>
        %sub3A_263 = arith.constant 1.75809932 : f32
        %sub3A_264 = vector.broadcast %sub3A_263 : f32 to vector<16xf32>
        %sub3A_265 = arith.subf %mul3A_262, %sub3A_264 : vector<16xf32>
        %select_n3A_266 = arith.select %gt3A_256, %mul3A_259, %sub3A_265 : vector<16xi1>, vector<16xf32>
        %swap3A_267 = arith.index_cast %add3A_53 : i32 to index
        %swap3A_268 = arith.constant 32 : index
        %swap3A_269 = tpu.vector_load %arg11[%swap3A_267, %swap3A_268] {strides = array<i32>} : memref<128x128xf32, #tpu.memory_space<vmem>>, vector<1x16xf32>,
        %swap3A_270 = vector.shape_cast %swap3A_269 : vector<1x16xf32> to vector<16xf32>
        %swap3A_271 = vector.shape_cast %select_n3A_266 : vector<16xf32> to vector<1x16xf32>
        tpu.vector_store %arg11[%swap3A_267, %swap3A_268], %swap3A_271 {strides = array<i32>} : memref<128x128xf32, #tpu.memory_space<vmem>>, vector<1x16xf32>,
        %get3A_272 = arith.index_cast %add3A_53 : i32 to index
        %get3A_273 = arith.constant 48 : index
        %get3A_274 = tpu.vector_load %arg11[%get3A_272, %get3A_273] {strides = array<i32>} : memref<128x128xf32, #tpu.memory_space<vmem>>, vector<1x16xf32>,
        %get3A_275 = vector.shape_cast %get3A_274 : vector<1x16xf32> to vector<16xf32>
        %get3A_276 = arith.index_cast %add3A_53 : i32 to index
        %get3A_277 = arith.constant 48 : index
        %get3A_278 = tpu.vector_load %arg12[%get3A_276, %get3A_277] {strides = array<i32>} : memref<128x128xf32, #tpu.memory_space<vmem>>, vector<1x16xf32>,
        %get3A_279 = vector.shape_cast %get3A_278 : vector<1x16xf32> to vector<16xf32>
        %add3A_280 = arith.addf %get3A_275, %get3A_279 : vector<16xf32>
        %min3A_281 = arith.constant 0.000000e+00 : f32
        %min3A_282 = vector.broadcast %min3A_281 : f32 to vector<16xf32>
        %min3A_283 = arith.minimumf %add3A_280, %min3A_282 : vector<16xf32>
        %max3A_284 = arith.constant -1.750000e+01 : f32
        %max3A_285 = vector.broadcast %max3A_284 : f32 to vector<16xf32>
        %max3A_286 = arith.maximumf %min3A_283, %max3A_285 : vector<16xf32>
        %mul3A_287 = arith.constant 3.125000e-02 : f32
        %mul3A_288 = vector.broadcast %mul3A_287 : f32 to vector<16xf32>
        %mul3A_289 = arith.mulf %max3A_286, %mul3A_288 : vector<16xf32>
        %mul3A_290 = arith.constant 2.48015876E-5 : f32
        %mul3A_291 = vector.broadcast %mul3A_290 : f32 to vector<16xf32>
        %mul3A_292 = arith.mulf %mul3A_289, %mul3A_291 : vector<16xf32>
        %add3A_293 = arith.constant 1.98412701E-4 : f32
        %add3A_294 = vector.broadcast %add3A_293 : f32 to vector<16xf32>
        %add3A_295 = arith.addf %mul3A_292, %add3A_294 : vector<16xf32>
        %mul3A_296 = arith.mulf %add3A_295, %mul3A_289 : vector<16xf32>
        %add3A_297 = arith.constant 0.00138888892 : f32
        %add3A_298 = vector.broadcast %add3A_297 : f32 to vector<16xf32>
        %add3A_299 = arith.addf %mul3A_296, %add3A_298 : vector<16xf32>
        %mul3A_300 = arith.mulf %add3A_299, %mul3A_289 : vector<16xf32>
        %add3A_301 = arith.constant 0.00833333377 : f32
        %add3A_302 = vector.broadcast %add3A_301 : f32 to vector<16xf32>
        %add3A_303 = arith.addf %mul3A_300, %add3A_302 : vector<16xf32>
        %mul3A_304 = arith.mulf %add3A_303, %mul3A_289 : vector<16xf32>
        %add3A_305 = arith.constant 0.0416666679 : f32
        %add3A_306 = vector.broadcast %add3A_305 : f32 to vector<16xf32>
        %add3A_307 = arith.addf %mul3A_304, %add3A_306 : vector<16xf32>
        %mul3A_308 = arith.mulf %add3A_307, %mul3A_289 : vector<16xf32>
        %add3A_309 = arith.constant 0.166666672 : f32
        %add3A_310 = vector.broadcast %add3A_309 : f32 to vector<16xf32>
        %add3A_311 = arith.addf %mul3A_308, %add3A_310 : vector<16xf32>
        %mul3A_312 = arith.mulf %add3A_311, %mul3A_289 : vector<16xf32>
        %add3A_313 = arith.constant 5.000000e-01 : f32
        %add3A_314 = vector.broadcast %add3A_313 : f32 to vector<16xf32>
        %add3A_315 = arith.addf %mul3A_312, %add3A_314 : vector<16xf32>
        %mul3A_316 = arith.mulf %add3A_315, %mul3A_289 : vector<16xf32>
        %add3A_317 = arith.constant 1.000000e+00 : f32
        %add3A_318 = vector.broadcast %add3A_317 : f32 to vector<16xf32>
        %add3A_319 = arith.addf %mul3A_316, %add3A_318 : vector<16xf32>
        %mul3A_320 = arith.mulf %add3A_319, %mul3A_289 : vector<16xf32>
        %add3A_321 = arith.constant 1.000000e+00 : f32
        %add3A_322 = vector.broadcast %add3A_321 : f32 to vector<16xf32>
        %add3A_323 = arith.addf %mul3A_320, %add3A_322 : vector<16xf32>
        %mul3A_324 = arith.mulf %add3A_323, %add3A_323 : vector<16xf32>
        %mul3A_325 = arith.mulf %mul3A_324, %mul3A_324 : vector<16xf32>
        %mul3A_326 = arith.mulf %mul3A_325, %mul3A_325 : vector<16xf32>
        %mul3A_327 = arith.mulf %mul3A_326, %mul3A_326 : vector<16xf32>
        %mul3A_328 = arith.mulf %mul3A_327, %mul3A_327 : vector<16xf32>
        %gt3A_329 = arith.constant 0.000000e+00 : f32
        %gt3A_330 = vector.broadcast %gt3A_329 : f32 to vector<16xf32>
        %gt3A_331 = arith.cmpf ogt, %add3A_280, %gt3A_330 : vector<16xf32>
        %mul3A_332 = arith.constant 1.05070102 : f32
        %mul3A_333 = vector.broadcast %mul3A_332 : f32 to vector<16xf32>
        %mul3A_334 = arith.mulf %mul3A_333, %add3A_280 : vector<16xf32>
        %mul3A_335 = arith.constant 1.75809932 : f32
        %mul3A_336 = vector.broadcast %mul3A_335 : f32 to vector<16xf32>
        %mul3A_337 = arith.mulf %mul3A_336, %mul3A_328 : vector<16xf32>
        %sub3A_338 = arith.constant 1.75809932 : f32
        %sub3A_339 = vector.broadcast %sub3A_338 : f32 to vector<16xf32>
        %sub3A_340 = arith.subf %mul3A_337, %sub3A_339 : vector<16xf32>
        %select_n3A_341 = arith.select %gt3A_331, %mul3A_334, %sub3A_340 : vector<16xi1>, vector<16xf32>
        %swap3A_342 = arith.index_cast %add3A_53 : i32 to index
        %swap3A_343 = arith.constant 48 : index
        %swap3A_344 = tpu.vector_load %arg11[%swap3A_342, %swap3A_343] {strides = array<i32>} : memref<128x128xf32, #tpu.memory_space<vmem>>, vector<1x16xf32>,
        %swap3A_345 = vector.shape_cast %swap3A_344 : vector<1x16xf32> to vector<16xf32>
        %swap3A_346 = vector.shape_cast %select_n3A_341 : vector<16xf32> to vector<1x16xf32>
        tpu.vector_store %arg11[%swap3A_342, %swap3A_343], %swap3A_346 {strides = array<i32>} : memref<128x128xf32, #tpu.memory_space<vmem>>, vector<1x16xf32>,
        %get3A_347 = arith.index_cast %add3A_53 : i32 to index
        %get3A_348 = arith.constant 64 : index
        %get3A_349 = tpu.vector_load %arg11[%get3A_347, %get3A_348] {strides = array<i32>} : memref<128x128xf32, #tpu.memory_space<vmem>>, vector<1x16xf32>,
        %get3A_350 = vector.shape_cast %get3A_349 : vector<1x16xf32> to vector<16xf32>
        %get3A_351 = arith.index_cast %add3A_53 : i32 to index
        %get3A_352 = arith.constant 64 : index
        %get3A_353 = tpu.vector_load %arg12[%get3A_351, %get3A_352] {strides = array<i32>} : memref<128x128xf32, #tpu.memory_space<vmem>>, vector<1x16xf32>,
        %get3A_354 = vector.shape_cast %get3A_353 : vector<1x16xf32> to vector<16xf32>
        %add3A_355 = arith.addf %get3A_350, %get3A_354 : vector<16xf32>
        %min3A_356 = arith.constant 0.000000e+00 : f32
        %min3A_357 = vector.broadcast %min3A_356 : f32 to vector<16xf32>
        %min3A_358 = arith.minimumf %add3A_355, %min3A_357 : vector<16xf32>
        %max3A_359 = arith.constant -1.750000e+01 : f32
        %max3A_360 = vector.broadcast %max3A_359 : f32 to vector<16xf32>
        %max3A_361 = arith.maximumf %min3A_358, %max3A_360 : vector<16xf32>
        %mul3A_362 = arith.constant 3.125000e-02 : f32
        %mul3A_363 = vector.broadcast %mul3A_362 : f32 to vector<16xf32>
        %mul3A_364 = arith.mulf %max3A_361, %mul3A_363 : vector<16xf32>
        %mul3A_365 = arith.constant 2.48015876E-5 : f32
        %mul3A_366 = vector.broadcast %mul3A_365 : f32 to vector<16xf32>
        %mul3A_367 = arith.mulf %mul3A_364, %mul3A_366 : vector<16xf32>
        %add3A_368 = arith.constant 1.98412701E-4 : f32
        %add3A_369 = vector.broadcast %add3A_368 : f32 to vector<16xf32>
        %add3A_370 = arith.addf %mul3A_367, %add3A_369 : vector<16xf32>
        %mul3A_371 = arith.mulf %add3A_370, %mul3A_364 : vector<16xf32>
        %add3A_372 = arith.constant 0.00138888892 : f32
        %add3A_373 = vector.broadcast %add3A_372 : f32 to vector<16xf32>
        %add3A_374 = arith.addf %mul3A_371, %add3A_373 : vector<16xf32>
        %mul3A_375 = arith.mulf %add3A_374, %mul3A_364 : vector<16xf32>
        %add3A_376 = arith.constant 0.00833333377 : f32
        %add3A_377 = vector.broadcast %add3A_376 : f32 to vector<16xf32>
        %add3A_378 = arith.addf %mul3A_375, %add3A_377 : vector<16xf32>
        %mul3A_379 = arith.mulf %add3A_378, %mul3A_364 : vector<16xf32>
        %add3A_380 = arith.constant 0.0416666679 : f32
        %add3A_381 = vector.broadcast %add3A_380 : f32 to vector<16xf32>
        %add3A_382 = arith.addf %mul3A_379, %add3A_381 : vector<16xf32>
        %mul3A_383 = arith.mulf %add3A_382, %mul3A_364 : vector<16xf32>
        %add3A_384 = arith.constant 0.166666672 : f32
        %add3A_385 = vector.broadcast %add3A_384 : f32 to vector<16xf32>
        %add3A_386 = arith.addf %mul3A_383, %add3A_385 : vector<16xf32>
        %mul3A_387 = arith.mulf %add3A_386, %mul3A_364 : vector<16xf32>
        %add3A_388 = arith.constant 5.000000e-01 : f32
        %add3A_389 = vector.broadcast %add3A_388 : f32 to vector<16xf32>
        %add3A_390 = arith.addf %mul3A_387, %add3A_389 : vector<16xf32>
        %mul3A_391 = arith.mulf %add3A_390, %mul3A_364 : vector<16xf32>
        %add3A_392 = arith.constant 1.000000e+00 : f32
        %add3A_393 = vector.broadcast %add3A_392 : f32 to vector<16xf32>
        %add3A_394 = arith.addf %mul3A_391, %add3A_393 : vector<16xf32>
        %mul3A_395 = arith.mulf %add3A_394, %mul3A_364 : vector<16xf32>
        %add3A_396 = arith.constant 1.000000e+00 : f32
        %add3A_397 = vector.broadcast %add3A_396 : f32 to vector<16xf32>
        %add3A_398 = arith.addf %mul3A_395, %add3A_397 : vector<16xf32>
        %mul3A_399 = arith.mulf %add3A_398, %add3A_398 : vector<16xf32>
        %mul3A_400 = arith.mulf %mul3A_399, %mul3A_399 : vector<16xf32>
        %mul3A_401 = arith.mulf %mul3A_400, %mul3A_400 : vector<16xf32>
        %mul3A_402 = arith.mulf %mul3A_401, %mul3A_401 : vector<16xf32>
        %mul3A_403 = arith.mulf %mul3A_402, %mul3A_402 : vector<16xf32>
        %gt3A_404 = arith.constant 0.000000e+00 : f32
        %gt3A_405 = vector.broadcast %gt3A_404 : f32 to vector<16xf32>
        %gt3A_406 = arith.cmpf ogt, %add3A_355, %gt3A_405 : vector<16xf32>
        %mul3A_407 = arith.constant 1.05070102 : f32
        %mul3A_408 = vector.broadcast %mul3A_407 : f32 to vector<16xf32>
        %mul3A_409 = arith.mulf %mul3A_408, %add3A_355 : vector<16xf32>
        %mul3A_410 = arith.constant 1.75809932 : f32
        %mul3A_411 = vector.broadcast %mul3A_410 : f32 to vector<16xf32>
        %mul3A_412 = arith.mulf %mul3A_411, %mul3A_403 : vector<16xf32>
        %sub3A_413 = arith.constant 1.75809932 : f32
        %sub3A_414 = vector.broadcast %sub3A_413 : f32 to vector<16xf32>
        %sub3A_415 = arith.subf %mul3A_412, %sub3A_414 : vector<16xf32>
        %select_n3A_416 = arith.select %gt3A_406, %mul3A_409, %sub3A_415 : vector<16xi1>, vector<16xf32>
        %swap3A_417 = arith.index_cast %add3A_53 : i32 to index
        %swap3A_418 = arith.constant 64 : index
        %swap3A_419 = tpu.vector_load %arg11[%swap3A_417, %swap3A_418] {strides = array<i32>} : memref<128x128xf32, #tpu.memory_space<vmem>>, vector<1x16xf32>,
        %swap3A_420 = vector.shape_cast %swap3A_419 : vector<1x16xf32> to vector<16xf32>
        %swap3A_421 = vector.shape_cast %select_n3A_416 : vector<16xf32> to vector<1x16xf32>
        tpu.vector_store %arg11[%swap3A_417, %swap3A_418], %swap3A_421 {strides = array<i32>} : memref<128x128xf32, #tpu.memory_space<vmem>>, vector<1x16xf32>,
        %get3A_422 = arith.index_cast %add3A_53 : i32 to index
        %get3A_423 = arith.constant 80 : index
        %get3A_424 = tpu.vector_load %arg11[%get3A_422, %get3A_423] {strides = array<i32>} : memref<128x128xf32, #tpu.memory_space<vmem>>, vector<1x16xf32>,
        %get3A_425 = vector.shape_cast %get3A_424 : vector<1x16xf32> to vector<16xf32>
        %get3A_426 = arith.index_cast %add3A_53 : i32 to index
        %get3A_427 = arith.constant 80 : index
        %get3A_428 = tpu.vector_load %arg12[%get3A_426, %get3A_427] {strides = array<i32>} : memref<128x128xf32, #tpu.memory_space<vmem>>, vector<1x16xf32>,
        %get3A_429 = vector.shape_cast %get3A_428 : vector<1x16xf32> to vector<16xf32>
        %add3A_430 = arith.addf %get3A_425, %get3A_429 : vector<16xf32>
        %min3A_431 = arith.constant 0.000000e+00 : f32
        %min3A_432 = vector.broadcast %min3A_431 : f32 to vector<16xf32>
        %min3A_433 = arith.minimumf %add3A_430, %min3A_432 : vector<16xf32>
        %max3A_434 = arith.constant -1.750000e+01 : f32
        %max3A_435 = vector.broadcast %max3A_434 : f32 to vector<16xf32>
        %max3A_436 = arith.maximumf %min3A_433, %max3A_435 : vector<16xf32>
        %mul3A_437 = arith.constant 3.125000e-02 : f32
        %mul3A_438 = vector.broadcast %mul3A_437 : f32 to vector<16xf32>
        %mul3A_439 = arith.mulf %max3A_436, %mul3A_438 : vector<16xf32>
        %mul3A_440 = arith.constant 2.48015876E-5 : f32
        %mul3A_441 = vector.broadcast %mul3A_440 : f32 to vector<16xf32>
        %mul3A_442 = arith.mulf %mul3A_439, %mul3A_441 : vector<16xf32>
        %add3A_443 = arith.constant 1.98412701E-4 : f32
        %add3A_444 = vector.broadcast %add3A_443 : f32 to vector<16xf32>
        %add3A_445 = arith.addf %mul3A_442, %add3A_444 : vector<16xf32>
        %mul3A_446 = arith.mulf %add3A_445, %mul3A_439 : vector<16xf32>
        %add3A_447 = arith.constant 0.00138888892 : f32
        %add3A_448 = vector.broadcast %add3A_447 : f32 to vector<16xf32>
        %add3A_449 = arith.addf %mul3A_446, %add3A_448 : vector<16xf32>
        %mul3A_450 = arith.mulf %add3A_449, %mul3A_439 : vector<16xf32>
        %add3A_451 = arith.constant 0.00833333377 : f32
        %add3A_452 = vector.broadcast %add3A_451 : f32 to vector<16xf32>
        %add3A_453 = arith.addf %mul3A_450, %add3A_452 : vector<16xf32>
        %mul3A_454 = arith.mulf %add3A_453, %mul3A_439 : vector<16xf32>
        %add3A_455 = arith.constant 0.0416666679 : f32
        %add3A_456 = vector.broadcast %add3A_455 : f32 to vector<16xf32>
        %add3A_457 = arith.addf %mul3A_454, %add3A_456 : vector<16xf32>
        %mul3A_458 = arith.mulf %add3A_457, %mul3A_439 : vector<16xf32>
        %add3A_459 = arith.constant 0.166666672 : f32
        %add3A_460 = vector.broadcast %add3A_459 : f32 to vector<16xf32>
        %add3A_461 = arith.addf %mul3A_458, %add3A_460 : vector<16xf32>
        %mul3A_462 = arith.mulf %add3A_461, %mul3A_439 : vector<16xf32>
        %add3A_463 = arith.constant 5.000000e-01 : f32
        %add3A_464 = vector.broadcast %add3A_463 : f32 to vector<16xf32>
        %add3A_465 = arith.addf %mul3A_462, %add3A_464 : vector<16xf32>
        %mul3A_466 = arith.mulf %add3A_465, %mul3A_439 : vector<16xf32>
        %add3A_467 = arith.constant 1.000000e+00 : f32
        %add3A_468 = vector.broadcast %add3A_467 : f32 to vector<16xf32>
        %add3A_469 = arith.addf %mul3A_466, %add3A_468 : vector<16xf32>
        %mul3A_470 = arith.mulf %add3A_469, %mul3A_439 : vector<16xf32>
        %add3A_471 = arith.constant 1.000000e+00 : f32
        %add3A_472 = vector.broadcast %add3A_471 : f32 to vector<16xf32>
        %add3A_473 = arith.addf %mul3A_470, %add3A_472 : vector<16xf32>
        %mul3A_474 = arith.mulf %add3A_473, %add3A_473 : vector<16xf32>
        %mul3A_475 = arith.mulf %mul3A_474, %mul3A_474 : vector<16xf32>
        %mul3A_476 = arith.mulf %mul3A_475, %mul3A_475 : vector<16xf32>
        %mul3A_477 = arith.mulf %mul3A_476, %mul3A_476 : vector<16xf32>
        %mul3A_478 = arith.mulf %mul3A_477, %mul3A_477 : vector<16xf32>
        %gt3A_479 = arith.constant 0.000000e+00 : f32
        %gt3A_480 = vector.broadcast %gt3A_479 : f32 to vector<16xf32>
        %gt3A_481 = arith.cmpf ogt, %add3A_430, %gt3A_480 : vector<16xf32>
        %mul3A_482 = arith.constant 1.05070102 : f32
        %mul3A_483 = vector.broadcast %mul3A_482 : f32 to vector<16xf32>
        %mul3A_484 = arith.mulf %mul3A_483, %add3A_430 : vector<16xf32>
        %mul3A_485 = arith.constant 1.75809932 : f32
        %mul3A_486 = vector.broadcast %mul3A_485 : f32 to vector<16xf32>
        %mul3A_487 = arith.mulf %mul3A_486, %mul3A_478 : vector<16xf32>
        %sub3A_488 = arith.constant 1.75809932 : f32
        %sub3A_489 = vector.broadcast %sub3A_488 : f32 to vector<16xf32>
        %sub3A_490 = arith.subf %mul3A_487, %sub3A_489 : vector<16xf32>
        %select_n3A_491 = arith.select %gt3A_481, %mul3A_484, %sub3A_490 : vector<16xi1>, vector<16xf32>
        %swap3A_492 = arith.index_cast %add3A_53 : i32 to index
        %swap3A_493 = arith.constant 80 : index
        %swap3A_494 = tpu.vector_load %arg11[%swap3A_492, %swap3A_493] {strides = array<i32>} : memref<128x128xf32, #tpu.memory_space<vmem>>, vector<1x16xf32>,
        %swap3A_495 = vector.shape_cast %swap3A_494 : vector<1x16xf32> to vector<16xf32>
        %swap3A_496 = vector.shape_cast %select_n3A_491 : vector<16xf32> to vector<1x16xf32>
        tpu.vector_store %arg11[%swap3A_492, %swap3A_493], %swap3A_496 {strides = array<i32>} : memref<128x128xf32, #tpu.memory_space<vmem>>, vector<1x16xf32>,
        %get3A_497 = arith.index_cast %add3A_53 : i32 to index
        %get3A_498 = arith.constant 96 : index
        %get3A_499 = tpu.vector_load %arg11[%get3A_497, %get3A_498] {strides = array<i32>} : memref<128x128xf32, #tpu.memory_space<vmem>>, vector<1x16xf32>,
        %get3A_500 = vector.shape_cast %get3A_499 : vector<1x16xf32> to vector<16xf32>
        %get3A_501 = arith.index_cast %add3A_53 : i32 to index
        %get3A_502 = arith.constant 96 : index
        %get3A_503 = tpu.vector_load %arg12[%get3A_501, %get3A_502] {strides = array<i32>} : memref<128x128xf32, #tpu.memory_space<vmem>>, vector<1x16xf32>,
        %get3A_504 = vector.shape_cast %get3A_503 : vector<1x16xf32> to vector<16xf32>
        %add3A_505 = arith.addf %get3A_500, %get3A_504 : vector<16xf32>
        %min3A_506 = arith.constant 0.000000e+00 : f32
        %min3A_507 = vector.broadcast %min3A_506 : f32 to vector<16xf32>
        %min3A_508 = arith.minimumf %add3A_505, %min3A_507 : vector<16xf32>
        %max3A_509 = arith.constant -1.750000e+01 : f32
        %max3A_510 = vector.broadcast %max3A_509 : f32 to vector<16xf32>
        %max3A_511 = arith.maximumf %min3A_508, %max3A_510 : vector<16xf32>
        %mul3A_512 = arith.constant 3.125000e-02 : f32
        %mul3A_513 = vector.broadcast %mul3A_512 : f32 to vector<16xf32>
        %mul3A_514 = arith.mulf %max3A_511, %mul3A_513 : vector<16xf32>
        %mul3A_515 = arith.constant 2.48015876E-5 : f32
        %mul3A_516 = vector.broadcast %mul3A_515 : f32 to vector<16xf32>
        %mul3A_517 = arith.mulf %mul3A_514, %mul3A_516 : vector<16xf32>
        %add3A_518 = arith.constant 1.98412701E-4 : f32
        %add3A_519 = vector.broadcast %add3A_518 : f32 to vector<16xf32>
        %add3A_520 = arith.addf %mul3A_517, %add3A_519 : vector<16xf32>
        %mul3A_521 = arith.mulf %add3A_520, %mul3A_514 : vector<16xf32>
        %add3A_522 = arith.constant 0.00138888892 : f32
        %add3A_523 = vector.broadcast %add3A_522 : f32 to vector<16xf32>
        %add3A_524 = arith.addf %mul3A_521, %add3A_523 : vector<16xf32>
        %mul3A_525 = arith.mulf %add3A_524, %mul3A_514 : vector<16xf32>
        %add3A_526 = arith.constant 0.00833333377 : f32
        %add3A_527 = vector.broadcast %add3A_526 : f32 to vector<16xf32>
        %add3A_528 = arith.addf %mul3A_525, %add3A_527 : vector<16xf32>
        %mul3A_529 = arith.mulf %add3A_528, %mul3A_514 : vector<16xf32>
        %add3A_530 = arith.constant 0.0416666679 : f32
        %add3A_531 = vector.broadcast %add3A_530 : f32 to vector<16xf32>
        %add3A_532 = arith.addf %mul3A_529, %add3A_531 : vector<16xf32>
        %mul3A_533 = arith.mulf %add3A_532, %mul3A_514 : vector<16xf32>
        %add3A_534 = arith.constant 0.166666672 : f32
        %add3A_535 = vector.broadcast %add3A_534 : f32 to vector<16xf32>
        %add3A_536 = arith.addf %mul3A_533, %add3A_535 : vector<16xf32>
        %mul3A_537 = arith.mulf %add3A_536, %mul3A_514 : vector<16xf32>
        %add3A_538 = arith.constant 5.000000e-01 : f32
        %add3A_539 = vector.broadcast %add3A_538 : f32 to vector<16xf32>
        %add3A_540 = arith.addf %mul3A_537, %add3A_539 : vector<16xf32>
        %mul3A_541 = arith.mulf %add3A_540, %mul3A_514 : vector<16xf32>
        %add3A_542 = arith.constant 1.000000e+00 : f32
        %add3A_543 = vector.broadcast %add3A_542 : f32 to vector<16xf32>
        %add3A_544 = arith.addf %mul3A_541, %add3A_543 : vector<16xf32>
        %mul3A_545 = arith.mulf %add3A_544, %mul3A_514 : vector<16xf32>
        %add3A_546 = arith.constant 1.000000e+00 : f32
        %add3A_547 = vector.broadcast %add3A_546 : f32 to vector<16xf32>
        %add3A_548 = arith.addf %mul3A_545, %add3A_547 : vector<16xf32>
        %mul3A_549 = arith.mulf %add3A_548, %add3A_548 : vector<16xf32>
        %mul3A_550 = arith.mulf %mul3A_549, %mul3A_549 : vector<16xf32>
        %mul3A_551 = arith.mulf %mul3A_550, %mul3A_550 : vector<16xf32>
        %mul3A_552 = arith.mulf %mul3A_551, %mul3A_551 : vector<16xf32>
        %mul3A_553 = arith.mulf %mul3A_552, %mul3A_552 : vector<16xf32>
        %gt3A_554 = arith.constant 0.000000e+00 : f32
        %gt3A_555 = vector.broadcast %gt3A_554 : f32 to vector<16xf32>
        %gt3A_556 = arith.cmpf ogt, %add3A_505, %gt3A_555 : vector<16xf32>
        %mul3A_557 = arith.constant 1.05070102 : f32
        %mul3A_558 = vector.broadcast %mul3A_557 : f32 to vector<16xf32>
        %mul3A_559 = arith.mulf %mul3A_558, %add3A_505 : vector<16xf32>
        %mul3A_560 = arith.constant 1.75809932 : f32
        %mul3A_561 = vector.broadcast %mul3A_560 : f32 to vector<16xf32>
        %mul3A_562 = arith.mulf %mul3A_561, %mul3A_553 : vector<16xf32>
        %sub3A_563 = arith.constant 1.75809932 : f32
        %sub3A_564 = vector.broadcast %sub3A_563 : f32 to vector<16xf32>
        %sub3A_565 = arith.subf %mul3A_562, %sub3A_564 : vector<16xf32>
        %select_n3A_566 = arith.select %gt3A_556, %mul3A_559, %sub3A_565 : vector<16xi1>, vector<16xf32>
        %swap3A_567 = arith.index_cast %add3A_53 : i32 to index
        %swap3A_568 = arith.constant 96 : index
        %swap3A_569 = tpu.vector_load %arg11[%swap3A_567, %swap3A_568] {strides = array<i32>} : memref<128x128xf32, #tpu.memory_space<vmem>>, vector<1x16xf32>,
        %swap3A_570 = vector.shape_cast %swap3A_569 : vector<1x16xf32> to vector<16xf32>
        %swap3A_571 = vector.shape_cast %select_n3A_566 : vector<16xf32> to vector<1x16xf32>
        tpu.vector_store %arg11[%swap3A_567, %swap3A_568], %swap3A_571 {strides = array<i32>} : memref<128x128xf32, #tpu.memory_space<vmem>>, vector<1x16xf32>,
        %get3A_572 = arith.index_cast %add3A_53 : i32 to index
        %get3A_573 = arith.constant 112 : index
        %get3A_574 = tpu.vector_load %arg11[%get3A_572, %get3A_573] {strides = array<i32>} : memref<128x128xf32, #tpu.memory_space<vmem>>, vector<1x16xf32>,
        %get3A_575 = vector.shape_cast %get3A_574 : vector<1x16xf32> to vector<16xf32>
        %get3A_576 = arith.index_cast %add3A_53 : i32 to index
        %get3A_577 = arith.constant 112 : index
        %get3A_578 = tpu.vector_load %arg12[%get3A_576, %get3A_577] {strides = array<i32>} : memref<128x128xf32, #tpu.memory_space<vmem>>, vector<1x16xf32>,
        %get3A_579 = vector.shape_cast %get3A_578 : vector<1x16xf32> to vector<16xf32>
        %add3A_580 = arith.addf %get3A_575, %get3A_579 : vector<16xf32>
        %min3A_581 = arith.constant 0.000000e+00 : f32
        %min3A_582 = vector.broadcast %min3A_581 : f32 to vector<16xf32>
        %min3A_583 = arith.minimumf %add3A_580, %min3A_582 : vector<16xf32>
        %max3A_584 = arith.constant -1.750000e+01 : f32
        %max3A_585 = vector.broadcast %max3A_584 : f32 to vector<16xf32>
        %max3A_586 = arith.maximumf %min3A_583, %max3A_585 : vector<16xf32>
        %mul3A_587 = arith.constant 3.125000e-02 : f32
        %mul3A_588 = vector.broadcast %mul3A_587 : f32 to vector<16xf32>
        %mul3A_589 = arith.mulf %max3A_586, %mul3A_588 : vector<16xf32>
        %mul3A_590 = arith.constant 2.48015876E-5 : f32
        %mul3A_591 = vector.broadcast %mul3A_590 : f32 to vector<16xf32>
        %mul3A_592 = arith.mulf %mul3A_589, %mul3A_591 : vector<16xf32>
        %add3A_593 = arith.constant 1.98412701E-4 : f32
        %add3A_594 = vector.broadcast %add3A_593 : f32 to vector<16xf32>
        %add3A_595 = arith.addf %mul3A_592, %add3A_594 : vector<16xf32>
        %mul3A_596 = arith.mulf %add3A_595, %mul3A_589 : vector<16xf32>
        %add3A_597 = arith.constant 0.00138888892 : f32
        %add3A_598 = vector.broadcast %add3A_597 : f32 to vector<16xf32>
        %add3A_599 = arith.addf %mul3A_596, %add3A_598 : vector<16xf32>
        %mul3A_600 = arith.mulf %add3A_599, %mul3A_589 : vector<16xf32>
        %add3A_601 = arith.constant 0.00833333377 : f32
        %add3A_602 = vector.broadcast %add3A_601 : f32 to vector<16xf32>
        %add3A_603 = arith.addf %mul3A_600, %add3A_602 : vector<16xf32>
        %mul3A_604 = arith.mulf %add3A_603, %mul3A_589 : vector<16xf32>
        %add3A_605 = arith.constant 0.0416666679 : f32
        %add3A_606 = vector.broadcast %add3A_605 : f32 to vector<16xf32>
        %add3A_607 = arith.addf %mul3A_604, %add3A_606 : vector<16xf32>
        %mul3A_608 = arith.mulf %add3A_607, %mul3A_589 : vector<16xf32>
        %add3A_609 = arith.constant 0.166666672 : f32
        %add3A_610 = vector.broadcast %add3A_609 : f32 to vector<16xf32>
        %add3A_611 = arith.addf %mul3A_608, %add3A_610 : vector<16xf32>
        %mul3A_612 = arith.mulf %add3A_611, %mul3A_589 : vector<16xf32>
        %add3A_613 = arith.constant 5.000000e-01 : f32
        %add3A_614 = vector.broadcast %add3A_613 : f32 to vector<16xf32>
        %add3A_615 = arith.addf %mul3A_612, %add3A_614 : vector<16xf32>
        %mul3A_616 = arith.mulf %add3A_615, %mul3A_589 : vector<16xf32>
        %add3A_617 = arith.constant 1.000000e+00 : f32
        %add3A_618 = vector.broadcast %add3A_617 : f32 to vector<16xf32>
        %add3A_619 = arith.addf %mul3A_616, %add3A_618 : vector<16xf32>
        %mul3A_620 = arith.mulf %add3A_619, %mul3A_589 : vector<16xf32>
        %add3A_621 = arith.constant 1.000000e+00 : f32
        %add3A_622 = vector.broadcast %add3A_621 : f32 to vector<16xf32>
        %add3A_623 = arith.addf %mul3A_620, %add3A_622 : vector<16xf32>
        %mul3A_624 = arith.mulf %add3A_623, %add3A_623 : vector<16xf32>
        %mul3A_625 = arith.mulf %mul3A_624, %mul3A_624 : vector<16xf32>
        %mul3A_626 = arith.mulf %mul3A_625, %mul3A_625 : vector<16xf32>
        %mul3A_627 = arith.mulf %mul3A_626, %mul3A_626 : vector<16xf32>
        %mul3A_628 = arith.mulf %mul3A_627, %mul3A_627 : vector<16xf32>
        %gt3A_629 = arith.constant 0.000000e+00 : f32
        %gt3A_630 = vector.broadcast %gt3A_629 : f32 to vector<16xf32>
        %gt3A_631 = arith.cmpf ogt, %add3A_580, %gt3A_630 : vector<16xf32>
        %mul3A_632 = arith.constant 1.05070102 : f32
        %mul3A_633 = vector.broadcast %mul3A_632 : f32 to vector<16xf32>
        %mul3A_634 = arith.mulf %mul3A_633, %add3A_580 : vector<16xf32>
        %mul3A_635 = arith.constant 1.75809932 : f32
        %mul3A_636 = vector.broadcast %mul3A_635 : f32 to vector<16xf32>
        %mul3A_637 = arith.mulf %mul3A_636, %mul3A_628 : vector<16xf32>
        %sub3A_638 = arith.constant 1.75809932 : f32
        %sub3A_639 = vector.broadcast %sub3A_638 : f32 to vector<16xf32>
        %sub3A_640 = arith.subf %mul3A_637, %sub3A_639 : vector<16xf32>
        %select_n3A_641 = arith.select %gt3A_631, %mul3A_634, %sub3A_640 : vector<16xi1>, vector<16xf32>
        %swap3A_642 = arith.index_cast %add3A_53 : i32 to index
        %swap3A_643 = arith.constant 112 : index
        %swap3A_644 = tpu.vector_load %arg11[%swap3A_642, %swap3A_643] {strides = array<i32>} : memref<128x128xf32, #tpu.memory_space<vmem>>, vector<1x16xf32>,
        %swap3A_645 = vector.shape_cast %swap3A_644 : vector<1x16xf32> to vector<16xf32>
        %swap3A_646 = vector.shape_cast %select_n3A_641 : vector<16xf32> to vector<1x16xf32>
        tpu.vector_store %arg11[%swap3A_642, %swap3A_643], %swap3A_646 {strides = array<i32>} : memref<128x128xf32, #tpu.memory_space<vmem>>, vector<1x16xf32>,
      }
      %scan3A_48 = arith.constant 128 : i32
      "tpu.region"() ({
        %run_scoped3A = tpu.sem_alloc : memref<!tpu.dma_semaphore, #tpu.memory_space<semaphore_mem>>
        %dma_start3A_49 = arith.constant 0 : i32
        %dma_start3A_50 = arith.constant 0 : i32
        %dma_start3A_51 = tpu.memref_slice %arg8[%dma_start3A_49, %dma_start3A_50] : memref<10240x128xf32, #tpu.memory_space<vmem_shared>> -> memref<10240x128xf32, #tpu.memory_space<vmem_shared>>
        tpu.enqueue_indirect_dma source(%arg11 : memref<128x128xf32, #tpu.memory_space<vmem>>) target(%dma_start3A_51 : memref<10240x128xf32, #tpu.memory_space<vmem_shared>>) offsets(%arg10 : memref<128xi32, #tpu.memory_space<vmem>>) semaphore(%run_scoped3A : memref<!tpu.dma_semaphore, #tpu.memory_space<semaphore_mem>>) {add = true}
        %dma_wait3A_52 = arith.constant 0 : i32
        %dma_wait3A_53 = arith.constant 0 : i32
        %dma_wait3A_54 = tpu.memref_slice %arg8[%dma_wait3A_52, %dma_wait3A_53] : memref<10240x128xf32, #tpu.memory_space<vmem_shared>> -> memref<10240x128xf32, #tpu.memory_space<vmem_shared>>
        tpu.wait_indirect_dma semaphore(%run_scoped3A : memref<!tpu.dma_semaphore, #tpu.memory_space<semaphore_mem>>) src(%arg11 : memref<128x128xf32, #tpu.memory_space<vmem>>) dst(%dma_wait3A_54 : memref<10240x128xf32, #tpu.memory_space<vmem_shared>>)
        tpu.yield
      }) : () -> ()
    }
    %scan3A_19 = arith.constant 79 : i32
    %barrier3A_20 = arith.constant 0 : index
    tpu.barrier barrier_id(%barrier3A_20)
    %scan3A_21 = arith.constant 0 : i32
    %scan3A_22 = arith.constant 5 : i32
    %scan3A_23 = arith.addi %scan3A_21, %scan3A_22 : i32
    %scan3A_24 = arith.constant 1 : i32
    scf.for %scan3A_26 = %scan3A_21 to %scan3A_23 step %scan3A_24  : i32 {
      %mul3A_27 = arith.constant 1 : i32
      %mul3A_28 = arith.muli %scan3A_26, %mul3A_27 : i32
      %add3A_29 = arith.constant 0 : i32
      %add3A_30 = arith.addi %add3A_29, %mul3A_28 : i32
      %mul3A_31 = arith.constant 640 : i32
      %mul3A_32 = arith.muli %arg1, %mul3A_31 : i32
      %mul3A_33 = arith.constant 128 : i32
      %mul3A_34 = arith.muli %add3A_30, %mul3A_33 : i32
      %add3A_35 = arith.addi %mul3A_32, %mul3A_34 : i32
      "tpu.region"() ({
        %run_scoped3A = tpu.sem_alloc : memref<!tpu.dma_semaphore, #tpu.memory_space<semaphore_mem>>
        %dma_start3A = arith.constant 0 : i32
        %dma_start3A_43 = tpu.memref_slice %arg8[%add3A_35, %dma_start3A] : memref<10240x128xf32, #tpu.memory_space<vmem_shared>> -> memref<128x128xf32, #tpu.memory_space<vmem_shared>>
        %dma_start3A_44 = arith.constant 0 : i32
        %dma_start3A_45 = tpu.memref_slice %arg8[%add3A_35, %dma_start3A_44] : memref<10240x128xf32, #tpu.memory_space<vmem_shared>> -> memref<128x128xf32, #tpu.memory_space<vmem_shared>>
        tpu.enqueue_dma source(%dma_start3A_45 : memref<128x128xf32, #tpu.memory_space<vmem_shared>>) target(%arg11 : memref<128x128xf32, #tpu.memory_space<vmem>>) target_semaphore(%run_scoped3A : memref<!tpu.dma_semaphore, #tpu.memory_space<semaphore_mem>>)
        %dma_wait3A = arith.constant 0 : i32
        %dma_wait3A_46 = tpu.memref_slice %arg8[%add3A_35, %dma_wait3A] : memref<10240x128xf32, #tpu.memory_space<vmem_shared>> -> memref<128x128xf32, #tpu.memory_space<vmem_shared>>
        %dma_wait3A_47 = arith.constant 0 : i32
        %dma_wait3A_48 = tpu.memref_slice %arg8[%add3A_35, %dma_wait3A_47] : memref<10240x128xf32, #tpu.memory_space<vmem_shared>> -> memref<128x128xf32, #tpu.memory_space<vmem_shared>>
        tpu.wait_dma2 semaphore(%run_scoped3A : memref<!tpu.dma_semaphore, #tpu.memory_space<semaphore_mem>>) src(%dma_wait3A_48 : memref<128x128xf32, #tpu.memory_space<vmem_shared>>) dst(%arg11 : memref<128x128xf32, #tpu.memory_space<vmem>>)
        tpu.yield
      }) : () -> ()
      %eq3A = arith.constant 0 : i32
      %eq3A_36 = arith.cmpi eq, %arg0, %eq3A : i32
      %convert_element_type3A = arith.extui %eq3A_36 : i1 to i32
      %cond3A = arith.constant 0 : i32
      %cond3A_37 = arith.cmpi ne, %convert_element_type3A, %cond3A : i32
      scf.if %cond3A_37 {
        "tpu.region"() ({
          %run_scoped3A = tpu.sem_alloc : memref<!tpu.dma_semaphore, #tpu.memory_space<semaphore_mem>>
          %dma_start3A = arith.constant 0 : i32
          %dma_start3A_43 = tpu.memref_slice %arg6[%add3A_35, %dma_start3A] : memref<10240x128xf32, #tpu.memory_space<hbm>> -> memref<128x128xf32, #tpu.memory_space<hbm>>
          %dma_start3A_44 = arith.constant 0 : i32
          %dma_start3A_45 = tpu.memref_slice %arg6[%add3A_35, %dma_start3A_44] : memref<10240x128xf32, #tpu.memory_space<hbm>> -> memref<128x128xf32, #tpu.memory_space<hbm>>
          tpu.enqueue_dma source(%arg11 : memref<128x128xf32, #tpu.memory_space<vmem>>) target(%dma_start3A_45 : memref<128x128xf32, #tpu.memory_space<hbm>>) target_semaphore(%run_scoped3A : memref<!tpu.dma_semaphore, #tpu.memory_space<semaphore_mem>>)
          %dma_wait3A = arith.constant 0 : i32
          %dma_wait3A_46 = tpu.memref_slice %arg6[%add3A_35, %dma_wait3A] : memref<10240x128xf32, #tpu.memory_space<hbm>> -> memref<128x128xf32, #tpu.memory_space<hbm>>
          %dma_wait3A_47 = arith.constant 0 : i32
          %dma_wait3A_48 = tpu.memref_slice %arg6[%add3A_35, %dma_wait3A_47] : memref<10240x128xf32, #tpu.memory_space<hbm>> -> memref<128x128xf32, #tpu.memory_space<hbm>>
          tpu.wait_dma2 semaphore(%run_scoped3A : memref<!tpu.dma_semaphore, #tpu.memory_space<semaphore_mem>>) src(%arg11 : memref<128x128xf32, #tpu.memory_space<vmem>>) dst(%dma_wait3A_48 : memref<128x128xf32, #tpu.memory_space<hbm>>)
          tpu.yield
        }) : () -> ()
      } else {
      }
      %eq3A_38 = arith.constant 1 : i32
      %eq3A_39 = arith.cmpi eq, %arg0, %eq3A_38 : i32
      %convert_element_type3A_40 = arith.extui %eq3A_39 : i1 to i32
      %cond3A_41 = arith.constant 0 : i32
      %cond3A_42 = arith.cmpi ne, %convert_element_type3A_40, %cond3A_41 : i32
      scf.if %cond3A_42 {
        "tpu.region"() ({
          %run_scoped3A = tpu.sem_alloc : memref<!tpu.dma_semaphore, #tpu.memory_space<semaphore_mem>>
          %dma_start3A = arith.constant 0 : i32
          %dma_start3A_43 = tpu.memref_slice %arg7[%add3A_35, %dma_start3A] : memref<10240x128xf32, #tpu.memory_space<hbm>> -> memref<128x128xf32, #tpu.memory_space<hbm>>
          %dma_start3A_44 = arith.constant 0 : i32
          %dma_start3A_45 = tpu.memref_slice %arg7[%add3A_35, %dma_start3A_44] : memref<10240x128xf32, #tpu.memory_space<hbm>> -> memref<128x128xf32, #tpu.memory_space<hbm>>
          tpu.enqueue_dma source(%arg11 : memref<128x128xf32, #tpu.memory_space<vmem>>) target(%dma_start3A_45 : memref<128x128xf32, #tpu.memory_space<hbm>>) target_semaphore(%run_scoped3A : memref<!tpu.dma_semaphore, #tpu.memory_space<semaphore_mem>>)
          %dma_wait3A = arith.constant 0 : i32
          %dma_wait3A_46 = tpu.memref_slice %arg7[%add3A_35, %dma_wait3A] : memref<10240x128xf32, #tpu.memory_space<hbm>> -> memref<128x128xf32, #tpu.memory_space<hbm>>
          %dma_wait3A_47 = arith.constant 0 : i32
          %dma_wait3A_48 = tpu.memref_slice %arg7[%add3A_35, %dma_wait3A_47] : memref<10240x128xf32, #tpu.memory_space<hbm>> -> memref<128x128xf32, #tpu.memory_space<hbm>>
          tpu.wait_dma2 semaphore(%run_scoped3A : memref<!tpu.dma_semaphore, #tpu.memory_space<semaphore_mem>>) src(%arg11 : memref<128x128xf32, #tpu.memory_space<vmem>>) dst(%dma_wait3A_48 : memref<128x128xf32, #tpu.memory_space<hbm>>)
          tpu.yield
        }) : () -> ()
      } else {
      }
    }
    %scan3A_25 = arith.constant 5 : i32
    return
  }
}

#map = affine_map<(d0, d1) -> (0, 0)>
#map1 = affine_map<(d0, d1) -> (0)>
module attributes {stable_mosaic.version = 14 : i64} {
  func.func @_sc_edge_body(%arg0: i32, %arg1: i32, %arg2: memref<10240x128xf32, #tpu.memory_space<hbm>>, %arg3: memref<10240x128xf32, #tpu.memory_space<hbm>>, %arg4: memref<323584xi32, #tpu.memory_space<hbm>>, %arg5: memref<323584xi32, #tpu.memory_space<hbm>>, %arg6: memref<10240x128xf32, #tpu.memory_space<hbm>>, %arg7: memref<10240x128xf32, #tpu.memory_space<hbm>>, %arg8: memref<10240x128xf32, #tpu.memory_space<vmem_shared>>, %arg9: memref<128xi32, #tpu.memory_space<vmem>>, %arg10: memref<128xi32, #tpu.memory_space<vmem>>, %arg11: memref<128x128xf32, #tpu.memory_space<vmem>>, %arg12: memref<128x128xf32, #tpu.memory_space<vmem>>, %arg13: memref<16x128xf32, #tpu.memory_space<vmem>>, %arg14: memref<!tpu.dma_semaphore, #tpu.memory_space<semaphore_mem>>, %arg15: memref<!tpu.dma_semaphore, #tpu.memory_space<semaphore_mem>>) attributes {dimension_semantics = [#tpu.dimension_semantics<core_parallel>, #tpu.dimension_semantics<subcore_parallel>], iteration_bounds = array<i64: 2, 16>, scalar_prefetch = 0 : i64, scratch_operands = 8 : i64, tpu.core_type = #tpu.core_type<sc_vector_subcore>, window_params = [{transform_indices = #map}, {transform_indices = #map}, {transform_indices = #map1}, {transform_indices = #map1}, {transform_indices = #map}, {transform_indices = #map}]} {
    %broadcast_in_dim3A = arith.constant 0.000000e+00 : f32
    %broadcast_in_dim3A_0 = vector.broadcast %broadcast_in_dim3A : f32 to vector<16xf32>
    %scan3A = arith.constant 0 : i32
    %scan3A_1 = arith.constant 16 : i32
    %scan3A_2 = arith.addi %scan3A, %scan3A_1 : i32
    %scan3A_3 = arith.constant 1 : i32
    scf.for %scan3A_26 = %scan3A to %scan3A_2 step %scan3A_3  : i32 {
      %mul3A_27 = arith.constant 1 : i32
      %mul3A_28 = arith.muli %scan3A_26, %mul3A_27 : i32
      %add3A_29 = arith.constant 0 : i32
      %add3A_30 = arith.addi %add3A_29, %mul3A_28 : i32
      %swap3A = arith.index_cast %add3A_30 : i32 to index
      %swap3A_31 = arith.constant 0 : index
      %swap3A_32 = tpu.vector_load %arg13[%swap3A, %swap3A_31] {strides = array<i32>} : memref<16x128xf32, #tpu.memory_space<vmem>>, vector<1x16xf32>,
      %swap3A_33 = vector.shape_cast %swap3A_32 : vector<1x16xf32> to vector<16xf32>
      %swap3A_34 = vector.shape_cast %broadcast_in_dim3A_0 : vector<16xf32> to vector<1x16xf32>
      tpu.vector_store %arg13[%swap3A, %swap3A_31], %swap3A_34 {strides = array<i32>} : memref<16x128xf32, #tpu.memory_space<vmem>>, vector<1x16xf32>,
      %swap3A_35 = arith.index_cast %add3A_30 : i32 to index
      %swap3A_36 = arith.constant 16 : index
      %swap3A_37 = tpu.vector_load %arg13[%swap3A_35, %swap3A_36] {strides = array<i32>} : memref<16x128xf32, #tpu.memory_space<vmem>>, vector<1x16xf32>,
      %swap3A_38 = vector.shape_cast %swap3A_37 : vector<1x16xf32> to vector<16xf32>
      %swap3A_39 = vector.shape_cast %broadcast_in_dim3A_0 : vector<16xf32> to vector<1x16xf32>
      tpu.vector_store %arg13[%swap3A_35, %swap3A_36], %swap3A_39 {strides = array<i32>} : memref<16x128xf32, #tpu.memory_space<vmem>>, vector<1x16xf32>,
      %swap3A_40 = arith.index_cast %add3A_30 : i32 to index
      %swap3A_41 = arith.constant 32 : index
      %swap3A_42 = tpu.vector_load %arg13[%swap3A_40, %swap3A_41] {strides = array<i32>} : memref<16x128xf32, #tpu.memory_space<vmem>>, vector<1x16xf32>,
      %swap3A_43 = vector.shape_cast %swap3A_42 : vector<1x16xf32> to vector<16xf32>
      %swap3A_44 = vector.shape_cast %broadcast_in_dim3A_0 : vector<16xf32> to vector<1x16xf32>
      tpu.vector_store %arg13[%swap3A_40, %swap3A_41], %swap3A_44 {strides = array<i32>} : memref<16x128xf32, #tpu.memory_space<vmem>>, vector<1x16xf32>,
      %swap3A_45 = arith.index_cast %add3A_30 : i32 to index
      %swap3A_46 = arith.constant 48 : index
      %swap3A_47 = tpu.vector_load %arg13[%swap3A_45, %swap3A_46] {strides = array<i32>} : memref<16x128xf32, #tpu.memory_space<vmem>>, vector<1x16xf32>,
      %swap3A_48 = vector.shape_cast %swap3A_47 : vector<1x16xf32> to vector<16xf32>
      %swap3A_49 = vector.shape_cast %broadcast_in_dim3A_0 : vector<16xf32> to vector<1x16xf32>
      tpu.vector_store %arg13[%swap3A_45, %swap3A_46], %swap3A_49 {strides = array<i32>} : memref<16x128xf32, #tpu.memory_space<vmem>>, vector<1x16xf32>,
      %swap3A_50 = arith.index_cast %add3A_30 : i32 to index
      %swap3A_51 = arith.constant 64 : index
      %swap3A_52 = tpu.vector_load %arg13[%swap3A_50, %swap3A_51] {strides = array<i32>} : memref<16x128xf32, #tpu.memory_space<vmem>>, vector<1x16xf32>,
      %swap3A_53 = vector.shape_cast %swap3A_52 : vector<1x16xf32> to vector<16xf32>
      %swap3A_54 = vector.shape_cast %broadcast_in_dim3A_0 : vector<16xf32> to vector<1x16xf32>
      tpu.vector_store %arg13[%swap3A_50, %swap3A_51], %swap3A_54 {strides = array<i32>} : memref<16x128xf32, #tpu.memory_space<vmem>>, vector<1x16xf32>,
      %swap3A_55 = arith.index_cast %add3A_30 : i32 to index
      %swap3A_56 = arith.constant 80 : index
      %swap3A_57 = tpu.vector_load %arg13[%swap3A_55, %swap3A_56] {strides = array<i32>} : memref<16x128xf32, #tpu.memory_space<vmem>>, vector<1x16xf32>,
      %swap3A_58 = vector.shape_cast %swap3A_57 : vector<1x16xf32> to vector<16xf32>
      %swap3A_59 = vector.shape_cast %broadcast_in_dim3A_0 : vector<16xf32> to vector<1x16xf32>
      tpu.vector_store %arg13[%swap3A_55, %swap3A_56], %swap3A_59 {strides = array<i32>} : memref<16x128xf32, #tpu.memory_space<vmem>>, vector<1x16xf32>,
      %swap3A_60 = arith.index_cast %add3A_30 : i32 to index
      %swap3A_61 = arith.constant 96 : index
      %swap3A_62 = tpu.vector_load %arg13[%swap3A_60, %swap3A_61] {strides = array<i32>} : memref<16x128xf32, #tpu.memory_space<vmem>>, vector<1x16xf32>,
      %swap3A_63 = vector.shape_cast %swap3A_62 : vector<1x16xf32> to vector<16xf32>
      %swap3A_64 = vector.shape_cast %broadcast_in_dim3A_0 : vector<16xf32> to vector<1x16xf32>
      tpu.vector_store %arg13[%swap3A_60, %swap3A_61], %swap3A_64 {strides = array<i32>} : memref<16x128xf32, #tpu.memory_space<vmem>>, vector<1x16xf32>,
      %swap3A_65 = arith.index_cast %add3A_30 : i32 to index
      %swap3A_66 = arith.constant 112 : index
      %swap3A_67 = tpu.vector_load %arg13[%swap3A_65, %swap3A_66] {strides = array<i32>} : memref<16x128xf32, #tpu.memory_space<vmem>>, vector<1x16xf32>,
      %swap3A_68 = vector.shape_cast %swap3A_67 : vector<1x16xf32> to vector<16xf32>
      %swap3A_69 = vector.shape_cast %broadcast_in_dim3A_0 : vector<16xf32> to vector<1x16xf32>
      tpu.vector_store %arg13[%swap3A_65, %swap3A_66], %swap3A_69 {strides = array<i32>} : memref<16x128xf32, #tpu.memory_space<vmem>>, vector<1x16xf32>,
    }
    %scan3A_4 = arith.constant 16 : i32
    %mul3A = arith.constant 640 : i32
    %mul3A_5 = arith.muli %arg1, %mul3A : i32
    %scan3A_6 = arith.constant 0 : i32
    %scan3A_7 = arith.constant 40 : i32
    %scan3A_8 = arith.addi %scan3A_6, %scan3A_7 : i32
    %scan3A_9 = arith.constant 1 : i32
    scf.for %scan3A_26 = %scan3A_6 to %scan3A_8 step %scan3A_9  : i32 {
      %mul3A_27 = arith.constant 1 : i32
      %mul3A_28 = arith.muli %scan3A_26, %mul3A_27 : i32
      %add3A_29 = arith.constant 0 : i32
      %add3A_30 = arith.addi %add3A_29, %mul3A_28 : i32
      %mul3A_31 = arith.constant 16 : i32
      %mul3A_32 = arith.muli %add3A_30, %mul3A_31 : i32
      %add3A_33 = arith.addi %mul3A_5, %mul3A_32 : i32
      "tpu.region"() ({
        %run_scoped3A = tpu.sem_alloc : memref<!tpu.dma_semaphore, #tpu.memory_space<semaphore_mem>>
        %dma_start3A = arith.constant 0 : i32
        %dma_start3A_34 = tpu.memref_slice %arg8[%add3A_33, %dma_start3A] : memref<10240x128xf32, #tpu.memory_space<vmem_shared>> -> memref<16x128xf32, #tpu.memory_space<vmem_shared>>
        %dma_start3A_35 = arith.constant 0 : i32
        %dma_start3A_36 = tpu.memref_slice %arg8[%add3A_33, %dma_start3A_35] : memref<10240x128xf32, #tpu.memory_space<vmem_shared>> -> memref<16x128xf32, #tpu.memory_space<vmem_shared>>
        tpu.enqueue_dma source(%arg13 : memref<16x128xf32, #tpu.memory_space<vmem>>) target(%dma_start3A_36 : memref<16x128xf32, #tpu.memory_space<vmem_shared>>) target_semaphore(%run_scoped3A : memref<!tpu.dma_semaphore, #tpu.memory_space<semaphore_mem>>)
        %dma_wait3A = arith.constant 0 : i32
        %dma_wait3A_37 = tpu.memref_slice %arg8[%add3A_33, %dma_wait3A] : memref<10240x128xf32, #tpu.memory_space<vmem_shared>> -> memref<16x128xf32, #tpu.memory_space<vmem_shared>>
        %dma_wait3A_38 = arith.constant 0 : i32
        %dma_wait3A_39 = tpu.memref_slice %arg8[%add3A_33, %dma_wait3A_38] : memref<10240x128xf32, #tpu.memory_space<vmem_shared>> -> memref<16x128xf32, #tpu.memory_space<vmem_shared>>
        tpu.wait_dma2 semaphore(%run_scoped3A : memref<!tpu.dma_semaphore, #tpu.memory_space<semaphore_mem>>) src(%arg13 : memref<16x128xf32, #tpu.memory_space<vmem>>) dst(%dma_wait3A_39 : memref<16x128xf32, #tpu.memory_space<vmem_shared>>)
        tpu.yield
      }) : () -> ()
    }
    %scan3A_10 = arith.constant 40 : i32
    %barrier3A = arith.constant 0 : index
    tpu.barrier barrier_id(%barrier3A)
    %mul3A_11 = arith.constant 16 : i32
    %mul3A_12 = arith.muli %arg0, %mul3A_11 : i32
    %add3A = arith.addi %mul3A_12, %arg1 : i32
    %mul3A_13 = arith.constant 10112 : i32
    %mul3A_14 = arith.muli %add3A, %mul3A_13 : i32
    %scan3A_15 = arith.constant 0 : i32
    %scan3A_16 = arith.constant 79 : i32
    %scan3A_17 = arith.addi %scan3A_15, %scan3A_16 : i32
    %scan3A_18 = arith.constant 1 : i32
    scf.for %scan3A_26 = %scan3A_15 to %scan3A_17 step %scan3A_18  : i32 {
      %mul3A_27 = arith.constant 1 : i32
      %mul3A_28 = arith.muli %scan3A_26, %mul3A_27 : i32
      %add3A_29 = arith.constant 0 : i32
      %add3A_30 = arith.addi %add3A_29, %mul3A_28 : i32
      %mul3A_31 = arith.constant 128 : i32
      %mul3A_32 = arith.muli %add3A_30, %mul3A_31 : i32
      %add3A_33 = arith.addi %mul3A_14, %mul3A_32 : i32
      "tpu.region"() ({
        %run_scoped3A = tpu.sem_alloc : memref<!tpu.dma_semaphore, #tpu.memory_space<semaphore_mem>>
        %dma_start3A_49 = tpu.memref_slice %arg4[%add3A_33] : memref<323584xi32, #tpu.memory_space<hbm>> -> memref<128xi32, #tpu.memory_space<hbm>>
        %dma_start3A_50 = tpu.memref_slice %arg4[%add3A_33] : memref<323584xi32, #tpu.memory_space<hbm>> -> memref<128xi32, #tpu.memory_space<hbm>>
        tpu.enqueue_dma source(%dma_start3A_50 : memref<128xi32, #tpu.memory_space<hbm>>) target(%arg9 : memref<128xi32, #tpu.memory_space<vmem>>) target_semaphore(%run_scoped3A : memref<!tpu.dma_semaphore, #tpu.memory_space<semaphore_mem>>)
        %dma_wait3A_51 = tpu.memref_slice %arg4[%add3A_33] : memref<323584xi32, #tpu.memory_space<hbm>> -> memref<128xi32, #tpu.memory_space<hbm>>
        %dma_wait3A_52 = tpu.memref_slice %arg4[%add3A_33] : memref<323584xi32, #tpu.memory_space<hbm>> -> memref<128xi32, #tpu.memory_space<hbm>>
        tpu.wait_dma2 semaphore(%run_scoped3A : memref<!tpu.dma_semaphore, #tpu.memory_space<semaphore_mem>>) src(%dma_wait3A_52 : memref<128xi32, #tpu.memory_space<hbm>>) dst(%arg9 : memref<128xi32, #tpu.memory_space<vmem>>)
        tpu.yield
      }) : () -> ()
      "tpu.region"() ({
        %run_scoped3A = tpu.sem_alloc : memref<!tpu.dma_semaphore, #tpu.memory_space<semaphore_mem>>
        %dma_start3A_49 = tpu.memref_slice %arg5[%add3A_33] : memref<323584xi32, #tpu.memory_space<hbm>> -> memref<128xi32, #tpu.memory_space<hbm>>
        %dma_start3A_50 = tpu.memref_slice %arg5[%add3A_33] : memref<323584xi32, #tpu.memory_space<hbm>> -> memref<128xi32, #tpu.memory_space<hbm>>
        tpu.enqueue_dma source(%dma_start3A_50 : memref<128xi32, #tpu.memory_space<hbm>>) target(%arg10 : memref<128xi32, #tpu.memory_space<vmem>>) target_semaphore(%run_scoped3A : memref<!tpu.dma_semaphore, #tpu.memory_space<semaphore_mem>>)
        %dma_wait3A_51 = tpu.memref_slice %arg5[%add3A_33] : memref<323584xi32, #tpu.memory_space<hbm>> -> memref<128xi32, #tpu.memory_space<hbm>>
        %dma_wait3A_52 = tpu.memref_slice %arg5[%add3A_33] : memref<323584xi32, #tpu.memory_space<hbm>> -> memref<128xi32, #tpu.memory_space<hbm>>
        tpu.wait_dma2 semaphore(%run_scoped3A : memref<!tpu.dma_semaphore, #tpu.memory_space<semaphore_mem>>) src(%dma_wait3A_52 : memref<128xi32, #tpu.memory_space<hbm>>) dst(%arg10 : memref<128xi32, #tpu.memory_space<vmem>>)
        tpu.yield
      }) : () -> ()
      %dma_start3A = arith.constant 0 : i32
      %dma_start3A_34 = arith.constant 0 : i32
      %dma_start3A_35 = tpu.memref_slice %arg2[%dma_start3A, %dma_start3A_34] : memref<10240x128xf32, #tpu.memory_space<hbm>> -> memref<10240x128xf32, #tpu.memory_space<hbm>>
      tpu.enqueue_indirect_dma source(%dma_start3A_35 : memref<10240x128xf32, #tpu.memory_space<hbm>>) target(%arg11 : memref<128x128xf32, #tpu.memory_space<vmem>>) offsets(%arg9 : memref<128xi32, #tpu.memory_space<vmem>>) semaphore(%arg14 : memref<!tpu.dma_semaphore, #tpu.memory_space<semaphore_mem>>)
      %dma_start3A_36 = arith.constant 0 : i32
      %dma_start3A_37 = arith.constant 0 : i32
      %dma_start3A_38 = tpu.memref_slice %arg3[%dma_start3A_36, %dma_start3A_37] : memref<10240x128xf32, #tpu.memory_space<hbm>> -> memref<10240x128xf32, #tpu.memory_space<hbm>>
      tpu.enqueue_indirect_dma source(%dma_start3A_38 : memref<10240x128xf32, #tpu.memory_space<hbm>>) target(%arg12 : memref<128x128xf32, #tpu.memory_space<vmem>>) offsets(%arg10 : memref<128xi32, #tpu.memory_space<vmem>>) semaphore(%arg15 : memref<!tpu.dma_semaphore, #tpu.memory_space<semaphore_mem>>)
      %dma_wait3A = arith.constant 0 : i32
      %dma_wait3A_39 = arith.constant 0 : i32
      %dma_wait3A_40 = tpu.memref_slice %arg2[%dma_wait3A, %dma_wait3A_39] : memref<10240x128xf32, #tpu.memory_space<hbm>> -> memref<10240x128xf32, #tpu.memory_space<hbm>>
      tpu.wait_indirect_dma semaphore(%arg14 : memref<!tpu.dma_semaphore, #tpu.memory_space<semaphore_mem>>) src(%dma_wait3A_40 : memref<10240x128xf32, #tpu.memory_space<hbm>>) dst(%arg11 : memref<128x128xf32, #tpu.memory_space<vmem>>)
      %dma_wait3A_41 = arith.constant 0 : i32
      %dma_wait3A_42 = arith.constant 0 : i32
      %dma_wait3A_43 = tpu.memref_slice %arg3[%dma_wait3A_41, %dma_wait3A_42] : memref<10240x128xf32, #tpu.memory_space<hbm>> -> memref<10240x128xf32, #tpu.memory_space<hbm>>
      tpu.wait_indirect_dma semaphore(%arg15 : memref<!tpu.dma_semaphore, #tpu.memory_space<semaphore_mem>>) src(%dma_wait3A_43 : memref<10240x128xf32, #tpu.memory_space<hbm>>) dst(%arg12 : memref<128x128xf32, #tpu.memory_space<vmem>>)
      %scan3A_44 = arith.constant 0 : i32
      %scan3A_45 = arith.constant 128 : i32
      %scan3A_46 = arith.addi %scan3A_44, %scan3A_45 : i32
      %scan3A_47 = arith.constant 1 : i32
      scf.for %scan3A_49 = %scan3A_44 to %scan3A_46 step %scan3A_47  : i32 {
        %mul3A_50 = arith.constant 1 : i32
        %mul3A_51 = arith.muli %scan3A_49, %mul3A_50 : i32
        %add3A_52 = arith.constant 0 : i32
        %add3A_53 = arith.addi %add3A_52, %mul3A_51 : i32
        %get3A = arith.index_cast %add3A_53 : i32 to index
        %get3A_54 = arith.constant 0 : index
        %get3A_55 = tpu.vector_load %arg11[%get3A, %get3A_54] {strides = array<i32>} : memref<128x128xf32, #tpu.memory_space<vmem>>, vector<1x16xf32>,
        %get3A_56 = vector.shape_cast %get3A_55 : vector<1x16xf32> to vector<16xf32>
        %get3A_57 = arith.index_cast %add3A_53 : i32 to index
        %get3A_58 = arith.constant 0 : index
        %get3A_59 = tpu.vector_load %arg12[%get3A_57, %get3A_58] {strides = array<i32>} : memref<128x128xf32, #tpu.memory_space<vmem>>, vector<1x16xf32>,
        %get3A_60 = vector.shape_cast %get3A_59 : vector<1x16xf32> to vector<16xf32>
        %add3A_61 = arith.addf %get3A_56, %get3A_60 : vector<16xf32>
        %min3A = arith.constant 0.000000e+00 : f32
        %min3A_62 = vector.broadcast %min3A : f32 to vector<16xf32>
        %min3A_63 = arith.minimumf %add3A_61, %min3A_62 : vector<16xf32>
        %max3A = arith.constant -1.750000e+01 : f32
        %max3A_64 = vector.broadcast %max3A : f32 to vector<16xf32>
        %max3A_65 = arith.maximumf %min3A_63, %max3A_64 : vector<16xf32>
        %mul3A_66 = arith.constant 3.125000e-02 : f32
        %mul3A_67 = vector.broadcast %mul3A_66 : f32 to vector<16xf32>
        %mul3A_68 = arith.mulf %max3A_65, %mul3A_67 : vector<16xf32>
        %mul3A_69 = arith.constant 2.48015876E-5 : f32
        %mul3A_70 = vector.broadcast %mul3A_69 : f32 to vector<16xf32>
        %mul3A_71 = arith.mulf %mul3A_68, %mul3A_70 : vector<16xf32>
        %add3A_72 = arith.constant 1.98412701E-4 : f32
        %add3A_73 = vector.broadcast %add3A_72 : f32 to vector<16xf32>
        %add3A_74 = arith.addf %mul3A_71, %add3A_73 : vector<16xf32>
        %mul3A_75 = arith.mulf %add3A_74, %mul3A_68 : vector<16xf32>
        %add3A_76 = arith.constant 0.00138888892 : f32
        %add3A_77 = vector.broadcast %add3A_76 : f32 to vector<16xf32>
        %add3A_78 = arith.addf %mul3A_75, %add3A_77 : vector<16xf32>
        %mul3A_79 = arith.mulf %add3A_78, %mul3A_68 : vector<16xf32>
        %add3A_80 = arith.constant 0.00833333377 : f32
        %add3A_81 = vector.broadcast %add3A_80 : f32 to vector<16xf32>
        %add3A_82 = arith.addf %mul3A_79, %add3A_81 : vector<16xf32>
        %mul3A_83 = arith.mulf %add3A_82, %mul3A_68 : vector<16xf32>
        %add3A_84 = arith.constant 0.0416666679 : f32
        %add3A_85 = vector.broadcast %add3A_84 : f32 to vector<16xf32>
        %add3A_86 = arith.addf %mul3A_83, %add3A_85 : vector<16xf32>
        %mul3A_87 = arith.mulf %add3A_86, %mul3A_68 : vector<16xf32>
        %add3A_88 = arith.constant 0.166666672 : f32
        %add3A_89 = vector.broadcast %add3A_88 : f32 to vector<16xf32>
        %add3A_90 = arith.addf %mul3A_87, %add3A_89 : vector<16xf32>
        %mul3A_91 = arith.mulf %add3A_90, %mul3A_68 : vector<16xf32>
        %add3A_92 = arith.constant 5.000000e-01 : f32
        %add3A_93 = vector.broadcast %add3A_92 : f32 to vector<16xf32>
        %add3A_94 = arith.addf %mul3A_91, %add3A_93 : vector<16xf32>
        %mul3A_95 = arith.mulf %add3A_94, %mul3A_68 : vector<16xf32>
        %add3A_96 = arith.constant 1.000000e+00 : f32
        %add3A_97 = vector.broadcast %add3A_96 : f32 to vector<16xf32>
        %add3A_98 = arith.addf %mul3A_95, %add3A_97 : vector<16xf32>
        %mul3A_99 = arith.mulf %add3A_98, %mul3A_68 : vector<16xf32>
        %add3A_100 = arith.constant 1.000000e+00 : f32
        %add3A_101 = vector.broadcast %add3A_100 : f32 to vector<16xf32>
        %add3A_102 = arith.addf %mul3A_99, %add3A_101 : vector<16xf32>
        %mul3A_103 = arith.mulf %add3A_102, %add3A_102 : vector<16xf32>
        %mul3A_104 = arith.mulf %mul3A_103, %mul3A_103 : vector<16xf32>
        %mul3A_105 = arith.mulf %mul3A_104, %mul3A_104 : vector<16xf32>
        %mul3A_106 = arith.mulf %mul3A_105, %mul3A_105 : vector<16xf32>
        %mul3A_107 = arith.mulf %mul3A_106, %mul3A_106 : vector<16xf32>
        %gt3A = arith.constant 0.000000e+00 : f32
        %gt3A_108 = vector.broadcast %gt3A : f32 to vector<16xf32>
        %gt3A_109 = arith.cmpf ogt, %add3A_61, %gt3A_108 : vector<16xf32>
        %mul3A_110 = arith.constant 1.05070102 : f32
        %mul3A_111 = vector.broadcast %mul3A_110 : f32 to vector<16xf32>
        %mul3A_112 = arith.mulf %mul3A_111, %add3A_61 : vector<16xf32>
        %mul3A_113 = arith.constant 1.75809932 : f32
        %mul3A_114 = vector.broadcast %mul3A_113 : f32 to vector<16xf32>
        %mul3A_115 = arith.mulf %mul3A_114, %mul3A_107 : vector<16xf32>
        %sub3A = arith.constant 1.75809932 : f32
        %sub3A_116 = vector.broadcast %sub3A : f32 to vector<16xf32>
        %sub3A_117 = arith.subf %mul3A_115, %sub3A_116 : vector<16xf32>
        %select_n3A = arith.select %gt3A_109, %mul3A_112, %sub3A_117 : vector<16xi1>, vector<16xf32>
        %swap3A = arith.index_cast %add3A_53 : i32 to index
        %swap3A_118 = arith.constant 0 : index
        %swap3A_119 = tpu.vector_load %arg11[%swap3A, %swap3A_118] {strides = array<i32>} : memref<128x128xf32, #tpu.memory_space<vmem>>, vector<1x16xf32>,
        %swap3A_120 = vector.shape_cast %swap3A_119 : vector<1x16xf32> to vector<16xf32>
        %swap3A_121 = vector.shape_cast %select_n3A : vector<16xf32> to vector<1x16xf32>
        tpu.vector_store %arg11[%swap3A, %swap3A_118], %swap3A_121 {strides = array<i32>} : memref<128x128xf32, #tpu.memory_space<vmem>>, vector<1x16xf32>,
        %get3A_122 = arith.index_cast %add3A_53 : i32 to index
        %get3A_123 = arith.constant 16 : index
        %get3A_124 = tpu.vector_load %arg11[%get3A_122, %get3A_123] {strides = array<i32>} : memref<128x128xf32, #tpu.memory_space<vmem>>, vector<1x16xf32>,
        %get3A_125 = vector.shape_cast %get3A_124 : vector<1x16xf32> to vector<16xf32>
        %get3A_126 = arith.index_cast %add3A_53 : i32 to index
        %get3A_127 = arith.constant 16 : index
        %get3A_128 = tpu.vector_load %arg12[%get3A_126, %get3A_127] {strides = array<i32>} : memref<128x128xf32, #tpu.memory_space<vmem>>, vector<1x16xf32>,
        %get3A_129 = vector.shape_cast %get3A_128 : vector<1x16xf32> to vector<16xf32>
        %add3A_130 = arith.addf %get3A_125, %get3A_129 : vector<16xf32>
        %min3A_131 = arith.constant 0.000000e+00 : f32
        %min3A_132 = vector.broadcast %min3A_131 : f32 to vector<16xf32>
        %min3A_133 = arith.minimumf %add3A_130, %min3A_132 : vector<16xf32>
        %max3A_134 = arith.constant -1.750000e+01 : f32
        %max3A_135 = vector.broadcast %max3A_134 : f32 to vector<16xf32>
        %max3A_136 = arith.maximumf %min3A_133, %max3A_135 : vector<16xf32>
        %mul3A_137 = arith.constant 3.125000e-02 : f32
        %mul3A_138 = vector.broadcast %mul3A_137 : f32 to vector<16xf32>
        %mul3A_139 = arith.mulf %max3A_136, %mul3A_138 : vector<16xf32>
        %mul3A_140 = arith.constant 2.48015876E-5 : f32
        %mul3A_141 = vector.broadcast %mul3A_140 : f32 to vector<16xf32>
        %mul3A_142 = arith.mulf %mul3A_139, %mul3A_141 : vector<16xf32>
        %add3A_143 = arith.constant 1.98412701E-4 : f32
        %add3A_144 = vector.broadcast %add3A_143 : f32 to vector<16xf32>
        %add3A_145 = arith.addf %mul3A_142, %add3A_144 : vector<16xf32>
        %mul3A_146 = arith.mulf %add3A_145, %mul3A_139 : vector<16xf32>
        %add3A_147 = arith.constant 0.00138888892 : f32
        %add3A_148 = vector.broadcast %add3A_147 : f32 to vector<16xf32>
        %add3A_149 = arith.addf %mul3A_146, %add3A_148 : vector<16xf32>
        %mul3A_150 = arith.mulf %add3A_149, %mul3A_139 : vector<16xf32>
        %add3A_151 = arith.constant 0.00833333377 : f32
        %add3A_152 = vector.broadcast %add3A_151 : f32 to vector<16xf32>
        %add3A_153 = arith.addf %mul3A_150, %add3A_152 : vector<16xf32>
        %mul3A_154 = arith.mulf %add3A_153, %mul3A_139 : vector<16xf32>
        %add3A_155 = arith.constant 0.0416666679 : f32
        %add3A_156 = vector.broadcast %add3A_155 : f32 to vector<16xf32>
        %add3A_157 = arith.addf %mul3A_154, %add3A_156 : vector<16xf32>
        %mul3A_158 = arith.mulf %add3A_157, %mul3A_139 : vector<16xf32>
        %add3A_159 = arith.constant 0.166666672 : f32
        %add3A_160 = vector.broadcast %add3A_159 : f32 to vector<16xf32>
        %add3A_161 = arith.addf %mul3A_158, %add3A_160 : vector<16xf32>
        %mul3A_162 = arith.mulf %add3A_161, %mul3A_139 : vector<16xf32>
        %add3A_163 = arith.constant 5.000000e-01 : f32
        %add3A_164 = vector.broadcast %add3A_163 : f32 to vector<16xf32>
        %add3A_165 = arith.addf %mul3A_162, %add3A_164 : vector<16xf32>
        %mul3A_166 = arith.mulf %add3A_165, %mul3A_139 : vector<16xf32>
        %add3A_167 = arith.constant 1.000000e+00 : f32
        %add3A_168 = vector.broadcast %add3A_167 : f32 to vector<16xf32>
        %add3A_169 = arith.addf %mul3A_166, %add3A_168 : vector<16xf32>
        %mul3A_170 = arith.mulf %add3A_169, %mul3A_139 : vector<16xf32>
        %add3A_171 = arith.constant 1.000000e+00 : f32
        %add3A_172 = vector.broadcast %add3A_171 : f32 to vector<16xf32>
        %add3A_173 = arith.addf %mul3A_170, %add3A_172 : vector<16xf32>
        %mul3A_174 = arith.mulf %add3A_173, %add3A_173 : vector<16xf32>
        %mul3A_175 = arith.mulf %mul3A_174, %mul3A_174 : vector<16xf32>
        %mul3A_176 = arith.mulf %mul3A_175, %mul3A_175 : vector<16xf32>
        %mul3A_177 = arith.mulf %mul3A_176, %mul3A_176 : vector<16xf32>
        %mul3A_178 = arith.mulf %mul3A_177, %mul3A_177 : vector<16xf32>
        %gt3A_179 = arith.constant 0.000000e+00 : f32
        %gt3A_180 = vector.broadcast %gt3A_179 : f32 to vector<16xf32>
        %gt3A_181 = arith.cmpf ogt, %add3A_130, %gt3A_180 : vector<16xf32>
        %mul3A_182 = arith.constant 1.05070102 : f32
        %mul3A_183 = vector.broadcast %mul3A_182 : f32 to vector<16xf32>
        %mul3A_184 = arith.mulf %mul3A_183, %add3A_130 : vector<16xf32>
        %mul3A_185 = arith.constant 1.75809932 : f32
        %mul3A_186 = vector.broadcast %mul3A_185 : f32 to vector<16xf32>
        %mul3A_187 = arith.mulf %mul3A_186, %mul3A_178 : vector<16xf32>
        %sub3A_188 = arith.constant 1.75809932 : f32
        %sub3A_189 = vector.broadcast %sub3A_188 : f32 to vector<16xf32>
        %sub3A_190 = arith.subf %mul3A_187, %sub3A_189 : vector<16xf32>
        %select_n3A_191 = arith.select %gt3A_181, %mul3A_184, %sub3A_190 : vector<16xi1>, vector<16xf32>
        %swap3A_192 = arith.index_cast %add3A_53 : i32 to index
        %swap3A_193 = arith.constant 16 : index
        %swap3A_194 = tpu.vector_load %arg11[%swap3A_192, %swap3A_193] {strides = array<i32>} : memref<128x128xf32, #tpu.memory_space<vmem>>, vector<1x16xf32>,
        %swap3A_195 = vector.shape_cast %swap3A_194 : vector<1x16xf32> to vector<16xf32>
        %swap3A_196 = vector.shape_cast %select_n3A_191 : vector<16xf32> to vector<1x16xf32>
        tpu.vector_store %arg11[%swap3A_192, %swap3A_193], %swap3A_196 {strides = array<i32>} : memref<128x128xf32, #tpu.memory_space<vmem>>, vector<1x16xf32>,
        %get3A_197 = arith.index_cast %add3A_53 : i32 to index
        %get3A_198 = arith.constant 32 : index
        %get3A_199 = tpu.vector_load %arg11[%get3A_197, %get3A_198] {strides = array<i32>} : memref<128x128xf32, #tpu.memory_space<vmem>>, vector<1x16xf32>,
        %get3A_200 = vector.shape_cast %get3A_199 : vector<1x16xf32> to vector<16xf32>
        %get3A_201 = arith.index_cast %add3A_53 : i32 to index
        %get3A_202 = arith.constant 32 : index
        %get3A_203 = tpu.vector_load %arg12[%get3A_201, %get3A_202] {strides = array<i32>} : memref<128x128xf32, #tpu.memory_space<vmem>>, vector<1x16xf32>,
        %get3A_204 = vector.shape_cast %get3A_203 : vector<1x16xf32> to vector<16xf32>
        %add3A_205 = arith.addf %get3A_200, %get3A_204 : vector<16xf32>
        %min3A_206 = arith.constant 0.000000e+00 : f32
        %min3A_207 = vector.broadcast %min3A_206 : f32 to vector<16xf32>
        %min3A_208 = arith.minimumf %add3A_205, %min3A_207 : vector<16xf32>
        %max3A_209 = arith.constant -1.750000e+01 : f32
        %max3A_210 = vector.broadcast %max3A_209 : f32 to vector<16xf32>
        %max3A_211 = arith.maximumf %min3A_208, %max3A_210 : vector<16xf32>
        %mul3A_212 = arith.constant 3.125000e-02 : f32
        %mul3A_213 = vector.broadcast %mul3A_212 : f32 to vector<16xf32>
        %mul3A_214 = arith.mulf %max3A_211, %mul3A_213 : vector<16xf32>
        %mul3A_215 = arith.constant 2.48015876E-5 : f32
        %mul3A_216 = vector.broadcast %mul3A_215 : f32 to vector<16xf32>
        %mul3A_217 = arith.mulf %mul3A_214, %mul3A_216 : vector<16xf32>
        %add3A_218 = arith.constant 1.98412701E-4 : f32
        %add3A_219 = vector.broadcast %add3A_218 : f32 to vector<16xf32>
        %add3A_220 = arith.addf %mul3A_217, %add3A_219 : vector<16xf32>
        %mul3A_221 = arith.mulf %add3A_220, %mul3A_214 : vector<16xf32>
        %add3A_222 = arith.constant 0.00138888892 : f32
        %add3A_223 = vector.broadcast %add3A_222 : f32 to vector<16xf32>
        %add3A_224 = arith.addf %mul3A_221, %add3A_223 : vector<16xf32>
        %mul3A_225 = arith.mulf %add3A_224, %mul3A_214 : vector<16xf32>
        %add3A_226 = arith.constant 0.00833333377 : f32
        %add3A_227 = vector.broadcast %add3A_226 : f32 to vector<16xf32>
        %add3A_228 = arith.addf %mul3A_225, %add3A_227 : vector<16xf32>
        %mul3A_229 = arith.mulf %add3A_228, %mul3A_214 : vector<16xf32>
        %add3A_230 = arith.constant 0.0416666679 : f32
        %add3A_231 = vector.broadcast %add3A_230 : f32 to vector<16xf32>
        %add3A_232 = arith.addf %mul3A_229, %add3A_231 : vector<16xf32>
        %mul3A_233 = arith.mulf %add3A_232, %mul3A_214 : vector<16xf32>
        %add3A_234 = arith.constant 0.166666672 : f32
        %add3A_235 = vector.broadcast %add3A_234 : f32 to vector<16xf32>
        %add3A_236 = arith.addf %mul3A_233, %add3A_235 : vector<16xf32>
        %mul3A_237 = arith.mulf %add3A_236, %mul3A_214 : vector<16xf32>
        %add3A_238 = arith.constant 5.000000e-01 : f32
        %add3A_239 = vector.broadcast %add3A_238 : f32 to vector<16xf32>
        %add3A_240 = arith.addf %mul3A_237, %add3A_239 : vector<16xf32>
        %mul3A_241 = arith.mulf %add3A_240, %mul3A_214 : vector<16xf32>
        %add3A_242 = arith.constant 1.000000e+00 : f32
        %add3A_243 = vector.broadcast %add3A_242 : f32 to vector<16xf32>
        %add3A_244 = arith.addf %mul3A_241, %add3A_243 : vector<16xf32>
        %mul3A_245 = arith.mulf %add3A_244, %mul3A_214 : vector<16xf32>
        %add3A_246 = arith.constant 1.000000e+00 : f32
        %add3A_247 = vector.broadcast %add3A_246 : f32 to vector<16xf32>
        %add3A_248 = arith.addf %mul3A_245, %add3A_247 : vector<16xf32>
        %mul3A_249 = arith.mulf %add3A_248, %add3A_248 : vector<16xf32>
        %mul3A_250 = arith.mulf %mul3A_249, %mul3A_249 : vector<16xf32>
        %mul3A_251 = arith.mulf %mul3A_250, %mul3A_250 : vector<16xf32>
        %mul3A_252 = arith.mulf %mul3A_251, %mul3A_251 : vector<16xf32>
        %mul3A_253 = arith.mulf %mul3A_252, %mul3A_252 : vector<16xf32>
        %gt3A_254 = arith.constant 0.000000e+00 : f32
        %gt3A_255 = vector.broadcast %gt3A_254 : f32 to vector<16xf32>
        %gt3A_256 = arith.cmpf ogt, %add3A_205, %gt3A_255 : vector<16xf32>
        %mul3A_257 = arith.constant 1.05070102 : f32
        %mul3A_258 = vector.broadcast %mul3A_257 : f32 to vector<16xf32>
        %mul3A_259 = arith.mulf %mul3A_258, %add3A_205 : vector<16xf32>
        %mul3A_260 = arith.constant 1.75809932 : f32
        %mul3A_261 = vector.broadcast %mul3A_260 : f32 to vector<16xf32>
        %mul3A_262 = arith.mulf %mul3A_261, %mul3A_253 : vector<16xf32>
        %sub3A_263 = arith.constant 1.75809932 : f32
        %sub3A_264 = vector.broadcast %sub3A_263 : f32 to vector<16xf32>
        %sub3A_265 = arith.subf %mul3A_262, %sub3A_264 : vector<16xf32>
        %select_n3A_266 = arith.select %gt3A_256, %mul3A_259, %sub3A_265 : vector<16xi1>, vector<16xf32>
        %swap3A_267 = arith.index_cast %add3A_53 : i32 to index
        %swap3A_268 = arith.constant 32 : index
        %swap3A_269 = tpu.vector_load %arg11[%swap3A_267, %swap3A_268] {strides = array<i32>} : memref<128x128xf32, #tpu.memory_space<vmem>>, vector<1x16xf32>,
        %swap3A_270 = vector.shape_cast %swap3A_269 : vector<1x16xf32> to vector<16xf32>
        %swap3A_271 = vector.shape_cast %select_n3A_266 : vector<16xf32> to vector<1x16xf32>
        tpu.vector_store %arg11[%swap3A_267, %swap3A_268], %swap3A_271 {strides = array<i32>} : memref<128x128xf32, #tpu.memory_space<vmem>>, vector<1x16xf32>,
        %get3A_272 = arith.index_cast %add3A_53 : i32 to index
        %get3A_273 = arith.constant 48 : index
        %get3A_274 = tpu.vector_load %arg11[%get3A_272, %get3A_273] {strides = array<i32>} : memref<128x128xf32, #tpu.memory_space<vmem>>, vector<1x16xf32>,
        %get3A_275 = vector.shape_cast %get3A_274 : vector<1x16xf32> to vector<16xf32>
        %get3A_276 = arith.index_cast %add3A_53 : i32 to index
        %get3A_277 = arith.constant 48 : index
        %get3A_278 = tpu.vector_load %arg12[%get3A_276, %get3A_277] {strides = array<i32>} : memref<128x128xf32, #tpu.memory_space<vmem>>, vector<1x16xf32>,
        %get3A_279 = vector.shape_cast %get3A_278 : vector<1x16xf32> to vector<16xf32>
        %add3A_280 = arith.addf %get3A_275, %get3A_279 : vector<16xf32>
        %min3A_281 = arith.constant 0.000000e+00 : f32
        %min3A_282 = vector.broadcast %min3A_281 : f32 to vector<16xf32>
        %min3A_283 = arith.minimumf %add3A_280, %min3A_282 : vector<16xf32>
        %max3A_284 = arith.constant -1.750000e+01 : f32
        %max3A_285 = vector.broadcast %max3A_284 : f32 to vector<16xf32>
        %max3A_286 = arith.maximumf %min3A_283, %max3A_285 : vector<16xf32>
        %mul3A_287 = arith.constant 3.125000e-02 : f32
        %mul3A_288 = vector.broadcast %mul3A_287 : f32 to vector<16xf32>
        %mul3A_289 = arith.mulf %max3A_286, %mul3A_288 : vector<16xf32>
        %mul3A_290 = arith.constant 2.48015876E-5 : f32
        %mul3A_291 = vector.broadcast %mul3A_290 : f32 to vector<16xf32>
        %mul3A_292 = arith.mulf %mul3A_289, %mul3A_291 : vector<16xf32>
        %add3A_293 = arith.constant 1.98412701E-4 : f32
        %add3A_294 = vector.broadcast %add3A_293 : f32 to vector<16xf32>
        %add3A_295 = arith.addf %mul3A_292, %add3A_294 : vector<16xf32>
        %mul3A_296 = arith.mulf %add3A_295, %mul3A_289 : vector<16xf32>
        %add3A_297 = arith.constant 0.00138888892 : f32
        %add3A_298 = vector.broadcast %add3A_297 : f32 to vector<16xf32>
        %add3A_299 = arith.addf %mul3A_296, %add3A_298 : vector<16xf32>
        %mul3A_300 = arith.mulf %add3A_299, %mul3A_289 : vector<16xf32>
        %add3A_301 = arith.constant 0.00833333377 : f32
        %add3A_302 = vector.broadcast %add3A_301 : f32 to vector<16xf32>
        %add3A_303 = arith.addf %mul3A_300, %add3A_302 : vector<16xf32>
        %mul3A_304 = arith.mulf %add3A_303, %mul3A_289 : vector<16xf32>
        %add3A_305 = arith.constant 0.0416666679 : f32
        %add3A_306 = vector.broadcast %add3A_305 : f32 to vector<16xf32>
        %add3A_307 = arith.addf %mul3A_304, %add3A_306 : vector<16xf32>
        %mul3A_308 = arith.mulf %add3A_307, %mul3A_289 : vector<16xf32>
        %add3A_309 = arith.constant 0.166666672 : f32
        %add3A_310 = vector.broadcast %add3A_309 : f32 to vector<16xf32>
        %add3A_311 = arith.addf %mul3A_308, %add3A_310 : vector<16xf32>
        %mul3A_312 = arith.mulf %add3A_311, %mul3A_289 : vector<16xf32>
        %add3A_313 = arith.constant 5.000000e-01 : f32
        %add3A_314 = vector.broadcast %add3A_313 : f32 to vector<16xf32>
        %add3A_315 = arith.addf %mul3A_312, %add3A_314 : vector<16xf32>
        %mul3A_316 = arith.mulf %add3A_315, %mul3A_289 : vector<16xf32>
        %add3A_317 = arith.constant 1.000000e+00 : f32
        %add3A_318 = vector.broadcast %add3A_317 : f32 to vector<16xf32>
        %add3A_319 = arith.addf %mul3A_316, %add3A_318 : vector<16xf32>
        %mul3A_320 = arith.mulf %add3A_319, %mul3A_289 : vector<16xf32>
        %add3A_321 = arith.constant 1.000000e+00 : f32
        %add3A_322 = vector.broadcast %add3A_321 : f32 to vector<16xf32>
        %add3A_323 = arith.addf %mul3A_320, %add3A_322 : vector<16xf32>
        %mul3A_324 = arith.mulf %add3A_323, %add3A_323 : vector<16xf32>
        %mul3A_325 = arith.mulf %mul3A_324, %mul3A_324 : vector<16xf32>
        %mul3A_326 = arith.mulf %mul3A_325, %mul3A_325 : vector<16xf32>
        %mul3A_327 = arith.mulf %mul3A_326, %mul3A_326 : vector<16xf32>
        %mul3A_328 = arith.mulf %mul3A_327, %mul3A_327 : vector<16xf32>
        %gt3A_329 = arith.constant 0.000000e+00 : f32
        %gt3A_330 = vector.broadcast %gt3A_329 : f32 to vector<16xf32>
        %gt3A_331 = arith.cmpf ogt, %add3A_280, %gt3A_330 : vector<16xf32>
        %mul3A_332 = arith.constant 1.05070102 : f32
        %mul3A_333 = vector.broadcast %mul3A_332 : f32 to vector<16xf32>
        %mul3A_334 = arith.mulf %mul3A_333, %add3A_280 : vector<16xf32>
        %mul3A_335 = arith.constant 1.75809932 : f32
        %mul3A_336 = vector.broadcast %mul3A_335 : f32 to vector<16xf32>
        %mul3A_337 = arith.mulf %mul3A_336, %mul3A_328 : vector<16xf32>
        %sub3A_338 = arith.constant 1.75809932 : f32
        %sub3A_339 = vector.broadcast %sub3A_338 : f32 to vector<16xf32>
        %sub3A_340 = arith.subf %mul3A_337, %sub3A_339 : vector<16xf32>
        %select_n3A_341 = arith.select %gt3A_331, %mul3A_334, %sub3A_340 : vector<16xi1>, vector<16xf32>
        %swap3A_342 = arith.index_cast %add3A_53 : i32 to index
        %swap3A_343 = arith.constant 48 : index
        %swap3A_344 = tpu.vector_load %arg11[%swap3A_342, %swap3A_343] {strides = array<i32>} : memref<128x128xf32, #tpu.memory_space<vmem>>, vector<1x16xf32>,
        %swap3A_345 = vector.shape_cast %swap3A_344 : vector<1x16xf32> to vector<16xf32>
        %swap3A_346 = vector.shape_cast %select_n3A_341 : vector<16xf32> to vector<1x16xf32>
        tpu.vector_store %arg11[%swap3A_342, %swap3A_343], %swap3A_346 {strides = array<i32>} : memref<128x128xf32, #tpu.memory_space<vmem>>, vector<1x16xf32>,
        %get3A_347 = arith.index_cast %add3A_53 : i32 to index
        %get3A_348 = arith.constant 64 : index
        %get3A_349 = tpu.vector_load %arg11[%get3A_347, %get3A_348] {strides = array<i32>} : memref<128x128xf32, #tpu.memory_space<vmem>>, vector<1x16xf32>,
        %get3A_350 = vector.shape_cast %get3A_349 : vector<1x16xf32> to vector<16xf32>
        %get3A_351 = arith.index_cast %add3A_53 : i32 to index
        %get3A_352 = arith.constant 64 : index
        %get3A_353 = tpu.vector_load %arg12[%get3A_351, %get3A_352] {strides = array<i32>} : memref<128x128xf32, #tpu.memory_space<vmem>>, vector<1x16xf32>,
        %get3A_354 = vector.shape_cast %get3A_353 : vector<1x16xf32> to vector<16xf32>
        %add3A_355 = arith.addf %get3A_350, %get3A_354 : vector<16xf32>
        %min3A_356 = arith.constant 0.000000e+00 : f32
        %min3A_357 = vector.broadcast %min3A_356 : f32 to vector<16xf32>
        %min3A_358 = arith.minimumf %add3A_355, %min3A_357 : vector<16xf32>
        %max3A_359 = arith.constant -1.750000e+01 : f32
        %max3A_360 = vector.broadcast %max3A_359 : f32 to vector<16xf32>
        %max3A_361 = arith.maximumf %min3A_358, %max3A_360 : vector<16xf32>
        %mul3A_362 = arith.constant 3.125000e-02 : f32
        %mul3A_363 = vector.broadcast %mul3A_362 : f32 to vector<16xf32>
        %mul3A_364 = arith.mulf %max3A_361, %mul3A_363 : vector<16xf32>
        %mul3A_365 = arith.constant 2.48015876E-5 : f32
        %mul3A_366 = vector.broadcast %mul3A_365 : f32 to vector<16xf32>
        %mul3A_367 = arith.mulf %mul3A_364, %mul3A_366 : vector<16xf32>
        %add3A_368 = arith.constant 1.98412701E-4 : f32
        %add3A_369 = vector.broadcast %add3A_368 : f32 to vector<16xf32>
        %add3A_370 = arith.addf %mul3A_367, %add3A_369 : vector<16xf32>
        %mul3A_371 = arith.mulf %add3A_370, %mul3A_364 : vector<16xf32>
        %add3A_372 = arith.constant 0.00138888892 : f32
        %add3A_373 = vector.broadcast %add3A_372 : f32 to vector<16xf32>
        %add3A_374 = arith.addf %mul3A_371, %add3A_373 : vector<16xf32>
        %mul3A_375 = arith.mulf %add3A_374, %mul3A_364 : vector<16xf32>
        %add3A_376 = arith.constant 0.00833333377 : f32
        %add3A_377 = vector.broadcast %add3A_376 : f32 to vector<16xf32>
        %add3A_378 = arith.addf %mul3A_375, %add3A_377 : vector<16xf32>
        %mul3A_379 = arith.mulf %add3A_378, %mul3A_364 : vector<16xf32>
        %add3A_380 = arith.constant 0.0416666679 : f32
        %add3A_381 = vector.broadcast %add3A_380 : f32 to vector<16xf32>
        %add3A_382 = arith.addf %mul3A_379, %add3A_381 : vector<16xf32>
        %mul3A_383 = arith.mulf %add3A_382, %mul3A_364 : vector<16xf32>
        %add3A_384 = arith.constant 0.166666672 : f32
        %add3A_385 = vector.broadcast %add3A_384 : f32 to vector<16xf32>
        %add3A_386 = arith.addf %mul3A_383, %add3A_385 : vector<16xf32>
        %mul3A_387 = arith.mulf %add3A_386, %mul3A_364 : vector<16xf32>
        %add3A_388 = arith.constant 5.000000e-01 : f32
        %add3A_389 = vector.broadcast %add3A_388 : f32 to vector<16xf32>
        %add3A_390 = arith.addf %mul3A_387, %add3A_389 : vector<16xf32>
        %mul3A_391 = arith.mulf %add3A_390, %mul3A_364 : vector<16xf32>
        %add3A_392 = arith.constant 1.000000e+00 : f32
        %add3A_393 = vector.broadcast %add3A_392 : f32 to vector<16xf32>
        %add3A_394 = arith.addf %mul3A_391, %add3A_393 : vector<16xf32>
        %mul3A_395 = arith.mulf %add3A_394, %mul3A_364 : vector<16xf32>
        %add3A_396 = arith.constant 1.000000e+00 : f32
        %add3A_397 = vector.broadcast %add3A_396 : f32 to vector<16xf32>
        %add3A_398 = arith.addf %mul3A_395, %add3A_397 : vector<16xf32>
        %mul3A_399 = arith.mulf %add3A_398, %add3A_398 : vector<16xf32>
        %mul3A_400 = arith.mulf %mul3A_399, %mul3A_399 : vector<16xf32>
        %mul3A_401 = arith.mulf %mul3A_400, %mul3A_400 : vector<16xf32>
        %mul3A_402 = arith.mulf %mul3A_401, %mul3A_401 : vector<16xf32>
        %mul3A_403 = arith.mulf %mul3A_402, %mul3A_402 : vector<16xf32>
        %gt3A_404 = arith.constant 0.000000e+00 : f32
        %gt3A_405 = vector.broadcast %gt3A_404 : f32 to vector<16xf32>
        %gt3A_406 = arith.cmpf ogt, %add3A_355, %gt3A_405 : vector<16xf32>
        %mul3A_407 = arith.constant 1.05070102 : f32
        %mul3A_408 = vector.broadcast %mul3A_407 : f32 to vector<16xf32>
        %mul3A_409 = arith.mulf %mul3A_408, %add3A_355 : vector<16xf32>
        %mul3A_410 = arith.constant 1.75809932 : f32
        %mul3A_411 = vector.broadcast %mul3A_410 : f32 to vector<16xf32>
        %mul3A_412 = arith.mulf %mul3A_411, %mul3A_403 : vector<16xf32>
        %sub3A_413 = arith.constant 1.75809932 : f32
        %sub3A_414 = vector.broadcast %sub3A_413 : f32 to vector<16xf32>
        %sub3A_415 = arith.subf %mul3A_412, %sub3A_414 : vector<16xf32>
        %select_n3A_416 = arith.select %gt3A_406, %mul3A_409, %sub3A_415 : vector<16xi1>, vector<16xf32>
        %swap3A_417 = arith.index_cast %add3A_53 : i32 to index
        %swap3A_418 = arith.constant 64 : index
        %swap3A_419 = tpu.vector_load %arg11[%swap3A_417, %swap3A_418] {strides = array<i32>} : memref<128x128xf32, #tpu.memory_space<vmem>>, vector<1x16xf32>,
        %swap3A_420 = vector.shape_cast %swap3A_419 : vector<1x16xf32> to vector<16xf32>
        %swap3A_421 = vector.shape_cast %select_n3A_416 : vector<16xf32> to vector<1x16xf32>
        tpu.vector_store %arg11[%swap3A_417, %swap3A_418], %swap3A_421 {strides = array<i32>} : memref<128x128xf32, #tpu.memory_space<vmem>>, vector<1x16xf32>,
        %get3A_422 = arith.index_cast %add3A_53 : i32 to index
        %get3A_423 = arith.constant 80 : index
        %get3A_424 = tpu.vector_load %arg11[%get3A_422, %get3A_423] {strides = array<i32>} : memref<128x128xf32, #tpu.memory_space<vmem>>, vector<1x16xf32>,
        %get3A_425 = vector.shape_cast %get3A_424 : vector<1x16xf32> to vector<16xf32>
        %get3A_426 = arith.index_cast %add3A_53 : i32 to index
        %get3A_427 = arith.constant 80 : index
        %get3A_428 = tpu.vector_load %arg12[%get3A_426, %get3A_427] {strides = array<i32>} : memref<128x128xf32, #tpu.memory_space<vmem>>, vector<1x16xf32>,
        %get3A_429 = vector.shape_cast %get3A_428 : vector<1x16xf32> to vector<16xf32>
        %add3A_430 = arith.addf %get3A_425, %get3A_429 : vector<16xf32>
        %min3A_431 = arith.constant 0.000000e+00 : f32
        %min3A_432 = vector.broadcast %min3A_431 : f32 to vector<16xf32>
        %min3A_433 = arith.minimumf %add3A_430, %min3A_432 : vector<16xf32>
        %max3A_434 = arith.constant -1.750000e+01 : f32
        %max3A_435 = vector.broadcast %max3A_434 : f32 to vector<16xf32>
        %max3A_436 = arith.maximumf %min3A_433, %max3A_435 : vector<16xf32>
        %mul3A_437 = arith.constant 3.125000e-02 : f32
        %mul3A_438 = vector.broadcast %mul3A_437 : f32 to vector<16xf32>
        %mul3A_439 = arith.mulf %max3A_436, %mul3A_438 : vector<16xf32>
        %mul3A_440 = arith.constant 2.48015876E-5 : f32
        %mul3A_441 = vector.broadcast %mul3A_440 : f32 to vector<16xf32>
        %mul3A_442 = arith.mulf %mul3A_439, %mul3A_441 : vector<16xf32>
        %add3A_443 = arith.constant 1.98412701E-4 : f32
        %add3A_444 = vector.broadcast %add3A_443 : f32 to vector<16xf32>
        %add3A_445 = arith.addf %mul3A_442, %add3A_444 : vector<16xf32>
        %mul3A_446 = arith.mulf %add3A_445, %mul3A_439 : vector<16xf32>
        %add3A_447 = arith.constant 0.00138888892 : f32
        %add3A_448 = vector.broadcast %add3A_447 : f32 to vector<16xf32>
        %add3A_449 = arith.addf %mul3A_446, %add3A_448 : vector<16xf32>
        %mul3A_450 = arith.mulf %add3A_449, %mul3A_439 : vector<16xf32>
        %add3A_451 = arith.constant 0.00833333377 : f32
        %add3A_452 = vector.broadcast %add3A_451 : f32 to vector<16xf32>
        %add3A_453 = arith.addf %mul3A_450, %add3A_452 : vector<16xf32>
        %mul3A_454 = arith.mulf %add3A_453, %mul3A_439 : vector<16xf32>
        %add3A_455 = arith.constant 0.0416666679 : f32
        %add3A_456 = vector.broadcast %add3A_455 : f32 to vector<16xf32>
        %add3A_457 = arith.addf %mul3A_454, %add3A_456 : vector<16xf32>
        %mul3A_458 = arith.mulf %add3A_457, %mul3A_439 : vector<16xf32>
        %add3A_459 = arith.constant 0.166666672 : f32
        %add3A_460 = vector.broadcast %add3A_459 : f32 to vector<16xf32>
        %add3A_461 = arith.addf %mul3A_458, %add3A_460 : vector<16xf32>
        %mul3A_462 = arith.mulf %add3A_461, %mul3A_439 : vector<16xf32>
        %add3A_463 = arith.constant 5.000000e-01 : f32
        %add3A_464 = vector.broadcast %add3A_463 : f32 to vector<16xf32>
        %add3A_465 = arith.addf %mul3A_462, %add3A_464 : vector<16xf32>
        %mul3A_466 = arith.mulf %add3A_465, %mul3A_439 : vector<16xf32>
        %add3A_467 = arith.constant 1.000000e+00 : f32
        %add3A_468 = vector.broadcast %add3A_467 : f32 to vector<16xf32>
        %add3A_469 = arith.addf %mul3A_466, %add3A_468 : vector<16xf32>
        %mul3A_470 = arith.mulf %add3A_469, %mul3A_439 : vector<16xf32>
        %add3A_471 = arith.constant 1.000000e+00 : f32
        %add3A_472 = vector.broadcast %add3A_471 : f32 to vector<16xf32>
        %add3A_473 = arith.addf %mul3A_470, %add3A_472 : vector<16xf32>
        %mul3A_474 = arith.mulf %add3A_473, %add3A_473 : vector<16xf32>
        %mul3A_475 = arith.mulf %mul3A_474, %mul3A_474 : vector<16xf32>
        %mul3A_476 = arith.mulf %mul3A_475, %mul3A_475 : vector<16xf32>
        %mul3A_477 = arith.mulf %mul3A_476, %mul3A_476 : vector<16xf32>
        %mul3A_478 = arith.mulf %mul3A_477, %mul3A_477 : vector<16xf32>
        %gt3A_479 = arith.constant 0.000000e+00 : f32
        %gt3A_480 = vector.broadcast %gt3A_479 : f32 to vector<16xf32>
        %gt3A_481 = arith.cmpf ogt, %add3A_430, %gt3A_480 : vector<16xf32>
        %mul3A_482 = arith.constant 1.05070102 : f32
        %mul3A_483 = vector.broadcast %mul3A_482 : f32 to vector<16xf32>
        %mul3A_484 = arith.mulf %mul3A_483, %add3A_430 : vector<16xf32>
        %mul3A_485 = arith.constant 1.75809932 : f32
        %mul3A_486 = vector.broadcast %mul3A_485 : f32 to vector<16xf32>
        %mul3A_487 = arith.mulf %mul3A_486, %mul3A_478 : vector<16xf32>
        %sub3A_488 = arith.constant 1.75809932 : f32
        %sub3A_489 = vector.broadcast %sub3A_488 : f32 to vector<16xf32>
        %sub3A_490 = arith.subf %mul3A_487, %sub3A_489 : vector<16xf32>
        %select_n3A_491 = arith.select %gt3A_481, %mul3A_484, %sub3A_490 : vector<16xi1>, vector<16xf32>
        %swap3A_492 = arith.index_cast %add3A_53 : i32 to index
        %swap3A_493 = arith.constant 80 : index
        %swap3A_494 = tpu.vector_load %arg11[%swap3A_492, %swap3A_493] {strides = array<i32>} : memref<128x128xf32, #tpu.memory_space<vmem>>, vector<1x16xf32>,
        %swap3A_495 = vector.shape_cast %swap3A_494 : vector<1x16xf32> to vector<16xf32>
        %swap3A_496 = vector.shape_cast %select_n3A_491 : vector<16xf32> to vector<1x16xf32>
        tpu.vector_store %arg11[%swap3A_492, %swap3A_493], %swap3A_496 {strides = array<i32>} : memref<128x128xf32, #tpu.memory_space<vmem>>, vector<1x16xf32>,
        %get3A_497 = arith.index_cast %add3A_53 : i32 to index
        %get3A_498 = arith.constant 96 : index
        %get3A_499 = tpu.vector_load %arg11[%get3A_497, %get3A_498] {strides = array<i32>} : memref<128x128xf32, #tpu.memory_space<vmem>>, vector<1x16xf32>,
        %get3A_500 = vector.shape_cast %get3A_499 : vector<1x16xf32> to vector<16xf32>
        %get3A_501 = arith.index_cast %add3A_53 : i32 to index
        %get3A_502 = arith.constant 96 : index
        %get3A_503 = tpu.vector_load %arg12[%get3A_501, %get3A_502] {strides = array<i32>} : memref<128x128xf32, #tpu.memory_space<vmem>>, vector<1x16xf32>,
        %get3A_504 = vector.shape_cast %get3A_503 : vector<1x16xf32> to vector<16xf32>
        %add3A_505 = arith.addf %get3A_500, %get3A_504 : vector<16xf32>
        %min3A_506 = arith.constant 0.000000e+00 : f32
        %min3A_507 = vector.broadcast %min3A_506 : f32 to vector<16xf32>
        %min3A_508 = arith.minimumf %add3A_505, %min3A_507 : vector<16xf32>
        %max3A_509 = arith.constant -1.750000e+01 : f32
        %max3A_510 = vector.broadcast %max3A_509 : f32 to vector<16xf32>
        %max3A_511 = arith.maximumf %min3A_508, %max3A_510 : vector<16xf32>
        %mul3A_512 = arith.constant 3.125000e-02 : f32
        %mul3A_513 = vector.broadcast %mul3A_512 : f32 to vector<16xf32>
        %mul3A_514 = arith.mulf %max3A_511, %mul3A_513 : vector<16xf32>
        %mul3A_515 = arith.constant 2.48015876E-5 : f32
        %mul3A_516 = vector.broadcast %mul3A_515 : f32 to vector<16xf32>
        %mul3A_517 = arith.mulf %mul3A_514, %mul3A_516 : vector<16xf32>
        %add3A_518 = arith.constant 1.98412701E-4 : f32
        %add3A_519 = vector.broadcast %add3A_518 : f32 to vector<16xf32>
        %add3A_520 = arith.addf %mul3A_517, %add3A_519 : vector<16xf32>
        %mul3A_521 = arith.mulf %add3A_520, %mul3A_514 : vector<16xf32>
        %add3A_522 = arith.constant 0.00138888892 : f32
        %add3A_523 = vector.broadcast %add3A_522 : f32 to vector<16xf32>
        %add3A_524 = arith.addf %mul3A_521, %add3A_523 : vector<16xf32>
        %mul3A_525 = arith.mulf %add3A_524, %mul3A_514 : vector<16xf32>
        %add3A_526 = arith.constant 0.00833333377 : f32
        %add3A_527 = vector.broadcast %add3A_526 : f32 to vector<16xf32>
        %add3A_528 = arith.addf %mul3A_525, %add3A_527 : vector<16xf32>
        %mul3A_529 = arith.mulf %add3A_528, %mul3A_514 : vector<16xf32>
        %add3A_530 = arith.constant 0.0416666679 : f32
        %add3A_531 = vector.broadcast %add3A_530 : f32 to vector<16xf32>
        %add3A_532 = arith.addf %mul3A_529, %add3A_531 : vector<16xf32>
        %mul3A_533 = arith.mulf %add3A_532, %mul3A_514 : vector<16xf32>
        %add3A_534 = arith.constant 0.166666672 : f32
        %add3A_535 = vector.broadcast %add3A_534 : f32 to vector<16xf32>
        %add3A_536 = arith.addf %mul3A_533, %add3A_535 : vector<16xf32>
        %mul3A_537 = arith.mulf %add3A_536, %mul3A_514 : vector<16xf32>
        %add3A_538 = arith.constant 5.000000e-01 : f32
        %add3A_539 = vector.broadcast %add3A_538 : f32 to vector<16xf32>
        %add3A_540 = arith.addf %mul3A_537, %add3A_539 : vector<16xf32>
        %mul3A_541 = arith.mulf %add3A_540, %mul3A_514 : vector<16xf32>
        %add3A_542 = arith.constant 1.000000e+00 : f32
        %add3A_543 = vector.broadcast %add3A_542 : f32 to vector<16xf32>
        %add3A_544 = arith.addf %mul3A_541, %add3A_543 : vector<16xf32>
        %mul3A_545 = arith.mulf %add3A_544, %mul3A_514 : vector<16xf32>
        %add3A_546 = arith.constant 1.000000e+00 : f32
        %add3A_547 = vector.broadcast %add3A_546 : f32 to vector<16xf32>
        %add3A_548 = arith.addf %mul3A_545, %add3A_547 : vector<16xf32>
        %mul3A_549 = arith.mulf %add3A_548, %add3A_548 : vector<16xf32>
        %mul3A_550 = arith.mulf %mul3A_549, %mul3A_549 : vector<16xf32>
        %mul3A_551 = arith.mulf %mul3A_550, %mul3A_550 : vector<16xf32>
        %mul3A_552 = arith.mulf %mul3A_551, %mul3A_551 : vector<16xf32>
        %mul3A_553 = arith.mulf %mul3A_552, %mul3A_552 : vector<16xf32>
        %gt3A_554 = arith.constant 0.000000e+00 : f32
        %gt3A_555 = vector.broadcast %gt3A_554 : f32 to vector<16xf32>
        %gt3A_556 = arith.cmpf ogt, %add3A_505, %gt3A_555 : vector<16xf32>
        %mul3A_557 = arith.constant 1.05070102 : f32
        %mul3A_558 = vector.broadcast %mul3A_557 : f32 to vector<16xf32>
        %mul3A_559 = arith.mulf %mul3A_558, %add3A_505 : vector<16xf32>
        %mul3A_560 = arith.constant 1.75809932 : f32
        %mul3A_561 = vector.broadcast %mul3A_560 : f32 to vector<16xf32>
        %mul3A_562 = arith.mulf %mul3A_561, %mul3A_553 : vector<16xf32>
        %sub3A_563 = arith.constant 1.75809932 : f32
        %sub3A_564 = vector.broadcast %sub3A_563 : f32 to vector<16xf32>
        %sub3A_565 = arith.subf %mul3A_562, %sub3A_564 : vector<16xf32>
        %select_n3A_566 = arith.select %gt3A_556, %mul3A_559, %sub3A_565 : vector<16xi1>, vector<16xf32>
        %swap3A_567 = arith.index_cast %add3A_53 : i32 to index
        %swap3A_568 = arith.constant 96 : index
        %swap3A_569 = tpu.vector_load %arg11[%swap3A_567, %swap3A_568] {strides = array<i32>} : memref<128x128xf32, #tpu.memory_space<vmem>>, vector<1x16xf32>,
        %swap3A_570 = vector.shape_cast %swap3A_569 : vector<1x16xf32> to vector<16xf32>
        %swap3A_571 = vector.shape_cast %select_n3A_566 : vector<16xf32> to vector<1x16xf32>
        tpu.vector_store %arg11[%swap3A_567, %swap3A_568], %swap3A_571 {strides = array<i32>} : memref<128x128xf32, #tpu.memory_space<vmem>>, vector<1x16xf32>,
        %get3A_572 = arith.index_cast %add3A_53 : i32 to index
        %get3A_573 = arith.constant 112 : index
        %get3A_574 = tpu.vector_load %arg11[%get3A_572, %get3A_573] {strides = array<i32>} : memref<128x128xf32, #tpu.memory_space<vmem>>, vector<1x16xf32>,
        %get3A_575 = vector.shape_cast %get3A_574 : vector<1x16xf32> to vector<16xf32>
        %get3A_576 = arith.index_cast %add3A_53 : i32 to index
        %get3A_577 = arith.constant 112 : index
        %get3A_578 = tpu.vector_load %arg12[%get3A_576, %get3A_577] {strides = array<i32>} : memref<128x128xf32, #tpu.memory_space<vmem>>, vector<1x16xf32>,
        %get3A_579 = vector.shape_cast %get3A_578 : vector<1x16xf32> to vector<16xf32>
        %add3A_580 = arith.addf %get3A_575, %get3A_579 : vector<16xf32>
        %min3A_581 = arith.constant 0.000000e+00 : f32
        %min3A_582 = vector.broadcast %min3A_581 : f32 to vector<16xf32>
        %min3A_583 = arith.minimumf %add3A_580, %min3A_582 : vector<16xf32>
        %max3A_584 = arith.constant -1.750000e+01 : f32
        %max3A_585 = vector.broadcast %max3A_584 : f32 to vector<16xf32>
        %max3A_586 = arith.maximumf %min3A_583, %max3A_585 : vector<16xf32>
        %mul3A_587 = arith.constant 3.125000e-02 : f32
        %mul3A_588 = vector.broadcast %mul3A_587 : f32 to vector<16xf32>
        %mul3A_589 = arith.mulf %max3A_586, %mul3A_588 : vector<16xf32>
        %mul3A_590 = arith.constant 2.48015876E-5 : f32
        %mul3A_591 = vector.broadcast %mul3A_590 : f32 to vector<16xf32>
        %mul3A_592 = arith.mulf %mul3A_589, %mul3A_591 : vector<16xf32>
        %add3A_593 = arith.constant 1.98412701E-4 : f32
        %add3A_594 = vector.broadcast %add3A_593 : f32 to vector<16xf32>
        %add3A_595 = arith.addf %mul3A_592, %add3A_594 : vector<16xf32>
        %mul3A_596 = arith.mulf %add3A_595, %mul3A_589 : vector<16xf32>
        %add3A_597 = arith.constant 0.00138888892 : f32
        %add3A_598 = vector.broadcast %add3A_597 : f32 to vector<16xf32>
        %add3A_599 = arith.addf %mul3A_596, %add3A_598 : vector<16xf32>
        %mul3A_600 = arith.mulf %add3A_599, %mul3A_589 : vector<16xf32>
        %add3A_601 = arith.constant 0.00833333377 : f32
        %add3A_602 = vector.broadcast %add3A_601 : f32 to vector<16xf32>
        %add3A_603 = arith.addf %mul3A_600, %add3A_602 : vector<16xf32>
        %mul3A_604 = arith.mulf %add3A_603, %mul3A_589 : vector<16xf32>
        %add3A_605 = arith.constant 0.0416666679 : f32
        %add3A_606 = vector.broadcast %add3A_605 : f32 to vector<16xf32>
        %add3A_607 = arith.addf %mul3A_604, %add3A_606 : vector<16xf32>
        %mul3A_608 = arith.mulf %add3A_607, %mul3A_589 : vector<16xf32>
        %add3A_609 = arith.constant 0.166666672 : f32
        %add3A_610 = vector.broadcast %add3A_609 : f32 to vector<16xf32>
        %add3A_611 = arith.addf %mul3A_608, %add3A_610 : vector<16xf32>
        %mul3A_612 = arith.mulf %add3A_611, %mul3A_589 : vector<16xf32>
        %add3A_613 = arith.constant 5.000000e-01 : f32
        %add3A_614 = vector.broadcast %add3A_613 : f32 to vector<16xf32>
        %add3A_615 = arith.addf %mul3A_612, %add3A_614 : vector<16xf32>
        %mul3A_616 = arith.mulf %add3A_615, %mul3A_589 : vector<16xf32>
        %add3A_617 = arith.constant 1.000000e+00 : f32
        %add3A_618 = vector.broadcast %add3A_617 : f32 to vector<16xf32>
        %add3A_619 = arith.addf %mul3A_616, %add3A_618 : vector<16xf32>
        %mul3A_620 = arith.mulf %add3A_619, %mul3A_589 : vector<16xf32>
        %add3A_621 = arith.constant 1.000000e+00 : f32
        %add3A_622 = vector.broadcast %add3A_621 : f32 to vector<16xf32>
        %add3A_623 = arith.addf %mul3A_620, %add3A_622 : vector<16xf32>
        %mul3A_624 = arith.mulf %add3A_623, %add3A_623 : vector<16xf32>
        %mul3A_625 = arith.mulf %mul3A_624, %mul3A_624 : vector<16xf32>
        %mul3A_626 = arith.mulf %mul3A_625, %mul3A_625 : vector<16xf32>
        %mul3A_627 = arith.mulf %mul3A_626, %mul3A_626 : vector<16xf32>
        %mul3A_628 = arith.mulf %mul3A_627, %mul3A_627 : vector<16xf32>
        %gt3A_629 = arith.constant 0.000000e+00 : f32
        %gt3A_630 = vector.broadcast %gt3A_629 : f32 to vector<16xf32>
        %gt3A_631 = arith.cmpf ogt, %add3A_580, %gt3A_630 : vector<16xf32>
        %mul3A_632 = arith.constant 1.05070102 : f32
        %mul3A_633 = vector.broadcast %mul3A_632 : f32 to vector<16xf32>
        %mul3A_634 = arith.mulf %mul3A_633, %add3A_580 : vector<16xf32>
        %mul3A_635 = arith.constant 1.75809932 : f32
        %mul3A_636 = vector.broadcast %mul3A_635 : f32 to vector<16xf32>
        %mul3A_637 = arith.mulf %mul3A_636, %mul3A_628 : vector<16xf32>
        %sub3A_638 = arith.constant 1.75809932 : f32
        %sub3A_639 = vector.broadcast %sub3A_638 : f32 to vector<16xf32>
        %sub3A_640 = arith.subf %mul3A_637, %sub3A_639 : vector<16xf32>
        %select_n3A_641 = arith.select %gt3A_631, %mul3A_634, %sub3A_640 : vector<16xi1>, vector<16xf32>
        %swap3A_642 = arith.index_cast %add3A_53 : i32 to index
        %swap3A_643 = arith.constant 112 : index
        %swap3A_644 = tpu.vector_load %arg11[%swap3A_642, %swap3A_643] {strides = array<i32>} : memref<128x128xf32, #tpu.memory_space<vmem>>, vector<1x16xf32>,
        %swap3A_645 = vector.shape_cast %swap3A_644 : vector<1x16xf32> to vector<16xf32>
        %swap3A_646 = vector.shape_cast %select_n3A_641 : vector<16xf32> to vector<1x16xf32>
        tpu.vector_store %arg11[%swap3A_642, %swap3A_643], %swap3A_646 {strides = array<i32>} : memref<128x128xf32, #tpu.memory_space<vmem>>, vector<1x16xf32>,
      }
      %scan3A_48 = arith.constant 128 : i32
      "tpu.region"() ({
        %run_scoped3A = tpu.sem_alloc : memref<!tpu.dma_semaphore, #tpu.memory_space<semaphore_mem>>
        %dma_start3A_49 = arith.constant 0 : i32
        %dma_start3A_50 = arith.constant 0 : i32
        %dma_start3A_51 = tpu.memref_slice %arg8[%dma_start3A_49, %dma_start3A_50] : memref<10240x128xf32, #tpu.memory_space<vmem_shared>> -> memref<10240x128xf32, #tpu.memory_space<vmem_shared>>
        tpu.enqueue_indirect_dma source(%arg11 : memref<128x128xf32, #tpu.memory_space<vmem>>) target(%dma_start3A_51 : memref<10240x128xf32, #tpu.memory_space<vmem_shared>>) offsets(%arg10 : memref<128xi32, #tpu.memory_space<vmem>>) semaphore(%run_scoped3A : memref<!tpu.dma_semaphore, #tpu.memory_space<semaphore_mem>>) {add = true}
        %dma_wait3A_52 = arith.constant 0 : i32
        %dma_wait3A_53 = arith.constant 0 : i32
        %dma_wait3A_54 = tpu.memref_slice %arg8[%dma_wait3A_52, %dma_wait3A_53] : memref<10240x128xf32, #tpu.memory_space<vmem_shared>> -> memref<10240x128xf32, #tpu.memory_space<vmem_shared>>
        tpu.wait_indirect_dma semaphore(%run_scoped3A : memref<!tpu.dma_semaphore, #tpu.memory_space<semaphore_mem>>) src(%arg11 : memref<128x128xf32, #tpu.memory_space<vmem>>) dst(%dma_wait3A_54 : memref<10240x128xf32, #tpu.memory_space<vmem_shared>>)
        tpu.yield
      }) : () -> ()
    }
    %scan3A_19 = arith.constant 79 : i32
    %barrier3A_20 = arith.constant 0 : index
    tpu.barrier barrier_id(%barrier3A_20)
    %scan3A_21 = arith.constant 0 : i32
    %scan3A_22 = arith.constant 5 : i32
    %scan3A_23 = arith.addi %scan3A_21, %scan3A_22 : i32
    %scan3A_24 = arith.constant 1 : i32
    scf.for %scan3A_26 = %scan3A_21 to %scan3A_23 step %scan3A_24  : i32 {
      %mul3A_27 = arith.constant 1 : i32
      %mul3A_28 = arith.muli %scan3A_26, %mul3A_27 : i32
      %add3A_29 = arith.constant 0 : i32
      %add3A_30 = arith.addi %add3A_29, %mul3A_28 : i32
      %mul3A_31 = arith.constant 640 : i32
      %mul3A_32 = arith.muli %arg1, %mul3A_31 : i32
      %mul3A_33 = arith.constant 128 : i32
      %mul3A_34 = arith.muli %add3A_30, %mul3A_33 : i32
      %add3A_35 = arith.addi %mul3A_32, %mul3A_34 : i32
      "tpu.region"() ({
        %run_scoped3A = tpu.sem_alloc : memref<!tpu.dma_semaphore, #tpu.memory_space<semaphore_mem>>
        %dma_start3A = arith.constant 0 : i32
        %dma_start3A_43 = tpu.memref_slice %arg8[%add3A_35, %dma_start3A] : memref<10240x128xf32, #tpu.memory_space<vmem_shared>> -> memref<128x128xf32, #tpu.memory_space<vmem_shared>>
        %dma_start3A_44 = arith.constant 0 : i32
        %dma_start3A_45 = tpu.memref_slice %arg8[%add3A_35, %dma_start3A_44] : memref<10240x128xf32, #tpu.memory_space<vmem_shared>> -> memref<128x128xf32, #tpu.memory_space<vmem_shared>>
        tpu.enqueue_dma source(%dma_start3A_45 : memref<128x128xf32, #tpu.memory_space<vmem_shared>>) target(%arg11 : memref<128x128xf32, #tpu.memory_space<vmem>>) target_semaphore(%run_scoped3A : memref<!tpu.dma_semaphore, #tpu.memory_space<semaphore_mem>>)
        %dma_wait3A = arith.constant 0 : i32
        %dma_wait3A_46 = tpu.memref_slice %arg8[%add3A_35, %dma_wait3A] : memref<10240x128xf32, #tpu.memory_space<vmem_shared>> -> memref<128x128xf32, #tpu.memory_space<vmem_shared>>
        %dma_wait3A_47 = arith.constant 0 : i32
        %dma_wait3A_48 = tpu.memref_slice %arg8[%add3A_35, %dma_wait3A_47] : memref<10240x128xf32, #tpu.memory_space<vmem_shared>> -> memref<128x128xf32, #tpu.memory_space<vmem_shared>>
        tpu.wait_dma2 semaphore(%run_scoped3A : memref<!tpu.dma_semaphore, #tpu.memory_space<semaphore_mem>>) src(%dma_wait3A_48 : memref<128x128xf32, #tpu.memory_space<vmem_shared>>) dst(%arg11 : memref<128x128xf32, #tpu.memory_space<vmem>>)
        tpu.yield
      }) : () -> ()
      %eq3A = arith.constant 0 : i32
      %eq3A_36 = arith.cmpi eq, %arg0, %eq3A : i32
      %convert_element_type3A = arith.extui %eq3A_36 : i1 to i32
      %cond3A = arith.constant 0 : i32
      %cond3A_37 = arith.cmpi ne, %convert_element_type3A, %cond3A : i32
      scf.if %cond3A_37 {
        "tpu.region"() ({
          %run_scoped3A = tpu.sem_alloc : memref<!tpu.dma_semaphore, #tpu.memory_space<semaphore_mem>>
          %dma_start3A = arith.constant 0 : i32
          %dma_start3A_43 = tpu.memref_slice %arg6[%add3A_35, %dma_start3A] : memref<10240x128xf32, #tpu.memory_space<hbm>> -> memref<128x128xf32, #tpu.memory_space<hbm>>
          %dma_start3A_44 = arith.constant 0 : i32
          %dma_start3A_45 = tpu.memref_slice %arg6[%add3A_35, %dma_start3A_44] : memref<10240x128xf32, #tpu.memory_space<hbm>> -> memref<128x128xf32, #tpu.memory_space<hbm>>
          tpu.enqueue_dma source(%arg11 : memref<128x128xf32, #tpu.memory_space<vmem>>) target(%dma_start3A_45 : memref<128x128xf32, #tpu.memory_space<hbm>>) target_semaphore(%run_scoped3A : memref<!tpu.dma_semaphore, #tpu.memory_space<semaphore_mem>>)
          %dma_wait3A = arith.constant 0 : i32
          %dma_wait3A_46 = tpu.memref_slice %arg6[%add3A_35, %dma_wait3A] : memref<10240x128xf32, #tpu.memory_space<hbm>> -> memref<128x128xf32, #tpu.memory_space<hbm>>
          %dma_wait3A_47 = arith.constant 0 : i32
          %dma_wait3A_48 = tpu.memref_slice %arg6[%add3A_35, %dma_wait3A_47] : memref<10240x128xf32, #tpu.memory_space<hbm>> -> memref<128x128xf32, #tpu.memory_space<hbm>>
          tpu.wait_dma2 semaphore(%run_scoped3A : memref<!tpu.dma_semaphore, #tpu.memory_space<semaphore_mem>>) src(%arg11 : memref<128x128xf32, #tpu.memory_space<vmem>>) dst(%dma_wait3A_48 : memref<128x128xf32, #tpu.memory_space<hbm>>)
          tpu.yield
        }) : () -> ()
      } else {
      }
      %eq3A_38 = arith.constant 1 : i32
      %eq3A_39 = arith.cmpi eq, %arg0, %eq3A_38 : i32
      %convert_element_type3A_40 = arith.extui %eq3A_39 : i1 to i32
      %cond3A_41 = arith.constant 0 : i32
      %cond3A_42 = arith.cmpi ne, %convert_element_type3A_40, %cond3A_41 : i32
      scf.if %cond3A_42 {
        "tpu.region"() ({
          %run_scoped3A = tpu.sem_alloc : memref<!tpu.dma_semaphore, #tpu.memory_space<semaphore_mem>>
          %dma_start3A = arith.constant 0 : i32
          %dma_start3A_43 = tpu.memref_slice %arg7[%add3A_35, %dma_start3A] : memref<10240x128xf32, #tpu.memory_space<hbm>> -> memref<128x128xf32, #tpu.memory_space<hbm>>
          %dma_start3A_44 = arith.constant 0 : i32
          %dma_start3A_45 = tpu.memref_slice %arg7[%add3A_35, %dma_start3A_44] : memref<10240x128xf32, #tpu.memory_space<hbm>> -> memref<128x128xf32, #tpu.memory_space<hbm>>
          tpu.enqueue_dma source(%arg11 : memref<128x128xf32, #tpu.memory_space<vmem>>) target(%dma_start3A_45 : memref<128x128xf32, #tpu.memory_space<hbm>>) target_semaphore(%run_scoped3A : memref<!tpu.dma_semaphore, #tpu.memory_space<semaphore_mem>>)
          %dma_wait3A = arith.constant 0 : i32
          %dma_wait3A_46 = tpu.memref_slice %arg7[%add3A_35, %dma_wait3A] : memref<10240x128xf32, #tpu.memory_space<hbm>> -> memref<128x128xf32, #tpu.memory_space<hbm>>
          %dma_wait3A_47 = arith.constant 0 : i32
          %dma_wait3A_48 = tpu.memref_slice %arg7[%add3A_35, %dma_wait3A_47] : memref<10240x128xf32, #tpu.memory_space<hbm>> -> memref<128x128xf32, #tpu.memory_space<hbm>>
          tpu.wait_dma2 semaphore(%run_scoped3A : memref<!tpu.dma_semaphore, #tpu.memory_space<semaphore_mem>>) src(%arg11 : memref<128x128xf32, #tpu.memory_space<vmem>>) dst(%dma_wait3A_48 : memref<128x128xf32, #tpu.memory_space<hbm>>)
          tpu.yield
        }) : () -> ()
      } else {
      }
    }
    %scan3A_25 = arith.constant 5 : i32
    return
  }
}

module attributes {stable_mosaic.version = 14 : i64} {
  func.func @_msg_tables_body(%arg0: i32, %arg1: memref<512x128xf32, #tpu.memory_space<vmem>>, %arg2: memref<128x256xf32, #tpu.memory_space<vmem>>, %arg3: memref<1x128xf32, #tpu.memory_space<vmem>>, %arg4: memref<512x128xf32, #tpu.memory_space<vmem>>, %arg5: memref<512x128xf32, #tpu.memory_space<vmem>>) attributes {dimension_semantics = [#tpu.dimension_semantics<arbitrary>], iteration_bounds = array<i64: 20>, scalar_prefetch = 0 : i64, scratch_operands = 0 : i64, tpu.core_type = #tpu.core_type<tc>, window_params = [{transform_indices = @transform_0, window_bounds = array<i64: 512, 128>}, {pipeline_mode = #tpu.pipeline_mode<synchronous>, transform_indices = @transform_1, window_bounds = array<i64: 128, 256>}, {pipeline_mode = #tpu.pipeline_mode<synchronous>, transform_indices = @transform_2, window_bounds = array<i64: 1, 128>}, {transform_indices = @transform_3, window_bounds = array<i64: 512, 128>}, {transform_indices = @transform_4, window_bounds = array<i64: 512, 128>}]} {
    %get3A = arith.constant 0 : index
    %get3A_0 = arith.constant 0 : index
    %get3A_1 = vector.load %arg1[%get3A, %get3A_0] : memref<512x128xf32, #tpu.memory_space<vmem>>, vector<512x128xf32>
    %get3A_2 = arith.constant 0 : index
    %get3A_3 = arith.constant 0 : index
    %get3A_4 = vector.load %arg2[%get3A_2, %get3A_3] : memref<128x256xf32, #tpu.memory_space<vmem>>, vector<128x256xf32>
    %slice3A = vector.extract_strided_slice %get3A_4 {offsets = [0, 0], sizes = [128, 128], strides = [1, 1]} : vector<128x256xf32> to vector<128x128xf32>
    %dot_general3A = arith.constant dense<0.000000e+00> : vector<512x128xf32>
    %dot_general3A_5 = tpu.matmul %get3A_1, %slice3A, %dot_general3A {dimension_numbers = #tpu.dot_dimension_numbers<[1], [1], [0], [0], [0, 0, 1, 0], [], []>, transpose_lhs_hint = false} : vector<512x128xf32>, vector<128x128xf32>, vector<512x128xf32> -> vector<512x128xf32>
    %swap3A = arith.constant 0 : index
    %swap3A_6 = arith.constant 0 : index
    %swap3A_7 = vector.load %arg4[%swap3A, %swap3A_6] : memref<512x128xf32, #tpu.memory_space<vmem>>, vector<512x128xf32>
    tpu.vector_store %arg4[%swap3A, %swap3A_6], %dot_general3A_5 {strides = array<i32>} : memref<512x128xf32, #tpu.memory_space<vmem>>, vector<512x128xf32>,
    %slice3A_8 = vector.extract_strided_slice %get3A_4 {offsets = [0, 128], sizes = [128, 128], strides = [1, 1]} : vector<128x256xf32> to vector<128x128xf32>
    %dot_general3A_9 = arith.constant dense<0.000000e+00> : vector<512x128xf32>
    %dot_general3A_10 = tpu.matmul %get3A_1, %slice3A_8, %dot_general3A_9 {dimension_numbers = #tpu.dot_dimension_numbers<[1], [1], [0], [0], [0, 0, 1, 0], [], []>, transpose_lhs_hint = false} : vector<512x128xf32>, vector<128x128xf32>, vector<512x128xf32> -> vector<512x128xf32>
    %get3A_11 = arith.constant 0 : index
    %get3A_12 = arith.constant 0 : index
    %get3A_13 = vector.load %arg3[%get3A_11, %get3A_12] : memref<1x128xf32, #tpu.memory_space<vmem>>, vector<1x128xf32>
    %add3A = vector.broadcast %get3A_13 : vector<1x128xf32> to vector<512x128xf32>
    %add3A_14 = arith.addf %dot_general3A_10, %add3A : vector<512x128xf32>
    %swap3A_15 = arith.constant 0 : index
    %swap3A_16 = arith.constant 0 : index
    %swap3A_17 = vector.load %arg5[%swap3A_15, %swap3A_16] : memref<512x128xf32, #tpu.memory_space<vmem>>, vector<512x128xf32>
    tpu.vector_store %arg5[%swap3A_15, %swap3A_16], %add3A_14 {strides = array<i32>} : memref<512x128xf32, #tpu.memory_space<vmem>>, vector<512x128xf32>,
    return
  }
  func.func @transform_0(%arg0: i32) -> (i32, i32) {
    %c0_i32 = arith.constant 0 : i32
    %c0_i32_0 = arith.constant 0 : i32
    return %arg0, %c0_i32 : i32, i32
  }
  func.func @transform_1(%arg0: i32) -> (i32, i32) {
    %c0_i32 = arith.constant 0 : i32
    %c0_i32_0 = arith.constant 0 : i32
    %c0_i32_1 = arith.constant 0 : i32
    return %c0_i32, %c0_i32_0 : i32, i32
  }
  func.func @transform_2(%arg0: i32) -> (i32, i32) {
    %c0_i32 = arith.constant 0 : i32
    %c0_i32_0 = arith.constant 0 : i32
    %c0_i32_1 = arith.constant 0 : i32
    return %c0_i32, %c0_i32_0 : i32, i32
  }
  func.func @transform_3(%arg0: i32) -> (i32, i32) {
    %c0_i32 = arith.constant 0 : i32
    %c0_i32_0 = arith.constant 0 : i32
    return %arg0, %c0_i32 : i32, i32
  }
  func.func @transform_4(%arg0: i32) -> (i32, i32) {
    %c0_i32 = arith.constant 0 : i32
    %c0_i32_0 = arith.constant 0 : i32
    return %arg0, %c0_i32 : i32, i32
  }
}

module attributes {stable_mosaic.version = 14 : i64} {
  func.func @body(%arg0: i32, %arg1: memref<512x128xf32, #tpu.memory_space<vmem>>, %arg2: memref<512x128xf32, #tpu.memory_space<vmem>>, %arg3: memref<512x128xf32, #tpu.memory_space<vmem>>, %arg4: memref<384x128xf32, #tpu.memory_space<vmem>>, %arg5: memref<384x128xf32, #tpu.memory_space<vmem>>, %arg6: memref<1x384xf32, #tpu.memory_space<vmem>>, %arg7: memref<1x384xf32, #tpu.memory_space<vmem>>, %arg8: memref<128x256xf32, #tpu.memory_space<vmem>>, %arg9: memref<1x128xf32, #tpu.memory_space<vmem>>, %arg10: memref<512x128xf32, #tpu.memory_space<vmem>>, %arg11: memref<512x128xf32, #tpu.memory_space<vmem>>, %arg12: memref<512x128xf32, #tpu.memory_space<vmem>>) attributes {dimension_semantics = [#tpu.dimension_semantics<arbitrary>], iteration_bounds = array<i64: 20>, scalar_prefetch = 0 : i64, scratch_operands = 0 : i64, tpu.core_type = #tpu.core_type<tc>, window_params = [{transform_indices = @transform_0, window_bounds = array<i64: 512, 128>}, {transform_indices = @transform_1, window_bounds = array<i64: 512, 128>}, {transform_indices = @transform_2, window_bounds = array<i64: 512, 128>}, {pipeline_mode = #tpu.pipeline_mode<synchronous>, transform_indices = @transform_3, window_bounds = array<i64: 384, 128>}, {pipeline_mode = #tpu.pipeline_mode<synchronous>, transform_indices = @transform_4, window_bounds = array<i64: 384, 128>}, {pipeline_mode = #tpu.pipeline_mode<synchronous>, transform_indices = @transform_5, window_bounds = array<i64: 1, 384>}, {pipeline_mode = #tpu.pipeline_mode<synchronous>, transform_indices = @transform_6, window_bounds = array<i64: 1, 384>}, {pipeline_mode = #tpu.pipeline_mode<synchronous>, transform_indices = @transform_7, window_bounds = array<i64: 128, 256>}, {pipeline_mode = #tpu.pipeline_mode<synchronous>, transform_indices = @transform_8, window_bounds = array<i64: 1, 128>}, {transform_indices = @transform_9, window_bounds = array<i64: 512, 128>}, {transform_indices = @transform_10, window_bounds = array<i64: 512, 128>}, {transform_indices = @transform_11, window_bounds = array<i64: 512, 128>}]} {
    %get3A = arith.constant 0 : index
    %get3A_0 = arith.constant 0 : index
    %get3A_1 = vector.load %arg1[%get3A, %get3A_0] : memref<512x128xf32, #tpu.memory_space<vmem>>, vector<512x128xf32>
    %get3A_2 = arith.constant 0 : index
    %get3A_3 = arith.constant 0 : index
    %get3A_4 = vector.load %arg2[%get3A_2, %get3A_3] : memref<512x128xf32, #tpu.memory_space<vmem>>, vector<512x128xf32>
    %get3A_5 = arith.constant 0 : index
    %get3A_6 = arith.constant 0 : index
    %get3A_7 = vector.load %arg3[%get3A_5, %get3A_6] : memref<512x128xf32, #tpu.memory_space<vmem>>, vector<512x128xf32>
    %add3A = arith.addf %get3A_4, %get3A_7 : vector<512x128xf32>
    %get3A_8 = arith.constant 0 : index
    %get3A_9 = arith.constant 0 : index
    %get3A_10 = vector.load %arg4[%get3A_8, %get3A_9] : memref<384x128xf32, #tpu.memory_space<vmem>>, vector<384x128xf32>
    %dot_general3A = arith.constant dense<0.000000e+00> : vector<512x384xf32>
    %dot_general3A_11 = tpu.matmul %add3A, %get3A_10, %dot_general3A {dimension_numbers = #tpu.dot_dimension_numbers<[1], [1], [0], [0], [0, 0, 1, 0], [], []>, transpose_lhs_hint = false} : vector<512x128xf32>, vector<384x128xf32>, vector<512x384xf32> -> vector<512x384xf32>
    %get3A_12 = arith.constant 0 : index
    %get3A_13 = arith.constant 0 : index
    %get3A_14 = vector.load %arg6[%get3A_12, %get3A_13] : memref<1x384xf32, #tpu.memory_space<vmem>>, vector<1x384xf32>
    %add3A_15 = vector.broadcast %get3A_14 : vector<1x384xf32> to vector<512x384xf32>
    %add3A_16 = arith.addf %dot_general3A_11, %add3A_15 : vector<512x384xf32>
    %get3A_17 = arith.constant 0 : index
    %get3A_18 = arith.constant 0 : index
    %get3A_19 = vector.load %arg5[%get3A_17, %get3A_18] : memref<384x128xf32, #tpu.memory_space<vmem>>, vector<384x128xf32>
    %dot_general3A_20 = arith.constant dense<0.000000e+00> : vector<512x384xf32>
    %dot_general3A_21 = tpu.matmul %get3A_1, %get3A_19, %dot_general3A_20 {dimension_numbers = #tpu.dot_dimension_numbers<[1], [1], [0], [0], [0, 0, 1, 0], [], []>, transpose_lhs_hint = false} : vector<512x128xf32>, vector<384x128xf32>, vector<512x384xf32> -> vector<512x384xf32>
    %get3A_22 = arith.constant 0 : index
    %get3A_23 = arith.constant 0 : index
    %get3A_24 = vector.load %arg7[%get3A_22, %get3A_23] : memref<1x384xf32, #tpu.memory_space<vmem>>, vector<1x384xf32>
    %add3A_25 = vector.broadcast %get3A_24 : vector<1x384xf32> to vector<512x384xf32>
    %add3A_26 = arith.addf %dot_general3A_21, %add3A_25 : vector<512x384xf32>
    %slice3A = vector.extract_strided_slice %add3A_16 {offsets = [0, 0], sizes = [512, 128], strides = [1, 1]} : vector<512x384xf32> to vector<512x128xf32>
    %slice3A_27 = vector.extract_strided_slice %add3A_26 {offsets = [0, 0], sizes = [512, 128], strides = [1, 1]} : vector<512x384xf32> to vector<512x128xf32>
    %add3A_28 = arith.addf %slice3A, %slice3A_27 : vector<512x128xf32>
    %logistic3A = arith.negf %add3A_28 : vector<512x128xf32>
    %logistic3A_29 = math.exp %logistic3A : vector<512x128xf32>
    %logistic3A_30 = arith.constant 1.000000e+00 : f32
    %logistic3A_31 = vector.broadcast %logistic3A_30 : f32 to vector<512x128xf32>
    %logistic3A_32 = arith.addf %logistic3A_31, %logistic3A_29 : vector<512x128xf32>
    %logistic3A_33 = arith.divf %logistic3A_31, %logistic3A_32 : vector<512x128xf32>
    %slice3A_34 = vector.extract_strided_slice %add3A_16 {offsets = [0, 128], sizes = [512, 128], strides = [1, 1]} : vector<512x384xf32> to vector<512x128xf32>
    %slice3A_35 = vector.extract_strided_slice %add3A_26 {offsets = [0, 128], sizes = [512, 128], strides = [1, 1]} : vector<512x384xf32> to vector<512x128xf32>
    %add3A_36 = arith.addf %slice3A_34, %slice3A_35 : vector<512x128xf32>
    %logistic3A_37 = arith.negf %add3A_36 : vector<512x128xf32>
    %logistic3A_38 = math.exp %logistic3A_37 : vector<512x128xf32>
    %logistic3A_39 = arith.constant 1.000000e+00 : f32
    %logistic3A_40 = vector.broadcast %logistic3A_39 : f32 to vector<512x128xf32>
    %logistic3A_41 = arith.addf %logistic3A_40, %logistic3A_38 : vector<512x128xf32>
    %logistic3A_42 = arith.divf %logistic3A_40, %logistic3A_41 : vector<512x128xf32>
    %slice3A_43 = vector.extract_strided_slice %add3A_16 {offsets = [0, 256], sizes = [512, 128], strides = [1, 1]} : vector<512x384xf32> to vector<512x128xf32>
    %slice3A_44 = vector.extract_strided_slice %add3A_26 {offsets = [0, 256], sizes = [512, 128], strides = [1, 1]} : vector<512x384xf32> to vector<512x128xf32>
    %mul3A = arith.mulf %logistic3A_33, %slice3A_44 : vector<512x128xf32>
    %add3A_45 = arith.addf %slice3A_43, %mul3A : vector<512x128xf32>
    %tanh3A = math.tanh %add3A_45 : vector<512x128xf32>
    %sub3A = arith.constant 1.000000e+00 : f32
    %sub3A_46 = vector.broadcast %sub3A : f32 to vector<512x128xf32>
    %sub3A_47 = arith.subf %sub3A_46, %logistic3A_42 : vector<512x128xf32>
    %mul3A_48 = arith.mulf %sub3A_47, %tanh3A : vector<512x128xf32>
    %mul3A_49 = arith.mulf %logistic3A_42, %get3A_1 : vector<512x128xf32>
    %add3A_50 = arith.addf %mul3A_48, %mul3A_49 : vector<512x128xf32>
    %swap3A = arith.constant 0 : index
    %swap3A_51 = arith.constant 0 : index
    %swap3A_52 = vector.load %arg10[%swap3A, %swap3A_51] : memref<512x128xf32, #tpu.memory_space<vmem>>, vector<512x128xf32>
    tpu.vector_store %arg10[%swap3A, %swap3A_51], %add3A_50 {strides = array<i32>} : memref<512x128xf32, #tpu.memory_space<vmem>>, vector<512x128xf32>,
    %get3A_53 = arith.constant 0 : index
    %get3A_54 = arith.constant 0 : index
    %get3A_55 = vector.load %arg8[%get3A_53, %get3A_54] : memref<128x256xf32, #tpu.memory_space<vmem>>, vector<128x256xf32>
    %slice3A_56 = vector.extract_strided_slice %get3A_55 {offsets = [0, 0], sizes = [128, 128], strides = [1, 1]} : vector<128x256xf32> to vector<128x128xf32>
    %dot_general3A_57 = arith.constant dense<0.000000e+00> : vector<512x128xf32>
    %dot_general3A_58 = tpu.matmul %add3A_50, %slice3A_56, %dot_general3A_57 {dimension_numbers = #tpu.dot_dimension_numbers<[1], [1], [0], [0], [0, 0, 1, 0], [], []>, transpose_lhs_hint = false} : vector<512x128xf32>, vector<128x128xf32>, vector<512x128xf32> -> vector<512x128xf32>
    %swap3A_59 = arith.constant 0 : index
    %swap3A_60 = arith.constant 0 : index
    %swap3A_61 = vector.load %arg11[%swap3A_59, %swap3A_60] : memref<512x128xf32, #tpu.memory_space<vmem>>, vector<512x128xf32>
    tpu.vector_store %arg11[%swap3A_59, %swap3A_60], %dot_general3A_58 {strides = array<i32>} : memref<512x128xf32, #tpu.memory_space<vmem>>, vector<512x128xf32>,
    %slice3A_62 = vector.extract_strided_slice %get3A_55 {offsets = [0, 128], sizes = [128, 128], strides = [1, 1]} : vector<128x256xf32> to vector<128x128xf32>
    %dot_general3A_63 = arith.constant dense<0.000000e+00> : vector<512x128xf32>
    %dot_general3A_64 = tpu.matmul %add3A_50, %slice3A_62, %dot_general3A_63 {dimension_numbers = #tpu.dot_dimension_numbers<[1], [1], [0], [0], [0, 0, 1, 0], [], []>, transpose_lhs_hint = false} : vector<512x128xf32>, vector<128x128xf32>, vector<512x128xf32> -> vector<512x128xf32>
    %get3A_65 = arith.constant 0 : index
    %get3A_66 = arith.constant 0 : index
    %get3A_67 = vector.load %arg9[%get3A_65, %get3A_66] : memref<1x128xf32, #tpu.memory_space<vmem>>, vector<1x128xf32>
    %add3A_68 = vector.broadcast %get3A_67 : vector<1x128xf32> to vector<512x128xf32>
    %add3A_69 = arith.addf %dot_general3A_64, %add3A_68 : vector<512x128xf32>
    %swap3A_70 = arith.constant 0 : index
    %swap3A_71 = arith.constant 0 : index
    %swap3A_72 = vector.load %arg12[%swap3A_70, %swap3A_71] : memref<512x128xf32, #tpu.memory_space<vmem>>, vector<512x128xf32>
    tpu.vector_store %arg12[%swap3A_70, %swap3A_71], %add3A_69 {strides = array<i32>} : memref<512x128xf32, #tpu.memory_space<vmem>>, vector<512x128xf32>,
    return
  }
  func.func @transform_0(%arg0: i32) -> (i32, i32) {
    %c0_i32 = arith.constant 0 : i32
    %c0_i32_0 = arith.constant 0 : i32
    return %arg0, %c0_i32 : i32, i32
  }
  func.func @transform_1(%arg0: i32) -> (i32, i32) {
    %c0_i32 = arith.constant 0 : i32
    %c0_i32_0 = arith.constant 0 : i32
    return %arg0, %c0_i32 : i32, i32
  }
  func.func @transform_2(%arg0: i32) -> (i32, i32) {
    %c0_i32 = arith.constant 0 : i32
    %c0_i32_0 = arith.constant 0 : i32
    return %arg0, %c0_i32 : i32, i32
  }
  func.func @transform_3(%arg0: i32) -> (i32, i32) {
    %c0_i32 = arith.constant 0 : i32
    %c0_i32_0 = arith.constant 0 : i32
    %c0_i32_1 = arith.constant 0 : i32
    return %c0_i32, %c0_i32_0 : i32, i32
  }
  func.func @transform_4(%arg0: i32) -> (i32, i32) {
    %c0_i32 = arith.constant 0 : i32
    %c0_i32_0 = arith.constant 0 : i32
    %c0_i32_1 = arith.constant 0 : i32
    return %c0_i32, %c0_i32_0 : i32, i32
  }
  func.func @transform_5(%arg0: i32) -> (i32, i32) {
    %c0_i32 = arith.constant 0 : i32
    %c0_i32_0 = arith.constant 0 : i32
    %c0_i32_1 = arith.constant 0 : i32
    return %c0_i32, %c0_i32_0 : i32, i32
  }
  func.func @transform_6(%arg0: i32) -> (i32, i32) {
    %c0_i32 = arith.constant 0 : i32
    %c0_i32_0 = arith.constant 0 : i32
    %c0_i32_1 = arith.constant 0 : i32
    return %c0_i32, %c0_i32_0 : i32, i32
  }
  func.func @transform_7(%arg0: i32) -> (i32, i32) {
    %c0_i32 = arith.constant 0 : i32
    %c0_i32_0 = arith.constant 0 : i32
    %c0_i32_1 = arith.constant 0 : i32
    return %c0_i32, %c0_i32_0 : i32, i32
  }
  func.func @transform_8(%arg0: i32) -> (i32, i32) {
    %c0_i32 = arith.constant 0 : i32
    %c0_i32_0 = arith.constant 0 : i32
    %c0_i32_1 = arith.constant 0 : i32
    return %c0_i32, %c0_i32_0 : i32, i32
  }
  func.func @transform_9(%arg0: i32) -> (i32, i32) {
    %c0_i32 = arith.constant 0 : i32
    %c0_i32_0 = arith.constant 0 : i32
    return %arg0, %c0_i32 : i32, i32
  }
  func.func @transform_10(%arg0: i32) -> (i32, i32) {
    %c0_i32 = arith.constant 0 : i32
    %c0_i32_0 = arith.constant 0 : i32
    return %arg0, %c0_i32 : i32, i32
  }
  func.func @transform_11(%arg0: i32) -> (i32, i32) {
    %c0_i32 = arith.constant 0 : i32
    %c0_i32_0 = arith.constant 0 : i32
    return %arg0, %c0_i32 : i32, i32
  }
}

module attributes {stable_mosaic.version = 14 : i64} {
  func.func @body(%arg0: i32, %arg1: memref<512x128xf32, #tpu.memory_space<vmem>>, %arg2: memref<512x128xf32, #tpu.memory_space<vmem>>, %arg3: memref<512x128xf32, #tpu.memory_space<vmem>>, %arg4: memref<384x128xf32, #tpu.memory_space<vmem>>, %arg5: memref<384x128xf32, #tpu.memory_space<vmem>>, %arg6: memref<1x384xf32, #tpu.memory_space<vmem>>, %arg7: memref<1x384xf32, #tpu.memory_space<vmem>>, %arg8: memref<128x256xf32, #tpu.memory_space<vmem>>, %arg9: memref<1x128xf32, #tpu.memory_space<vmem>>, %arg10: memref<512x128xf32, #tpu.memory_space<vmem>>) attributes {dimension_semantics = [#tpu.dimension_semantics<arbitrary>], iteration_bounds = array<i64: 20>, scalar_prefetch = 0 : i64, scratch_operands = 0 : i64, tpu.core_type = #tpu.core_type<tc>, window_params = [{transform_indices = @transform_0, window_bounds = array<i64: 512, 128>}, {transform_indices = @transform_1, window_bounds = array<i64: 512, 128>}, {transform_indices = @transform_2, window_bounds = array<i64: 512, 128>}, {pipeline_mode = #tpu.pipeline_mode<synchronous>, transform_indices = @transform_3, window_bounds = array<i64: 384, 128>}, {pipeline_mode = #tpu.pipeline_mode<synchronous>, transform_indices = @transform_4, window_bounds = array<i64: 384, 128>}, {pipeline_mode = #tpu.pipeline_mode<synchronous>, transform_indices = @transform_5, window_bounds = array<i64: 1, 384>}, {pipeline_mode = #tpu.pipeline_mode<synchronous>, transform_indices = @transform_6, window_bounds = array<i64: 1, 384>}, {pipeline_mode = #tpu.pipeline_mode<synchronous>, transform_indices = @transform_7, window_bounds = array<i64: 128, 256>}, {pipeline_mode = #tpu.pipeline_mode<synchronous>, transform_indices = @transform_8, window_bounds = array<i64: 1, 128>}, {transform_indices = @transform_9, window_bounds = array<i64: 512, 128>}]} {
    %get3A = arith.constant 0 : index
    %get3A_0 = arith.constant 0 : index
    %get3A_1 = vector.load %arg1[%get3A, %get3A_0] : memref<512x128xf32, #tpu.memory_space<vmem>>, vector<512x128xf32>
    %get3A_2 = arith.constant 0 : index
    %get3A_3 = arith.constant 0 : index
    %get3A_4 = vector.load %arg2[%get3A_2, %get3A_3] : memref<512x128xf32, #tpu.memory_space<vmem>>, vector<512x128xf32>
    %get3A_5 = arith.constant 0 : index
    %get3A_6 = arith.constant 0 : index
    %get3A_7 = vector.load %arg3[%get3A_5, %get3A_6] : memref<512x128xf32, #tpu.memory_space<vmem>>, vector<512x128xf32>
    %add3A = arith.addf %get3A_4, %get3A_7 : vector<512x128xf32>
    %get3A_8 = arith.constant 0 : index
    %get3A_9 = arith.constant 0 : index
    %get3A_10 = vector.load %arg4[%get3A_8, %get3A_9] : memref<384x128xf32, #tpu.memory_space<vmem>>, vector<384x128xf32>
    %dot_general3A = arith.constant dense<0.000000e+00> : vector<512x384xf32>
    %dot_general3A_11 = tpu.matmul %add3A, %get3A_10, %dot_general3A {dimension_numbers = #tpu.dot_dimension_numbers<[1], [1], [0], [0], [0, 0, 1, 0], [], []>, transpose_lhs_hint = false} : vector<512x128xf32>, vector<384x128xf32>, vector<512x384xf32> -> vector<512x384xf32>
    %get3A_12 = arith.constant 0 : index
    %get3A_13 = arith.constant 0 : index
    %get3A_14 = vector.load %arg6[%get3A_12, %get3A_13] : memref<1x384xf32, #tpu.memory_space<vmem>>, vector<1x384xf32>
    %add3A_15 = vector.broadcast %get3A_14 : vector<1x384xf32> to vector<512x384xf32>
    %add3A_16 = arith.addf %dot_general3A_11, %add3A_15 : vector<512x384xf32>
    %get3A_17 = arith.constant 0 : index
    %get3A_18 = arith.constant 0 : index
    %get3A_19 = vector.load %arg5[%get3A_17, %get3A_18] : memref<384x128xf32, #tpu.memory_space<vmem>>, vector<384x128xf32>
    %dot_general3A_20 = arith.constant dense<0.000000e+00> : vector<512x384xf32>
    %dot_general3A_21 = tpu.matmul %get3A_1, %get3A_19, %dot_general3A_20 {dimension_numbers = #tpu.dot_dimension_numbers<[1], [1], [0], [0], [0, 0, 1, 0], [], []>, transpose_lhs_hint = false} : vector<512x128xf32>, vector<384x128xf32>, vector<512x384xf32> -> vector<512x384xf32>
    %get3A_22 = arith.constant 0 : index
    %get3A_23 = arith.constant 0 : index
    %get3A_24 = vector.load %arg7[%get3A_22, %get3A_23] : memref<1x384xf32, #tpu.memory_space<vmem>>, vector<1x384xf32>
    %add3A_25 = vector.broadcast %get3A_24 : vector<1x384xf32> to vector<512x384xf32>
    %add3A_26 = arith.addf %dot_general3A_21, %add3A_25 : vector<512x384xf32>
    %slice3A = vector.extract_strided_slice %add3A_16 {offsets = [0, 0], sizes = [512, 128], strides = [1, 1]} : vector<512x384xf32> to vector<512x128xf32>
    %slice3A_27 = vector.extract_strided_slice %add3A_26 {offsets = [0, 0], sizes = [512, 128], strides = [1, 1]} : vector<512x384xf32> to vector<512x128xf32>
    %add3A_28 = arith.addf %slice3A, %slice3A_27 : vector<512x128xf32>
    %logistic3A = arith.negf %add3A_28 : vector<512x128xf32>
    %logistic3A_29 = math.exp %logistic3A : vector<512x128xf32>
    %logistic3A_30 = arith.constant 1.000000e+00 : f32
    %logistic3A_31 = vector.broadcast %logistic3A_30 : f32 to vector<512x128xf32>
    %logistic3A_32 = arith.addf %logistic3A_31, %logistic3A_29 : vector<512x128xf32>
    %logistic3A_33 = arith.divf %logistic3A_31, %logistic3A_32 : vector<512x128xf32>
    %slice3A_34 = vector.extract_strided_slice %add3A_16 {offsets = [0, 128], sizes = [512, 128], strides = [1, 1]} : vector<512x384xf32> to vector<512x128xf32>
    %slice3A_35 = vector.extract_strided_slice %add3A_26 {offsets = [0, 128], sizes = [512, 128], strides = [1, 1]} : vector<512x384xf32> to vector<512x128xf32>
    %add3A_36 = arith.addf %slice3A_34, %slice3A_35 : vector<512x128xf32>
    %logistic3A_37 = arith.negf %add3A_36 : vector<512x128xf32>
    %logistic3A_38 = math.exp %logistic3A_37 : vector<512x128xf32>
    %logistic3A_39 = arith.constant 1.000000e+00 : f32
    %logistic3A_40 = vector.broadcast %logistic3A_39 : f32 to vector<512x128xf32>
    %logistic3A_41 = arith.addf %logistic3A_40, %logistic3A_38 : vector<512x128xf32>
    %logistic3A_42 = arith.divf %logistic3A_40, %logistic3A_41 : vector<512x128xf32>
    %slice3A_43 = vector.extract_strided_slice %add3A_16 {offsets = [0, 256], sizes = [512, 128], strides = [1, 1]} : vector<512x384xf32> to vector<512x128xf32>
    %slice3A_44 = vector.extract_strided_slice %add3A_26 {offsets = [0, 256], sizes = [512, 128], strides = [1, 1]} : vector<512x384xf32> to vector<512x128xf32>
    %mul3A = arith.mulf %logistic3A_33, %slice3A_44 : vector<512x128xf32>
    %add3A_45 = arith.addf %slice3A_43, %mul3A : vector<512x128xf32>
    %tanh3A = math.tanh %add3A_45 : vector<512x128xf32>
    %sub3A = arith.constant 1.000000e+00 : f32
    %sub3A_46 = vector.broadcast %sub3A : f32 to vector<512x128xf32>
    %sub3A_47 = arith.subf %sub3A_46, %logistic3A_42 : vector<512x128xf32>
    %mul3A_48 = arith.mulf %sub3A_47, %tanh3A : vector<512x128xf32>
    %mul3A_49 = arith.mulf %logistic3A_42, %get3A_1 : vector<512x128xf32>
    %add3A_50 = arith.addf %mul3A_48, %mul3A_49 : vector<512x128xf32>
    %swap3A = arith.constant 0 : index
    %swap3A_51 = arith.constant 0 : index
    %swap3A_52 = vector.load %arg10[%swap3A, %swap3A_51] : memref<512x128xf32, #tpu.memory_space<vmem>>, vector<512x128xf32>
    tpu.vector_store %arg10[%swap3A, %swap3A_51], %add3A_50 {strides = array<i32>} : memref<512x128xf32, #tpu.memory_space<vmem>>, vector<512x128xf32>,
    return
  }
  func.func @transform_0(%arg0: i32) -> (i32, i32) {
    %c0_i32 = arith.constant 0 : i32
    %c0_i32_0 = arith.constant 0 : i32
    return %arg0, %c0_i32 : i32, i32
  }
  func.func @transform_1(%arg0: i32) -> (i32, i32) {
    %c0_i32 = arith.constant 0 : i32
    %c0_i32_0 = arith.constant 0 : i32
    return %arg0, %c0_i32 : i32, i32
  }
  func.func @transform_2(%arg0: i32) -> (i32, i32) {
    %c0_i32 = arith.constant 0 : i32
    %c0_i32_0 = arith.constant 0 : i32
    return %arg0, %c0_i32 : i32, i32
  }
  func.func @transform_3(%arg0: i32) -> (i32, i32) {
    %c0_i32 = arith.constant 0 : i32
    %c0_i32_0 = arith.constant 0 : i32
    %c0_i32_1 = arith.constant 0 : i32
    return %c0_i32, %c0_i32_0 : i32, i32
  }
  func.func @transform_4(%arg0: i32) -> (i32, i32) {
    %c0_i32 = arith.constant 0 : i32
    %c0_i32_0 = arith.constant 0 : i32
    %c0_i32_1 = arith.constant 0 : i32
    return %c0_i32, %c0_i32_0 : i32, i32
  }
  func.func @transform_5(%arg0: i32) -> (i32, i32) {
    %c0_i32 = arith.constant 0 : i32
    %c0_i32_0 = arith.constant 0 : i32
    %c0_i32_1 = arith.constant 0 : i32
    return %c0_i32, %c0_i32_0 : i32, i32
  }
  func.func @transform_6(%arg0: i32) -> (i32, i32) {
    %c0_i32 = arith.constant 0 : i32
    %c0_i32_0 = arith.constant 0 : i32
    %c0_i32_1 = arith.constant 0 : i32
    return %c0_i32, %c0_i32_0 : i32, i32
  }
  func.func @transform_7(%arg0: i32) -> (i32, i32) {
    %c0_i32 = arith.constant 0 : i32
    %c0_i32_0 = arith.constant 0 : i32
    %c0_i32_1 = arith.constant 0 : i32
    return %c0_i32, %c0_i32_0 : i32, i32
  }
  func.func @transform_8(%arg0: i32) -> (i32, i32) {
    %c0_i32 = arith.constant 0 : i32
    %c0_i32_0 = arith.constant 0 : i32
    %c0_i32_1 = arith.constant 0 : i32
    return %c0_i32, %c0_i32_0 : i32, i32
  }
  func.func @transform_9(%arg0: i32) -> (i32, i32) {
    %c0_i32 = arith.constant 0 : i32
    %c0_i32_0 = arith.constant 0 : i32
    return %arg0, %c0_i32 : i32, i32
  }
}

module attributes {stable_mosaic.version = 14 : i64} {
  func.func @_readout_body(%arg0: memref<10240x128xf32, #tpu.memory_space<vmem>>, %arg1: memref<128x128xf32, #tpu.memory_space<vmem>>, %arg2: memref<1x128xf32, #tpu.memory_space<vmem>>, %arg3: memref<128x128xf32, #tpu.memory_space<vmem>>, %arg4: memref<1x128xf32, #tpu.memory_space<vmem>>, %arg5: memref<1x128xf32, #tpu.memory_space<vmem>>, %arg6: memref<1x128xf32, #tpu.memory_space<vmem>>, %arg7: memref<1x128xf32, #tpu.memory_space<vmem>>) attributes {dimension_semantics = [], scalar_prefetch = 0 : i64, scratch_operands = 0 : i64, tpu.core_type = #tpu.core_type<tc>} {
    %get3A = arith.constant 0 : index
    %get3A_0 = arith.constant 0 : index
    %get3A_1 = vector.load %arg0[%get3A, %get3A_0] : memref<10240x128xf32, #tpu.memory_space<vmem>>, vector<10240x128xf32>
    %iota3A = tpu.iota {dimensions = array<i32: 0>} : vector<10240x128xi32>
    %lt3A = arith.constant 10000 : i32
    %lt3A_2 = vector.broadcast %lt3A : i32 to vector<10240x128xi32>
    %lt3A_3 = arith.cmpi slt, %iota3A, %lt3A_2 : vector<10240x128xi32>
    %jit3A = arith.constant 0.000000e+00 : f32
    %broadcast_in_dim3A = vector.broadcast %jit3A : f32 to vector<10240x128xf32>
    %select_n3A = arith.select %lt3A_3, %get3A_1, %broadcast_in_dim3A : vector<10240x128xi1>, vector<10240x128xf32>
    %reduce_sum3A = arith.constant dense<0.000000e+00> : vector<128xf32>
    %reduce_sum3A_4 = vector.multi_reduction <add>, %select_n3A, %reduce_sum3A [0] : vector<10240x128xf32> to vector<128xf32>
    %broadcast_in_dim3A_5 = vector.shape_cast %reduce_sum3A_4 : vector<128xf32> to vector<1x128xf32>
    %get3A_6 = arith.constant 0 : index
    %get3A_7 = arith.constant 0 : index
    %get3A_8 = vector.load %arg1[%get3A_6, %get3A_7] : memref<128x128xf32, #tpu.memory_space<vmem>>, vector<128x128xf32>
    %dot_general3A = arith.constant dense<0.000000e+00> : vector<1x128xf32>
    %dot_general3A_9 = tpu.matmul %broadcast_in_dim3A_5, %get3A_8, %dot_general3A {dimension_numbers = #tpu.dot_dimension_numbers<[1], [1], [0], [0], [0, 0, 1, 0], [], []>, transpose_lhs_hint = false} : vector<1x128xf32>, vector<128x128xf32>, vector<1x128xf32> -> vector<1x128xf32>
    %get3A_10 = arith.constant 0 : index
    %get3A_11 = arith.constant 0 : index
    %get3A_12 = vector.load %arg2[%get3A_10, %get3A_11] : memref<1x128xf32, #tpu.memory_space<vmem>>, vector<1x128xf32>
    %add3A = arith.addf %dot_general3A_9, %get3A_12 : vector<1x128xf32>
    %gt3A = arith.constant 0.000000e+00 : f32
    %gt3A_13 = vector.broadcast %gt3A : f32 to vector<1x128xf32>
    %gt3A_14 = arith.cmpf ogt, %add3A, %gt3A_13 : vector<1x128xf32>
    %mul3A = arith.constant 1.05070102 : f32
    %mul3A_15 = vector.broadcast %mul3A : f32 to vector<1x128xf32>
    %mul3A_16 = arith.mulf %mul3A_15, %add3A : vector<1x128xf32>
    %exp3A = math.exp %add3A : vector<1x128xf32>
    %mul3A_17 = arith.constant 1.75809932 : f32
    %mul3A_18 = vector.broadcast %mul3A_17 : f32 to vector<1x128xf32>
    %mul3A_19 = arith.mulf %mul3A_18, %exp3A : vector<1x128xf32>
    %sub3A = arith.constant 1.75809932 : f32
    %sub3A_20 = vector.broadcast %sub3A : f32 to vector<1x128xf32>
    %sub3A_21 = arith.subf %mul3A_19, %sub3A_20 : vector<1x128xf32>
    %select_n3A_22 = arith.select %gt3A_14, %mul3A_16, %sub3A_21 : vector<1x128xi1>, vector<1x128xf32>
    %get3A_23 = arith.constant 0 : index
    %get3A_24 = arith.constant 0 : index
    %get3A_25 = vector.load %arg3[%get3A_23, %get3A_24] : memref<128x128xf32, #tpu.memory_space<vmem>>, vector<128x128xf32>
    %dot_general3A_26 = arith.constant dense<0.000000e+00> : vector<1x128xf32>
    %dot_general3A_27 = tpu.matmul %select_n3A_22, %get3A_25, %dot_general3A_26 {dimension_numbers = #tpu.dot_dimension_numbers<[1], [1], [0], [0], [0, 0, 1, 0], [], []>, transpose_lhs_hint = false} : vector<1x128xf32>, vector<128x128xf32>, vector<1x128xf32> -> vector<1x128xf32>
    %get3A_28 = arith.constant 0 : index
    %get3A_29 = arith.constant 0 : index
    %get3A_30 = vector.load %arg4[%get3A_28, %get3A_29] : memref<1x128xf32, #tpu.memory_space<vmem>>, vector<1x128xf32>
    %add3A_31 = arith.addf %dot_general3A_27, %get3A_30 : vector<1x128xf32>
    %gt3A_32 = arith.constant 0.000000e+00 : f32
    %gt3A_33 = vector.broadcast %gt3A_32 : f32 to vector<1x128xf32>
    %gt3A_34 = arith.cmpf ogt, %add3A_31, %gt3A_33 : vector<1x128xf32>
    %mul3A_35 = arith.constant 1.05070102 : f32
    %mul3A_36 = vector.broadcast %mul3A_35 : f32 to vector<1x128xf32>
    %mul3A_37 = arith.mulf %mul3A_36, %add3A_31 : vector<1x128xf32>
    %exp3A_38 = math.exp %add3A_31 : vector<1x128xf32>
    %mul3A_39 = arith.constant 1.75809932 : f32
    %mul3A_40 = vector.broadcast %mul3A_39 : f32 to vector<1x128xf32>
    %mul3A_41 = arith.mulf %mul3A_40, %exp3A_38 : vector<1x128xf32>
    %sub3A_42 = arith.constant 1.75809932 : f32
    %sub3A_43 = vector.broadcast %sub3A_42 : f32 to vector<1x128xf32>
    %sub3A_44 = arith.subf %mul3A_41, %sub3A_43 : vector<1x128xf32>
    %select_n3A_45 = arith.select %gt3A_34, %mul3A_37, %sub3A_44 : vector<1x128xi1>, vector<1x128xf32>
    %get3A_46 = arith.constant 0 : index
    %get3A_47 = arith.constant 0 : index
    %get3A_48 = vector.load %arg5[%get3A_46, %get3A_47] : memref<1x128xf32, #tpu.memory_space<vmem>>, vector<1x128xf32>
    %mul3A_49 = arith.mulf %select_n3A_45, %get3A_48 : vector<1x128xf32>
    %reduce_sum3A_50 = vector.shape_cast %mul3A_49 : vector<1x128xf32> to vector<1x1x128xf32>
    %reduce_sum3A_51 = arith.constant dense<0.000000e+00> : vector<1xf32>
    %reduce_sum3A_52 = vector.multi_reduction <add>, %reduce_sum3A_50, %reduce_sum3A_51 [1, 2] : vector<1x1x128xf32> to vector<1xf32>
    %reduce_sum3A_53 = vector.shape_cast %reduce_sum3A_52 : vector<1xf32> to vector<1x1x1xf32>
    %reduce_sum3A_54 = vector.extract %reduce_sum3A_53[0, 0, 0] : f32 from vector<1x1x1xf32>
    %get3A_55 = arith.constant 0 : index
    %get3A_56 = arith.constant 0 : index
    %get3A_57 = vector.load %arg6[%get3A_55, %get3A_56] : memref<1x128xf32, #tpu.memory_space<vmem>>, vector<1x128xf32>
    %add3A_58 = vector.broadcast %reduce_sum3A_54 : f32 to vector<1x128xf32>
    %add3A_59 = arith.addf %add3A_58, %get3A_57 : vector<1x128xf32>
    %swap3A = arith.constant 0 : index
    %swap3A_60 = arith.constant 0 : index
    %swap3A_61 = vector.load %arg7[%swap3A, %swap3A_60] : memref<1x128xf32, #tpu.memory_space<vmem>>, vector<1x128xf32>
    tpu.vector_store %arg7[%swap3A, %swap3A_60], %add3A_59 {strides = array<i32>} : memref<1x128xf32, #tpu.memory_space<vmem>>, vector<1x128xf32>,
    return
  }
}

</mosaic_0001>

<sc_bundles>
// kernel: gather_offload_async_start.1
scs
__scs_entry_jumppad:
0x0: {  	(pc) =	sbr.rel $0x88, $3  }
0x1: {  	(tag) =	ssettag $0x0;
	lr =	simm.s32 $0x1  }
0x2: {  	[smem:$0x3F92] =	sst lr;
	_ =	strace $0xD0000000  }
0x3: {  	_ = 	snop  }
0x4: {  	_ = 	snop  }
0x5: {  	_ = 	snop  }
0x6: {  	_ = 	snop  }
0x7: {  	_ = 	snop  }
__scs_overlays_trampoline_lowered:
0x8: {  	[smem:$0x3FA1] =	sst s0  }
0x9: {  	[smem:$0x3FA2] =	sst s1  }
0xa: {  	[smem:$0x3FA3] =	sst s2  }
0xb: {  	[smem:$0x3FA4] =	sst s3  }
0xc: {  	[smem:$0x3FA5] =	sst s4  }
0xd: {  	[smem:$0x3FA6] =	sst s5  }
0xe: {  	[smem:$0x3FA7] =	sst s6  }
0xf: {  	[smem:$0x3FA8] =	sst s7  }
0x10: {  	[smem:$0x3FA9] =	sst s8  }
0x11: {  	[smem:$0x3FAA] =	sst s9;
	s0 =	simm.s32 @!p0 $0x0  }
0x12: {  	s1 =	sld [smem:$0x3F90];
	s0 =	simm.s32 @p0 $0x1  }
0x13: {  	[smem:$0x3FAB] =	sst s0;
	s0 =	simm.s32 @!p1 $0x0  }
0x14: {  	s2 =	sld [smem:$0x3F8F];
	s0 =	simm.s32 @p1 $0x1  }
0x15: {  	[smem:$0x3FAC] =	sst s0;
	s0 =	simm.s32 @!p2 $0x0  }
0x16: {  	s3 =	sld [smem:$0x3FDB];
	s0 =	simm.s32 @p2 $0x1  }
0x17: {  	s4 =	simm.s32 $0x1BF5;
	[smem:$0x3FAE] =	sst s0  }
0x18: {  	s0 =	sld [smem:$0x3F91];
	_ =	swait.ge [sflag:s4], $0x0  }
0x19: {  	s7 =	sld [smem:$0x3F92]  }
0x1a: {  	s8 =	sadd.s32 $0xFFFFE003, lr  }
0x1b: {  	s9 =	sadd.s32 $0xFFFFFEF7, lr;
	s5 =	simm.s32 $0xFFFFFFFF;
	p2 =	slt.u32 s8, $0xFFFFF086  }
0x1c: {  	p1 =	slt.u32 s9, $0xF7A;
	s5 =	simm.s32 @!p2 $0x0  }
0x1d: {  	s5 =	simm.s32 @p1 $0x1;
	p0 =	seq.s32 s7, s2  }
0x1e: {  	s7 =	smul.u32 @!p0 $0xF7A, s2;
	p2 =	seq.s32 @!p0 s5, $0x0  }
0x1f: {  	s9 =	smul.u32 $0xF7A, s1;
	s8 =	simm.s32 @!p0 $0x1BF5;
	p2 =	por !p2, p0  }
0x20: {  	[sflag:s8] =	ssyncset.s32 @!p0 $0xFFFFF086;
	s6 =	sadd.s32 @!p0 s3, s7;
	s7 =	simm.s32 @!p0 $0x108  }
0x21: {  	s3 =	sadd.s32 s3, s9;
	s6 =	sadd.s32 @!p0 $0x88, s6;
	s7 =	simm.s32 @p2 $0x1082  }
0x22: {  	[simem:s7], [sflag:s8] =	dma.local @!p0 [hbm:s6], $0xF7A  }
0x23: {  	s9 =	sor.u32 $0xD0000000, s2;
	s6 =	simm.s32 $0x108;
	_ =	swait.ge @!p0 [sflag:s8], $0x0  }
0x24: {  	s3 =	sadd.s32 $0x88, s3;
	s6 =	simm.s32 @!p1 $0x1082;
	[sflag:s4] =	ssyncset.s32 $0xFFFFF086  }
0x25: {  	[simem:s6], [sflag:s4] =	dma.local [hbm:s3], $0xF7A  }
0x26: {  	[smem:$0x3F92] =	sst s1;
	(tag) =	ssettag s2;
	_ =	strace s9  }
0x27: {  	s1 =	sld [smem:$0x3FA2]  }
0x28: {  	s2 =	sld [smem:$0x3FA3]  }
0x29: {  	s4 =	sld [smem:$0x3FA5]  }
0x2a: {  	p0 =	seq.s32 s5, $0x0;
	s5 =	sld [smem:$0x3FA6]  }
0x2b: {  	s6 =	sld [smem:$0x3FA7]  }
0x2c: {  	s7 =	sld [smem:$0x3FA8]  }
0x2d: {  	s3 =	simm.s32 $0x108;
	s8 =	sld [smem:$0x3FA9]  }
0x2e: {  	s3 =	simm.s32 @!p0 $0x1082;
	s9 =	sld [smem:$0x3FAA]  }
0x2f: {  	lr =	sadd.s32 s0, s3;
	s0 =	sld [smem:$0x3FA1]  }
0x30: {  	s3 =	sld [smem:$0x3FA4]  }
0x31: {  	[smem:$0x3FAD] =	sst s10  }
0x32: {  	s10 =	sld [smem:$0x3FAB];
	_ =	sdelay $0x3  }
0x33: {  	p0 =	seq.s32 s10, $0x1;
	s10 =	sld [smem:$0x3FAD];
	_ =	sdelay $0x3  }
0x34: {  	[smem:$0x3FAD] =	sst s10  }
0x35: {  	s10 =	sld [smem:$0x3FAC];
	_ =	sdelay $0x3  }
0x36: {  	p1 =	seq.s32 s10, $0x1;
	s10 =	sld [smem:$0x3FAD];
	_ =	sdelay $0x3  }
0x37: {  	[smem:$0x3FAD] =	sst s10  }
0x38: {  	s10 =	sld [smem:$0x3FAE]  }
0x39: {  	_ = 	snop;
	(pc) =	sbr.ind lr, $3  }
0x3a: {  	_ = 	snop  }
0x3b: {  	_ = 	snop  }
0x3c: {  	p2 =	seq.s32 s10, $0x1;
	s10 =	sld [smem:$0x3FAD]  }
0x3d: {  	_ =	shalt  }
0x3e: {  	_ =	shalt  }
0x3f: {  	_ =	shalt  }
0x40: {  	_ =	shalt  }
0x41: {  	_ =	shalt  }
0x42: {  	_ =	shalt  }
0x43: {  	_ =	shalt  }
0x44: {  	_ =	shalt  }
0x45: {  	_ =	shalt  }
0x46: {  	_ =	shalt  }
0x47: {  	_ =	shalt  }
0x48: {  	_ =	shalt  }
0x49: {  	_ =	shalt  }
0x4a: {  	_ =	shalt  }
0x4b: {  	_ =	shalt  }
0x4c: {  	_ =	shalt  }
0x4d: {  	_ =	shalt  }
0x4e: {  	_ =	shalt  }
0x4f: {  	_ =	shalt  }
0x50: {  	_ =	shalt  }
0x51: {  	_ =	shalt  }
0x52: {  	_ =	shalt  }
0x53: {  	_ =	shalt  }
0x54: {  	_ =	shalt  }
0x55: {  	_ =	shalt  }
0x56: {  	_ =	shalt  }
0x57: {  	_ =	shalt  }
0x58: {  	_ =	shalt  }
0x59: {  	_ =	shalt  }
0x5a: {  	_ =	shalt  }
0x5b: {  	_ =	shalt  }
0x5c: {  	_ =	shalt  }
0x5d: {  	_ =	shalt  }
0x5e: {  	_ =	shalt  }
0x5f: {  	_ =	shalt  }
0x60: {  	_ =	shalt  }
0x61: {  	_ =	shalt  }
0x62: {  	_ =	shalt  }
0x63: {  	_ =	shalt  }
0x64: {  	_ =	shalt  }
0x65: {  	_ =	shalt  }
0x66: {  	_ =	shalt  }
0x67: {  	_ =	shalt  }
0x68: {  	_ =	shalt  }
0x69: {  	_ =	shalt  }
0x6a: {  	_ =	shalt  }
0x6b: {  	_ =	shalt  }
0x6c: {  	_ =	shalt  }
0x6d: {  	_ =	shalt  }
0x6e: {  	_ =	shalt  }
0x6f: {  	_ =	shalt  }
0x70: {  	_ =	shalt  }
0x71: {  	_ =	shalt  }
0x72: {  	_ =	shalt  }
0x73: {  	_ =	shalt  }
0x74: {  	_ =	shalt  }
0x75: {  	_ =	shalt  }
0x76: {  	_ =	shalt  }
0x77: {  	_ =	shalt  }
0x78: {  	_ =	shalt  }
0x79: {  	_ =	shalt  }
0x7a: {  	_ =	shalt  }
0x7b: {  	_ =	shalt  }
0x7c: {  	_ =	shalt  }
0x7d: {  	_ =	shalt  }
0x7e: {  	_ =	shalt  }
0x7f: {  	_ =	shalt  }
0x80: {  	_ =	shalt  }
0x81: {  	_ =	shalt  }
0x82: {  	_ =	shalt  }
0x83: {  	_ =	shalt  }
0x84: {  	_ =	shalt  }
0x85: {  	_ =	shalt  }
0x86: {  	_ =	shalt  }
0x87: {  	_ =	shalt  }
.Lfunc_end0:
.L_simem_size_0:
called_computation.1_lowered:
.L_overlay_start_0:
0x88: {  	s2 =	sld [smem:$0x3FD9]  }
0x89: {  	s3 =	sld [smem:$0x3FFE];
	_ =	sdelay $0x1  }
0x8a: {  	s1 =	srdreg.scid  }
0x8b: {  	s0 =	sand.u32 $0x1, s1  }
0x8c: {  	s16 =	sshll.u32 s0, $0xA;
	s2 =	sadd.s32 s3, s2  }
0x8d: {  	s2 =	sadd.s32 s2, s16  }
0x8e: {  	[smem:$0x3FB9] =	sst s2  }
0x8f: {  	_ = 	snop  }
0x90: {  	(tm) =	ssettm $0x1  }
0x91: {  	s17 =	sld [smem:$0x3FFB];
	_ =	sdelay $0x3  }
0x92: {  	_ =	strace s17  }
0x93: {  	s2 =	sld [smem:$0x3FFC];
	_ =	sdelay $0x3  }
0x94: {  	_ =	strace s2  }
0x95: {  	s2 =	sld [smem:$0x3FFD];
	_ =	sdelay $0x3  }
0x96: {  	_ =	strace s2  }
0x97: {  	_ =	strace $0x8FFFFFFF  }
0x98: {  	s18 =	sld [smem:$0x3FDB];
	_ =	sdelay $0x1  }
0x99: {  	s19 =	simm.s32 $_scs_section_size  }
0x9a: {  	s4 =	simm.s32 $_size__tile_overlayer_lowered;
	s5 =	simm.s32 $_tile_overlayer_lowered  }
0x9b: {  	s22 =	simm.s32 $0x1BFF;
	s21 =	sshll.u32 s5, $0x1;
	s2 =	sadd.s32 s19, s18  }
0x9c: {  	s6 =	simm.s32 $0x0;
	s20 =	sshll.u32 s4, $0x1;
	s4 =	sadd.s32 s21, s2  }
0x9d: {  	[timem:s6], [sflag:s22] =	dma.local [hbm:s4], s20  }
0x9e: {  	_ =	swait.ge [sflag:s22], s20  }
0x9f: {  	s3 =	ssub.s32 $0x0, s20;
	[sflag:s22] =	ssyncset.done $0x0  }
0xa0: {  	[sflag:s22] =	ssyncadd.s32 s3;
	_ =	sdelay $0x1  }
0xa1: {  	s23 =	simm.s32 $0x1B8B  }
0xa2: {  	_ =	swait.ge [sflag:s23], $0x1  }
0xa3: {  	[sflag:s23] =	ssyncset.done $0x0  }
0xa4: {  	s25 =	simm.s32 $0x1B8E;
	s24 =	sld [smem:$0x3FFE];
	[sflag:s23] =	ssyncadd.s32 $0xFFFFFFFF  }
0xa5: {  	s26 =	simm.s32 $execute0_lowered;
	[smem:$0x3FD2] =	sst s25  }
0xa6: {  	s4 =	sshll.u32 s26, $0x1;
	_ =	strace $0x80000046;
	[dreg:$0x1] =	wrdreg $0xFFFFFFFF  }
0xa7: {  	s28 =	simm.s32 $_size_execute0_lowered;
	s2 =	sadd.s32 s2, s4;
	[dreg:$0x0] =	wrdreg $0x0  }
0xa8: {  	s4 =	sshll.u32 s28, $0x1;
	[dreg:$0x2] =	wrdreg s2  }
0xa9: {  	[dreg:$0x3] =	wrdreg s4  }
0xaa: {  	[dreg:$0x4] =	wrdreg $0xC0  }
0xab: {  	_ =	task [dreg:s6], $0x5FFFF  }
0xac: {  	[dreg:$0x1] =	wrdreg $0xFFFFFFFF  }
0xad: {  	[dreg:$0x0] =	wrdreg $0x60  }
0xae: {  	[dreg:$0x2] =	wrdreg s24  }
0xaf: {  	[dreg:$0x3] =	wrdreg $0x9  }
0xb0: {  	_ =	task.clear_ibuf [dreg:s6], $0x4FFFF;
	_ =	strace $0x90000046  }
0xb1: {  	s29 =	simm.s32 $0x9;
	_ =	strace $0x80000048  }
0xb2: {  	_ =	swait.ge [sflag:s29], $0x1  }
0xb3: {  	[sflag:s29] =	ssyncadd.s32 $0xFFFFFFFF  }
0xb4: {  	_ =	strace $0x90000048  }
0xb5: {  	_ =	sfence  }
0xb6: {  	s30 =	sld [smem:$0x0];
	_ =	sdelay $0x2  }
0xb7: {  	s31 =	sshll.u32 s1, $0xD;
	s1 =	sshrl.u32 s1, $0x2  }
0xb8: {  	s3 =	sand.u32 $0x4000, s31;
	s1 =	sadd.s32 s1, s30  }
0xb9: {  	s0 =	sor.u32 s3, s0;
	s1 =	sshll.u32 s1, $0x11  }
0xba: {  	s0 =	sor.u32 s1, s0  }
0xbb: {  	s0 =	sadd.s32 $0x8F2B, s0  }
0xbc: {  	[sflag:s0] =	ssyncadd.remote.s32 $0x1  }
0xbd: {  	_ =	sfence.sel $0xFFFF  }
0xbe: {  	[dreg:$0x0] =	wrdreg $0xFFFFFFFF;
	(pc) =	sbr.abs _section_cstart, $3  }
0xbf: {  	[dreg:$0x1] =	wrdreg $0xFFFFFFFF  }
0xc0: {  	_ =	task.clear_ibuf [dreg:s6], $0x2FFFF;
	_ =	strace $0x9FFFFFFF  }
0xc1: {  	(tm) =	ssettm $0x7FFFFFFF  }
tec
execute0_lowered:
.L_overlay_start_1:
0x0: {  	(tag) =	ssettag $0x1  }
0x1: {  	s0 =	stileid.u32;
	s1 =	srdreg.scid  }
0x2: {  	s1 =	sand.u32 $0x1, s1;
	s2 =	sshll.u32 s0, $0x1  }
0x3: {  	s1 =	sor.u32 s2, s1  }
0x4: {  	s2 =	smul.u32 $0x13C0, s1;
	_ =	sdelay $0x1  }
0x5: {  	s6 =	ssub.s32 $0x4F000, s2  }
0x6: {  	s31 =	smulhi.u32 $0x19EC9, s6  }
0x7: {  	s8 =	rddreg [dreg:$0x0];
	s5 =	simm.s32 $0x1;
	s10 =	simm.s32 $0x3  }
0x8: {  	s13 =	simm.s32 $0x0;
	s12 =	simm.s32 $0x0;
	s7 =	sshrl.u32 s31, $0x2  }
0x9: {  	s3 =	sadd.s32 $0x6800, s8;
	s4 =	sadd.s32 $0x10600, s8;
	s9 =	smul.u32 $0x27800, s7  }
.Ltmp0:
0xa: {  	s8 =	sadd.s32 $0x4C200, s8;
	s1 =	rddreg [dreg:$0x1];
	(pc) =	sbr.rel .LBB2_1-.Ltmp0, $4  }
0xb: {  	_ =	strace $0x80000047;
	p0 =	sne.s32 s6, s9;
	s9 =	simm.s32 $0x1  }
0xc: {  	[sflag:s5] =	ssyncpa.u1 $0x0;
	s6 =	simm.s32 $0x2;
	s9 =	simm.s32 @!p0 $0x0  }
0xd: {  	s11 =	smov.u32 s2;
	[sflag:s6] =	ssyncpa.u1 $0x0;
	s7 =	sadd.s32 s9, s7  }
0xe: {  	vm0 =	vmmov $0xffff;
	[sflag:s10] =	ssyncpa.u1 $0x0;
	s10 =	simm.s32 $0x0;
	s9 =	sadd.s32 $0x1, s7  }
.LBB2_4:
0xf: {  	v2 =	vnsel vm1, $0x0, v2  }
0x10: {  	vm1 =	vgt.s32 v0, $0x0;
	v2 =	vmin.u32 v2, $0x4EFFF  }
0x11: {  	v0 =	vnsel vm1, $0x0, v0  }
0x12: {  	v0 =	vmin.u32 v0, $0x4EFFF  }
0x13: {  	[tilespmem:s18], [sflag:$0x1] =	stream.indirect_vreg.gather [hbm4b:s3+s10], $0x1, v1, vm0, $0x4038;
	[tilespmem:$0x4F00] =	vst v63  }
0x14: {  	(ifvalue) =	ssetifvalue $0x7FFFFFFF  }
0x15: {  	[tilespmem:s15], [sflag:$0x1] =	stream.indirect_vreg.gather [hbm4b:s3+s10], $0x1, v2, vm0, $0x4038;
	[tilespmem:$0x4F00] =	vst v63  }
0x16: {  	s29 =	sadd.s32 $0x10, s15;
	(ifvalue) =	ssetifvalue $0x7FFFFFFF  }
0x17: {  	[tilespmem:s29], [sflag:$0x1] =	stream.indirect_vreg.gather [hbm4b:s3+s10], $0x1, v0, vm0, $0x4038;
	[tilespmem:$0x4F00] =	vst v63  }
0x18: {  	_ =	swait.ge [sflag:s5], $0x13C0  }
0x19: {  	s30 =	sshrl.u32 s13, $0x3;
	[sflag:s5] =	ssyncset.done $0x0  }
0x1a: {  	s31 =	sand.u32 $0x7, s13;
	s15 =	sadd.s32 s8, s30;
	[sflag:s5] =	ssyncadd.s32 $0xFFFFEC40  }
0x1b: {  	[hbm4b:s15+s31] =	stream.linear.scatter [tilespmem:s14], [sflag:$0x3], $0x13C0, $0x38;
	[tilespmem:$0x4F00] =	vst v63  }
.LBB2_5:
0x1c: {  	s15 =	sadd.s32 $0x27800, s11  }
0x1d: {  	p1 =	sgt.s32 s15, $0x4EFFF  }
0x1e: {  	s15 =	smov.u32 @p1 s2;
	p1 =	sne.s32 s12, s9  }
.Ltmp1:
0x1f: {  	p0 =	slt.u32 s12, $0x2;
	(pc) =	sbr.rel @!p1 .LBB2_6-.Ltmp1, $4  }
0x20: {  	s14 =	simm.s32 @!p0 $0x3  }
0x21: {  	_ =	swait.ge @!p0 [sflag:s14], $0x13C0  }
0x22: {  	s16 =	sadd.s32 $0x1, s12;
	s13 =	smov.u32 s11;
	[sflag:s14] =	ssyncset.done @!p0 $0x0  }
0x23: {  	s12 =	smov.u32 s16;
	s11 =	smov.u32 s15;
	[sflag:s14] =	ssyncadd.s32 @!p0 $0xFFFFEC40  }
.LBB2_1:
0x24: {  	p0 =	sge.u32 s12, s7  }
0x25: {  	s14 =	sxor.u32 @!p0 $0xFFFFFFFF, s12  }
0x26: {  	s14 =	sand.u32 @!p0 $0x1, s14  }
0x27: {  	s14 =	smul.u32 @!p0 $0x4F00, s14  }
0x28: {  	s31 =	sadd.s32 $0xFFFFFFFF, s12;
	s15 =	sshrl.u32 @!p0 s11, $0x3  }
0x29: {  	s16 =	sand.u32 @!p0 $0x7, s11;
	s15 =	sadd.s32 @!p0 s4, s15;
	s14 =	sshrl.u32 @!p0 s14, $0x2  }
0x2a: {  	[tilespmem:s14], [sflag:$0x2] =	stream.linear.gather @!p0 [hbm4b:s15+s16], $0x13C0, $0x38;
	[tilespmem:$0x4F00] =	vst v63  }
0x2b: {  	p0 =	sge.u32 s31, s7  }
.Ltmp2:
0x2c: {  	_ = 	snop;
	(pc) =	sbr.rel @p0 .LBB2_5-.Ltmp2, $1  }
0x2d: {  	_ =	sdelay $0x3  }
0x2e: {  	s14 =	sand.u32 $0x1, s12  }
0x2f: {  	_ =	swait.ge [sflag:s6], $0x13C0;
	p0 =	seq.s32 s14, $0x1;
	s14 =	simm.s32 $0x13C0  }
0x30: {  	[sflag:s6] =	ssyncset.done $0x0;
	s14 =	simm.s32 @!p0 $0x0  }
0x31: {  	[sflag:s6] =	ssyncadd.s32 $0xFFFFEC40;
	(ifvalue) =	ssetifvalue $0x7FFFFFFF;
	v0 =	vld.msk [tilespmem:s14+$0x0 ss:$0x1], $0xffff;
	_ =	sdelay $0x4  }
0x32: {  	s15 =	sadd.s32 $0x10, s14;
	vm1 =	vgt.s32 v0, $0x0  }
0x33: {  	v2 =	vld.msk [tilespmem:s15+$0x0 ss:$0x1], $0xffff;
	v1 =	vnsel vm1, $0x0, v0  }
0x34: {  	v1 =	vmin.u32 v1, $0x4EFFF;
	_ =	sdelay $0x2  }
0x35: {  	s17 =	simm.s32 $0x20;
	s14 =	sadd.s32 $0x2780, s14;
	s16 =	sadd.s32 $0x10, s15  }
0x36: {  	s15 =	sadd.s32 $0x10, s14;
	s18 =	smov.u32 s14;
	v0 =	vld.msk [tilespmem:s16+$0x0 ss:$0x1], $0xffff;
	vm1 =	vgt.s32 v2, $0x0;
	(ifvalue) =	ssetifvalue $0x7FFFFFFF  }
.LBB2_3:
0x37: {  	[tilespmem:s18], [sflag:$0x1] =	stream.indirect_vreg.gather [hbm4b:s3+s10], $0x1, v1, vm0, $0x4038;
	[tilespmem:$0x4F00] =	vst v63  }
0x38: {  	s17 =	sadd.s32 $0x10, s17  }
0x39: {  	v2 =	vnsel vm1, $0x0, v2;
	p0 =	slt.u32 s17, $0x13B0  }
.Ltmp3:
0x3a: {  	s18 =	smov.u32 s15;
	v1 =	vmin.u32 v2, $0x4EFFF;
	(pc) =	sbr.rel @p0 .LBB2_3-.Ltmp3, $3  }
0x3b: {  	_ =	sdelay $0x1  }
0x3c: {  	s16 =	sadd.s32 $0x10, s16  }
0x3d: {  	vm1 =	vgt.s32 v0, $0x0;
	s15 =	sadd.s32 $0x10, s15;
	v2 =	vmov v0;
	(ifvalue) =	ssetifvalue $0x7FFFFFFF;
	v0 =	vld.msk [tilespmem:s16+$0x0 ss:$0x1], $0xffff  }
.Ltmp4:
0x3e: {  	_ = 	snop;
	(pc) =	sbr.rel .LBB2_4-.Ltmp4, $1  }
0x3f: {  	_ =	sdelay $0x3  }
.LBB2_6:
0x40: {  	_ =	sfence.sel $0x180000  }
0x41: {  	s2 =	simm.s32 $0x2;
	[bflag:$0x0] =	sbarrier.arrive $0xFFFF  }
0x42: {  	s30 =	simm.s32 $0x3;
	[sflag:s2] =	ssyncpa.u1 $0x1  }
0x43: {  	s31 =	simm.s32 $0x1;
	[sflag:s30] =	ssyncpa.u1 $0x1  }
0x44: {  	[sflag:s31] =	ssyncpa.u1 $0x1  }
0x45: {  	p0 =	sne.s32 s0, $0x0;
	_ =	strace $0x90000047  }
0x46: {  	s0 =	sadd.s32 @!p0 $0x100000, s1;
	[bflag:$0x2] =	sbarrier.arrive $0xFFFF  }
0x47: {  	[sflag:s0] =	ssyncadd.tile.s32 @!p0 $0x1;
	_ =	shalt  }
.Lfunc_end2:
_tile_overlayer_lowered:
.L_overlay_start_2:
0x48: {  	(tag) =	ssettag $0x2  }
0x49: {  	s0 =	rddreg [dreg:$0x0];
	s2 =	stileid.u32  }
0x4a: {  	s1 =	rddreg [dreg:$0x1];
	p0 =	sne.s32 s2, $0x0  }
0x4b: {  	s3 =	rddreg [dreg:$0x2];
	[bflag:$0x3] =	sbarrier.arrive $0xFFFF;
	s2 =	simm.s32 @!p0 $0x1C01  }
0x4c: {  	[timem:s3], [sflag:s2] =	dma.local @!p0 [hbm:s0], s1  }
0x4d: {  	s0 =	simm.s32 @!p0 $0x1  }
0x4e: {  	_ =	swait.ge @!p0 [sflag:s0], s1  }
0x4f: {  	s1 =	ssub.s32 @!p0 $0x0, s1;
	[sflag:s0] =	ssyncset.done @!p0 $0x0  }
0x50: {  	[sflag:s0] =	ssyncadd.s32 @!p0 s1  }
0x51: {  	[bflag:$0x3] =	sbarrier.arrive $0xFFFF  }
0x52: {  	_ =	shalt  }

// kernel: gather_offload_async_start
scs
__scs_entry_jumppad:
0x0: {  	(pc) =	sbr.rel $0x88, $3  }
0x1: {  	(tag) =	ssettag $0x0;
	lr =	simm.s32 $0x1  }
0x2: {  	[smem:$0x3F92] =	sst lr;
	_ =	strace $0xD0000000  }
0x3: {  	_ = 	snop  }
0x4: {  	_ = 	snop  }
0x5: {  	_ = 	snop  }
0x6: {  	_ = 	snop  }
0x7: {  	_ = 	snop  }
__scs_overlays_trampoline_lowered:
0x8: {  	[smem:$0x3FA1] =	sst s0  }
0x9: {  	[smem:$0x3FA2] =	sst s1  }
0xa: {  	[smem:$0x3FA3] =	sst s2  }
0xb: {  	[smem:$0x3FA4] =	sst s3  }
0xc: {  	[smem:$0x3FA5] =	sst s4  }
0xd: {  	[smem:$0x3FA6] =	sst s5  }
0xe: {  	[smem:$0x3FA7] =	sst s6  }
0xf: {  	[smem:$0x3FA8] =	sst s7  }
0x10: {  	[smem:$0x3FA9] =	sst s8  }
0x11: {  	[smem:$0x3FAA] =	sst s9;
	s0 =	simm.s32 @!p0 $0x0  }
0x12: {  	s1 =	sld [smem:$0x3F90];
	s0 =	simm.s32 @p0 $0x1  }
0x13: {  	[smem:$0x3FAB] =	sst s0;
	s0 =	simm.s32 @!p1 $0x0  }
0x14: {  	s2 =	sld [smem:$0x3F8F];
	s0 =	simm.s32 @p1 $0x1  }
0x15: {  	[smem:$0x3FAC] =	sst s0;
	s0 =	simm.s32 @!p2 $0x0  }
0x16: {  	s3 =	sld [smem:$0x3FDB];
	s0 =	simm.s32 @p2 $0x1  }
0x17: {  	s4 =	simm.s32 $0x1BF5;
	[smem:$0x3FAE] =	sst s0  }
0x18: {  	s0 =	sld [smem:$0x3F91];
	_ =	swait.ge [sflag:s4], $0x0  }
0x19: {  	s7 =	sld [smem:$0x3F92]  }
0x1a: {  	s8 =	sadd.s32 $0xFFFFE003, lr  }
0x1b: {  	s9 =	sadd.s32 $0xFFFFFEF7, lr;
	s5 =	simm.s32 $0xFFFFFFFF;
	p2 =	slt.u32 s8, $0xFFFFF086  }
0x1c: {  	p1 =	slt.u32 s9, $0xF7A;
	s5 =	simm.s32 @!p2 $0x0  }
0x1d: {  	s5 =	simm.s32 @p1 $0x1;
	p0 =	seq.s32 s7, s2  }
0x1e: {  	s7 =	smul.u32 @!p0 $0xF7A, s2;
	p2 =	seq.s32 @!p0 s5, $0x0  }
0x1f: {  	s9 =	smul.u32 $0xF7A, s1;
	s8 =	simm.s32 @!p0 $0x1BF5;
	p2 =	por !p2, p0  }
0x20: {  	[sflag:s8] =	ssyncset.s32 @!p0 $0xFFFFF086;
	s6 =	sadd.s32 @!p0 s3, s7;
	s7 =	simm.s32 @!p0 $0x108  }
0x21: {  	s3 =	sadd.s32 s3, s9;
	s6 =	sadd.s32 @!p0 $0x88, s6;
	s7 =	simm.s32 @p2 $0x1082  }
0x22: {  	[simem:s7], [sflag:s8] =	dma.local @!p0 [hbm:s6], $0xF7A  }
0x23: {  	s9 =	sor.u32 $0xD0000000, s2;
	s6 =	simm.s32 $0x108;
	_ =	swait.ge @!p0 [sflag:s8], $0x0  }
0x24: {  	s3 =	sadd.s32 $0x88, s3;
	s6 =	simm.s32 @!p1 $0x1082;
	[sflag:s4] =	ssyncset.s32 $0xFFFFF086  }
0x25: {  	[simem:s6], [sflag:s4] =	dma.local [hbm:s3], $0xF7A  }
0x26: {  	[smem:$0x3F92] =	sst s1;
	(tag) =	ssettag s2;
	_ =	strace s9  }
0x27: {  	s1 =	sld [smem:$0x3FA2]  }
0x28: {  	s2 =	sld [smem:$0x3FA3]  }
0x29: {  	s4 =	sld [smem:$0x3FA5]  }
0x2a: {  	p0 =	seq.s32 s5, $0x0;
	s5 =	sld [smem:$0x3FA6]  }
0x2b: {  	s6 =	sld [smem:$0x3FA7]  }
0x2c: {  	s7 =	sld [smem:$0x3FA8]  }
0x2d: {  	s3 =	simm.s32 $0x108;
	s8 =	sld [smem:$0x3FA9]  }
0x2e: {  	s3 =	simm.s32 @!p0 $0x1082;
	s9 =	sld [smem:$0x3FAA]  }
0x2f: {  	lr =	sadd.s32 s0, s3;
	s0 =	sld [smem:$0x3FA1]  }
0x30: {  	s3 =	sld [smem:$0x3FA4]  }
0x31: {  	[smem:$0x3FAD] =	sst s10  }
0x32: {  	s10 =	sld [smem:$0x3FAB];
	_ =	sdelay $0x3  }
0x33: {  	p0 =	seq.s32 s10, $0x1;
	s10 =	sld [smem:$0x3FAD];
	_ =	sdelay $0x3  }
0x34: {  	[smem:$0x3FAD] =	sst s10  }
0x35: {  	s10 =	sld [smem:$0x3FAC];
	_ =	sdelay $0x3  }
0x36: {  	p1 =	seq.s32 s10, $0x1;
	s10 =	sld [smem:$0x3FAD];
	_ =	sdelay $0x3  }
0x37: {  	[smem:$0x3FAD] =	sst s10  }
0x38: {  	s10 =	sld [smem:$0x3FAE]  }
0x39: {  	_ = 	snop;
	(pc) =	sbr.ind lr, $3  }
0x3a: {  	_ = 	snop  }
0x3b: {  	_ = 	snop  }
0x3c: {  	p2 =	seq.s32 s10, $0x1;
	s10 =	sld [smem:$0x3FAD]  }
0x3d: {  	_ =	shalt  }
0x3e: {  	_ =	shalt  }
0x3f: {  	_ =	shalt  }
0x40: {  	_ =	shalt  }
0x41: {  	_ =	shalt  }
0x42: {  	_ =	shalt  }
0x43: {  	_ =	shalt  }
0x44: {  	_ =	shalt  }
0x45: {  	_ =	shalt  }
0x46: {  	_ =	shalt  }
0x47: {  	_ =	shalt  }
0x48: {  	_ =	shalt  }
0x49: {  	_ =	shalt  }
0x4a: {  	_ =	shalt  }
0x4b: {  	_ =	shalt  }
0x4c: {  	_ =	shalt  }
0x4d: {  	_ =	shalt  }
0x4e: {  	_ =	shalt  }
0x4f: {  	_ =	shalt  }
0x50: {  	_ =	shalt  }
0x51: {  	_ =	shalt  }
0x52: {  	_ =	shalt  }
0x53: {  	_ =	shalt  }
0x54: {  	_ =	shalt  }
0x55: {  	_ =	shalt  }
0x56: {  	_ =	shalt  }
0x57: {  	_ =	shalt  }
0x58: {  	_ =	shalt  }
0x59: {  	_ =	shalt  }
0x5a: {  	_ =	shalt  }
0x5b: {  	_ =	shalt  }
0x5c: {  	_ =	shalt  }
0x5d: {  	_ =	shalt  }
0x5e: {  	_ =	shalt  }
0x5f: {  	_ =	shalt  }
0x60: {  	_ =	shalt  }
0x61: {  	_ =	shalt  }
0x62: {  	_ =	shalt  }
0x63: {  	_ =	shalt  }
0x64: {  	_ =	shalt  }
0x65: {  	_ =	shalt  }
0x66: {  	_ =	shalt  }
0x67: {  	_ =	shalt  }
0x68: {  	_ =	shalt  }
0x69: {  	_ =	shalt  }
0x6a: {  	_ =	shalt  }
0x6b: {  	_ =	shalt  }
0x6c: {  	_ =	shalt  }
0x6d: {  	_ =	shalt  }
0x6e: {  	_ =	shalt  }
0x6f: {  	_ =	shalt  }
0x70: {  	_ =	shalt  }
0x71: {  	_ =	shalt  }
0x72: {  	_ =	shalt  }
0x73: {  	_ =	shalt  }
0x74: {  	_ =	shalt  }
0x75: {  	_ =	shalt  }
0x76: {  	_ =	shalt  }
0x77: {  	_ =	shalt  }
0x78: {  	_ =	shalt  }
0x79: {  	_ =	shalt  }
0x7a: {  	_ =	shalt  }
0x7b: {  	_ =	shalt  }
0x7c: {  	_ =	shalt  }
0x7d: {  	_ =	shalt  }
0x7e: {  	_ =	shalt  }
0x7f: {  	_ =	shalt  }
0x80: {  	_ =	shalt  }
0x81: {  	_ =	shalt  }
0x82: {  	_ =	shalt  }
0x83: {  	_ =	shalt  }
0x84: {  	_ =	shalt  }
0x85: {  	_ =	shalt  }
0x86: {  	_ =	shalt  }
0x87: {  	_ =	shalt  }
.Lfunc_end0:
.L_simem_size_0:
called_computation_lowered:
.L_overlay_start_0:
0x88: {  	s2 =	sld [smem:$0x3FD9]  }
0x89: {  	s3 =	sld [smem:$0x3FFE];
	_ =	sdelay $0x1  }
0x8a: {  	s1 =	srdreg.scid  }
0x8b: {  	s0 =	sand.u32 $0x1, s1  }
0x8c: {  	s16 =	sshll.u32 s0, $0xA;
	s2 =	sadd.s32 s3, s2  }
0x8d: {  	s2 =	sadd.s32 s2, s16  }
0x8e: {  	[smem:$0x3FB9] =	sst s2  }
0x8f: {  	_ = 	snop  }
0x90: {  	(tm) =	ssettm $0x1  }
0x91: {  	s17 =	sld [smem:$0x3FFB];
	_ =	sdelay $0x3  }
0x92: {  	_ =	strace s17  }
0x93: {  	s2 =	sld [smem:$0x3FFC];
	_ =	sdelay $0x3  }
0x94: {  	_ =	strace s2  }
0x95: {  	s2 =	sld [smem:$0x3FFD];
	_ =	sdelay $0x3  }
0x96: {  	_ =	strace s2  }
0x97: {  	_ =	strace $0x8FFFFFFF  }
0x98: {  	s18 =	sld [smem:$0x3FDB];
	_ =	sdelay $0x1  }
0x99: {  	s19 =	simm.s32 $_scs_section_size  }
0x9a: {  	s4 =	simm.s32 $_size__tile_overlayer_lowered;
	s5 =	simm.s32 $_tile_overlayer_lowered  }
0x9b: {  	s22 =	simm.s32 $0x1BFF;
	s21 =	sshll.u32 s5, $0x1;
	s2 =	sadd.s32 s19, s18  }
0x9c: {  	s6 =	simm.s32 $0x0;
	s20 =	sshll.u32 s4, $0x1;
	s4 =	sadd.s32 s21, s2  }
0x9d: {  	[timem:s6], [sflag:s22] =	dma.local [hbm:s4], s20  }
0x9e: {  	_ =	swait.ge [sflag:s22], s20  }
0x9f: {  	s3 =	ssub.s32 $0x0, s20;
	[sflag:s22] =	ssyncset.done $0x0  }
0xa0: {  	[sflag:s22] =	ssyncadd.s32 s3;
	_ =	sdelay $0x1  }
0xa1: {  	s23 =	simm.s32 $0x1B8B  }
0xa2: {  	_ =	swait.ge [sflag:s23], $0x1  }
0xa3: {  	[sflag:s23] =	ssyncset.done $0x0  }
0xa4: {  	s25 =	simm.s32 $0x1B8E;
	s24 =	sld [smem:$0x3FFE];
	[sflag:s23] =	ssyncadd.s32 $0xFFFFFFFF  }
0xa5: {  	s26 =	simm.s32 $execute0_lowered;
	[smem:$0x3FD2] =	sst s25  }
0xa6: {  	s4 =	sshll.u32 s26, $0x1;
	_ =	strace $0x80000049;
	[dreg:$0x1] =	wrdreg $0xFFFFFFFF  }
0xa7: {  	s28 =	simm.s32 $_size_execute0_lowered;
	s2 =	sadd.s32 s2, s4;
	[dreg:$0x0] =	wrdreg $0x0  }
0xa8: {  	s4 =	sshll.u32 s28, $0x1;
	[dreg:$0x2] =	wrdreg s2  }
0xa9: {  	[dreg:$0x3] =	wrdreg s4  }
0xaa: {  	[dreg:$0x4] =	wrdreg $0xC0  }
0xab: {  	_ =	task [dreg:s6], $0x5FFFF  }
0xac: {  	[dreg:$0x1] =	wrdreg $0xFFFFFFFF  }
0xad: {  	[dreg:$0x0] =	wrdreg $0x60  }
0xae: {  	[dreg:$0x2] =	wrdreg s24  }
0xaf: {  	[dreg:$0x3] =	wrdreg $0x9  }
0xb0: {  	_ =	task.clear_ibuf [dreg:s6], $0x4FFFF;
	_ =	strace $0x90000049  }
0xb1: {  	s29 =	simm.s32 $0x9;
	_ =	strace $0x8000004B  }
0xb2: {  	_ =	swait.ge [sflag:s29], $0x1  }
0xb3: {  	[sflag:s29] =	ssyncadd.s32 $0xFFFFFFFF  }
0xb4: {  	_ =	strace $0x9000004B  }
0xb5: {  	_ =	sfence  }
0xb6: {  	s30 =	sld [smem:$0x0];
	_ =	sdelay $0x2  }
0xb7: {  	s31 =	sshll.u32 s1, $0xD;
	s1 =	sshrl.u32 s1, $0x2  }
0xb8: {  	s3 =	sand.u32 $0x4000, s31;
	s1 =	sadd.s32 s1, s30  }
0xb9: {  	s0 =	sor.u32 s3, s0;
	s1 =	sshll.u32 s1, $0x11  }
0xba: {  	s0 =	sor.u32 s1, s0  }
0xbb: {  	s0 =	sadd.s32 $0x8F2B, s0  }
0xbc: {  	[sflag:s0] =	ssyncadd.remote.s32 $0x1  }
0xbd: {  	_ =	sfence.sel $0xFFFF  }
0xbe: {  	[dreg:$0x0] =	wrdreg $0xFFFFFFFF;
	(pc) =	sbr.abs _section_cstart, $3  }
0xbf: {  	[dreg:$0x1] =	wrdreg $0xFFFFFFFF  }
0xc0: {  	_ =	task.clear_ibuf [dreg:s6], $0x2FFFF;
	_ =	strace $0x9FFFFFFF  }
0xc1: {  	(tm) =	ssettm $0x7FFFFFFF  }
tec
execute0_lowered:
.L_overlay_start_1:
0x0: {  	(tag) =	ssettag $0x1  }
0x1: {  	s0 =	stileid.u32;
	s1 =	srdreg.scid  }
0x2: {  	s1 =	sand.u32 $0x1, s1;
	s2 =	sshll.u32 s0, $0x1  }
0x3: {  	s1 =	sor.u32 s2, s1  }
0x4: {  	s2 =	smul.u32 $0x13C0, s1;
	_ =	sdelay $0x1  }
0x5: {  	s6 =	ssub.s32 $0x4F000, s2  }
0x6: {  	s31 =	smulhi.u32 $0x19EC9, s6  }
0x7: {  	s8 =	rddreg [dreg:$0x0];
	s5 =	simm.s32 $0x1;
	s10 =	simm.s32 $0x3  }
0x8: {  	s13 =	simm.s32 $0x0;
	s12 =	simm.s32 $0x0;
	s7 =	sshrl.u32 s31, $0x2  }
0x9: {  	s3 =	sadd.s32 $0x1A400, s8;
	s4 =	sadd.s32 $0x10600, s8;
	s9 =	smul.u32 $0x27800, s7  }
.Ltmp0:
0xa: {  	s8 =	sadd.s32 $0x6800, s8;
	s1 =	rddreg [dreg:$0x1];
	(pc) =	sbr.rel .LBB2_1-.Ltmp0, $4  }
0xb: {  	_ =	strace $0x8000004A;
	p0 =	sne.s32 s6, s9;
	s9 =	simm.s32 $0x1  }
0xc: {  	[sflag:s5] =	ssyncpa.u1 $0x0;
	s6 =	simm.s32 $0x2;
	s9 =	simm.s32 @!p0 $0x0  }
0xd: {  	s11 =	smov.u32 s2;
	[sflag:s6] =	ssyncpa.u1 $0x0;
	s7 =	sadd.s32 s9, s7  }
0xe: {  	vm0 =	vmmov $0xffff;
	[sflag:s10] =	ssyncpa.u1 $0x0;
	s10 =	simm.s32 $0x0;
	s9 =	sadd.s32 $0x1, s7  }
.LBB2_4:
0xf: {  	v2 =	vnsel vm1, $0x0, v2  }
0x10: {  	vm1 =	vgt.s32 v0, $0x0;
	v2 =	vmin.u32 v2, $0x4EFFF  }
0x11: {  	v0 =	vnsel vm1, $0x0, v0  }
0x12: {  	v0 =	vmin.u32 v0, $0x4EFFF  }
0x13: {  	[tilespmem:s18], [sflag:$0x1] =	stream.indirect_vreg.gather [hbm4b:s3+s10], $0x1, v1, vm0, $0x4038;
	[tilespmem:$0x4F00] =	vst v63  }
0x14: {  	(ifvalue) =	ssetifvalue $0x7FFFFFFF  }
0x15: {  	[tilespmem:s15], [sflag:$0x1] =	stream.indirect_vreg.gather [hbm4b:s3+s10], $0x1, v2, vm0, $0x4038;
	[tilespmem:$0x4F00] =	vst v63  }
0x16: {  	s29 =	sadd.s32 $0x10, s15;
	(ifvalue) =	ssetifvalue $0x7FFFFFFF  }
0x17: {  	[tilespmem:s29], [sflag:$0x1] =	stream.indirect_vreg.gather [hbm4b:s3+s10], $0x1, v0, vm0, $0x4038;
	[tilespmem:$0x4F00] =	vst v63  }
0x18: {  	_ =	swait.ge [sflag:s5], $0x13C0  }
0x19: {  	s30 =	sshrl.u32 s13, $0x3;
	[sflag:s5] =	ssyncset.done $0x0  }
0x1a: {  	s31 =	sand.u32 $0x7, s13;
	s15 =	sadd.s32 s8, s30;
	[sflag:s5] =	ssyncadd.s32 $0xFFFFEC40  }
0x1b: {  	[hbm4b:s15+s31] =	stream.linear.scatter [tilespmem:s14], [sflag:$0x3], $0x13C0, $0x38;
	[tilespmem:$0x4F00] =	vst v63  }
.LBB2_5:
0x1c: {  	s15 =	sadd.s32 $0x27800, s11  }
0x1d: {  	p1 =	sgt.s32 s15, $0x4EFFF  }
0x1e: {  	s15 =	smov.u32 @p1 s2;
	p1 =	sne.s32 s12, s9  }
.Ltmp1:
0x1f: {  	p0 =	slt.u32 s12, $0x2;
	(pc) =	sbr.rel @!p1 .LBB2_6-.Ltmp1, $4  }
0x20: {  	s14 =	simm.s32 @!p0 $0x3  }
0x21: {  	_ =	swait.ge @!p0 [sflag:s14], $0x13C0  }
0x22: {  	s16 =	sadd.s32 $0x1, s12;
	s13 =	smov.u32 s11;
	[sflag:s14] =	ssyncset.done @!p0 $0x0  }
0x23: {  	s12 =	smov.u32 s16;
	s11 =	smov.u32 s15;
	[sflag:s14] =	ssyncadd.s32 @!p0 $0xFFFFEC40  }
.LBB2_1:
0x24: {  	p0 =	sge.u32 s12, s7  }
0x25: {  	s14 =	sxor.u32 @!p0 $0xFFFFFFFF, s12  }
0x26: {  	s14 =	sand.u32 @!p0 $0x1, s14  }
0x27: {  	s14 =	smul.u32 @!p0 $0x4F00, s14  }
0x28: {  	s31 =	sadd.s32 $0xFFFFFFFF, s12;
	s15 =	sshrl.u32 @!p0 s11, $0x3  }
0x29: {  	s16 =	sand.u32 @!p0 $0x7, s11;
	s15 =	sadd.s32 @!p0 s4, s15;
	s14 =	sshrl.u32 @!p0 s14, $0x2  }
0x2a: {  	[tilespmem:s14], [sflag:$0x2] =	stream.linear.gather @!p0 [hbm4b:s15+s16], $0x13C0, $0x38;
	[tilespmem:$0x4F00] =	vst v63  }
0x2b: {  	p0 =	sge.u32 s31, s7  }
.Ltmp2:
0x2c: {  	_ = 	snop;
	(pc) =	sbr.rel @p0 .LBB2_5-.Ltmp2, $1  }
0x2d: {  	_ =	sdelay $0x3  }
0x2e: {  	s14 =	sand.u32 $0x1, s12  }
0x2f: {  	_ =	swait.ge [sflag:s6], $0x13C0;
	p0 =	seq.s32 s14, $0x1;
	s14 =	simm.s32 $0x13C0  }
0x30: {  	[sflag:s6] =	ssyncset.done $0x0;
	s14 =	simm.s32 @!p0 $0x0  }
0x31: {  	[sflag:s6] =	ssyncadd.s32 $0xFFFFEC40;
	(ifvalue) =	ssetifvalue $0x7FFFFFFF;
	v0 =	vld.msk [tilespmem:s14+$0x0 ss:$0x1], $0xffff;
	_ =	sdelay $0x4  }
0x32: {  	s15 =	sadd.s32 $0x10, s14;
	vm1 =	vgt.s32 v0, $0x0  }
0x33: {  	v2 =	vld.msk [tilespmem:s15+$0x0 ss:$0x1], $0xffff;
	v1 =	vnsel vm1, $0x0, v0  }
0x34: {  	v1 =	vmin.u32 v1, $0x4EFFF;
	_ =	sdelay $0x2  }
0x35: {  	s17 =	simm.s32 $0x20;
	s14 =	sadd.s32 $0x2780, s14;
	s16 =	sadd.s32 $0x10, s15  }
0x36: {  	s15 =	sadd.s32 $0x10, s14;
	s18 =	smov.u32 s14;
	v0 =	vld.msk [tilespmem:s16+$0x0 ss:$0x1], $0xffff;
	vm1 =	vgt.s32 v2, $0x0;
	(ifvalue) =	ssetifvalue $0x7FFFFFFF  }
.LBB2_3:
0x37: {  	[tilespmem:s18], [sflag:$0x1] =	stream.indirect_vreg.gather [hbm4b:s3+s10], $0x1, v1, vm0, $0x4038;
	[tilespmem:$0x4F00] =	vst v63  }
0x38: {  	s17 =	sadd.s32 $0x10, s17  }
0x39: {  	v2 =	vnsel vm1, $0x0, v2;
	p0 =	slt.u32 s17, $0x13B0  }
.Ltmp3:
0x3a: {  	s18 =	smov.u32 s15;
	v1 =	vmin.u32 v2, $0x4EFFF;
	(pc) =	sbr.rel @p0 .LBB2_3-.Ltmp3, $3  }
0x3b: {  	_ =	sdelay $0x1  }
0x3c: {  	s16 =	sadd.s32 $0x10, s16  }
0x3d: {  	vm1 =	vgt.s32 v0, $0x0;
	s15 =	sadd.s32 $0x10, s15;
	v2 =	vmov v0;
	(ifvalue) =	ssetifvalue $0x7FFFFFFF;
	v0 =	vld.msk [tilespmem:s16+$0x0 ss:$0x1], $0xffff  }
.Ltmp4:
0x3e: {  	_ = 	snop;
	(pc) =	sbr.rel .LBB2_4-.Ltmp4, $1  }
0x3f: {  	_ =	sdelay $0x3  }
.LBB2_6:
0x40: {  	_ =	sfence.sel $0x180000  }
0x41: {  	s2 =	simm.s32 $0x2;
	[bflag:$0x0] =	sbarrier.arrive $0xFFFF  }
0x42: {  	s30 =	simm.s32 $0x3;
	[sflag:s2] =	ssyncpa.u1 $0x1  }
0x43: {  	s31 =	simm.s32 $0x1;
	[sflag:s30] =	ssyncpa.u1 $0x1  }
0x44: {  	[sflag:s31] =	ssyncpa.u1 $0x1  }
0x45: {  	p0 =	sne.s32 s0, $0x0;
	_ =	strace $0x9000004A  }
0x46: {  	s0 =	sadd.s32 @!p0 $0x100000, s1;
	[bflag:$0x2] =	sbarrier.arrive $0xFFFF  }
0x47: {  	[sflag:s0] =	ssyncadd.tile.s32 @!p0 $0x1;
	_ =	shalt  }
.Lfunc_end2:
_tile_overlayer_lowered:
.L_overlay_start_2:
0x48: {  	(tag) =	ssettag $0x2  }
0x49: {  	s0 =	rddreg [dreg:$0x0];
	s2 =	stileid.u32  }
0x4a: {  	s1 =	rddreg [dreg:$0x1];
	p0 =	sne.s32 s2, $0x0  }
0x4b: {  	s3 =	rddreg [dreg:$0x2];
	[bflag:$0x3] =	sbarrier.arrive $0xFFFF;
	s2 =	simm.s32 @!p0 $0x1C01  }
0x4c: {  	[timem:s3], [sflag:s2] =	dma.local @!p0 [hbm:s0], s1  }
0x4d: {  	s0 =	simm.s32 @!p0 $0x1  }
0x4e: {  	_ =	swait.ge @!p0 [sflag:s0], s1  }
0x4f: {  	s1 =	ssub.s32 @!p0 $0x0, s1;
	[sflag:s0] =	ssyncset.done @!p0 $0x0  }
0x50: {  	[sflag:s0] =	ssyncadd.s32 @!p0 s1  }
0x51: {  	[bflag:$0x3] =	sbarrier.arrive $0xFFFF  }
0x52: {  	_ =	shalt  }

// kernel: kernel.12.cloned.1.call-start
scs
__scs_entry_jumppad:
0x0: {  	(pc) =	sbr.rel $0x88, $3  }
0x1: {  	(tag) =	ssettag $0x0;
	lr =	simm.s32 $0x1  }
0x2: {  	[smem:$0x3F92] =	sst lr;
	_ =	strace $0xD0000000  }
0x3: {  	_ = 	snop  }
0x4: {  	_ = 	snop  }
0x5: {  	_ = 	snop  }
0x6: {  	_ = 	snop  }
0x7: {  	_ = 	snop  }
__scs_overlays_trampoline_lowered:
0x8: {  	[smem:$0x3FA1] =	sst s0  }
0x9: {  	[smem:$0x3FA2] =	sst s1  }
0xa: {  	[smem:$0x3FA3] =	sst s2  }
0xb: {  	[smem:$0x3FA4] =	sst s3  }
0xc: {  	[smem:$0x3FA5] =	sst s4  }
0xd: {  	[smem:$0x3FA6] =	sst s5  }
0xe: {  	[smem:$0x3FA7] =	sst s6  }
0xf: {  	[smem:$0x3FA8] =	sst s7  }
0x10: {  	[smem:$0x3FA9] =	sst s8  }
0x11: {  	[smem:$0x3FAA] =	sst s9;
	s0 =	simm.s32 @!p0 $0x0  }
0x12: {  	s1 =	sld [smem:$0x3F90];
	s0 =	simm.s32 @p0 $0x1  }
0x13: {  	[smem:$0x3FAB] =	sst s0;
	s0 =	simm.s32 @!p1 $0x0  }
0x14: {  	s2 =	sld [smem:$0x3F8F];
	s0 =	simm.s32 @p1 $0x1  }
0x15: {  	[smem:$0x3FAC] =	sst s0;
	s0 =	simm.s32 @!p2 $0x0  }
0x16: {  	s3 =	sld [smem:$0x3FDB];
	s0 =	simm.s32 @p2 $0x1  }
0x17: {  	s4 =	simm.s32 $0x1BF5;
	[smem:$0x3FAE] =	sst s0  }
0x18: {  	s0 =	sld [smem:$0x3F91];
	_ =	swait.ge [sflag:s4], $0x0  }
0x19: {  	s7 =	sld [smem:$0x3F92]  }
0x1a: {  	s8 =	sadd.s32 $0xFFFFE003, lr  }
0x1b: {  	s9 =	sadd.s32 $0xFFFFFEF7, lr;
	s5 =	simm.s32 $0xFFFFFFFF;
	p2 =	slt.u32 s8, $0xFFFFF086  }
0x1c: {  	p1 =	slt.u32 s9, $0xF7A;
	s5 =	simm.s32 @!p2 $0x0  }
0x1d: {  	s5 =	simm.s32 @p1 $0x1;
	p0 =	seq.s32 s7, s2  }
0x1e: {  	s7 =	smul.u32 @!p0 $0xF7A, s2;
	p2 =	seq.s32 @!p0 s5, $0x0  }
0x1f: {  	s9 =	smul.u32 $0xF7A, s1;
	s8 =	simm.s32 @!p0 $0x1BF5;
	p2 =	por !p2, p0  }
0x20: {  	[sflag:s8] =	ssyncset.s32 @!p0 $0xFFFFF086;
	s6 =	sadd.s32 @!p0 s3, s7;
	s7 =	simm.s32 @!p0 $0x108  }
0x21: {  	s3 =	sadd.s32 s3, s9;
	s6 =	sadd.s32 @!p0 $0x88, s6;
	s7 =	simm.s32 @p2 $0x1082  }
0x22: {  	[simem:s7], [sflag:s8] =	dma.local @!p0 [hbm:s6], $0xF7A  }
0x23: {  	s9 =	sor.u32 $0xD0000000, s2;
	s6 =	simm.s32 $0x108;
	_ =	swait.ge @!p0 [sflag:s8], $0x0  }
0x24: {  	s3 =	sadd.s32 $0x88, s3;
	s6 =	simm.s32 @!p1 $0x1082;
	[sflag:s4] =	ssyncset.s32 $0xFFFFF086  }
0x25: {  	[simem:s6], [sflag:s4] =	dma.local [hbm:s3], $0xF7A  }
0x26: {  	[smem:$0x3F92] =	sst s1;
	(tag) =	ssettag s2;
	_ =	strace s9  }
0x27: {  	s1 =	sld [smem:$0x3FA2]  }
0x28: {  	s2 =	sld [smem:$0x3FA3]  }
0x29: {  	s4 =	sld [smem:$0x3FA5]  }
0x2a: {  	p0 =	seq.s32 s5, $0x0;
	s5 =	sld [smem:$0x3FA6]  }
0x2b: {  	s6 =	sld [smem:$0x3FA7]  }
0x2c: {  	s7 =	sld [smem:$0x3FA8]  }
0x2d: {  	s3 =	simm.s32 $0x108;
	s8 =	sld [smem:$0x3FA9]  }
0x2e: {  	s3 =	simm.s32 @!p0 $0x1082;
	s9 =	sld [smem:$0x3FAA]  }
0x2f: {  	lr =	sadd.s32 s0, s3;
	s0 =	sld [smem:$0x3FA1]  }
0x30: {  	s3 =	sld [smem:$0x3FA4]  }
0x31: {  	[smem:$0x3FAD] =	sst s10  }
0x32: {  	s10 =	sld [smem:$0x3FAB];
	_ =	sdelay $0x3  }
0x33: {  	p0 =	seq.s32 s10, $0x1;
	s10 =	sld [smem:$0x3FAD];
	_ =	sdelay $0x3  }
0x34: {  	[smem:$0x3FAD] =	sst s10  }
0x35: {  	s10 =	sld [smem:$0x3FAC];
	_ =	sdelay $0x3  }
0x36: {  	p1 =	seq.s32 s10, $0x1;
	s10 =	sld [smem:$0x3FAD];
	_ =	sdelay $0x3  }
0x37: {  	[smem:$0x3FAD] =	sst s10  }
0x38: {  	s10 =	sld [smem:$0x3FAE]  }
0x39: {  	_ = 	snop;
	(pc) =	sbr.ind lr, $3  }
0x3a: {  	_ = 	snop  }
0x3b: {  	_ = 	snop  }
0x3c: {  	p2 =	seq.s32 s10, $0x1;
	s10 =	sld [smem:$0x3FAD]  }
0x3d: {  	_ =	shalt  }
0x3e: {  	_ =	shalt  }
0x3f: {  	_ =	shalt  }
0x40: {  	_ =	shalt  }
0x41: {  	_ =	shalt  }
0x42: {  	_ =	shalt  }
0x43: {  	_ =	shalt  }
0x44: {  	_ =	shalt  }
0x45: {  	_ =	shalt  }
0x46: {  	_ =	shalt  }
0x47: {  	_ =	shalt  }
0x48: {  	_ =	shalt  }
0x49: {  	_ =	shalt  }
0x4a: {  	_ =	shalt  }
0x4b: {  	_ =	shalt  }
0x4c: {  	_ =	shalt  }
0x4d: {  	_ =	shalt  }
0x4e: {  	_ =	shalt  }
0x4f: {  	_ =	shalt  }
0x50: {  	_ =	shalt  }
0x51: {  	_ =	shalt  }
0x52: {  	_ =	shalt  }
0x53: {  	_ =	shalt  }
0x54: {  	_ =	shalt  }
0x55: {  	_ =	shalt  }
0x56: {  	_ =	shalt  }
0x57: {  	_ =	shalt  }
0x58: {  	_ =	shalt  }
0x59: {  	_ =	shalt  }
0x5a: {  	_ =	shalt  }
0x5b: {  	_ =	shalt  }
0x5c: {  	_ =	shalt  }
0x5d: {  	_ =	shalt  }
0x5e: {  	_ =	shalt  }
0x5f: {  	_ =	shalt  }
0x60: {  	_ =	shalt  }
0x61: {  	_ =	shalt  }
0x62: {  	_ =	shalt  }
0x63: {  	_ =	shalt  }
0x64: {  	_ =	shalt  }
0x65: {  	_ =	shalt  }
0x66: {  	_ =	shalt  }
0x67: {  	_ =	shalt  }
0x68: {  	_ =	shalt  }
0x69: {  	_ =	shalt  }
0x6a: {  	_ =	shalt  }
0x6b: {  	_ =	shalt  }
0x6c: {  	_ =	shalt  }
0x6d: {  	_ =	shalt  }
0x6e: {  	_ =	shalt  }
0x6f: {  	_ =	shalt  }
0x70: {  	_ =	shalt  }
0x71: {  	_ =	shalt  }
0x72: {  	_ =	shalt  }
0x73: {  	_ =	shalt  }
0x74: {  	_ =	shalt  }
0x75: {  	_ =	shalt  }
0x76: {  	_ =	shalt  }
0x77: {  	_ =	shalt  }
0x78: {  	_ =	shalt  }
0x79: {  	_ =	shalt  }
0x7a: {  	_ =	shalt  }
0x7b: {  	_ =	shalt  }
0x7c: {  	_ =	shalt  }
0x7d: {  	_ =	shalt  }
0x7e: {  	_ =	shalt  }
0x7f: {  	_ =	shalt  }
0x80: {  	_ =	shalt  }
0x81: {  	_ =	shalt  }
0x82: {  	_ =	shalt  }
0x83: {  	_ =	shalt  }
0x84: {  	_ =	shalt  }
0x85: {  	_ =	shalt  }
0x86: {  	_ =	shalt  }
0x87: {  	_ =	shalt  }
.Lfunc_end0:
.L_simem_size_0:
called_computation.2_lowered:
.L_overlay_start_0:
0x88: {  	s2 =	sld [smem:$0x3FD9]  }
0x89: {  	s3 =	sld [smem:$0x3FFE];
	_ =	sdelay $0x1  }
0x8a: {  	s1 =	srdreg.scid  }
0x8b: {  	s0 =	sand.u32 $0x1, s1  }
0x8c: {  	s16 =	sshll.u32 s0, $0xA;
	s2 =	sadd.s32 s3, s2  }
0x8d: {  	s2 =	sadd.s32 s2, s16  }
0x8e: {  	[smem:$0x3FB9] =	sst s2  }
0x8f: {  	_ = 	snop  }
0x90: {  	(tm) =	ssettm $0x1  }
0x91: {  	s17 =	sld [smem:$0x3FFB];
	_ =	sdelay $0x3  }
0x92: {  	_ =	strace s17  }
0x93: {  	s2 =	sld [smem:$0x3FFC];
	_ =	sdelay $0x3  }
0x94: {  	_ =	strace s2  }
0x95: {  	s2 =	sld [smem:$0x3FFD];
	_ =	sdelay $0x3  }
0x96: {  	_ =	strace s2  }
0x97: {  	_ =	strace $0x8FFFFFFF  }
0x98: {  	s18 =	sld [smem:$0x3FDB];
	_ =	sdelay $0x1  }
0x99: {  	s19 =	simm.s32 $_scs_section_size  }
0x9a: {  	s4 =	simm.s32 $_size__tile_overlayer_lowered;
	s5 =	simm.s32 $_tile_overlayer_lowered  }
0x9b: {  	s22 =	simm.s32 $0x1BFF;
	s21 =	sshll.u32 s5, $0x1;
	s2 =	sadd.s32 s19, s18  }
0x9c: {  	s6 =	simm.s32 $0x0;
	s20 =	sshll.u32 s4, $0x1;
	s4 =	sadd.s32 s21, s2  }
0x9d: {  	[timem:s6], [sflag:s22] =	dma.local [hbm:s4], s20  }
0x9e: {  	_ =	swait.ge [sflag:s22], s20  }
0x9f: {  	s3 =	ssub.s32 $0x0, s20;
	[sflag:s22] =	ssyncset.done $0x0  }
0xa0: {  	[sflag:s22] =	ssyncadd.s32 s3;
	_ =	sdelay $0x1  }
0xa1: {  	s23 =	simm.s32 $0x1B8B  }
0xa2: {  	_ =	swait.ge [sflag:s23], $0x1  }
0xa3: {  	[sflag:s23] =	ssyncset.done $0x0  }
0xa4: {  	s25 =	simm.s32 $0x1B8E;
	s24 =	sld [smem:$0x3FFE];
	[sflag:s23] =	ssyncadd.s32 $0xFFFFFFFF  }
0xa5: {  	s26 =	simm.s32 $execute0_lowered;
	[smem:$0x3FD2] =	sst s25  }
0xa6: {  	s4 =	sshll.u32 s26, $0x1;
	_ =	strace $0x8000004C;
	[dreg:$0x1] =	wrdreg $0xFFFFFFFF  }
0xa7: {  	s28 =	simm.s32 $_size_execute0_lowered;
	s2 =	sadd.s32 s2, s4;
	[dreg:$0x0] =	wrdreg $0x0  }
0xa8: {  	s4 =	sshll.u32 s28, $0x1;
	[dreg:$0x2] =	wrdreg s2  }
0xa9: {  	[dreg:$0x3] =	wrdreg s4  }
0xaa: {  	[dreg:$0x4] =	wrdreg $0xC0  }
0xab: {  	_ =	task [dreg:s6], $0x5FFFF  }
0xac: {  	[dreg:$0x1] =	wrdreg $0xFFFFFFFF  }
0xad: {  	[dreg:$0x0] =	wrdreg $0x60  }
0xae: {  	[dreg:$0x2] =	wrdreg s24  }
0xaf: {  	[dreg:$0x3] =	wrdreg $0x0  }
0xb0: {  	[dreg:$0x4] =	wrdreg $0x9  }
0xb1: {  	_ =	task.clear_ibuf [dreg:s6], $0x5FFFF;
	_ =	strace $0x9000004C  }
0xb2: {  	s29 =	simm.s32 $0x9;
	_ =	strace $0x8000004E  }
0xb3: {  	_ =	swait.ge [sflag:s29], $0x1  }
0xb4: {  	[sflag:s29] =	ssyncadd.s32 $0xFFFFFFFF  }
0xb5: {  	_ =	strace $0x9000004E  }
0xb6: {  	_ =	sfence  }
0xb7: {  	s30 =	sld [smem:$0x0];
	_ =	sdelay $0x2  }
0xb8: {  	s31 =	sshll.u32 s1, $0xD;
	s1 =	sshrl.u32 s1, $0x2  }
0xb9: {  	s3 =	sand.u32 $0x4000, s31;
	s1 =	sadd.s32 s1, s30  }
0xba: {  	s0 =	sor.u32 s3, s0;
	s1 =	sshll.u32 s1, $0x11  }
0xbb: {  	s0 =	sor.u32 s1, s0  }
0xbc: {  	s0 =	sadd.s32 $0x8F2B, s0  }
0xbd: {  	[sflag:s0] =	ssyncadd.remote.s32 $0x1  }
0xbe: {  	_ =	sfence.sel $0xFFFF  }
0xbf: {  	[dreg:$0x0] =	wrdreg $0xFFFFFFFF;
	(pc) =	sbr.abs _section_cstart, $3  }
0xc0: {  	[dreg:$0x1] =	wrdreg $0xFFFFFFFF  }
0xc1: {  	_ =	task.clear_ibuf [dreg:s6], $0x2FFFF;
	_ =	strace $0x9FFFFFFF  }
0xc2: {  	(tm) =	ssettm $0x7FFFFFFF  }
0xc3: {  	_ =	shalt  }
tec
execute0_lowered:
.L_overlay_start_1:
0x0: {  	(tag) =	ssettag $0x1  }
0x1: {  	s0 =	rddreg [dreg:$0x0]  }
0x2: {  	s1 =	rddreg [dreg:$0x1];
	s2 =	simm.s32 $0x0  }
0x3: {  	s3 =	srdreg.scid;
	s13 =	stileid.u32;
	s14 =	simm.s32 $0xA6000  }
0x4: {  	s28 =	simm.s32 $0x1;
	s29 =	simm.s32 $0x2;
	s30 =	simm.s32 $0x4  }
0x5: {  	s31 =	simm.s32 $0x0;
	[smem:$0x7FF] =	sst s2;
	s4 =	sadd.s32 $0x56000, s0  }
0x6: {  	s3 =	sand.u32 $0x1, s3;
	s5 =	sadd.s32 $0x7E000, s0;
	s9 =	smul.u32 $0x50000, s13  }
0x7: {  	s6 =	sadd.s32 $0x6800, s0;
	s7 =	sadd.s32 $0x4C200, s0;
	s11 =	smul.u32 $0x280, s13  }
0x8: {  	s15 =	smul.u32 $0x2800, s13;
	_ =	strace $0x8000004D;
	s8 =	ssub.s32 $0x2, s3  }
0x9: {  	s12 =	sshll.u32 s3, $0x4;
	p0 =	seq.s32 s3, $0x0;
	s10 =	sshrl.u32 s8, $0x1  }
0xa: {  	s9 =	sshrl.u32 s9, $0x2;
	s20 =	sor.u32 s13, s12;
	s21 =	sadd.s32 $0x80, s11  }
0xb: {  	s23 =	sadd.s32 $0x100, s11;
	s25 =	sadd.s32 $0x180, s11;
	s11 =	sadd.s32 $0x200, s11  }
0xc: {  	s14 =	simm.s32 @!p0 $0xCE000;
	s10 =	ssub.s32 s8, s10;
	s8 =	sadd.s32 s9, s1  }
0xd: {  	s9 =	smul.u32 $0x4F, s20;
	s22 =	sshll.u32 s21, $0x7;
	s24 =	sshll.u32 s23, $0x7  }
0xe: {  	s3 =	sshll.u32 s21, $0x4;
	s12 =	sshll.u32 s23, $0x4;
	s26 =	sshll.u32 s25, $0x7  }
0xf: {  	s16 =	sshll.u32 s11, $0x7;
	s0 =	sadd.s32 s14, s0;
	s11 =	sshll.u32 s11, $0x4  }
0x10: {  	s20 =	simm.s32 $0x1C100;
	s21 =	simm.s32 $0x3;
	s23 =	simm.s32 $0x14080  }
0x11: {  	s10 =	smax.u32 s10, $0x1;
	s13 =	sadd.s32 s26, s1;
	s14 =	sadd.s32 s16, s1  }
0x12: {  	s15 =	sadd.s32 s0, s15;
	s16 =	sadd.s32 s0, s3;
	s17 =	sadd.s32 s0, s12  }
0x13: {  	s19 =	sadd.s32 s0, s11;
	[dreg:$0x3] =	wrdreg s10;
	s10 =	sadd.s32 s22, s1  }
0x14: {  	s26 =	simm.s32 $0x18100;
	[dreg:$0x4] =	wrdreg s10;
	s10 =	sadd.s32 s24, s1  }
0x15: {  	s22 =	simm.s32 $0x14000;
	[dreg:$0x5] =	wrdreg s10;
	s10 =	sshll.u32 s25, $0x4  }
0x16: {  	v0 =	vimm.f32 $0.0e+00;
	s24 =	simm.s32 $0x80;
	s25 =	simm.s32 $0x14100;
	s18 =	sadd.s32 s0, s10  }
.LBB2_1:
0x17: {  	s0 =	simm.s32 $0x0;
	s3 =	simm.s32 $0x200  }
.LBB2_2:
0x18: {  	p1 =	sne.s32 s3, $0x1E00;
	[tilespmem:s0+$0x1C170] =	vst v0  }
0x19: {  	[tilespmem:s0+$0x1C100] =	vst v0  }
0x1a: {  	[tilespmem:s0+$0x1C110] =	vst v0  }
.Ltmp0:
0x1b: {  	[tilespmem:s0+$0x1C120] =	vst v0;
	(pc) =	sbr.rel @p1 .LBB2_2-.Ltmp0, $4  }
0x1c: {  	[tilespmem:s0+$0x1C130] =	vst v0  }
0x1d: {  	[tilespmem:s0+$0x1C140] =	vst v0  }
0x1e: {  	[tilespmem:s0+$0x1C150] =	vst v0  }
0x1f: {  	[tilespmem:s0+$0x1C160] =	vst v0;
	s0 =	sshra.s32 s3, $0x2;
	s3 =	sadd.s32 $0x200, s3  }
0x20: {  	[tilespmem:s0+$0x1C170] =	vst v0  }
0x21: {  	[tilespmem:s0+$0x1C100] =	vst v0  }
0x22: {  	[tilespmem:s0+$0x1C110] =	vst v0  }
0x23: {  	[tilespmem:s0+$0x1C120] =	vst v0  }
0x24: {  	[tilespmem:s0+$0x1C130] =	vst v0  }
0x25: {  	[tilespmem:s0+$0x1C140] =	vst v0  }
0x26: {  	[tilespmem:s0+$0x1C150] =	vst v0  }
0x27: {  	[tilespmem:s0+$0x1C160] =	vst v0;
	s12 =	sadd.s32 $0x0, s8  }
0x28: {  	[spmem:s12] =	stream.linear.scatter [tilespmem:s20], [sflag:$0x3], $0x800, $0x38;
	[tilespmem:$0x1C900] =	vst v63  }
0x29: {  	s0 =	simm.s32 $0x2000;
	_ =	swait.ge [sflag:s21], $0x800  }
.LBB2_4:
0x2a: {  	s3 =	sshra.s32 s0, $0x2;
	[sflag:s21] =	ssyncset.done $0x0;
	p1 =	sne.s32 s0, $0x4E000  }
.Ltmp1:
0x2b: {  	s3 =	sadd.s32 s3, s8;
	[sflag:s21] =	ssyncadd.s32 $0xFFFFF800;
	(pc) =	sbr.rel @p1 .LBB2_4-.Ltmp1, $3  }
0x2c: {  	[spmem:s3] =	stream.linear.scatter [tilespmem:s20], [sflag:$0x3], $0x800, $0x38;
	[tilespmem:$0x1C900] =	vst v63  }
0x2d: {  	s0 =	sadd.s32 $0x2000, s0;
	_ =	sdelay $0x1  }
0x2e: {  	_ =	swait.ge [sflag:s21], $0x800  }
0x2f: {  	[sflag:s21] =	ssyncset.done $0x0  }
0x30: {  	[sflag:s21] =	ssyncadd.s32 $0xFFFFF800  }
0x31: {  	s0 =	simm.s32 $0x0;
	s3 =	simm.s32 $0x0;
	[bflag:$0x0] =	sbarrier.arrive $0xFFFF  }
.LBB2_6:
0x32: {  	s10 =	sadd.s32 s9, s3  }
0x33: {  	s10 =	sshll.u32 s10, $0x4  }
0x34: {  	s11 =	sadd.s32 s6, s10  }
0x35: {  	[tilespmem:s22], [sflag:$0x3] =	stream.linear.gather [hbm4b:s11+s0], $0x80, $0x38;
	[tilespmem:$0x1C900] =	vst v63  }
0x36: {  	_ =	swait.ge [sflag:s21], $0x80  }
0x37: {  	[sflag:s21] =	ssyncset.done $0x0  }
0x38: {  	s10 =	sadd.s32 s7, s10;
	[sflag:s21] =	ssyncadd.s32 $0xFFFFFF80  }
0x39: {  	[tilespmem:s23], [sflag:$0x3] =	stream.linear.gather [hbm4b:s10+s0], $0x80, $0x38;
	[tilespmem:$0x1C900] =	vst v63  }
0x3a: {  	_ =	swait.ge [sflag:s21], $0x80  }
0x3b: {  	[sflag:s21] =	ssyncset.done $0x0  }
0x3c: {  	[sflag:s21] =	ssyncadd.s32 $0xFFFFFF80  }
0x3d: {  	[tilespmem:s25], [sflag:$0x1] =	stream.indirect.gather [hbm4b:s4+s24], $0x80, s22, s24, $0xb8;
	[tilespmem:$0x1C900] =	vst v63  }
0x3e: {  	_ = 	snop  }
0x3f: {  	[tilespmem:s26], [sflag:$0x2] =	stream.indirect.gather [hbm4b:s5+s24], $0x80, s23, s24, $0xb8;
	[tilespmem:$0x1C900] =	vst v63  }
0x40: {  	_ =	swait.ge [sflag:s28], $0x4000  }
0x41: {  	[sflag:s28] =	ssyncset.done $0x0  }
0x42: {  	[sflag:s28] =	ssyncadd.s32 $0xFFFFC000  }
0x43: {  	_ =	swait.ge [sflag:s29], $0x4000  }
0x44: {  	[sflag:s29] =	ssyncset.done $0x0  }
0x45: {  	s10 =	simm.s32 $0x0;
	[sflag:s29] =	ssyncadd.s32 $0xFFFFC000  }
0x46: {  	v1 =	vld [tilespmem:s10+$0x18100]  }
0x47: {  	v2 =	vld [tilespmem:s10+$0x14100]  }
0x48: {  	v3 =	vld [tilespmem:s10+$0x14130]  }
0x49: {  	v4 =	vld [tilespmem:s10+$0x18130]  }
0x4a: {  	v5 =	vld [tilespmem:s10+$0x14120]  }
0x4b: {  	v7 =	vld [tilespmem:s10+$0x18110]  }
0x4c: {  	v1 =	vadd.f32 v1, v2;
	v2 =	vld [tilespmem:s10+$0x18120]  }
0x4d: {  	v8 =	vld [tilespmem:s10+$0x18150]  }
0x4e: {  	v11 =	vld [tilespmem:s10+$0x18140];
	v6 =	vmin.f32 v1, $0.0e+00  }
0x4f: {  	v9 =	vadd.f32 v4, v3;
	v3 =	vld [tilespmem:s10+$0x14150];
	v6 =	vmax.f32 v6, $-1.750000000e+01  }
0x50: {  	v15 =	vmul.f32 $3.125000000e-02, v6;
	v6 =	vld [tilespmem:s10+$0x14110]  }
0x51: {  	v16 =	vld [tilespmem:s10+$0x14140];
	v10 =	vadd.f32 v2, v5;
	v2 =	vmin.f32 v9, $0.0e+00  }
0x52: {  	v13 =	vld [tilespmem:s10+$0x18160];
	v4 =	vmul.f32 $2.480158760e-05, v15;
	v2 =	vmax.f32 v2, $-1.750000000e+01  }
0x53: {  	v18 =	vld [tilespmem:s10+$0x14160];
	v17 =	vmin.f32 v10, $0.0e+00;
	v14 =	vmul.f32 $3.125000000e-02, v2  }
0x54: {  	v5 =	vadd.f32 $1.984127010e-04, v4;
	v4 =	vmul.f32 $1.050701020e+00, v9;
	v2 =	vmax.f32 v17, $-1.750000000e+01  }
0x55: {  	v12 =	vadd.f32 v7, v6;
	v17 =	vmul.f32 $3.125000000e-02, v2;
	v2 =	vadd.f32 v8, v3  }
0x56: {  	v11 =	vadd.f32 v11, v16;
	v3 =	vmul.f32 $2.480158760e-05, v14;
	v6 =	vmul.f32 v5, v15  }
0x57: {  	v8 =	vmin.f32 v12, $0.0e+00;
	v19 =	vmul.f32 $2.480158760e-05, v17;
	v20 =	vmin.f32 v2, $0.0e+00  }
0x58: {  	v46 =	vadd.f32 $1.984127010e-04, v3;
	v3 =	vadd.f32 v13, v18;
	v18 =	vmin.f32 v11, $0.0e+00  }
0x59: {  	v6 =	vadd.f32 $1.388888920e-03, v6;
	v16 =	vmax.f32 v20, $-1.750000000e+01;
	v18 =	vmax.f32 v18, $-1.750000000e+01  }
0x5a: {  	v8 =	vmax.f32 v8, $-1.750000000e+01;
	v13 =	vmul.f32 $3.125000000e-02, v16;
	v16 =	vadd.f32 $1.984127010e-04, v19  }
0x5b: {  	v19 =	vmin.f32 v3, $0.0e+00;
	v20 =	vmul.f32 v46, v14;
	v23 =	vmul.f32 $3.125000000e-02, v8  }
0x5c: {  	v18 =	vmul.f32 $3.125000000e-02, v18;
	v6 =	vmul.f32 v6, v15;
	v19 =	vmax.f32 v19, $-1.750000000e+01  }
0x5d: {  	v21 =	vmul.f32 $2.480158760e-05, v13;
	v16 =	vmul.f32 v16, v17;
	v20 =	vadd.f32 $1.388888920e-03, v20  }
0x5e: {  	v24 =	vmul.f32 $2.480158760e-05, v23;
	v19 =	vmul.f32 $3.125000000e-02, v19;
	v6 =	vadd.f32 $8.333333770e-03, v6  }
0x5f: {  	v26 =	vmul.f32 $2.480158760e-05, v18;
	v21 =	vadd.f32 $1.984127010e-04, v21;
	v16 =	vadd.f32 $1.388888920e-03, v16  }
0x60: {  	v22 =	vld [tilespmem:s10+$0x18170];
	v24 =	vadd.f32 $1.984127010e-04, v24;
	v27 =	vmul.f32 $2.480158760e-05, v19;
	v20 =	vmul.f32 v20, v14  }
0x61: {  	v8 =	vld [tilespmem:s10+$0x14170];
	v48 =	vadd.f32 $1.984127010e-04, v26;
	v6 =	vmul.f32 v6, v15;
	v21 =	vmul.f32 v21, v13  }
0x62: {  	v47 =	vmul.f32 v24, v23;
	v16 =	vmul.f32 v16, v17  }
0x63: {  	v49 =	vadd.f32 $1.984127010e-04, v27;
	v24 =	vmul.f32 v48, v18;
	v20 =	vadd.f32 $8.333333770e-03, v20  }
0x64: {  	v5 =	vmul.f32 $1.050701020e+00, v10;
	v6 =	vadd.f32 $4.166666790e-02, v6;
	v21 =	vadd.f32 $1.388888920e-03, v21  }
0x65: {  	v7 =	vmul.f32 $1.050701020e+00, v12;
	v16 =	vadd.f32 $8.333333770e-03, v16;
	v24 =	vadd.f32 $1.388888920e-03, v24  }
0x66: {  	v20 =	vmul.f32 v20, v14;
	v25 =	vmul.f32 v6, v15;
	v6 =	vadd.f32 v22, v8  }
0x67: {  	v22 =	vadd.f32 $1.388888920e-03, v47;
	v21 =	vmul.f32 v21, v13;
	v24 =	vmul.f32 v24, v18  }
0x68: {  	v16 =	vmul.f32 v16, v17;
	v20 =	vadd.f32 $4.166666790e-02, v20;
	v8 =	vadd.f32 $1.666666720e-01, v25  }
0x69: {  	v25 =	vmul.f32 v49, v19;
	v22 =	vmul.f32 v22, v23;
	v21 =	vadd.f32 $8.333333770e-03, v21  }
0x6a: {  	v50 =	vmin.f32 v6, $0.0e+00;
	v24 =	vadd.f32 $8.333333770e-03, v24;
	v16 =	vadd.f32 $4.166666790e-02, v16  }
0x6b: {  	v20 =	vmul.f32 v20, v14;
	v8 =	vmul.f32 v8, v15;
	v25 =	vadd.f32 $1.388888920e-03, v25  }
0x6c: {  	v22 =	vadd.f32 $8.333333770e-03, v22;
	v21 =	vmul.f32 v21, v13;
	v24 =	vmul.f32 v24, v18  }
0x6d: {  	v16 =	vmul.f32 v16, v17;
	v20 =	vadd.f32 $1.666666720e-01, v20;
	v8 =	vadd.f32 $5.000000000e-01, v8  }
0x6e: {  	v25 =	vmul.f32 v25, v19;
	v22 =	vmul.f32 v22, v23;
	v21 =	vadd.f32 $4.166666790e-02, v21  }
0x6f: {  	v24 =	vadd.f32 $4.166666790e-02, v24;
	v16 =	vadd.f32 $1.666666720e-01, v16;
	v20 =	vmul.f32 v20, v14  }
0x70: {  	v51 =	vmul.f32 v8, v15;
	v8 =	vmax.f32 v50, $-1.750000000e+01;
	v22 =	vadd.f32 $4.166666790e-02, v22  }
0x71: {  	v25 =	vadd.f32 $8.333333770e-03, v25;
	v8 =	vmul.f32 $3.125000000e-02, v8;
	v21 =	vmul.f32 v21, v13  }
0x72: {  	v24 =	vmul.f32 v24, v18;
	v16 =	vmul.f32 v16, v17;
	v20 =	vadd.f32 $5.000000000e-01, v20  }
0x73: {  	v52 =	vadd.f32 $1.000000000e+00, v51;
	v22 =	vmul.f32 v22, v23;
	v25 =	vmul.f32 v25, v19  }
0x74: {  	v53 =	vmul.f32 $2.480158760e-05, v8;
	v24 =	vadd.f32 $1.666666720e-01, v24;
	v16 =	vadd.f32 $5.000000000e-01, v16  }
0x75: {  	v20 =	vmul.f32 v20, v14;
	v15 =	vmul.f32 v52, v15;
	v22 =	vadd.f32 $1.666666720e-01, v22  }
0x76: {  	v25 =	vadd.f32 $4.166666790e-02, v25;
	v26 =	vadd.f32 $1.984127010e-04, v53;
	v24 =	vmul.f32 v24, v18  }
0x77: {  	v16 =	vmul.f32 v16, v17;
	v20 =	vadd.f32 $1.000000000e+00, v20;
	v22 =	vmul.f32 v22, v23  }
0x78: {  	v25 =	vmul.f32 v25, v19;
	v15 =	vadd.f32 $1.000000000e+00, v15;
	v26 =	vmul.f32 v26, v8  }
0x79: {  	v24 =	vadd.f32 $5.000000000e-01, v24;
	v16 =	vadd.f32 $1.000000000e+00, v16;
	v20 =	vmul.f32 v20, v14  }
0x7a: {  	v14 =	vmul.f32 $1.050701020e+00, v11;
	v22 =	vadd.f32 $5.000000000e-01, v22;
	v25 =	vadd.f32 $1.666666720e-01, v25  }
0x7b: {  	v58 =	vmul.f32 v15, v15;
	v26 =	vadd.f32 $1.388888920e-03, v26;
	v24 =	vmul.f32 v24, v18  }
0x7c: {  	v16 =	vmul.f32 v16, v17;
	v17 =	vadd.f32 $1.666666720e-01, v21;
	v22 =	vmul.f32 v22, v23  }
0x7d: {  	v20 =	vadd.f32 $1.000000000e+00, v20;
	v25 =	vmul.f32 v25, v19;
	v26 =	vmul.f32 v26, v8  }
0x7e: {  	v54 =	vadd.f32 $1.000000000e+00, v24;
	v16 =	vadd.f32 $1.000000000e+00, v16;
	v17 =	vmul.f32 v17, v13  }
0x7f: {  	v20 =	vmul.f32 v20, v20;
	v22 =	vadd.f32 $1.000000000e+00, v22;
	v26 =	vadd.f32 $8.333333770e-03, v26  }
0x80: {  	v57 =	vadd.f32 $5.000000000e-01, v25;
	v18 =	vmul.f32 v54, v18;
	v16 =	vmul.f32 v16, v16  }
0x81: {  	v17 =	vadd.f32 $5.000000000e-01, v17;
	v56 =	vmul.f32 v22, v23;
	v26 =	vmul.f32 v26, v8  }
0x82: {  	v20 =	vmul.f32 v20, v20;
	v59 =	vmul.f32 v57, v19;
	v15 =	vadd.f32 $1.000000000e+00, v18  }
0x83: {  	v16 =	vmul.f32 v16, v16;
	v18 =	vadd.f32 $1.000000000e+00, v56;
	v26 =	vadd.f32 $4.166666790e-02, v26  }
0x84: {  	v17 =	vmul.f32 v17, v13;
	v21 =	vadd.f32 $1.000000000e+00, v59;
	v15 =	vmul.f32 v15, v15  }
0x85: {  	v18 =	vmul.f32 v18, v18;
	v55 =	vmul.f32 v26, v8  }
0x86: {  	v16 =	vmul.f32 v16, v16;
	v17 =	vadd.f32 $1.000000000e+00, v17;
	v19 =	vmul.f32 v21, v19  }
0x87: {  	v15 =	vmul.f32 v15, v15;
	v18 =	vmul.f32 v18, v18;
	v60 =	vadd.f32 $1.666666720e-01, v55  }
0x88: {  	v13 =	vmul.f32 v17, v13;
	v17 =	vadd.f32 $1.000000000e+00, v19;
	v19 =	vmul.f32 v20, v20  }
0x89: {  	v18 =	vmul.f32 v18, v18;
	v61 =	vmul.f32 v60, v8  }
0x8a: {  	vm2 =	vgt.f32 v9, $0.0e+00;
	v63 =	vmul.f32 v16, v16;
	v15 =	vmul.f32 v15, v15  }
0x8b: {  	v19 =	vmul.f32 v19, v19;
	v18 =	vmul.f32 v18, v18;
	v62 =	vadd.f32 $5.000000000e-01, v61  }
0x8c: {  	vm0 =	vgt.f32 v12, $0.0e+00;
	v12 =	vmul.f32 v15, v15;
	v15 =	vmul.f32 v17, v17  }
0x8d: {  	vm1 =	vgt.f32 v10, $0.0e+00;
	v17 =	vmul.f32 v18, v18;
	v18 =	vmul.f32 v62, v8  }
0x8e: {  	v13 =	vadd.f32 $1.000000000e+00, v13;
	v16 =	vmul.f32 v12, v12;
	v10 =	vmul.f32 v15, v15  }
0x8f: {  	v15 =	vmul.f32 v19, v19;
	v12 =	vadd.f32 $1.000000000e+00, v18;
	v18 =	vmul.f32 $1.758099320e+00, v17  }
0x90: {  	vm3 =	vgt.f32 v11, $0.0e+00;
	v9 =	vmul.f32 $1.758099320e+00, v16;
	v16 =	vmul.f32 v13, v13  }
0x91: {  	s11 =	simm.s32 $0x200;
	v13 =	vmul.f32 v63, v63;
	v17 =	vmul.f32 v58, v58;
	v11 =	vadd.f32 $-1.758099320e+00, v18  }
.LBB2_7:
0x92: {  	s12 =	sshra.s32 s11, $0x2;
	p1 =	sne.s32 s11, $0xFE00;
	s11 =	sadd.s32 $0x200, s11;
	v15 =	vmul.f32 $1.758099320e+00, v15;
	v9 =	vadd.f32 $-1.758099320e+00, v9;
	v18 =	vmul.f32 v16, v16  }
0x93: {  	v16 =	vld [tilespmem:s12+$0x18170];
	v17 =	vmul.f32 v17, v17;
	v7 =	vsel vm0, v7, v11;
	v11 =	vmul.f32 $1.758099320e+00, v13  }
0x94: {  	v13 =	vld [tilespmem:s12+$0x18110];
	[tilespmem:s10+$0x14110] =	vst v7;
	v7 =	vadd.f32 $-1.758099320e+00, v15;
	v9 =	vsel vm3, v14, v9;
	v14 =	vmul.f32 v18, v18  }
0x95: {  	v15 =	vld [tilespmem:s12+$0x18100];
	v17 =	vmul.f32 v17, v17;
	v11 =	vadd.f32 $-1.758099320e+00, v11;
	[tilespmem:s10+$0x14140] =	vst v9;
	v9 =	vmul.f32 v10, v10  }
0x96: {  	v8 =	vmul.f32 v12, v8;
	v4 =	vsel vm2, v4, v7;
	v7 =	vmul.f32 v14, v14  }
0x97: {  	v10 =	vld [tilespmem:s12+$0x18120];
	v12 =	vmul.f32 v17, v17;
	v5 =	vsel vm1, v5, v11;
	[tilespmem:s10+$0x14130] =	vst v4;
	v4 =	vmul.f32 v9, v9  }
0x98: {  	v11 =	vmul.f32 $1.050701020e+00, v1;
	v9 =	vld [tilespmem:s12+$0x14130];
	[tilespmem:s10+$0x14120] =	vst v5;
	v5 =	vmul.f32 v7, v7;
	v7 =	vadd.f32 $1.000000000e+00, v8  }
0x99: {  	vm0 =	vgt.f32 v2, $0.0e+00;
	v8 =	vld [tilespmem:s12+$0x18130];
	v12 =	vmul.f32 $1.758099320e+00, v12;
	v4 =	vmul.f32 v4, v4  }
0x9a: {  	vm1 =	vgt.f32 v1, $0.0e+00;
	v17 =	vld [tilespmem:s12+$0x18160];
	v1 =	vmul.f32 $1.758099320e+00, v5;
	v5 =	vmul.f32 v7, v7  }
0x9b: {  	vm2 =	vgt.f32 v3, $0.0e+00;
	v7 =	vld [tilespmem:s12+$0x14120];
	v12 =	vadd.f32 $-1.758099320e+00, v12;
	v4 =	vmul.f32 $1.758099320e+00, v4  }
0x9c: {  	v2 =	vmul.f32 $1.050701020e+00, v2;
	v18 =	vld [tilespmem:s12+$0x18140];
	v1 =	vadd.f32 $-1.758099320e+00, v1;
	v5 =	vmul.f32 v5, v5  }
0x9d: {  	v3 =	vmul.f32 $1.050701020e+00, v3;
	v19 =	vld [tilespmem:s12+$0x18150];
	v11 =	vsel vm1, v11, v12;
	v4 =	vadd.f32 $-1.758099320e+00, v4  }
0x9e: {  	v14 =	vld [tilespmem:s12+$0x14110];
	v9 =	vadd.f32 v8, v9;
	[tilespmem:s10+$0x14100] =	vst v11;
	v1 =	vsel vm0, v2, v1;
	v2 =	vmul.f32 v5, v5  }
0x9f: {  	vm0 =	vgt.f32 v6, $0.0e+00;
	v8 =	vld [tilespmem:s12+$0x14100];
	[tilespmem:s10+$0x14150] =	vst v1;
	v1 =	vsel vm2, v3, v4  }
0xa0: {  	v10 =	vadd.f32 v10, v7;
	v3 =	vmin.f32 v9, $0.0e+00;
	v11 =	vld [tilespmem:s12+$0x14150];
	[tilespmem:s10+$0x14160] =	vst v1;
	v1 =	vmul.f32 v2, v2  }
0xa1: {  	v6 =	vmul.f32 $1.050701020e+00, v6;
	v4 =	vmul.f32 $1.050701020e+00, v9;
	v2 =	vmax.f32 v3, $-1.750000000e+01;
	v3 =	vld [tilespmem:s12+$0x14140]  }
0xa2: {  	v5 =	vmin.f32 v10, $0.0e+00;
	v12 =	vmul.f32 $3.125000000e-02, v2;
	v20 =	vld [tilespmem:s12+$0x14160];
	v21 =	vmul.f32 v1, v1  }
0xa3: {  	v22 =	vadd.f32 v13, v14;
	v2 =	vmax.f32 v5, $-1.750000000e+01;
	v5 =	vmul.f32 $1.050701020e+00, v10  }
0xa4: {  	v1 =	vadd.f32 v15, v8;
	v14 =	vmul.f32 $3.125000000e-02, v2;
	v8 =	vmul.f32 $2.480158760e-05, v12  }
0xa5: {  	v15 =	vmin.f32 v22, $0.0e+00;
	v7 =	vmul.f32 $1.050701020e+00, v22;
	v2 =	vadd.f32 v19, v11  }
0xa6: {  	v19 =	vmul.f32 $1.758099320e+00, v21;
	v11 =	vmin.f32 v1, $0.0e+00;
	v13 =	vmul.f32 $2.480158760e-05, v14  }
0xa7: {  	v21 =	vmax.f32 v11, $-1.750000000e+01;
	v11 =	vadd.f32 v18, v3;
	v3 =	vmin.f32 v2, $0.0e+00  }
0xa8: {  	v8 =	vadd.f32 $1.984127010e-04, v8;
	v18 =	vmax.f32 v3, $-1.750000000e+01;
	v3 =	vadd.f32 v17, v20  }
0xa9: {  	v17 =	vadd.f32 $1.984127010e-04, v13;
	v20 =	vmin.f32 v11, $0.0e+00;
	v13 =	vmul.f32 $3.125000000e-02, v18  }
0xaa: {  	v19 =	vadd.f32 $-1.758099320e+00, v19;
	v18 =	vmul.f32 $3.125000000e-02, v21;
	v21 =	vmin.f32 v3, $0.0e+00  }
0xab: {  	v8 =	vmul.f32 v8, v12;
	v20 =	vmax.f32 v20, $-1.750000000e+01;
	v23 =	vmul.f32 $2.480158760e-05, v13  }
0xac: {  	v6 =	vsel vm0, v6, v19;
	v25 =	vmul.f32 v17, v14;
	v24 =	vmul.f32 $2.480158760e-05, v18  }
0xad: {  	v15 =	vmax.f32 v15, $-1.750000000e+01;
	v8 =	vadd.f32 $1.388888920e-03, v8;
	v23 =	vadd.f32 $1.984127010e-04, v23;
	[tilespmem:s10+$0x14170] =	vst v6;
	s10 =	smov.u32 s12  }
0xae: {  	v17 =	vmul.f32 $3.125000000e-02, v15;
	v15 =	vmax.f32 v21, $-1.750000000e+01;
	v6 =	vadd.f32 $1.984127010e-04, v24;
	v21 =	vld [tilespmem:s10+$0x14170]  }
0xaf: {  	v19 =	vmul.f32 $3.125000000e-02, v20;
	v8 =	vmul.f32 v8, v12;
	v24 =	vadd.f32 $1.388888920e-03, v25  }
0xb0: {  	vm0 =	vgt.f32 v22, $0.0e+00;
	v20 =	vmul.f32 $2.480158760e-05, v17;
	v22 =	vmul.f32 v23, v13  }
0xb1: {  	v15 =	vmul.f32 $3.125000000e-02, v15;
	v6 =	vmul.f32 v6, v18  }
0xb2: {  	v20 =	vadd.f32 $1.984127010e-04, v20;
	v23 =	vmul.f32 $2.480158760e-05, v19;
	v22 =	vadd.f32 $1.388888920e-03, v22  }
0xb3: {  	v26 =	vmul.f32 $2.480158760e-05, v15;
	v25 =	vadd.f32 $1.388888920e-03, v6;
	v6 =	vadd.f32 v16, v21  }
0xb4: {  	v16 =	vmul.f32 v20, v17;
	v20 =	vadd.f32 $1.984127010e-04, v23;
	v21 =	vmul.f32 v22, v13  }
0xb5: {  	v22 =	vmul.f32 v25, v18;
	v23 =	vmul.f32 v24, v14;
	v24 =	vadd.f32 $1.984127010e-04, v26  }
0xb6: {  	v16 =	vadd.f32 $1.388888920e-03, v16;
	v20 =	vmul.f32 v20, v19;
	v21 =	vadd.f32 $8.333333770e-03, v21  }
0xb7: {  	v22 =	vadd.f32 $8.333333770e-03, v22;
	v23 =	vadd.f32 $8.333333770e-03, v23;
	v24 =	vmul.f32 v24, v15  }
0xb8: {  	v25 =	vadd.f32 $8.333333770e-03, v8;
	v16 =	vmul.f32 v16, v17;
	v8 =	vmul.f32 v21, v13  }
0xb9: {  	v21 =	vmul.f32 v22, v18;
	v22 =	vadd.f32 $1.388888920e-03, v24;
	v24 =	vmin.f32 v6, $0.0e+00  }
0xba: {  	v20 =	vadd.f32 $1.388888920e-03, v20;
	v26 =	vadd.f32 $4.166666790e-02, v8;
	v8 =	vmax.f32 v24, $-1.750000000e+01  }
0xbb: {  	v23 =	vmul.f32 v23, v14;
	v21 =	vadd.f32 $4.166666790e-02, v21;
	v8 =	vmul.f32 $3.125000000e-02, v8  }
0xbc: {  	v16 =	vadd.f32 $8.333333770e-03, v16;
	v20 =	vmul.f32 v20, v19;
	v22 =	vmul.f32 v22, v15  }
0xbd: {  	v23 =	vadd.f32 $4.166666790e-02, v23;
	v21 =	vmul.f32 v21, v18;
	v24 =	vmul.f32 v26, v13  }
0xbe: {  	v16 =	vmul.f32 v16, v17;
	v20 =	vadd.f32 $8.333333770e-03, v20;
	v26 =	vmul.f32 $2.480158760e-05, v8  }
0xbf: {  	v23 =	vmul.f32 v23, v14;
	v22 =	vadd.f32 $8.333333770e-03, v22;
	v21 =	vadd.f32 $1.666666720e-01, v21  }
0xc0: {  	v25 =	vmul.f32 v25, v12;
	v20 =	vmul.f32 v20, v19;
	v26 =	vadd.f32 $1.984127010e-04, v26  }
0xc1: {  	v23 =	vadd.f32 $1.666666720e-01, v23;
	v22 =	vmul.f32 v22, v15;
	v21 =	vmul.f32 v21, v18  }
0xc2: {  	v16 =	vadd.f32 $4.166666790e-02, v16;
	v20 =	vadd.f32 $4.166666790e-02, v20;
	v26 =	vmul.f32 v26, v8  }
0xc3: {  	v25 =	vadd.f32 $4.166666790e-02, v25;
	v23 =	vmul.f32 v23, v14;
	v22 =	vadd.f32 $4.166666790e-02, v22  }
0xc4: {  	v21 =	vadd.f32 $5.000000000e-01, v21;
	v20 =	vmul.f32 v20, v19;
	v26 =	vadd.f32 $1.388888920e-03, v26  }
0xc5: {  	v25 =	vmul.f32 v25, v12;
	v16 =	vmul.f32 v16, v17;
	v23 =	vadd.f32 $5.000000000e-01, v23  }
0xc6: {  	v21 =	vmul.f32 v21, v18;
	v20 =	vadd.f32 $1.666666720e-01, v20;
	v26 =	vmul.f32 v26, v8  }
0xc7: {  	v25 =	vadd.f32 $1.666666720e-01, v25;
	v16 =	vadd.f32 $1.666666720e-01, v16;
	v23 =	vmul.f32 v23, v14  }
0xc8: {  	v22 =	vmul.f32 v22, v15;
	v20 =	vmul.f32 v20, v19;
	v26 =	vadd.f32 $8.333333770e-03, v26  }
0xc9: {  	v25 =	vmul.f32 v25, v12;
	v16 =	vmul.f32 v16, v17;
	v21 =	vadd.f32 $1.000000000e+00, v21  }
0xca: {  	v22 =	vadd.f32 $1.666666720e-01, v22;
	v20 =	vadd.f32 $5.000000000e-01, v20;
	v26 =	vmul.f32 v26, v8  }
0xcb: {  	v16 =	vadd.f32 $5.000000000e-01, v16;
	v18 =	vmul.f32 v21, v18;
	v21 =	vadd.f32 $1.000000000e+00, v23  }
0xcc: {  	v23 =	vadd.f32 $5.000000000e-01, v25;
	v20 =	vmul.f32 v20, v19;
	v25 =	vadd.f32 $4.166666790e-02, v26  }
0xcd: {  	v16 =	vmul.f32 v16, v17;
	v14 =	vmul.f32 v21, v14;
	v21 =	vadd.f32 $1.666666720e-01, v24  }
0xce: {  	v23 =	vmul.f32 v23, v12;
	v20 =	vadd.f32 $1.000000000e+00, v20;
	v24 =	vmul.f32 v25, v8  }
0xcf: {  	v22 =	vmul.f32 v22, v15;
	v18 =	vadd.f32 $1.000000000e+00, v18;
	v16 =	vadd.f32 $1.000000000e+00, v16  }
0xd0: {  	v14 =	vadd.f32 $1.000000000e+00, v14;
	v19 =	vmul.f32 v20, v19;
	v20 =	vadd.f32 $1.666666720e-01, v24  }
0xd1: {  	v22 =	vadd.f32 $5.000000000e-01, v22;
	v16 =	vmul.f32 v16, v17;
	v17 =	vadd.f32 $1.000000000e+00, v23  }
0xd2: {  	v18 =	vmul.f32 v18, v18;
	v21 =	vmul.f32 v21, v13;
	v19 =	vadd.f32 $1.000000000e+00, v19  }
0xd3: {  	v16 =	vadd.f32 $1.000000000e+00, v16;
	v12 =	vmul.f32 v17, v12;
	v17 =	vmul.f32 v22, v15  }
0xd4: {  	v22 =	vmul.f32 v14, v14;
	v14 =	vmul.f32 $1.050701020e+00, v11;
	v21 =	vadd.f32 $5.000000000e-01, v21  }
0xd5: {  	v16 =	vmul.f32 v16, v16;
	v12 =	vadd.f32 $1.000000000e+00, v12;
	v19 =	vmul.f32 v19, v19  }
0xd6: {  	v22 =	vmul.f32 v22, v22;
	v21 =	vmul.f32 v21, v13;
	v17 =	vadd.f32 $1.000000000e+00, v17  }
0xd7: {  	v12 =	vmul.f32 v12, v12;
	v19 =	vmul.f32 v19, v19  }
0xd8: {  	v16 =	vmul.f32 v16, v16;
	v15 =	vmul.f32 v17, v15  }
0xd9: {  	v20 =	vmul.f32 v20, v8;
	v17 =	vmul.f32 v22, v22;
	v21 =	vadd.f32 $1.000000000e+00, v21  }
0xda: {  	v16 =	vmul.f32 v16, v16;
	v12 =	vmul.f32 v12, v12  }
0xdb: {  	v13 =	vmul.f32 v21, v13;
	v15 =	vadd.f32 $1.000000000e+00, v15;
	v19 =	vmul.f32 v19, v19  }
0xdc: {  	v20 =	vadd.f32 $5.000000000e-01, v20;
	v16 =	vmul.f32 v16, v16;
	v12 =	vmul.f32 v12, v12  }
0xdd: {  	v13 =	vadd.f32 $1.000000000e+00, v13;
	v15 =	vmul.f32 v15, v15;
	v19 =	vmul.f32 v19, v19  }
0xde: {  	v20 =	vmul.f32 v20, v8;
	v16 =	vmul.f32 v16, v16  }
.Ltmp2:
0xdf: {  	vm1 =	vgt.f32 v10, $0.0e+00;
	v21 =	vmul.f32 v17, v17;
	v17 =	vmul.f32 v19, v19;
	(pc) =	sbr.rel @p1 .LBB2_7-.Ltmp2, $4  }
0xe0: {  	v10 =	vmul.f32 v15, v15;
	v19 =	vmul.f32 v12, v12;
	v12 =	vadd.f32 $1.000000000e+00, v20  }
0xe1: {  	vm2 =	vgt.f32 v9, $0.0e+00;
	v20 =	vmul.f32 $1.758099320e+00, v16;
	v9 =	vmul.f32 $1.758099320e+00, v17  }
0xe2: {  	vm3 =	vgt.f32 v11, $0.0e+00;
	v16 =	vmul.f32 v13, v13;
	v15 =	vmul.f32 v19, v19  }
0xe3: {  	v13 =	vmul.f32 v21, v21;
	v17 =	vmul.f32 v18, v18;
	v11 =	vadd.f32 $-1.758099320e+00, v20  }
0xe4: {  	v8 =	vmul.f32 v12, v8;
	_ =	sdelay $0x1  }
0xe5: {  	v50 =	vmul.f32 $1.758099320e+00, v15;
	v8 =	vadd.f32 $1.000000000e+00, v8  }
0xe6: {  	v51 =	vmul.f32 v16, v16;
	v10 =	vmul.f32 v10, v10  }
0xe7: {  	v57 =	vmul.f32 $1.050701020e+00, v1;
	v8 =	vmul.f32 v8, v8  }
0xe8: {  	vm12 =	vgt.f32 v2, $0.0e+00;
	v2 =	vmul.f32 $1.050701020e+00, v2;
	v52 =	vmul.f32 v17, v17  }
0xe9: {  	v9 =	vadd.f32 $-1.758099320e+00, v9;
	v54 =	vmul.f32 v51, v51;
	v8 =	vmul.f32 v8, v8  }
0xea: {  	vm13 =	vgt.f32 v1, $0.0e+00;
	v53 =	vmul.f32 $1.758099320e+00, v13;
	v55 =	vmul.f32 v52, v52  }
0xeb: {  	vm14 =	vgt.f32 v3, $0.0e+00;
	v13 =	vmul.f32 v54, v54;
	v8 =	vmul.f32 v8, v8  }
0xec: {  	v7 =	vsel vm0, v7, v11;
	v10 =	vmul.f32 v10, v10;
	v56 =	vmul.f32 v55, v55  }
0xed: {  	v12 =	vadd.f32 $-1.758099320e+00, v50;
	v58 =	vmul.f32 v13, v13;
	v8 =	vmul.f32 v8, v8  }
0xee: {  	v9 =	vsel vm3, v14, v9;
	v10 =	vmul.f32 v10, v10;
	v59 =	vmul.f32 $1.758099320e+00, v56  }
0xef: {  	[tilespmem:s10+$0x14110] =	vst v7;
	v11 =	vadd.f32 $-1.758099320e+00, v53;
	v1 =	vmul.f32 $1.758099320e+00, v58;
	v8 =	vmul.f32 v8, v8  }
0xf0: {  	[tilespmem:s10+$0x14140] =	vst v9;
	v4 =	vsel vm2, v4, v12;
	v61 =	vmul.f32 $1.758099320e+00, v10;
	v60 =	vadd.f32 $-1.758099320e+00, v59  }
0xf1: {  	v5 =	vsel vm1, v5, v11;
	[tilespmem:s10+$0x14130] =	vst v4;
	v1 =	vadd.f32 $-1.758099320e+00, v1;
	v8 =	vmul.f32 $1.758099320e+00, v8  }
0xf2: {  	v3 =	vmul.f32 $1.050701020e+00, v3;
	[tilespmem:s10+$0x14120] =	vst v5;
	v62 =	vadd.f32 $-1.758099320e+00, v61;
	v4 =	vsel vm13, v57, v60  }
0xf3: {  	[tilespmem:s10+$0x14100] =	vst v4;
	v1 =	vsel vm12, v2, v1;
	v2 =	vmul.f32 $1.050701020e+00, v6;
	v63 =	vadd.f32 $-1.758099320e+00, v8  }
0xf4: {  	vm15 =	vgt.f32 v6, $0.0e+00;
	s3 =	sadd.s32 $0x1, s3;
	[tilespmem:s10+$0x14150] =	vst v1;
	v1 =	vsel vm14, v3, v62  }
0xf5: {  	p1 =	sne.s32 s3, $0x4F;
	[tilespmem:s10+$0x14160] =	vst v1;
	v1 =	vsel vm15, v2, v63  }
.Ltmp3:
0xf6: {  	[tilespmem:s10+$0x14170] =	vst v1;
	(pc) =	sbr.rel @p1 .LBB2_6-.Ltmp3, $4  }
0xf7: {  	[spmem:s1] =	stream.indirect.scatter.add.f32 [tilespmem:s25], [sflag:$0x3], $0x80, s23, s24, $0xb8;
	[tilespmem:$0x1C900] =	vst v63  }
0xf8: {  	_ =	swait.ge [sflag:s21], $0x4000  }
0xf9: {  	[sflag:s21] =	ssyncset.done $0x0  }
0xfa: {  	[sflag:s21] =	ssyncadd.s32 $0xFFFFC000  }
0xfb: {  	[bflag:$0x0] =	sbarrier.arrive $0xFFFF  }
0xfc: {  	[tilespmem:s25], [sflag:$0x4] =	stream.linear.gather [spmem:s8], $0x4000, $0x38;
	[tilespmem:$0x1C900] =	vst v63  }
0xfd: {  	_ =	swait.ge [sflag:s30], $0x4000  }
0xfe: {  	s0 =	simm.s32 $0x4;
	[sflag:s30] =	ssyncset.done $0x0  }
0xff: {  	s0 =	simm.s32 @!p0 $0x3;
	[sflag:s30] =	ssyncadd.s32 $0xFFFFC000  }
0x100: {  	[hbm4b:s15+s2] =	stream.linear.scatter [tilespmem:s25], [sflag:s0], $0x4000, $0x38;
	[tilespmem:$0x1C900] =	vst v63  }
0x101: {  	_ =	swait.ge [sflag:s0], $0x4000  }
0x102: {  	[sflag:s0] =	ssyncset.done $0x0  }
0x103: {  	s3 =	rddreg [dreg:$0x4];
	[sflag:s0] =	ssyncadd.s32 $0xFFFFC000  }
0x104: {  	[tilespmem:s25], [sflag:$0x4] =	stream.linear.gather [spmem:s3], $0x4000, $0x38;
	[tilespmem:$0x1C900] =	vst v63  }
0x105: {  	_ =	swait.ge [sflag:s30], $0x4000  }
0x106: {  	[sflag:s30] =	ssyncset.done $0x0  }
0x107: {  	[sflag:s30] =	ssyncadd.s32 $0xFFFFC000  }
0x108: {  	[hbm4b:s16+s2] =	stream.linear.scatter [tilespmem:s25], [sflag:s0], $0x4000, $0x38;
	[tilespmem:$0x1C900] =	vst v63  }
0x109: {  	_ =	swait.ge [sflag:s0], $0x4000  }
0x10a: {  	[sflag:s0] =	ssyncset.done $0x0  }
0x10b: {  	s11 =	rddreg [dreg:$0x5];
	[sflag:s0] =	ssyncadd.s32 $0xFFFFC000  }
0x10c: {  	[tilespmem:s25], [sflag:$0x4] =	stream.linear.gather [spmem:s11], $0x4000, $0x38;
	[tilespmem:$0x1C900] =	vst v63  }
0x10d: {  	_ =	swait.ge [sflag:s30], $0x4000  }
0x10e: {  	[sflag:s30] =	ssyncset.done $0x0  }
0x10f: {  	[sflag:s30] =	ssyncadd.s32 $0xFFFFC000  }
0x110: {  	[hbm4b:s17+s2] =	stream.linear.scatter [tilespmem:s25], [sflag:s0], $0x4000, $0x38;
	[tilespmem:$0x1C900] =	vst v63  }
0x111: {  	_ =	swait.ge [sflag:s0], $0x4000  }
0x112: {  	[sflag:s0] =	ssyncset.done $0x0  }
0x113: {  	[sflag:s0] =	ssyncadd.s32 $0xFFFFC000  }
0x114: {  	[tilespmem:s25], [sflag:$0x4] =	stream.linear.gather [spmem:s13], $0x4000, $0x38;
	[tilespmem:$0x1C900] =	vst v63  }
0x115: {  	_ =	swait.ge [sflag:s30], $0x4000  }
0x116: {  	[sflag:s30] =	ssyncset.done $0x0  }
0x117: {  	[sflag:s30] =	ssyncadd.s32 $0xFFFFC000  }
0x118: {  	[hbm4b:s18+s2] =	stream.linear.scatter [tilespmem:s25], [sflag:s0], $0x4000, $0x38;
	[tilespmem:$0x1C900] =	vst v63  }
0x119: {  	_ =	swait.ge [sflag:s0], $0x4000  }
0x11a: {  	[sflag:s0] =	ssyncset.done $0x0  }
0x11b: {  	[sflag:s0] =	ssyncadd.s32 $0xFFFFC000  }
0x11c: {  	[tilespmem:s25], [sflag:$0x4] =	stream.linear.gather [spmem:s14], $0x4000, $0x38;
	[tilespmem:$0x1C900] =	vst v63  }
0x11d: {  	_ =	swait.ge [sflag:s30], $0x4000  }
0x11e: {  	[sflag:s30] =	ssyncset.done $0x0  }
0x11f: {  	[sflag:s30] =	ssyncadd.s32 $0xFFFFC000  }
0x120: {  	[hbm4b:s19+s2] =	stream.linear.scatter [tilespmem:s25], [sflag:s0], $0x4000, $0x38;
	[tilespmem:$0x1C900] =	vst v63  }
0x121: {  	_ =	swait.ge [sflag:s0], $0x4000  }
0x122: {  	s31 =	sadd.s32 $0x1, s31;
	s12 =	rddreg [dreg:$0x3]  }
0x123: {  	p1 =	sne.s32 s31, s12  }
.Ltmp4:
0x124: {  	_ = 	snop;
	(pc) =	sbr.rel @p1 .LBB2_1-.Ltmp4, $3  }
0x125: {  	_ =	sdelay $0x1  }
0x126: {  	[sflag:s0] =	ssyncset.done $0x0  }
0x127: {  	[sflag:s0] =	ssyncadd.s32 $0xFFFFC000  }
0x128: {  	_ =	sfence.sel $0x180000  }
0x129: {  	[bflag:$0x0] =	sbarrier.arrive $0xFFFF  }
0x12a: {  	_ =	strace $0x9000004D  }
0x12b: {  	s0 =	stileid.u32;
	[bflag:$0x2] =	sbarrier.arrive $0xFFFF  }
0x12c: {  	p0 =	sne.s32 s0, $0x0;
	s0 =	rddreg [dreg:$0x2]  }
0x12d: {  	s0 =	sadd.s32 @!p0 $0x100000, s0  }
0x12e: {  	[sflag:s0] =	ssyncadd.tile.s32 @!p0 $0x1;
	_ =	shalt  }
.Lfunc_end2:
_tile_overlayer_lowered:
.L_overlay_start_2:
0x12f: {  	(tag) =	ssettag $0x2  }
0x130: {  	s0 =	rddreg [dreg:$0x0];
	s2 =	stileid.u32  }
0x131: {  	s1 =	rddreg [dreg:$0x1];
	p0 =	sne.s32 s2, $0x0  }
0x132: {  	s3 =	rddreg [dreg:$0x2];
	[bflag:$0x3] =	sbarrier.arrive $0xFFFF;
	s2 =	simm.s32 @!p0 $0x1C03  }
0x133: {  	[timem:s3], [sflag:s2] =	dma.local @!p0 [hbm:s0], s1  }
0x134: {  	s0 =	simm.s32 @!p0 $0x3  }
0x135: {  	_ =	swait.ge @!p0 [sflag:s0], s1  }
0x136: {  	s1 =	ssub.s32 @!p0 $0x0, s1;
	[sflag:s0] =	ssyncset.done @!p0 $0x0  }
0x137: {  	[sflag:s0] =	ssyncadd.s32 @!p0 s1  }
0x138: {  	[bflag:$0x3] =	sbarrier.arrive $0xFFFF  }
0x139: {  	_ =	shalt  }

// kernel: kernel.15.cloned.1.call-start
scs
__scs_entry_jumppad:
0x0: {  	(pc) =	sbr.rel $0x88, $3  }
0x1: {  	(tag) =	ssettag $0x0;
	lr =	simm.s32 $0x1  }
0x2: {  	[smem:$0x3F92] =	sst lr;
	_ =	strace $0xD0000000  }
0x3: {  	_ = 	snop  }
0x4: {  	_ = 	snop  }
0x5: {  	_ = 	snop  }
0x6: {  	_ = 	snop  }
0x7: {  	_ = 	snop  }
__scs_overlays_trampoline_lowered:
0x8: {  	[smem:$0x3FA1] =	sst s0  }
0x9: {  	[smem:$0x3FA2] =	sst s1  }
0xa: {  	[smem:$0x3FA3] =	sst s2  }
0xb: {  	[smem:$0x3FA4] =	sst s3  }
0xc: {  	[smem:$0x3FA5] =	sst s4  }
0xd: {  	[smem:$0x3FA6] =	sst s5  }
0xe: {  	[smem:$0x3FA7] =	sst s6  }
0xf: {  	[smem:$0x3FA8] =	sst s7  }
0x10: {  	[smem:$0x3FA9] =	sst s8  }
0x11: {  	[smem:$0x3FAA] =	sst s9;
	s0 =	simm.s32 @!p0 $0x0  }
0x12: {  	s1 =	sld [smem:$0x3F90];
	s0 =	simm.s32 @p0 $0x1  }
0x13: {  	[smem:$0x3FAB] =	sst s0;
	s0 =	simm.s32 @!p1 $0x0  }
0x14: {  	s2 =	sld [smem:$0x3F8F];
	s0 =	simm.s32 @p1 $0x1  }
0x15: {  	[smem:$0x3FAC] =	sst s0;
	s0 =	simm.s32 @!p2 $0x0  }
0x16: {  	s3 =	sld [smem:$0x3FDB];
	s0 =	simm.s32 @p2 $0x1  }
0x17: {  	s4 =	simm.s32 $0x1BF5;
	[smem:$0x3FAE] =	sst s0  }
0x18: {  	s0 =	sld [smem:$0x3F91];
	_ =	swait.ge [sflag:s4], $0x0  }
0x19: {  	s7 =	sld [smem:$0x3F92]  }
0x1a: {  	s8 =	sadd.s32 $0xFFFFE003, lr  }
0x1b: {  	s9 =	sadd.s32 $0xFFFFFEF7, lr;
	s5 =	simm.s32 $0xFFFFFFFF;
	p2 =	slt.u32 s8, $0xFFFFF086  }
0x1c: {  	p1 =	slt.u32 s9, $0xF7A;
	s5 =	simm.s32 @!p2 $0x0  }
0x1d: {  	s5 =	simm.s32 @p1 $0x1;
	p0 =	seq.s32 s7, s2  }
0x1e: {  	s7 =	smul.u32 @!p0 $0xF7A, s2;
	p2 =	seq.s32 @!p0 s5, $0x0  }
0x1f: {  	s9 =	smul.u32 $0xF7A, s1;
	s8 =	simm.s32 @!p0 $0x1BF5;
	p2 =	por !p2, p0  }
0x20: {  	[sflag:s8] =	ssyncset.s32 @!p0 $0xFFFFF086;
	s6 =	sadd.s32 @!p0 s3, s7;
	s7 =	simm.s32 @!p0 $0x108  }
0x21: {  	s3 =	sadd.s32 s3, s9;
	s6 =	sadd.s32 @!p0 $0x88, s6;
	s7 =	simm.s32 @p2 $0x1082  }
0x22: {  	[simem:s7], [sflag:s8] =	dma.local @!p0 [hbm:s6], $0xF7A  }
0x23: {  	s9 =	sor.u32 $0xD0000000, s2;
	s6 =	simm.s32 $0x108;
	_ =	swait.ge @!p0 [sflag:s8], $0x0  }
0x24: {  	s3 =	sadd.s32 $0x88, s3;
	s6 =	simm.s32 @!p1 $0x1082;
	[sflag:s4] =	ssyncset.s32 $0xFFFFF086  }
0x25: {  	[simem:s6], [sflag:s4] =	dma.local [hbm:s3], $0xF7A  }
0x26: {  	[smem:$0x3F92] =	sst s1;
	(tag) =	ssettag s2;
	_ =	strace s9  }
0x27: {  	s1 =	sld [smem:$0x3FA2]  }
0x28: {  	s2 =	sld [smem:$0x3FA3]  }
0x29: {  	s4 =	sld [smem:$0x3FA5]  }
0x2a: {  	p0 =	seq.s32 s5, $0x0;
	s5 =	sld [smem:$0x3FA6]  }
0x2b: {  	s6 =	sld [smem:$0x3FA7]  }
0x2c: {  	s7 =	sld [smem:$0x3FA8]  }
0x2d: {  	s3 =	simm.s32 $0x108;
	s8 =	sld [smem:$0x3FA9]  }
0x2e: {  	s3 =	simm.s32 @!p0 $0x1082;
	s9 =	sld [smem:$0x3FAA]  }
0x2f: {  	lr =	sadd.s32 s0, s3;
	s0 =	sld [smem:$0x3FA1]  }
0x30: {  	s3 =	sld [smem:$0x3FA4]  }
0x31: {  	[smem:$0x3FAD] =	sst s10  }
0x32: {  	s10 =	sld [smem:$0x3FAB];
	_ =	sdelay $0x3  }
0x33: {  	p0 =	seq.s32 s10, $0x1;
	s10 =	sld [smem:$0x3FAD];
	_ =	sdelay $0x3  }
0x34: {  	[smem:$0x3FAD] =	sst s10  }
0x35: {  	s10 =	sld [smem:$0x3FAC];
	_ =	sdelay $0x3  }
0x36: {  	p1 =	seq.s32 s10, $0x1;
	s10 =	sld [smem:$0x3FAD];
	_ =	sdelay $0x3  }
0x37: {  	[smem:$0x3FAD] =	sst s10  }
0x38: {  	s10 =	sld [smem:$0x3FAE]  }
0x39: {  	_ = 	snop;
	(pc) =	sbr.ind lr, $3  }
0x3a: {  	_ = 	snop  }
0x3b: {  	_ = 	snop  }
0x3c: {  	p2 =	seq.s32 s10, $0x1;
	s10 =	sld [smem:$0x3FAD]  }
0x3d: {  	_ =	shalt  }
0x3e: {  	_ =	shalt  }
0x3f: {  	_ =	shalt  }
0x40: {  	_ =	shalt  }
0x41: {  	_ =	shalt  }
0x42: {  	_ =	shalt  }
0x43: {  	_ =	shalt  }
0x44: {  	_ =	shalt  }
0x45: {  	_ =	shalt  }
0x46: {  	_ =	shalt  }
0x47: {  	_ =	shalt  }
0x48: {  	_ =	shalt  }
0x49: {  	_ =	shalt  }
0x4a: {  	_ =	shalt  }
0x4b: {  	_ =	shalt  }
0x4c: {  	_ =	shalt  }
0x4d: {  	_ =	shalt  }
0x4e: {  	_ =	shalt  }
0x4f: {  	_ =	shalt  }
0x50: {  	_ =	shalt  }
0x51: {  	_ =	shalt  }
0x52: {  	_ =	shalt  }
0x53: {  	_ =	shalt  }
0x54: {  	_ =	shalt  }
0x55: {  	_ =	shalt  }
0x56: {  	_ =	shalt  }
0x57: {  	_ =	shalt  }
0x58: {  	_ =	shalt  }
0x59: {  	_ =	shalt  }
0x5a: {  	_ =	shalt  }
0x5b: {  	_ =	shalt  }
0x5c: {  	_ =	shalt  }
0x5d: {  	_ =	shalt  }
0x5e: {  	_ =	shalt  }
0x5f: {  	_ =	shalt  }
0x60: {  	_ =	shalt  }
0x61: {  	_ =	shalt  }
0x62: {  	_ =	shalt  }
0x63: {  	_ =	shalt  }
0x64: {  	_ =	shalt  }
0x65: {  	_ =	shalt  }
0x66: {  	_ =	shalt  }
0x67: {  	_ =	shalt  }
0x68: {  	_ =	shalt  }
0x69: {  	_ =	shalt  }
0x6a: {  	_ =	shalt  }
0x6b: {  	_ =	shalt  }
0x6c: {  	_ =	shalt  }
0x6d: {  	_ =	shalt  }
0x6e: {  	_ =	shalt  }
0x6f: {  	_ =	shalt  }
0x70: {  	_ =	shalt  }
0x71: {  	_ =	shalt  }
0x72: {  	_ =	shalt  }
0x73: {  	_ =	shalt  }
0x74: {  	_ =	shalt  }
0x75: {  	_ =	shalt  }
0x76: {  	_ =	shalt  }
0x77: {  	_ =	shalt  }
0x78: {  	_ =	shalt  }
0x79: {  	_ =	shalt  }
0x7a: {  	_ =	shalt  }
0x7b: {  	_ =	shalt  }
0x7c: {  	_ =	shalt  }
0x7d: {  	_ =	shalt  }
0x7e: {  	_ =	shalt  }
0x7f: {  	_ =	shalt  }
0x80: {  	_ =	shalt  }
0x81: {  	_ =	shalt  }
0x82: {  	_ =	shalt  }
0x83: {  	_ =	shalt  }
0x84: {  	_ =	shalt  }
0x85: {  	_ =	shalt  }
0x86: {  	_ =	shalt  }
0x87: {  	_ =	shalt  }
.Lfunc_end0:
.L_simem_size_0:
called_computation.3_lowered:
.L_overlay_start_0:
0x88: {  	s2 =	sld [smem:$0x3FD9]  }
0x89: {  	s3 =	sld [smem:$0x3FFE];
	_ =	sdelay $0x1  }
0x8a: {  	s1 =	srdreg.scid  }
0x8b: {  	s0 =	sand.u32 $0x1, s1  }
0x8c: {  	s16 =	sshll.u32 s0, $0xA;
	s2 =	sadd.s32 s3, s2  }
0x8d: {  	s2 =	sadd.s32 s2, s16  }
0x8e: {  	[smem:$0x3FB9] =	sst s2  }
0x8f: {  	_ = 	snop  }
0x90: {  	(tm) =	ssettm $0x1  }
0x91: {  	s17 =	sld [smem:$0x3FFB];
	_ =	sdelay $0x3  }
0x92: {  	_ =	strace s17  }
0x93: {  	s2 =	sld [smem:$0x3FFC];
	_ =	sdelay $0x3  }
0x94: {  	_ =	strace s2  }
0x95: {  	s2 =	sld [smem:$0x3FFD];
	_ =	sdelay $0x3  }
0x96: {  	_ =	strace s2  }
0x97: {  	_ =	strace $0x8FFFFFFF  }
0x98: {  	s18 =	sld [smem:$0x3FDB];
	_ =	sdelay $0x1  }
0x99: {  	s19 =	simm.s32 $_scs_section_size  }
0x9a: {  	s4 =	simm.s32 $_size__tile_overlayer_lowered;
	s5 =	simm.s32 $_tile_overlayer_lowered  }
0x9b: {  	s22 =	simm.s32 $0x1BFF;
	s21 =	sshll.u32 s5, $0x1;
	s2 =	sadd.s32 s19, s18  }
0x9c: {  	s6 =	simm.s32 $0x0;
	s20 =	sshll.u32 s4, $0x1;
	s4 =	sadd.s32 s21, s2  }
0x9d: {  	[timem:s6], [sflag:s22] =	dma.local [hbm:s4], s20  }
0x9e: {  	_ =	swait.ge [sflag:s22], s20  }
0x9f: {  	s3 =	ssub.s32 $0x0, s20;
	[sflag:s22] =	ssyncset.done $0x0  }
0xa0: {  	[sflag:s22] =	ssyncadd.s32 s3;
	_ =	sdelay $0x1  }
0xa1: {  	s23 =	simm.s32 $0x1B8B  }
0xa2: {  	_ =	swait.ge [sflag:s23], $0x1  }
0xa3: {  	[sflag:s23] =	ssyncset.done $0x0  }
0xa4: {  	s25 =	simm.s32 $0x1B8E;
	s24 =	sld [smem:$0x3FFE];
	[sflag:s23] =	ssyncadd.s32 $0xFFFFFFFF  }
0xa5: {  	s26 =	simm.s32 $execute0_lowered;
	[smem:$0x3FD2] =	sst s25  }
0xa6: {  	s4 =	sshll.u32 s26, $0x1;
	_ =	strace $0x8000004F;
	[dreg:$0x1] =	wrdreg $0xFFFFFFFF  }
0xa7: {  	s28 =	simm.s32 $_size_execute0_lowered;
	s2 =	sadd.s32 s2, s4;
	[dreg:$0x0] =	wrdreg $0x0  }
0xa8: {  	s4 =	sshll.u32 s28, $0x1;
	[dreg:$0x2] =	wrdreg s2  }
0xa9: {  	[dreg:$0x3] =	wrdreg s4  }
0xaa: {  	[dreg:$0x4] =	wrdreg $0xC0  }
0xab: {  	_ =	task [dreg:s6], $0x5FFFF  }
0xac: {  	[dreg:$0x1] =	wrdreg $0xFFFFFFFF  }
0xad: {  	[dreg:$0x0] =	wrdreg $0x60  }
0xae: {  	[dreg:$0x2] =	wrdreg s24  }
0xaf: {  	[dreg:$0x3] =	wrdreg $0x0  }
0xb0: {  	[dreg:$0x4] =	wrdreg $0x9  }
0xb1: {  	_ =	task.clear_ibuf [dreg:s6], $0x5FFFF;
	_ =	strace $0x9000004F  }
0xb2: {  	s29 =	simm.s32 $0x9;
	_ =	strace $0x80000051  }
0xb3: {  	_ =	swait.ge [sflag:s29], $0x1  }
0xb4: {  	[sflag:s29] =	ssyncadd.s32 $0xFFFFFFFF  }
0xb5: {  	_ =	strace $0x90000051  }
0xb6: {  	_ =	sfence  }
0xb7: {  	s30 =	sld [smem:$0x0];
	_ =	sdelay $0x2  }
0xb8: {  	s31 =	sshll.u32 s1, $0xD;
	s1 =	sshrl.u32 s1, $0x2  }
0xb9: {  	s3 =	sand.u32 $0x4000, s31;
	s1 =	sadd.s32 s1, s30  }
0xba: {  	s0 =	sor.u32 s3, s0;
	s1 =	sshll.u32 s1, $0x11  }
0xbb: {  	s0 =	sor.u32 s1, s0  }
0xbc: {  	s0 =	sadd.s32 $0x8F2B, s0  }
0xbd: {  	[sflag:s0] =	ssyncadd.remote.s32 $0x1  }
0xbe: {  	_ =	sfence.sel $0xFFFF  }
0xbf: {  	[dreg:$0x0] =	wrdreg $0xFFFFFFFF;
	(pc) =	sbr.abs _section_cstart, $3  }
0xc0: {  	[dreg:$0x1] =	wrdreg $0xFFFFFFFF  }
0xc1: {  	_ =	task.clear_ibuf [dreg:s6], $0x2FFFF;
	_ =	strace $0x9FFFFFFF  }
0xc2: {  	(tm) =	ssettm $0x7FFFFFFF  }
0xc3: {  	_ =	shalt  }
tec
execute0_lowered:
.L_overlay_start_1:
0x0: {  	(tag) =	ssettag $0x1  }
0x1: {  	s0 =	rddreg [dreg:$0x0]  }
0x2: {  	s1 =	rddreg [dreg:$0x1];
	s2 =	simm.s32 $0x0  }
0x3: {  	s3 =	srdreg.scid;
	s13 =	stileid.u32;
	s14 =	simm.s32 $0x7E000  }
0x4: {  	s28 =	simm.s32 $0x1;
	s29 =	simm.s32 $0x2;
	s30 =	simm.s32 $0x4  }
0x5: {  	s31 =	simm.s32 $0x0;
	[smem:$0x7FF] =	sst s2;
	s4 =	sadd.s32 $0x10600, s0  }
0x6: {  	s3 =	sand.u32 $0x1, s3;
	s5 =	sadd.s32 $0x56000, s0;
	s9 =	smul.u32 $0x50000, s13  }
0x7: {  	s6 =	sadd.s32 $0x6800, s0;
	s7 =	sadd.s32 $0x4C200, s0;
	s11 =	smul.u32 $0x280, s13  }
0x8: {  	s15 =	smul.u32 $0x2800, s13;
	_ =	strace $0x80000050;
	s8 =	ssub.s32 $0x2, s3  }
0x9: {  	s12 =	sshll.u32 s3, $0x4;
	p0 =	seq.s32 s3, $0x0;
	s10 =	sshrl.u32 s8, $0x1  }
0xa: {  	s9 =	sshrl.u32 s9, $0x2;
	s20 =	sor.u32 s13, s12;
	s21 =	sadd.s32 $0x80, s11  }
0xb: {  	s23 =	sadd.s32 $0x100, s11;
	s25 =	sadd.s32 $0x180, s11;
	s11 =	sadd.s32 $0x200, s11  }
0xc: {  	s14 =	simm.s32 @!p0 $0xA6000;
	s10 =	ssub.s32 s8, s10;
	s8 =	sadd.s32 s9, s1  }
0xd: {  	s9 =	smul.u32 $0x4F, s20;
	s22 =	sshll.u32 s21, $0x7;
	s24 =	sshll.u32 s23, $0x7  }
0xe: {  	s3 =	sshll.u32 s21, $0x4;
	s12 =	sshll.u32 s23, $0x4;
	s26 =	sshll.u32 s25, $0x7  }
0xf: {  	s16 =	sshll.u32 s11, $0x7;
	s0 =	sadd.s32 s14, s0;
	s11 =	sshll.u32 s11, $0x4  }
0x10: {  	s20 =	simm.s32 $0x1C100;
	s21 =	simm.s32 $0x3;
	s23 =	simm.s32 $0x14080  }
0x11: {  	s10 =	smax.u32 s10, $0x1;
	s13 =	sadd.s32 s26, s1;
	s14 =	sadd.s32 s16, s1  }
0x12: {  	s15 =	sadd.s32 s0, s15;
	s16 =	sadd.s32 s0, s3;
	s17 =	sadd.s32 s0, s12  }
0x13: {  	s19 =	sadd.s32 s0, s11;
	[dreg:$0x3] =	wrdreg s10;
	s10 =	sadd.s32 s22, s1  }
0x14: {  	s26 =	simm.s32 $0x18100;
	[dreg:$0x4] =	wrdreg s10;
	s10 =	sadd.s32 s24, s1  }
0x15: {  	s22 =	simm.s32 $0x14000;
	[dreg:$0x5] =	wrdreg s10;
	s10 =	sshll.u32 s25, $0x4  }
0x16: {  	v0 =	vimm.f32 $0.0e+00;
	s24 =	simm.s32 $0x80;
	s25 =	simm.s32 $0x14100;
	s18 =	sadd.s32 s0, s10  }
.LBB2_1:
0x17: {  	s0 =	simm.s32 $0x0;
	s3 =	simm.s32 $0x200  }
.LBB2_2:
0x18: {  	p1 =	sne.s32 s3, $0x1E00;
	[tilespmem:s0+$0x1C170] =	vst v0  }
0x19: {  	[tilespmem:s0+$0x1C100] =	vst v0  }
0x1a: {  	[tilespmem:s0+$0x1C110] =	vst v0  }
.Ltmp0:
0x1b: {  	[tilespmem:s0+$0x1C120] =	vst v0;
	(pc) =	sbr.rel @p1 .LBB2_2-.Ltmp0, $4  }
0x1c: {  	[tilespmem:s0+$0x1C130] =	vst v0  }
0x1d: {  	[tilespmem:s0+$0x1C140] =	vst v0  }
0x1e: {  	[tilespmem:s0+$0x1C150] =	vst v0  }
0x1f: {  	[tilespmem:s0+$0x1C160] =	vst v0;
	s0 =	sshra.s32 s3, $0x2;
	s3 =	sadd.s32 $0x200, s3  }
0x20: {  	[tilespmem:s0+$0x1C170] =	vst v0  }
0x21: {  	[tilespmem:s0+$0x1C100] =	vst v0  }
0x22: {  	[tilespmem:s0+$0x1C110] =	vst v0  }
0x23: {  	[tilespmem:s0+$0x1C120] =	vst v0  }
0x24: {  	[tilespmem:s0+$0x1C130] =	vst v0  }
0x25: {  	[tilespmem:s0+$0x1C140] =	vst v0  }
0x26: {  	[tilespmem:s0+$0x1C150] =	vst v0  }
0x27: {  	[tilespmem:s0+$0x1C160] =	vst v0;
	s12 =	sadd.s32 $0x0, s8  }
0x28: {  	[spmem:s12] =	stream.linear.scatter [tilespmem:s20], [sflag:$0x3], $0x800, $0x38;
	[tilespmem:$0x1C900] =	vst v63  }
0x29: {  	s0 =	simm.s32 $0x2000;
	_ =	swait.ge [sflag:s21], $0x800  }
.LBB2_4:
0x2a: {  	s3 =	sshra.s32 s0, $0x2;
	[sflag:s21] =	ssyncset.done $0x0;
	p1 =	sne.s32 s0, $0x4E000  }
.Ltmp1:
0x2b: {  	s3 =	sadd.s32 s3, s8;
	[sflag:s21] =	ssyncadd.s32 $0xFFFFF800;
	(pc) =	sbr.rel @p1 .LBB2_4-.Ltmp1, $3  }
0x2c: {  	[spmem:s3] =	stream.linear.scatter [tilespmem:s20], [sflag:$0x3], $0x800, $0x38;
	[tilespmem:$0x1C900] =	vst v63  }
0x2d: {  	s0 =	sadd.s32 $0x2000, s0;
	_ =	sdelay $0x1  }
0x2e: {  	_ =	swait.ge [sflag:s21], $0x800  }
0x2f: {  	[sflag:s21] =	ssyncset.done $0x0  }
0x30: {  	[sflag:s21] =	ssyncadd.s32 $0xFFFFF800  }
0x31: {  	s0 =	simm.s32 $0x0;
	s3 =	simm.s32 $0x0;
	[bflag:$0x0] =	sbarrier.arrive $0xFFFF  }
.LBB2_6:
0x32: {  	s10 =	sadd.s32 s9, s3  }
0x33: {  	s10 =	sshll.u32 s10, $0x4  }
0x34: {  	s11 =	sadd.s32 s6, s10  }
0x35: {  	[tilespmem:s22], [sflag:$0x3] =	stream.linear.gather [hbm4b:s11+s0], $0x80, $0x38;
	[tilespmem:$0x1C900] =	vst v63  }
0x36: {  	_ =	swait.ge [sflag:s21], $0x80  }
0x37: {  	[sflag:s21] =	ssyncset.done $0x0  }
0x38: {  	s10 =	sadd.s32 s7, s10;
	[sflag:s21] =	ssyncadd.s32 $0xFFFFFF80  }
0x39: {  	[tilespmem:s23], [sflag:$0x3] =	stream.linear.gather [hbm4b:s10+s0], $0x80, $0x38;
	[tilespmem:$0x1C900] =	vst v63  }
0x3a: {  	_ =	swait.ge [sflag:s21], $0x80  }
0x3b: {  	[sflag:s21] =	ssyncset.done $0x0  }
0x3c: {  	[sflag:s21] =	ssyncadd.s32 $0xFFFFFF80  }
0x3d: {  	[tilespmem:s25], [sflag:$0x1] =	stream.indirect.gather [hbm4b:s4+s24], $0x80, s22, s24, $0xb8;
	[tilespmem:$0x1C900] =	vst v63  }
0x3e: {  	_ = 	snop  }
0x3f: {  	[tilespmem:s26], [sflag:$0x2] =	stream.indirect.gather [hbm4b:s5+s24], $0x80, s23, s24, $0xb8;
	[tilespmem:$0x1C900] =	vst v63  }
0x40: {  	_ =	swait.ge [sflag:s28], $0x4000  }
0x41: {  	[sflag:s28] =	ssyncset.done $0x0  }
0x42: {  	[sflag:s28] =	ssyncadd.s32 $0xFFFFC000  }
0x43: {  	_ =	swait.ge [sflag:s29], $0x4000  }
0x44: {  	[sflag:s29] =	ssyncset.done $0x0  }
0x45: {  	s10 =	simm.s32 $0x0;
	[sflag:s29] =	ssyncadd.s32 $0xFFFFC000  }
0x46: {  	v1 =	vld [tilespmem:s10+$0x18100]  }
0x47: {  	v2 =	vld [tilespmem:s10+$0x14100]  }
0x48: {  	v3 =	vld [tilespmem:s10+$0x14130]  }
0x49: {  	v4 =	vld [tilespmem:s10+$0x18130]  }
0x4a: {  	v5 =	vld [tilespmem:s10+$0x14120]  }
0x4b: {  	v7 =	vld [tilespmem:s10+$0x18110]  }
0x4c: {  	v1 =	vadd.f32 v1, v2;
	v2 =	vld [tilespmem:s10+$0x18120]  }
0x4d: {  	v8 =	vld [tilespmem:s10+$0x18150]  }
0x4e: {  	v11 =	vld [tilespmem:s10+$0x18140];
	v6 =	vmin.f32 v1, $0.0e+00  }
0x4f: {  	v9 =	vadd.f32 v4, v3;
	v3 =	vld [tilespmem:s10+$0x14150];
	v6 =	vmax.f32 v6, $-1.750000000e+01  }
0x50: {  	v15 =	vmul.f32 $3.125000000e-02, v6;
	v6 =	vld [tilespmem:s10+$0x14110]  }
0x51: {  	v16 =	vld [tilespmem:s10+$0x14140];
	v10 =	vadd.f32 v2, v5;
	v2 =	vmin.f32 v9, $0.0e+00  }
0x52: {  	v13 =	vld [tilespmem:s10+$0x18160];
	v4 =	vmul.f32 $2.480158760e-05, v15;
	v2 =	vmax.f32 v2, $-1.750000000e+01  }
0x53: {  	v18 =	vld [tilespmem:s10+$0x14160];
	v17 =	vmin.f32 v10, $0.0e+00;
	v14 =	vmul.f32 $3.125000000e-02, v2  }
0x54: {  	v5 =	vadd.f32 $1.984127010e-04, v4;
	v4 =	vmul.f32 $1.050701020e+00, v9;
	v2 =	vmax.f32 v17, $-1.750000000e+01  }
0x55: {  	v12 =	vadd.f32 v7, v6;
	v17 =	vmul.f32 $3.125000000e-02, v2;
	v2 =	vadd.f32 v8, v3  }
0x56: {  	v11 =	vadd.f32 v11, v16;
	v3 =	vmul.f32 $2.480158760e-05, v14;
	v6 =	vmul.f32 v5, v15  }
0x57: {  	v8 =	vmin.f32 v12, $0.0e+00;
	v19 =	vmul.f32 $2.480158760e-05, v17;
	v20 =	vmin.f32 v2, $0.0e+00  }
0x58: {  	v46 =	vadd.f32 $1.984127010e-04, v3;
	v3 =	vadd.f32 v13, v18;
	v18 =	vmin.f32 v11, $0.0e+00  }
0x59: {  	v6 =	vadd.f32 $1.388888920e-03, v6;
	v16 =	vmax.f32 v20, $-1.750000000e+01;
	v18 =	vmax.f32 v18, $-1.750000000e+01  }
0x5a: {  	v8 =	vmax.f32 v8, $-1.750000000e+01;
	v13 =	vmul.f32 $3.125000000e-02, v16;
	v16 =	vadd.f32 $1.984127010e-04, v19  }
0x5b: {  	v19 =	vmin.f32 v3, $0.0e+00;
	v20 =	vmul.f32 v46, v14;
	v23 =	vmul.f32 $3.125000000e-02, v8  }
0x5c: {  	v18 =	vmul.f32 $3.125000000e-02, v18;
	v6 =	vmul.f32 v6, v15;
	v19 =	vmax.f32 v19, $-1.750000000e+01  }
0x5d: {  	v21 =	vmul.f32 $2.480158760e-05, v13;
	v16 =	vmul.f32 v16, v17;
	v20 =	vadd.f32 $1.388888920e-03, v20  }
0x5e: {  	v24 =	vmul.f32 $2.480158760e-05, v23;
	v19 =	vmul.f32 $3.125000000e-02, v19;
	v6 =	vadd.f32 $8.333333770e-03, v6  }
0x5f: {  	v26 =	vmul.f32 $2.480158760e-05, v18;
	v21 =	vadd.f32 $1.984127010e-04, v21;
	v16 =	vadd.f32 $1.388888920e-03, v16  }
0x60: {  	v22 =	vld [tilespmem:s10+$0x18170];
	v24 =	vadd.f32 $1.984127010e-04, v24;
	v27 =	vmul.f32 $2.480158760e-05, v19;
	v20 =	vmul.f32 v20, v14  }
0x61: {  	v8 =	vld [tilespmem:s10+$0x14170];
	v48 =	vadd.f32 $1.984127010e-04, v26;
	v6 =	vmul.f32 v6, v15;
	v21 =	vmul.f32 v21, v13  }
0x62: {  	v47 =	vmul.f32 v24, v23;
	v16 =	vmul.f32 v16, v17  }
0x63: {  	v49 =	vadd.f32 $1.984127010e-04, v27;
	v24 =	vmul.f32 v48, v18;
	v20 =	vadd.f32 $8.333333770e-03, v20  }
0x64: {  	v5 =	vmul.f32 $1.050701020e+00, v10;
	v6 =	vadd.f32 $4.166666790e-02, v6;
	v21 =	vadd.f32 $1.388888920e-03, v21  }
0x65: {  	v7 =	vmul.f32 $1.050701020e+00, v12;
	v16 =	vadd.f32 $8.333333770e-03, v16;
	v24 =	vadd.f32 $1.388888920e-03, v24  }
0x66: {  	v20 =	vmul.f32 v20, v14;
	v25 =	vmul.f32 v6, v15;
	v6 =	vadd.f32 v22, v8  }
0x67: {  	v22 =	vadd.f32 $1.388888920e-03, v47;
	v21 =	vmul.f32 v21, v13;
	v24 =	vmul.f32 v24, v18  }
0x68: {  	v16 =	vmul.f32 v16, v17;
	v20 =	vadd.f32 $4.166666790e-02, v20;
	v8 =	vadd.f32 $1.666666720e-01, v25  }
0x69: {  	v25 =	vmul.f32 v49, v19;
	v22 =	vmul.f32 v22, v23;
	v21 =	vadd.f32 $8.333333770e-03, v21  }
0x6a: {  	v50 =	vmin.f32 v6, $0.0e+00;
	v24 =	vadd.f32 $8.333333770e-03, v24;
	v16 =	vadd.f32 $4.166666790e-02, v16  }
0x6b: {  	v20 =	vmul.f32 v20, v14;
	v8 =	vmul.f32 v8, v15;
	v25 =	vadd.f32 $1.388888920e-03, v25  }
0x6c: {  	v22 =	vadd.f32 $8.333333770e-03, v22;
	v21 =	vmul.f32 v21, v13;
	v24 =	vmul.f32 v24, v18  }
0x6d: {  	v16 =	vmul.f32 v16, v17;
	v20 =	vadd.f32 $1.666666720e-01, v20;
	v8 =	vadd.f32 $5.000000000e-01, v8  }
0x6e: {  	v25 =	vmul.f32 v25, v19;
	v22 =	vmul.f32 v22, v23;
	v21 =	vadd.f32 $4.166666790e-02, v21  }
0x6f: {  	v24 =	vadd.f32 $4.166666790e-02, v24;
	v16 =	vadd.f32 $1.666666720e-01, v16;
	v20 =	vmul.f32 v20, v14  }
0x70: {  	v51 =	vmul.f32 v8, v15;
	v8 =	vmax.f32 v50, $-1.750000000e+01;
	v22 =	vadd.f32 $4.166666790e-02, v22  }
0x71: {  	v25 =	vadd.f32 $8.333333770e-03, v25;
	v8 =	vmul.f32 $3.125000000e-02, v8;
	v21 =	vmul.f32 v21, v13  }
0x72: {  	v24 =	vmul.f32 v24, v18;
	v16 =	vmul.f32 v16, v17;
	v20 =	vadd.f32 $5.000000000e-01, v20  }
0x73: {  	v52 =	vadd.f32 $1.000000000e+00, v51;
	v22 =	vmul.f32 v22, v23;
	v25 =	vmul.f32 v25, v19  }
0x74: {  	v53 =	vmul.f32 $2.480158760e-05, v8;
	v24 =	vadd.f32 $1.666666720e-01, v24;
	v16 =	vadd.f32 $5.000000000e-01, v16  }
0x75: {  	v20 =	vmul.f32 v20, v14;
	v15 =	vmul.f32 v52, v15;
	v22 =	vadd.f32 $1.666666720e-01, v22  }
0x76: {  	v25 =	vadd.f32 $4.166666790e-02, v25;
	v26 =	vadd.f32 $1.984127010e-04, v53;
	v24 =	vmul.f32 v24, v18  }
0x77: {  	v16 =	vmul.f32 v16, v17;
	v20 =	vadd.f32 $1.000000000e+00, v20;
	v22 =	vmul.f32 v22, v23  }
0x78: {  	v25 =	vmul.f32 v25, v19;
	v15 =	vadd.f32 $1.000000000e+00, v15;
	v26 =	vmul.f32 v26, v8  }
0x79: {  	v24 =	vadd.f32 $5.000000000e-01, v24;
	v16 =	vadd.f32 $1.000000000e+00, v16;
	v20 =	vmul.f32 v20, v14  }
0x7a: {  	v14 =	vmul.f32 $1.050701020e+00, v11;
	v22 =	vadd.f32 $5.000000000e-01, v22;
	v25 =	vadd.f32 $1.666666720e-01, v25  }
0x7b: {  	v58 =	vmul.f32 v15, v15;
	v26 =	vadd.f32 $1.388888920e-03, v26;
	v24 =	vmul.f32 v24, v18  }
0x7c: {  	v16 =	vmul.f32 v16, v17;
	v17 =	vadd.f32 $1.666666720e-01, v21;
	v22 =	vmul.f32 v22, v23  }
0x7d: {  	v20 =	vadd.f32 $1.000000000e+00, v20;
	v25 =	vmul.f32 v25, v19;
	v26 =	vmul.f32 v26, v8  }
0x7e: {  	v54 =	vadd.f32 $1.000000000e+00, v24;
	v16 =	vadd.f32 $1.000000000e+00, v16;
	v17 =	vmul.f32 v17, v13  }
0x7f: {  	v20 =	vmul.f32 v20, v20;
	v22 =	vadd.f32 $1.000000000e+00, v22;
	v26 =	vadd.f32 $8.333333770e-03, v26  }
0x80: {  	v57 =	vadd.f32 $5.000000000e-01, v25;
	v18 =	vmul.f32 v54, v18;
	v16 =	vmul.f32 v16, v16  }
0x81: {  	v17 =	vadd.f32 $5.000000000e-01, v17;
	v56 =	vmul.f32 v22, v23;
	v26 =	vmul.f32 v26, v8  }
0x82: {  	v20 =	vmul.f32 v20, v20;
	v59 =	vmul.f32 v57, v19;
	v15 =	vadd.f32 $1.000000000e+00, v18  }
0x83: {  	v16 =	vmul.f32 v16, v16;
	v18 =	vadd.f32 $1.000000000e+00, v56;
	v26 =	vadd.f32 $4.166666790e-02, v26  }
0x84: {  	v17 =	vmul.f32 v17, v13;
	v21 =	vadd.f32 $1.000000000e+00, v59;
	v15 =	vmul.f32 v15, v15  }
0x85: {  	v18 =	vmul.f32 v18, v18;
	v55 =	vmul.f32 v26, v8  }
0x86: {  	v16 =	vmul.f32 v16, v16;
	v17 =	vadd.f32 $1.000000000e+00, v17;
	v19 =	vmul.f32 v21, v19  }
0x87: {  	v15 =	vmul.f32 v15, v15;
	v18 =	vmul.f32 v18, v18;
	v60 =	vadd.f32 $1.666666720e-01, v55  }
0x88: {  	v13 =	vmul.f32 v17, v13;
	v17 =	vadd.f32 $1.000000000e+00, v19;
	v19 =	vmul.f32 v20, v20  }
0x89: {  	v18 =	vmul.f32 v18, v18;
	v61 =	vmul.f32 v60, v8  }
0x8a: {  	vm2 =	vgt.f32 v9, $0.0e+00;
	v63 =	vmul.f32 v16, v16;
	v15 =	vmul.f32 v15, v15  }
0x8b: {  	v19 =	vmul.f32 v19, v19;
	v18 =	vmul.f32 v18, v18;
	v62 =	vadd.f32 $5.000000000e-01, v61  }
0x8c: {  	vm0 =	vgt.f32 v12, $0.0e+00;
	v12 =	vmul.f32 v15, v15;
	v15 =	vmul.f32 v17, v17  }
0x8d: {  	vm1 =	vgt.f32 v10, $0.0e+00;
	v17 =	vmul.f32 v18, v18;
	v18 =	vmul.f32 v62, v8  }
0x8e: {  	v13 =	vadd.f32 $1.000000000e+00, v13;
	v16 =	vmul.f32 v12, v12;
	v10 =	vmul.f32 v15, v15  }
0x8f: {  	v15 =	vmul.f32 v19, v19;
	v12 =	vadd.f32 $1.000000000e+00, v18;
	v18 =	vmul.f32 $1.758099320e+00, v17  }
0x90: {  	vm3 =	vgt.f32 v11, $0.0e+00;
	v9 =	vmul.f32 $1.758099320e+00, v16;
	v16 =	vmul.f32 v13, v13  }
0x91: {  	s11 =	simm.s32 $0x200;
	v13 =	vmul.f32 v63, v63;
	v17 =	vmul.f32 v58, v58;
	v11 =	vadd.f32 $-1.758099320e+00, v18  }
.LBB2_7:
0x92: {  	s12 =	sshra.s32 s11, $0x2;
	p1 =	sne.s32 s11, $0xFE00;
	s11 =	sadd.s32 $0x200, s11;
	v15 =	vmul.f32 $1.758099320e+00, v15;
	v9 =	vadd.f32 $-1.758099320e+00, v9;
	v18 =	vmul.f32 v16, v16  }
0x93: {  	v16 =	vld [tilespmem:s12+$0x18170];
	v17 =	vmul.f32 v17, v17;
	v7 =	vsel vm0, v7, v11;
	v11 =	vmul.f32 $1.758099320e+00, v13  }
0x94: {  	v13 =	vld [tilespmem:s12+$0x18110];
	[tilespmem:s10+$0x14110] =	vst v7;
	v7 =	vadd.f32 $-1.758099320e+00, v15;
	v9 =	vsel vm3, v14, v9;
	v14 =	vmul.f32 v18, v18  }
0x95: {  	v15 =	vld [tilespmem:s12+$0x18100];
	v17 =	vmul.f32 v17, v17;
	v11 =	vadd.f32 $-1.758099320e+00, v11;
	[tilespmem:s10+$0x14140] =	vst v9;
	v9 =	vmul.f32 v10, v10  }
0x96: {  	v8 =	vmul.f32 v12, v8;
	v4 =	vsel vm2, v4, v7;
	v7 =	vmul.f32 v14, v14  }
0x97: {  	v10 =	vld [tilespmem:s12+$0x18120];
	v12 =	vmul.f32 v17, v17;
	v5 =	vsel vm1, v5, v11;
	[tilespmem:s10+$0x14130] =	vst v4;
	v4 =	vmul.f32 v9, v9  }
0x98: {  	v11 =	vmul.f32 $1.050701020e+00, v1;
	v9 =	vld [tilespmem:s12+$0x14130];
	[tilespmem:s10+$0x14120] =	vst v5;
	v5 =	vmul.f32 v7, v7;
	v7 =	vadd.f32 $1.000000000e+00, v8  }
0x99: {  	vm0 =	vgt.f32 v2, $0.0e+00;
	v8 =	vld [tilespmem:s12+$0x18130];
	v12 =	vmul.f32 $1.758099320e+00, v12;
	v4 =	vmul.f32 v4, v4  }
0x9a: {  	vm1 =	vgt.f32 v1, $0.0e+00;
	v17 =	vld [tilespmem:s12+$0x18160];
	v1 =	vmul.f32 $1.758099320e+00, v5;
	v5 =	vmul.f32 v7, v7  }
0x9b: {  	vm2 =	vgt.f32 v3, $0.0e+00;
	v7 =	vld [tilespmem:s12+$0x14120];
	v12 =	vadd.f32 $-1.758099320e+00, v12;
	v4 =	vmul.f32 $1.758099320e+00, v4  }
0x9c: {  	v2 =	vmul.f32 $1.050701020e+00, v2;
	v18 =	vld [tilespmem:s12+$0x18140];
	v1 =	vadd.f32 $-1.758099320e+00, v1;
	v5 =	vmul.f32 v5, v5  }
0x9d: {  	v3 =	vmul.f32 $1.050701020e+00, v3;
	v19 =	vld [tilespmem:s12+$0x18150];
	v11 =	vsel vm1, v11, v12;
	v4 =	vadd.f32 $-1.758099320e+00, v4  }
0x9e: {  	v14 =	vld [tilespmem:s12+$0x14110];
	v9 =	vadd.f32 v8, v9;
	[tilespmem:s10+$0x14100] =	vst v11;
	v1 =	vsel vm0, v2, v1;
	v2 =	vmul.f32 v5, v5  }
0x9f: {  	vm0 =	vgt.f32 v6, $0.0e+00;
	v8 =	vld [tilespmem:s12+$0x14100];
	[tilespmem:s10+$0x14150] =	vst v1;
	v1 =	vsel vm2, v3, v4  }
0xa0: {  	v10 =	vadd.f32 v10, v7;
	v3 =	vmin.f32 v9, $0.0e+00;
	v11 =	vld [tilespmem:s12+$0x14150];
	[tilespmem:s10+$0x14160] =	vst v1;
	v1 =	vmul.f32 v2, v2  }
0xa1: {  	v6 =	vmul.f32 $1.050701020e+00, v6;
	v4 =	vmul.f32 $1.050701020e+00, v9;
	v2 =	vmax.f32 v3, $-1.750000000e+01;
	v3 =	vld [tilespmem:s12+$0x14140]  }
0xa2: {  	v5 =	vmin.f32 v10, $0.0e+00;
	v12 =	vmul.f32 $3.125000000e-02, v2;
	v20 =	vld [tilespmem:s12+$0x14160];
	v21 =	vmul.f32 v1, v1  }
0xa3: {  	v22 =	vadd.f32 v13, v14;
	v2 =	vmax.f32 v5, $-1.750000000e+01;
	v5 =	vmul.f32 $1.050701020e+00, v10  }
0xa4: {  	v1 =	vadd.f32 v15, v8;
	v14 =	vmul.f32 $3.125000000e-02, v2;
	v8 =	vmul.f32 $2.480158760e-05, v12  }
0xa5: {  	v15 =	vmin.f32 v22, $0.0e+00;
	v7 =	vmul.f32 $1.050701020e+00, v22;
	v2 =	vadd.f32 v19, v11  }
0xa6: {  	v19 =	vmul.f32 $1.758099320e+00, v21;
	v11 =	vmin.f32 v1, $0.0e+00;
	v13 =	vmul.f32 $2.480158760e-05, v14  }
0xa7: {  	v21 =	vmax.f32 v11, $-1.750000000e+01;
	v11 =	vadd.f32 v18, v3;
	v3 =	vmin.f32 v2, $0.0e+00  }
0xa8: {  	v8 =	vadd.f32 $1.984127010e-04, v8;
	v18 =	vmax.f32 v3, $-1.750000000e+01;
	v3 =	vadd.f32 v17, v20  }
0xa9: {  	v17 =	vadd.f32 $1.984127010e-04, v13;
	v20 =	vmin.f32 v11, $0.0e+00;
	v13 =	vmul.f32 $3.125000000e-02, v18  }
0xaa: {  	v19 =	vadd.f32 $-1.758099320e+00, v19;
	v18 =	vmul.f32 $3.125000000e-02, v21;
	v21 =	vmin.f32 v3, $0.0e+00  }
0xab: {  	v8 =	vmul.f32 v8, v12;
	v20 =	vmax.f32 v20, $-1.750000000e+01;
	v23 =	vmul.f32 $2.480158760e-05, v13  }
0xac: {  	v6 =	vsel vm0, v6, v19;
	v25 =	vmul.f32 v17, v14;
	v24 =	vmul.f32 $2.480158760e-05, v18  }
0xad: {  	v15 =	vmax.f32 v15, $-1.750000000e+01;
	v8 =	vadd.f32 $1.388888920e-03, v8;
	v23 =	vadd.f32 $1.984127010e-04, v23;
	[tilespmem:s10+$0x14170] =	vst v6;
	s10 =	smov.u32 s12  }
0xae: {  	v17 =	vmul.f32 $3.125000000e-02, v15;
	v15 =	vmax.f32 v21, $-1.750000000e+01;
	v6 =	vadd.f32 $1.984127010e-04, v24;
	v21 =	vld [tilespmem:s10+$0x14170]  }
0xaf: {  	v19 =	vmul.f32 $3.125000000e-02, v20;
	v8 =	vmul.f32 v8, v12;
	v24 =	vadd.f32 $1.388888920e-03, v25  }
0xb0: {  	vm0 =	vgt.f32 v22, $0.0e+00;
	v20 =	vmul.f32 $2.480158760e-05, v17;
	v22 =	vmul.f32 v23, v13  }
0xb1: {  	v15 =	vmul.f32 $3.125000000e-02, v15;
	v6 =	vmul.f32 v6, v18  }
0xb2: {  	v20 =	vadd.f32 $1.984127010e-04, v20;
	v23 =	vmul.f32 $2.480158760e-05, v19;
	v22 =	vadd.f32 $1.388888920e-03, v22  }
0xb3: {  	v26 =	vmul.f32 $2.480158760e-05, v15;
	v25 =	vadd.f32 $1.388888920e-03, v6;
	v6 =	vadd.f32 v16, v21  }
0xb4: {  	v16 =	vmul.f32 v20, v17;
	v20 =	vadd.f32 $1.984127010e-04, v23;
	v21 =	vmul.f32 v22, v13  }
0xb5: {  	v22 =	vmul.f32 v25, v18;
	v23 =	vmul.f32 v24, v14;
	v24 =	vadd.f32 $1.984127010e-04, v26  }
0xb6: {  	v16 =	vadd.f32 $1.388888920e-03, v16;
	v20 =	vmul.f32 v20, v19;
	v21 =	vadd.f32 $8.333333770e-03, v21  }
0xb7: {  	v22 =	vadd.f32 $8.333333770e-03, v22;
	v23 =	vadd.f32 $8.333333770e-03, v23;
	v24 =	vmul.f32 v24, v15  }
0xb8: {  	v25 =	vadd.f32 $8.333333770e-03, v8;
	v16 =	vmul.f32 v16, v17;
	v8 =	vmul.f32 v21, v13  }
0xb9: {  	v21 =	vmul.f32 v22, v18;
	v22 =	vadd.f32 $1.388888920e-03, v24;
	v24 =	vmin.f32 v6, $0.0e+00  }
0xba: {  	v20 =	vadd.f32 $1.388888920e-03, v20;
	v26 =	vadd.f32 $4.166666790e-02, v8;
	v8 =	vmax.f32 v24, $-1.750000000e+01  }
0xbb: {  	v23 =	vmul.f32 v23, v14;
	v21 =	vadd.f32 $4.166666790e-02, v21;
	v8 =	vmul.f32 $3.125000000e-02, v8  }
0xbc: {  	v16 =	vadd.f32 $8.333333770e-03, v16;
	v20 =	vmul.f32 v20, v19;
	v22 =	vmul.f32 v22, v15  }
0xbd: {  	v23 =	vadd.f32 $4.166666790e-02, v23;
	v21 =	vmul.f32 v21, v18;
	v24 =	vmul.f32 v26, v13  }
0xbe: {  	v16 =	vmul.f32 v16, v17;
	v20 =	vadd.f32 $8.333333770e-03, v20;
	v26 =	vmul.f32 $2.480158760e-05, v8  }
0xbf: {  	v23 =	vmul.f32 v23, v14;
	v22 =	vadd.f32 $8.333333770e-03, v22;
	v21 =	vadd.f32 $1.666666720e-01, v21  }
0xc0: {  	v25 =	vmul.f32 v25, v12;
	v20 =	vmul.f32 v20, v19;
	v26 =	vadd.f32 $1.984127010e-04, v26  }
0xc1: {  	v23 =	vadd.f32 $1.666666720e-01, v23;
	v22 =	vmul.f32 v22, v15;
	v21 =	vmul.f32 v21, v18  }
0xc2: {  	v16 =	vadd.f32 $4.166666790e-02, v16;
	v20 =	vadd.f32 $4.166666790e-02, v20;
	v26 =	vmul.f32 v26, v8  }
0xc3: {  	v25 =	vadd.f32 $4.166666790e-02, v25;
	v23 =	vmul.f32 v23, v14;
	v22 =	vadd.f32 $4.166666790e-02, v22  }
0xc4: {  	v21 =	vadd.f32 $5.000000000e-01, v21;
	v20 =	vmul.f32 v20, v19;
	v26 =	vadd.f32 $1.388888920e-03, v26  }
0xc5: {  	v25 =	vmul.f32 v25, v12;
	v16 =	vmul.f32 v16, v17;
	v23 =	vadd.f32 $5.000000000e-01, v23  }
0xc6: {  	v21 =	vmul.f32 v21, v18;
	v20 =	vadd.f32 $1.666666720e-01, v20;
	v26 =	vmul.f32 v26, v8  }
0xc7: {  	v25 =	vadd.f32 $1.666666720e-01, v25;
	v16 =	vadd.f32 $1.666666720e-01, v16;
	v23 =	vmul.f32 v23, v14  }
0xc8: {  	v22 =	vmul.f32 v22, v15;
	v20 =	vmul.f32 v20, v19;
	v26 =	vadd.f32 $8.333333770e-03, v26  }
0xc9: {  	v25 =	vmul.f32 v25, v12;
	v16 =	vmul.f32 v16, v17;
	v21 =	vadd.f32 $1.000000000e+00, v21  }
0xca: {  	v22 =	vadd.f32 $1.666666720e-01, v22;
	v20 =	vadd.f32 $5.000000000e-01, v20;
	v26 =	vmul.f32 v26, v8  }
0xcb: {  	v16 =	vadd.f32 $5.000000000e-01, v16;
	v18 =	vmul.f32 v21, v18;
	v21 =	vadd.f32 $1.000000000e+00, v23  }
0xcc: {  	v23 =	vadd.f32 $5.000000000e-01, v25;
	v20 =	vmul.f32 v20, v19;
	v25 =	vadd.f32 $4.166666790e-02, v26  }
0xcd: {  	v16 =	vmul.f32 v16, v17;
	v14 =	vmul.f32 v21, v14;
	v21 =	vadd.f32 $1.666666720e-01, v24  }
0xce: {  	v23 =	vmul.f32 v23, v12;
	v20 =	vadd.f32 $1.000000000e+00, v20;
	v24 =	vmul.f32 v25, v8  }
0xcf: {  	v22 =	vmul.f32 v22, v15;
	v18 =	vadd.f32 $1.000000000e+00, v18;
	v16 =	vadd.f32 $1.000000000e+00, v16  }
0xd0: {  	v14 =	vadd.f32 $1.000000000e+00, v14;
	v19 =	vmul.f32 v20, v19;
	v20 =	vadd.f32 $1.666666720e-01, v24  }
0xd1: {  	v22 =	vadd.f32 $5.000000000e-01, v22;
	v16 =	vmul.f32 v16, v17;
	v17 =	vadd.f32 $1.000000000e+00, v23  }
0xd2: {  	v18 =	vmul.f32 v18, v18;
	v21 =	vmul.f32 v21, v13;
	v19 =	vadd.f32 $1.000000000e+00, v19  }
0xd3: {  	v16 =	vadd.f32 $1.000000000e+00, v16;
	v12 =	vmul.f32 v17, v12;
	v17 =	vmul.f32 v22, v15  }
0xd4: {  	v22 =	vmul.f32 v14, v14;
	v14 =	vmul.f32 $1.050701020e+00, v11;
	v21 =	vadd.f32 $5.000000000e-01, v21  }
0xd5: {  	v16 =	vmul.f32 v16, v16;
	v12 =	vadd.f32 $1.000000000e+00, v12;
	v19 =	vmul.f32 v19, v19  }
0xd6: {  	v22 =	vmul.f32 v22, v22;
	v21 =	vmul.f32 v21, v13;
	v17 =	vadd.f32 $1.000000000e+00, v17  }
0xd7: {  	v12 =	vmul.f32 v12, v12;
	v19 =	vmul.f32 v19, v19  }
0xd8: {  	v16 =	vmul.f32 v16, v16;
	v15 =	vmul.f32 v17, v15  }
0xd9: {  	v20 =	vmul.f32 v20, v8;
	v17 =	vmul.f32 v22, v22;
	v21 =	vadd.f32 $1.000000000e+00, v21  }
0xda: {  	v16 =	vmul.f32 v16, v16;
	v12 =	vmul.f32 v12, v12  }
0xdb: {  	v13 =	vmul.f32 v21, v13;
	v15 =	vadd.f32 $1.000000000e+00, v15;
	v19 =	vmul.f32 v19, v19  }
0xdc: {  	v20 =	vadd.f32 $5.000000000e-01, v20;
	v16 =	vmul.f32 v16, v16;
	v12 =	vmul.f32 v12, v12  }
0xdd: {  	v13 =	vadd.f32 $1.000000000e+00, v13;
	v15 =	vmul.f32 v15, v15;
	v19 =	vmul.f32 v19, v19  }
0xde: {  	v20 =	vmul.f32 v20, v8;
	v16 =	vmul.f32 v16, v16  }
.Ltmp2:
0xdf: {  	vm1 =	vgt.f32 v10, $0.0e+00;
	v21 =	vmul.f32 v17, v17;
	v17 =	vmul.f32 v19, v19;
	(pc) =	sbr.rel @p1 .LBB2_7-.Ltmp2, $4  }
0xe0: {  	v10 =	vmul.f32 v15, v15;
	v19 =	vmul.f32 v12, v12;
	v12 =	vadd.f32 $1.000000000e+00, v20  }
0xe1: {  	vm2 =	vgt.f32 v9, $0.0e+00;
	v20 =	vmul.f32 $1.758099320e+00, v16;
	v9 =	vmul.f32 $1.758099320e+00, v17  }
0xe2: {  	vm3 =	vgt.f32 v11, $0.0e+00;
	v16 =	vmul.f32 v13, v13;
	v15 =	vmul.f32 v19, v19  }
0xe3: {  	v13 =	vmul.f32 v21, v21;
	v17 =	vmul.f32 v18, v18;
	v11 =	vadd.f32 $-1.758099320e+00, v20  }
0xe4: {  	v8 =	vmul.f32 v12, v8;
	_ =	sdelay $0x1  }
0xe5: {  	v50 =	vmul.f32 $1.758099320e+00, v15;
	v8 =	vadd.f32 $1.000000000e+00, v8  }
0xe6: {  	v51 =	vmul.f32 v16, v16;
	v10 =	vmul.f32 v10, v10  }
0xe7: {  	v57 =	vmul.f32 $1.050701020e+00, v1;
	v8 =	vmul.f32 v8, v8  }
0xe8: {  	vm12 =	vgt.f32 v2, $0.0e+00;
	v2 =	vmul.f32 $1.050701020e+00, v2;
	v52 =	vmul.f32 v17, v17  }
0xe9: {  	v9 =	vadd.f32 $-1.758099320e+00, v9;
	v54 =	vmul.f32 v51, v51;
	v8 =	vmul.f32 v8, v8  }
0xea: {  	vm13 =	vgt.f32 v1, $0.0e+00;
	v53 =	vmul.f32 $1.758099320e+00, v13;
	v55 =	vmul.f32 v52, v52  }
0xeb: {  	vm14 =	vgt.f32 v3, $0.0e+00;
	v13 =	vmul.f32 v54, v54;
	v8 =	vmul.f32 v8, v8  }
0xec: {  	v7 =	vsel vm0, v7, v11;
	v10 =	vmul.f32 v10, v10;
	v56 =	vmul.f32 v55, v55  }
0xed: {  	v12 =	vadd.f32 $-1.758099320e+00, v50;
	v58 =	vmul.f32 v13, v13;
	v8 =	vmul.f32 v8, v8  }
0xee: {  	v9 =	vsel vm3, v14, v9;
	v10 =	vmul.f32 v10, v10;
	v59 =	vmul.f32 $1.758099320e+00, v56  }
0xef: {  	[tilespmem:s10+$0x14110] =	vst v7;
	v11 =	vadd.f32 $-1.758099320e+00, v53;
	v1 =	vmul.f32 $1.758099320e+00, v58;
	v8 =	vmul.f32 v8, v8  }
0xf0: {  	[tilespmem:s10+$0x14140] =	vst v9;
	v4 =	vsel vm2, v4, v12;
	v61 =	vmul.f32 $1.758099320e+00, v10;
	v60 =	vadd.f32 $-1.758099320e+00, v59  }
0xf1: {  	v5 =	vsel vm1, v5, v11;
	[tilespmem:s10+$0x14130] =	vst v4;
	v1 =	vadd.f32 $-1.758099320e+00, v1;
	v8 =	vmul.f32 $1.758099320e+00, v8  }
0xf2: {  	v3 =	vmul.f32 $1.050701020e+00, v3;
	[tilespmem:s10+$0x14120] =	vst v5;
	v62 =	vadd.f32 $-1.758099320e+00, v61;
	v4 =	vsel vm13, v57, v60  }
0xf3: {  	[tilespmem:s10+$0x14100] =	vst v4;
	v1 =	vsel vm12, v2, v1;
	v2 =	vmul.f32 $1.050701020e+00, v6;
	v63 =	vadd.f32 $-1.758099320e+00, v8  }
0xf4: {  	vm15 =	vgt.f32 v6, $0.0e+00;
	s3 =	sadd.s32 $0x1, s3;
	[tilespmem:s10+$0x14150] =	vst v1;
	v1 =	vsel vm14, v3, v62  }
0xf5: {  	p1 =	sne.s32 s3, $0x4F;
	[tilespmem:s10+$0x14160] =	vst v1;
	v1 =	vsel vm15, v2, v63  }
.Ltmp3:
0xf6: {  	[tilespmem:s10+$0x14170] =	vst v1;
	(pc) =	sbr.rel @p1 .LBB2_6-.Ltmp3, $4  }
0xf7: {  	[spmem:s1] =	stream.indirect.scatter.add.f32 [tilespmem:s25], [sflag:$0x3], $0x80, s23, s24, $0xb8;
	[tilespmem:$0x1C900] =	vst v63  }
0xf8: {  	_ =	swait.ge [sflag:s21], $0x4000  }
0xf9: {  	[sflag:s21] =	ssyncset.done $0x0  }
0xfa: {  	[sflag:s21] =	ssyncadd.s32 $0xFFFFC000  }
0xfb: {  	[bflag:$0x0] =	sbarrier.arrive $0xFFFF  }
0xfc: {  	[tilespmem:s25], [sflag:$0x4] =	stream.linear.gather [spmem:s8], $0x4000, $0x38;
	[tilespmem:$0x1C900] =	vst v63  }
0xfd: {  	_ =	swait.ge [sflag:s30], $0x4000  }
0xfe: {  	s0 =	simm.s32 $0x4;
	[sflag:s30] =	ssyncset.done $0x0  }
0xff: {  	s0 =	simm.s32 @!p0 $0x3;
	[sflag:s30] =	ssyncadd.s32 $0xFFFFC000  }
0x100: {  	[hbm4b:s15+s2] =	stream.linear.scatter [tilespmem:s25], [sflag:s0], $0x4000, $0x38;
	[tilespmem:$0x1C900] =	vst v63  }
0x101: {  	_ =	swait.ge [sflag:s0], $0x4000  }
0x102: {  	[sflag:s0] =	ssyncset.done $0x0  }
0x103: {  	s3 =	rddreg [dreg:$0x4];
	[sflag:s0] =	ssyncadd.s32 $0xFFFFC000  }
0x104: {  	[tilespmem:s25], [sflag:$0x4] =	stream.linear.gather [spmem:s3], $0x4000, $0x38;
	[tilespmem:$0x1C900] =	vst v63  }
0x105: {  	_ =	swait.ge [sflag:s30], $0x4000  }
0x106: {  	[sflag:s30] =	ssyncset.done $0x0  }
0x107: {  	[sflag:s30] =	ssyncadd.s32 $0xFFFFC000  }
0x108: {  	[hbm4b:s16+s2] =	stream.linear.scatter [tilespmem:s25], [sflag:s0], $0x4000, $0x38;
	[tilespmem:$0x1C900] =	vst v63  }
0x109: {  	_ =	swait.ge [sflag:s0], $0x4000  }
0x10a: {  	[sflag:s0] =	ssyncset.done $0x0  }
0x10b: {  	s11 =	rddreg [dreg:$0x5];
	[sflag:s0] =	ssyncadd.s32 $0xFFFFC000  }
0x10c: {  	[tilespmem:s25], [sflag:$0x4] =	stream.linear.gather [spmem:s11], $0x4000, $0x38;
	[tilespmem:$0x1C900] =	vst v63  }
0x10d: {  	_ =	swait.ge [sflag:s30], $0x4000  }
0x10e: {  	[sflag:s30] =	ssyncset.done $0x0  }
0x10f: {  	[sflag:s30] =	ssyncadd.s32 $0xFFFFC000  }
0x110: {  	[hbm4b:s17+s2] =	stream.linear.scatter [tilespmem:s25], [sflag:s0], $0x4000, $0x38;
	[tilespmem:$0x1C900] =	vst v63  }
0x111: {  	_ =	swait.ge [sflag:s0], $0x4000  }
0x112: {  	[sflag:s0] =	ssyncset.done $0x0  }
0x113: {  	[sflag:s0] =	ssyncadd.s32 $0xFFFFC000  }
0x114: {  	[tilespmem:s25], [sflag:$0x4] =	stream.linear.gather [spmem:s13], $0x4000, $0x38;
	[tilespmem:$0x1C900] =	vst v63  }
0x115: {  	_ =	swait.ge [sflag:s30], $0x4000  }
0x116: {  	[sflag:s30] =	ssyncset.done $0x0  }
0x117: {  	[sflag:s30] =	ssyncadd.s32 $0xFFFFC000  }
0x118: {  	[hbm4b:s18+s2] =	stream.linear.scatter [tilespmem:s25], [sflag:s0], $0x4000, $0x38;
	[tilespmem:$0x1C900] =	vst v63  }
0x119: {  	_ =	swait.ge [sflag:s0], $0x4000  }
0x11a: {  	[sflag:s0] =	ssyncset.done $0x0  }
0x11b: {  	[sflag:s0] =	ssyncadd.s32 $0xFFFFC000  }
0x11c: {  	[tilespmem:s25], [sflag:$0x4] =	stream.linear.gather [spmem:s14], $0x4000, $0x38;
	[tilespmem:$0x1C900] =	vst v63  }
0x11d: {  	_ =	swait.ge [sflag:s30], $0x4000  }
0x11e: {  	[sflag:s30] =	ssyncset.done $0x0  }
0x11f: {  	[sflag:s30] =	ssyncadd.s32 $0xFFFFC000  }
0x120: {  	[hbm4b:s19+s2] =	stream.linear.scatter [tilespmem:s25], [sflag:s0], $0x4000, $0x38;
	[tilespmem:$0x1C900] =	vst v63  }
0x121: {  	_ =	swait.ge [sflag:s0], $0x4000  }
0x122: {  	s31 =	sadd.s32 $0x1, s31;
	s12 =	rddreg [dreg:$0x3]  }
0x123: {  	p1 =	sne.s32 s31, s12  }
.Ltmp4:
0x124: {  	_ = 	snop;
	(pc) =	sbr.rel @p1 .LBB2_1-.Ltmp4, $3  }
0x125: {  	_ =	sdelay $0x1  }
0x126: {  	[sflag:s0] =	ssyncset.done $0x0  }
0x127: {  	[sflag:s0] =	ssyncadd.s32 $0xFFFFC000  }
0x128: {  	_ =	sfence.sel $0x180000  }
0x129: {  	[bflag:$0x0] =	sbarrier.arrive $0xFFFF  }
0x12a: {  	_ =	strace $0x90000050  }
0x12b: {  	s0 =	stileid.u32;
	[bflag:$0x2] =	sbarrier.arrive $0xFFFF  }
0x12c: {  	p0 =	sne.s32 s0, $0x0;
	s0 =	rddreg [dreg:$0x2]  }
0x12d: {  	s0 =	sadd.s32 @!p0 $0x100000, s0  }
0x12e: {  	[sflag:s0] =	ssyncadd.tile.s32 @!p0 $0x1;
	_ =	shalt  }
.Lfunc_end2:
_tile_overlayer_lowered:
.L_overlay_start_2:
0x12f: {  	(tag) =	ssettag $0x2  }
0x130: {  	s0 =	rddreg [dreg:$0x0];
	s2 =	stileid.u32  }
0x131: {  	s1 =	rddreg [dreg:$0x1];
	p0 =	sne.s32 s2, $0x0  }
0x132: {  	s3 =	rddreg [dreg:$0x2];
	[bflag:$0x3] =	sbarrier.arrive $0xFFFF;
	s2 =	simm.s32 @!p0 $0x1C03  }
0x133: {  	[timem:s3], [sflag:s2] =	dma.local @!p0 [hbm:s0], s1  }
0x134: {  	s0 =	simm.s32 @!p0 $0x3  }
0x135: {  	_ =	swait.ge @!p0 [sflag:s0], s1  }
0x136: {  	s1 =	ssub.s32 @!p0 $0x0, s1;
	[sflag:s0] =	ssyncset.done @!p0 $0x0  }
0x137: {  	[sflag:s0] =	ssyncadd.s32 @!p0 s1  }
0x138: {  	[bflag:$0x3] =	sbarrier.arrive $0xFFFF  }
0x139: {  	_ =	shalt  }

// kernel: kernel.18.cloned.1.call-start
scs
__scs_entry_jumppad:
0x0: {  	(pc) =	sbr.rel $0x88, $3  }
0x1: {  	(tag) =	ssettag $0x0;
	lr =	simm.s32 $0x1  }
0x2: {  	[smem:$0x3F92] =	sst lr;
	_ =	strace $0xD0000000  }
0x3: {  	_ = 	snop  }
0x4: {  	_ = 	snop  }
0x5: {  	_ = 	snop  }
0x6: {  	_ = 	snop  }
0x7: {  	_ = 	snop  }
__scs_overlays_trampoline_lowered:
0x8: {  	[smem:$0x3FA1] =	sst s0  }
0x9: {  	[smem:$0x3FA2] =	sst s1  }
0xa: {  	[smem:$0x3FA3] =	sst s2  }
0xb: {  	[smem:$0x3FA4] =	sst s3  }
0xc: {  	[smem:$0x3FA5] =	sst s4  }
0xd: {  	[smem:$0x3FA6] =	sst s5  }
0xe: {  	[smem:$0x3FA7] =	sst s6  }
0xf: {  	[smem:$0x3FA8] =	sst s7  }
0x10: {  	[smem:$0x3FA9] =	sst s8  }
0x11: {  	[smem:$0x3FAA] =	sst s9;
	s0 =	simm.s32 @!p0 $0x0  }
0x12: {  	s1 =	sld [smem:$0x3F90];
	s0 =	simm.s32 @p0 $0x1  }
0x13: {  	[smem:$0x3FAB] =	sst s0;
	s0 =	simm.s32 @!p1 $0x0  }
0x14: {  	s2 =	sld [smem:$0x3F8F];
	s0 =	simm.s32 @p1 $0x1  }
0x15: {  	[smem:$0x3FAC] =	sst s0;
	s0 =	simm.s32 @!p2 $0x0  }
0x16: {  	s3 =	sld [smem:$0x3FDB];
	s0 =	simm.s32 @p2 $0x1  }
0x17: {  	s4 =	simm.s32 $0x1BF5;
	[smem:$0x3FAE] =	sst s0  }
0x18: {  	s0 =	sld [smem:$0x3F91];
	_ =	swait.ge [sflag:s4], $0x0  }
0x19: {  	s7 =	sld [smem:$0x3F92]  }
0x1a: {  	s8 =	sadd.s32 $0xFFFFE003, lr  }
0x1b: {  	s9 =	sadd.s32 $0xFFFFFEF7, lr;
	s5 =	simm.s32 $0xFFFFFFFF;
	p2 =	slt.u32 s8, $0xFFFFF086  }
0x1c: {  	p1 =	slt.u32 s9, $0xF7A;
	s5 =	simm.s32 @!p2 $0x0  }
0x1d: {  	s5 =	simm.s32 @p1 $0x1;
	p0 =	seq.s32 s7, s2  }
0x1e: {  	s7 =	smul.u32 @!p0 $0xF7A, s2;
	p2 =	seq.s32 @!p0 s5, $0x0  }
0x1f: {  	s9 =	smul.u32 $0xF7A, s1;
	s8 =	simm.s32 @!p0 $0x1BF5;
	p2 =	por !p2, p0  }
0x20: {  	[sflag:s8] =	ssyncset.s32 @!p0 $0xFFFFF086;
	s6 =	sadd.s32 @!p0 s3, s7;
	s7 =	simm.s32 @!p0 $0x108  }
0x21: {  	s3 =	sadd.s32 s3, s9;
	s6 =	sadd.s32 @!p0 $0x88, s6;
	s7 =	simm.s32 @p2 $0x1082  }
0x22: {  	[simem:s7], [sflag:s8] =	dma.local @!p0 [hbm:s6], $0xF7A  }
0x23: {  	s9 =	sor.u32 $0xD0000000, s2;
	s6 =	simm.s32 $0x108;
	_ =	swait.ge @!p0 [sflag:s8], $0x0  }
0x24: {  	s3 =	sadd.s32 $0x88, s3;
	s6 =	simm.s32 @!p1 $0x1082;
	[sflag:s4] =	ssyncset.s32 $0xFFFFF086  }
0x25: {  	[simem:s6], [sflag:s4] =	dma.local [hbm:s3], $0xF7A  }
0x26: {  	[smem:$0x3F92] =	sst s1;
	(tag) =	ssettag s2;
	_ =	strace s9  }
0x27: {  	s1 =	sld [smem:$0x3FA2]  }
0x28: {  	s2 =	sld [smem:$0x3FA3]  }
0x29: {  	s4 =	sld [smem:$0x3FA5]  }
0x2a: {  	p0 =	seq.s32 s5, $0x0;
	s5 =	sld [smem:$0x3FA6]  }
0x2b: {  	s6 =	sld [smem:$0x3FA7]  }
0x2c: {  	s7 =	sld [smem:$0x3FA8]  }
0x2d: {  	s3 =	simm.s32 $0x108;
	s8 =	sld [smem:$0x3FA9]  }
0x2e: {  	s3 =	simm.s32 @!p0 $0x1082;
	s9 =	sld [smem:$0x3FAA]  }
0x2f: {  	lr =	sadd.s32 s0, s3;
	s0 =	sld [smem:$0x3FA1]  }
0x30: {  	s3 =	sld [smem:$0x3FA4]  }
0x31: {  	[smem:$0x3FAD] =	sst s10  }
0x32: {  	s10 =	sld [smem:$0x3FAB];
	_ =	sdelay $0x3  }
0x33: {  	p0 =	seq.s32 s10, $0x1;
	s10 =	sld [smem:$0x3FAD];
	_ =	sdelay $0x3  }
0x34: {  	[smem:$0x3FAD] =	sst s10  }
0x35: {  	s10 =	sld [smem:$0x3FAC];
	_ =	sdelay $0x3  }
0x36: {  	p1 =	seq.s32 s10, $0x1;
	s10 =	sld [smem:$0x3FAD];
	_ =	sdelay $0x3  }
0x37: {  	[smem:$0x3FAD] =	sst s10  }
0x38: {  	s10 =	sld [smem:$0x3FAE]  }
0x39: {  	_ = 	snop;
	(pc) =	sbr.ind lr, $3  }
0x3a: {  	_ = 	snop  }
0x3b: {  	_ = 	snop  }
0x3c: {  	p2 =	seq.s32 s10, $0x1;
	s10 =	sld [smem:$0x3FAD]  }
0x3d: {  	_ =	shalt  }
0x3e: {  	_ =	shalt  }
0x3f: {  	_ =	shalt  }
0x40: {  	_ =	shalt  }
0x41: {  	_ =	shalt  }
0x42: {  	_ =	shalt  }
0x43: {  	_ =	shalt  }
0x44: {  	_ =	shalt  }
0x45: {  	_ =	shalt  }
0x46: {  	_ =	shalt  }
0x47: {  	_ =	shalt  }
0x48: {  	_ =	shalt  }
0x49: {  	_ =	shalt  }
0x4a: {  	_ =	shalt  }
0x4b: {  	_ =	shalt  }
0x4c: {  	_ =	shalt  }
0x4d: {  	_ =	shalt  }
0x4e: {  	_ =	shalt  }
0x4f: {  	_ =	shalt  }
0x50: {  	_ =	shalt  }
0x51: {  	_ =	shalt  }
0x52: {  	_ =	shalt  }
0x53: {  	_ =	shalt  }
0x54: {  	_ =	shalt  }
0x55: {  	_ =	shalt  }
0x56: {  	_ =	shalt  }
0x57: {  	_ =	shalt  }
0x58: {  	_ =	shalt  }
0x59: {  	_ =	shalt  }
0x5a: {  	_ =	shalt  }
0x5b: {  	_ =	shalt  }
0x5c: {  	_ =	shalt  }
0x5d: {  	_ =	shalt  }
0x5e: {  	_ =	shalt  }
0x5f: {  	_ =	shalt  }
0x60: {  	_ =	shalt  }
0x61: {  	_ =	shalt  }
0x62: {  	_ =	shalt  }
0x63: {  	_ =	shalt  }
0x64: {  	_ =	shalt  }
0x65: {  	_ =	shalt  }
0x66: {  	_ =	shalt  }
0x67: {  	_ =	shalt  }
0x68: {  	_ =	shalt  }
0x69: {  	_ =	shalt  }
0x6a: {  	_ =	shalt  }
0x6b: {  	_ =	shalt  }
0x6c: {  	_ =	shalt  }
0x6d: {  	_ =	shalt  }
0x6e: {  	_ =	shalt  }
0x6f: {  	_ =	shalt  }
0x70: {  	_ =	shalt  }
0x71: {  	_ =	shalt  }
0x72: {  	_ =	shalt  }
0x73: {  	_ =	shalt  }
0x74: {  	_ =	shalt  }
0x75: {  	_ =	shalt  }
0x76: {  	_ =	shalt  }
0x77: {  	_ =	shalt  }
0x78: {  	_ =	shalt  }
0x79: {  	_ =	shalt  }
0x7a: {  	_ =	shalt  }
0x7b: {  	_ =	shalt  }
0x7c: {  	_ =	shalt  }
0x7d: {  	_ =	shalt  }
0x7e: {  	_ =	shalt  }
0x7f: {  	_ =	shalt  }
0x80: {  	_ =	shalt  }
0x81: {  	_ =	shalt  }
0x82: {  	_ =	shalt  }
0x83: {  	_ =	shalt  }
0x84: {  	_ =	shalt  }
0x85: {  	_ =	shalt  }
0x86: {  	_ =	shalt  }
0x87: {  	_ =	shalt  }
.Lfunc_end0:
.L_simem_size_0:
called_computation.4_lowered:
.L_overlay_start_0:
0x88: {  	s2 =	sld [smem:$0x3FD9]  }
0x89: {  	s3 =	sld [smem:$0x3FFE];
	_ =	sdelay $0x1  }
0x8a: {  	s1 =	srdreg.scid  }
0x8b: {  	s0 =	sand.u32 $0x1, s1  }
0x8c: {  	s16 =	sshll.u32 s0, $0xA;
	s2 =	sadd.s32 s3, s2  }
0x8d: {  	s2 =	sadd.s32 s2, s16  }
0x8e: {  	[smem:$0x3FB9] =	sst s2  }
0x8f: {  	_ = 	snop  }
0x90: {  	(tm) =	ssettm $0x1  }
0x91: {  	s17 =	sld [smem:$0x3FFB];
	_ =	sdelay $0x3  }
0x92: {  	_ =	strace s17  }
0x93: {  	s2 =	sld [smem:$0x3FFC];
	_ =	sdelay $0x3  }
0x94: {  	_ =	strace s2  }
0x95: {  	s2 =	sld [smem:$0x3FFD];
	_ =	sdelay $0x3  }
0x96: {  	_ =	strace s2  }
0x97: {  	_ =	strace $0x8FFFFFFF  }
0x98: {  	s18 =	sld [smem:$0x3FDB];
	_ =	sdelay $0x1  }
0x99: {  	s19 =	simm.s32 $_scs_section_size  }
0x9a: {  	s4 =	simm.s32 $_size__tile_overlayer_lowered;
	s5 =	simm.s32 $_tile_overlayer_lowered  }
0x9b: {  	s22 =	simm.s32 $0x1BFF;
	s21 =	sshll.u32 s5, $0x1;
	s2 =	sadd.s32 s19, s18  }
0x9c: {  	s6 =	simm.s32 $0x0;
	s20 =	sshll.u32 s4, $0x1;
	s4 =	sadd.s32 s21, s2  }
0x9d: {  	[timem:s6], [sflag:s22] =	dma.local [hbm:s4], s20  }
0x9e: {  	_ =	swait.ge [sflag:s22], s20  }
0x9f: {  	s3 =	ssub.s32 $0x0, s20;
	[sflag:s22] =	ssyncset.done $0x0  }
0xa0: {  	[sflag:s22] =	ssyncadd.s32 s3;
	_ =	sdelay $0x1  }
0xa1: {  	s23 =	simm.s32 $0x1B8B  }
0xa2: {  	_ =	swait.ge [sflag:s23], $0x1  }
0xa3: {  	[sflag:s23] =	ssyncset.done $0x0  }
0xa4: {  	s25 =	simm.s32 $0x1B8E;
	s24 =	sld [smem:$0x3FFE];
	[sflag:s23] =	ssyncadd.s32 $0xFFFFFFFF  }
0xa5: {  	s26 =	simm.s32 $execute0_lowered;
	[smem:$0x3FD2] =	sst s25  }
0xa6: {  	s4 =	sshll.u32 s26, $0x1;
	_ =	strace $0x80000052;
	[dreg:$0x1] =	wrdreg $0xFFFFFFFF  }
0xa7: {  	s28 =	simm.s32 $_size_execute0_lowered;
	s2 =	sadd.s32 s2, s4;
	[dreg:$0x0] =	wrdreg $0x0  }
0xa8: {  	s4 =	sshll.u32 s28, $0x1;
	[dreg:$0x2] =	wrdreg s2  }
0xa9: {  	[dreg:$0x3] =	wrdreg s4  }
0xaa: {  	[dreg:$0x4] =	wrdreg $0xC0  }
0xab: {  	_ =	task [dreg:s6], $0x5FFFF  }
0xac: {  	[dreg:$0x1] =	wrdreg $0xFFFFFFFF  }
0xad: {  	[dreg:$0x0] =	wrdreg $0x60  }
0xae: {  	[dreg:$0x2] =	wrdreg s24  }
0xaf: {  	[dreg:$0x3] =	wrdreg $0x0  }
0xb0: {  	[dreg:$0x4] =	wrdreg $0x9  }
0xb1: {  	_ =	task.clear_ibuf [dreg:s6], $0x5FFFF;
	_ =	strace $0x90000052  }
0xb2: {  	s29 =	simm.s32 $0x9;
	_ =	strace $0x80000054  }
0xb3: {  	_ =	swait.ge [sflag:s29], $0x1  }
0xb4: {  	[sflag:s29] =	ssyncadd.s32 $0xFFFFFFFF  }
0xb5: {  	_ =	strace $0x90000054  }
0xb6: {  	_ =	sfence  }
0xb7: {  	s30 =	sld [smem:$0x0];
	_ =	sdelay $0x2  }
0xb8: {  	s31 =	sshll.u32 s1, $0xD;
	s1 =	sshrl.u32 s1, $0x2  }
0xb9: {  	s3 =	sand.u32 $0x4000, s31;
	s1 =	sadd.s32 s1, s30  }
0xba: {  	s0 =	sor.u32 s3, s0;
	s1 =	sshll.u32 s1, $0x11  }
0xbb: {  	s0 =	sor.u32 s1, s0  }
0xbc: {  	s0 =	sadd.s32 $0x8F2B, s0  }
0xbd: {  	[sflag:s0] =	ssyncadd.remote.s32 $0x1  }
0xbe: {  	_ =	sfence.sel $0xFFFF  }
0xbf: {  	[dreg:$0x0] =	wrdreg $0xFFFFFFFF;
	(pc) =	sbr.abs _section_cstart, $3  }
0xc0: {  	[dreg:$0x1] =	wrdreg $0xFFFFFFFF  }
0xc1: {  	_ =	task.clear_ibuf [dreg:s6], $0x2FFFF;
	_ =	strace $0x9FFFFFFF  }
0xc2: {  	(tm) =	ssettm $0x7FFFFFFF  }
0xc3: {  	_ =	shalt  }
tec
execute0_lowered:
.L_overlay_start_1:
0x0: {  	(tag) =	ssettag $0x1  }
0x1: {  	s0 =	rddreg [dreg:$0x0]  }
0x2: {  	s1 =	rddreg [dreg:$0x1];
	s2 =	simm.s32 $0x0  }
0x3: {  	s3 =	srdreg.scid;
	s13 =	stileid.u32;
	s14 =	simm.s32 $0x7E000  }
0x4: {  	s28 =	simm.s32 $0x1;
	s29 =	simm.s32 $0x2;
	s30 =	simm.s32 $0x4  }
0x5: {  	s31 =	simm.s32 $0x0;
	[smem:$0x7FF] =	sst s2;
	s4 =	sadd.s32 $0x10600, s0  }
0x6: {  	s3 =	sand.u32 $0x1, s3;
	s5 =	sadd.s32 $0x56000, s0;
	s9 =	smul.u32 $0x50000, s13  }
0x7: {  	s6 =	sadd.s32 $0x6800, s0;
	s7 =	sadd.s32 $0x4C200, s0;
	s11 =	smul.u32 $0x280, s13  }
0x8: {  	s15 =	smul.u32 $0x2800, s13;
	_ =	strace $0x80000053;
	s8 =	ssub.s32 $0x2, s3  }
0x9: {  	s12 =	sshll.u32 s3, $0x4;
	p0 =	seq.s32 s3, $0x0;
	s10 =	sshrl.u32 s8, $0x1  }
0xa: {  	s9 =	sshrl.u32 s9, $0x2;
	s20 =	sor.u32 s13, s12;
	s21 =	sadd.s32 $0x80, s11  }
0xb: {  	s23 =	sadd.s32 $0x100, s11;
	s25 =	sadd.s32 $0x180, s11;
	s11 =	sadd.s32 $0x200, s11  }
0xc: {  	s14 =	simm.s32 @!p0 $0xA6000;
	s10 =	ssub.s32 s8, s10;
	s8 =	sadd.s32 s9, s1  }
0xd: {  	s9 =	smul.u32 $0x4F, s20;
	s22 =	sshll.u32 s21, $0x7;
	s24 =	sshll.u32 s23, $0x7  }
0xe: {  	s3 =	sshll.u32 s21, $0x4;
	s12 =	sshll.u32 s23, $0x4;
	s26 =	sshll.u32 s25, $0x7  }
0xf: {  	s16 =	sshll.u32 s11, $0x7;
	s0 =	sadd.s32 s14, s0;
	s11 =	sshll.u32 s11, $0x4  }
0x10: {  	s20 =	simm.s32 $0x1C100;
	s21 =	simm.s32 $0x3;
	s23 =	simm.s32 $0x14080  }
0x11: {  	s10 =	smax.u32 s10, $0x1;
	s13 =	sadd.s32 s26, s1;
	s14 =	sadd.s32 s16, s1  }
0x12: {  	s15 =	sadd.s32 s0, s15;
	s16 =	sadd.s32 s0, s3;
	s17 =	sadd.s32 s0, s12  }
0x13: {  	s19 =	sadd.s32 s0, s11;
	[dreg:$0x3] =	wrdreg s10;
	s10 =	sadd.s32 s22, s1  }
0x14: {  	s26 =	simm.s32 $0x18100;
	[dreg:$0x4] =	wrdreg s10;
	s10 =	sadd.s32 s24, s1  }
0x15: {  	s22 =	simm.s32 $0x14000;
	[dreg:$0x5] =	wrdreg s10;
	s10 =	sshll.u32 s25, $0x4  }
0x16: {  	v0 =	vimm.f32 $0.0e+00;
	s24 =	simm.s32 $0x80;
	s25 =	simm.s32 $0x14100;
	s18 =	sadd.s32 s0, s10  }
.LBB2_1:
0x17: {  	s0 =	simm.s32 $0x0;
	s3 =	simm.s32 $0x200  }
.LBB2_2:
0x18: {  	p1 =	sne.s32 s3, $0x1E00;
	[tilespmem:s0+$0x1C170] =	vst v0  }
0x19: {  	[tilespmem:s0+$0x1C100] =	vst v0  }
0x1a: {  	[tilespmem:s0+$0x1C110] =	vst v0  }
.Ltmp0:
0x1b: {  	[tilespmem:s0+$0x1C120] =	vst v0;
	(pc) =	sbr.rel @p1 .LBB2_2-.Ltmp0, $4  }
0x1c: {  	[tilespmem:s0+$0x1C130] =	vst v0  }
0x1d: {  	[tilespmem:s0+$0x1C140] =	vst v0  }
0x1e: {  	[tilespmem:s0+$0x1C150] =	vst v0  }
0x1f: {  	[tilespmem:s0+$0x1C160] =	vst v0;
	s0 =	sshra.s32 s3, $0x2;
	s3 =	sadd.s32 $0x200, s3  }
0x20: {  	[tilespmem:s0+$0x1C170] =	vst v0  }
0x21: {  	[tilespmem:s0+$0x1C100] =	vst v0  }
0x22: {  	[tilespmem:s0+$0x1C110] =	vst v0  }
0x23: {  	[tilespmem:s0+$0x1C120] =	vst v0  }
0x24: {  	[tilespmem:s0+$0x1C130] =	vst v0  }
0x25: {  	[tilespmem:s0+$0x1C140] =	vst v0  }
0x26: {  	[tilespmem:s0+$0x1C150] =	vst v0  }
0x27: {  	[tilespmem:s0+$0x1C160] =	vst v0;
	s12 =	sadd.s32 $0x0, s8  }
0x28: {  	[spmem:s12] =	stream.linear.scatter [tilespmem:s20], [sflag:$0x3], $0x800, $0x38;
	[tilespmem:$0x1C900] =	vst v63  }
0x29: {  	s0 =	simm.s32 $0x2000;
	_ =	swait.ge [sflag:s21], $0x800  }
.LBB2_4:
0x2a: {  	s3 =	sshra.s32 s0, $0x2;
	[sflag:s21] =	ssyncset.done $0x0;
	p1 =	sne.s32 s0, $0x4E000  }
.Ltmp1:
0x2b: {  	s3 =	sadd.s32 s3, s8;
	[sflag:s21] =	ssyncadd.s32 $0xFFFFF800;
	(pc) =	sbr.rel @p1 .LBB2_4-.Ltmp1, $3  }
0x2c: {  	[spmem:s3] =	stream.linear.scatter [tilespmem:s20], [sflag:$0x3], $0x800, $0x38;
	[tilespmem:$0x1C900] =	vst v63  }
0x2d: {  	s0 =	sadd.s32 $0x2000, s0;
	_ =	sdelay $0x1  }
0x2e: {  	_ =	swait.ge [sflag:s21], $0x800  }
0x2f: {  	[sflag:s21] =	ssyncset.done $0x0  }
0x30: {  	[sflag:s21] =	ssyncadd.s32 $0xFFFFF800  }
0x31: {  	s0 =	simm.s32 $0x0;
	s3 =	simm.s32 $0x0;
	[bflag:$0x0] =	sbarrier.arrive $0xFFFF  }
.LBB2_6:
0x32: {  	s10 =	sadd.s32 s9, s3  }
0x33: {  	s10 =	sshll.u32 s10, $0x4  }
0x34: {  	s11 =	sadd.s32 s6, s10  }
0x35: {  	[tilespmem:s22], [sflag:$0x3] =	stream.linear.gather [hbm4b:s11+s0], $0x80, $0x38;
	[tilespmem:$0x1C900] =	vst v63  }
0x36: {  	_ =	swait.ge [sflag:s21], $0x80  }
0x37: {  	[sflag:s21] =	ssyncset.done $0x0  }
0x38: {  	s10 =	sadd.s32 s7, s10;
	[sflag:s21] =	ssyncadd.s32 $0xFFFFFF80  }
0x39: {  	[tilespmem:s23], [sflag:$0x3] =	stream.linear.gather [hbm4b:s10+s0], $0x80, $0x38;
	[tilespmem:$0x1C900] =	vst v63  }
0x3a: {  	_ =	swait.ge [sflag:s21], $0x80  }
0x3b: {  	[sflag:s21] =	ssyncset.done $0x0  }
0x3c: {  	[sflag:s21] =	ssyncadd.s32 $0xFFFFFF80  }
0x3d: {  	[tilespmem:s25], [sflag:$0x1] =	stream.indirect.gather [hbm4b:s4+s24], $0x80, s22, s24, $0xb8;
	[tilespmem:$0x1C900] =	vst v63  }
0x3e: {  	_ = 	snop  }
0x3f: {  	[tilespmem:s26], [sflag:$0x2] =	stream.indirect.gather [hbm4b:s5+s24], $0x80, s23, s24, $0xb8;
	[tilespmem:$0x1C900] =	vst v63  }
0x40: {  	_ =	swait.ge [sflag:s28], $0x4000  }
0x41: {  	[sflag:s28] =	ssyncset.done $0x0  }
0x42: {  	[sflag:s28] =	ssyncadd.s32 $0xFFFFC000  }
0x43: {  	_ =	swait.ge [sflag:s29], $0x4000  }
0x44: {  	[sflag:s29] =	ssyncset.done $0x0  }
0x45: {  	s10 =	simm.s32 $0x0;
	[sflag:s29] =	ssyncadd.s32 $0xFFFFC000  }
0x46: {  	v1 =	vld [tilespmem:s10+$0x18100]  }
0x47: {  	v2 =	vld [tilespmem:s10+$0x14100]  }
0x48: {  	v3 =	vld [tilespmem:s10+$0x14130]  }
0x49: {  	v4 =	vld [tilespmem:s10+$0x18130]  }
0x4a: {  	v5 =	vld [tilespmem:s10+$0x14120]  }
0x4b: {  	v7 =	vld [tilespmem:s10+$0x18110]  }
0x4c: {  	v1 =	vadd.f32 v1, v2;
	v2 =	vld [tilespmem:s10+$0x18120]  }
0x4d: {  	v8 =	vld [tilespmem:s10+$0x18150]  }
0x4e: {  	v11 =	vld [tilespmem:s10+$0x18140];
	v6 =	vmin.f32 v1, $0.0e+00  }
0x4f: {  	v9 =	vadd.f32 v4, v3;
	v3 =	vld [tilespmem:s10+$0x14150];
	v6 =	vmax.f32 v6, $-1.750000000e+01  }
0x50: {  	v15 =	vmul.f32 $3.125000000e-02, v6;
	v6 =	vld [tilespmem:s10+$0x14110]  }
0x51: {  	v16 =	vld [tilespmem:s10+$0x14140];
	v10 =	vadd.f32 v2, v5;
	v2 =	vmin.f32 v9, $0.0e+00  }
0x52: {  	v13 =	vld [tilespmem:s10+$0x18160];
	v4 =	vmul.f32 $2.480158760e-05, v15;
	v2 =	vmax.f32 v2, $-1.750000000e+01  }
0x53: {  	v18 =	vld [tilespmem:s10+$0x14160];
	v17 =	vmin.f32 v10, $0.0e+00;
	v14 =	vmul.f32 $3.125000000e-02, v2  }
0x54: {  	v5 =	vadd.f32 $1.984127010e-04, v4;
	v4 =	vmul.f32 $1.050701020e+00, v9;
	v2 =	vmax.f32 v17, $-1.750000000e+01  }
0x55: {  	v12 =	vadd.f32 v7, v6;
	v17 =	vmul.f32 $3.125000000e-02, v2;
	v2 =	vadd.f32 v8, v3  }
0x56: {  	v11 =	vadd.f32 v11, v16;
	v3 =	vmul.f32 $2.480158760e-05, v14;
	v6 =	vmul.f32 v5, v15  }
0x57: {  	v8 =	vmin.f32 v12, $0.0e+00;
	v19 =	vmul.f32 $2.480158760e-05, v17;
	v20 =	vmin.f32 v2, $0.0e+00  }
0x58: {  	v46 =	vadd.f32 $1.984127010e-04, v3;
	v3 =	vadd.f32 v13, v18;
	v18 =	vmin.f32 v11, $0.0e+00  }
0x59: {  	v6 =	vadd.f32 $1.388888920e-03, v6;
	v16 =	vmax.f32 v20, $-1.750000000e+01;
	v18 =	vmax.f32 v18, $-1.750000000e+01  }
0x5a: {  	v8 =	vmax.f32 v8, $-1.750000000e+01;
	v13 =	vmul.f32 $3.125000000e-02, v16;
	v16 =	vadd.f32 $1.984127010e-04, v19  }
0x5b: {  	v19 =	vmin.f32 v3, $0.0e+00;
	v20 =	vmul.f32 v46, v14;
	v23 =	vmul.f32 $3.125000000e-02, v8  }
0x5c: {  	v18 =	vmul.f32 $3.125000000e-02, v18;
	v6 =	vmul.f32 v6, v15;
	v19 =	vmax.f32 v19, $-1.750000000e+01  }
0x5d: {  	v21 =	vmul.f32 $2.480158760e-05, v13;
	v16 =	vmul.f32 v16, v17;
	v20 =	vadd.f32 $1.388888920e-03, v20  }
0x5e: {  	v24 =	vmul.f32 $2.480158760e-05, v23;
	v19 =	vmul.f32 $3.125000000e-02, v19;
	v6 =	vadd.f32 $8.333333770e-03, v6  }
0x5f: {  	v26 =	vmul.f32 $2.480158760e-05, v18;
	v21 =	vadd.f32 $1.984127010e-04, v21;
	v16 =	vadd.f32 $1.388888920e-03, v16  }
0x60: {  	v22 =	vld [tilespmem:s10+$0x18170];
	v24 =	vadd.f32 $1.984127010e-04, v24;
	v27 =	vmul.f32 $2.480158760e-05, v19;
	v20 =	vmul.f32 v20, v14  }
0x61: {  	v8 =	vld [tilespmem:s10+$0x14170];
	v48 =	vadd.f32 $1.984127010e-04, v26;
	v6 =	vmul.f32 v6, v15;
	v21 =	vmul.f32 v21, v13  }
0x62: {  	v47 =	vmul.f32 v24, v23;
	v16 =	vmul.f32 v16, v17  }
0x63: {  	v49 =	vadd.f32 $1.984127010e-04, v27;
	v24 =	vmul.f32 v48, v18;
	v20 =	vadd.f32 $8.333333770e-03, v20  }
0x64: {  	v5 =	vmul.f32 $1.050701020e+00, v10;
	v6 =	vadd.f32 $4.166666790e-02, v6;
	v21 =	vadd.f32 $1.388888920e-03, v21  }
0x65: {  	v7 =	vmul.f32 $1.050701020e+00, v12;
	v16 =	vadd.f32 $8.333333770e-03, v16;
	v24 =	vadd.f32 $1.388888920e-03, v24  }
0x66: {  	v20 =	vmul.f32 v20, v14;
	v25 =	vmul.f32 v6, v15;
	v6 =	vadd.f32 v22, v8  }
0x67: {  	v22 =	vadd.f32 $1.388888920e-03, v47;
	v21 =	vmul.f32 v21, v13;
	v24 =	vmul.f32 v24, v18  }
0x68: {  	v16 =	vmul.f32 v16, v17;
	v20 =	vadd.f32 $4.166666790e-02, v20;
	v8 =	vadd.f32 $1.666666720e-01, v25  }
0x69: {  	v25 =	vmul.f32 v49, v19;
	v22 =	vmul.f32 v22, v23;
	v21 =	vadd.f32 $8.333333770e-03, v21  }
0x6a: {  	v50 =	vmin.f32 v6, $0.0e+00;
	v24 =	vadd.f32 $8.333333770e-03, v24;
	v16 =	vadd.f32 $4.166666790e-02, v16  }
0x6b: {  	v20 =	vmul.f32 v20, v14;
	v8 =	vmul.f32 v8, v15;
	v25 =	vadd.f32 $1.388888920e-03, v25  }
0x6c: {  	v22 =	vadd.f32 $8.333333770e-03, v22;
	v21 =	vmul.f32 v21, v13;
	v24 =	vmul.f32 v24, v18  }
0x6d: {  	v16 =	vmul.f32 v16, v17;
	v20 =	vadd.f32 $1.666666720e-01, v20;
	v8 =	vadd.f32 $5.000000000e-01, v8  }
0x6e: {  	v25 =	vmul.f32 v25, v19;
	v22 =	vmul.f32 v22, v23;
	v21 =	vadd.f32 $4.166666790e-02, v21  }
0x6f: {  	v24 =	vadd.f32 $4.166666790e-02, v24;
	v16 =	vadd.f32 $1.666666720e-01, v16;
	v20 =	vmul.f32 v20, v14  }
0x70: {  	v51 =	vmul.f32 v8, v15;
	v8 =	vmax.f32 v50, $-1.750000000e+01;
	v22 =	vadd.f32 $4.166666790e-02, v22  }
0x71: {  	v25 =	vadd.f32 $8.333333770e-03, v25;
	v8 =	vmul.f32 $3.125000000e-02, v8;
	v21 =	vmul.f32 v21, v13  }
0x72: {  	v24 =	vmul.f32 v24, v18;
	v16 =	vmul.f32 v16, v17;
	v20 =	vadd.f32 $5.000000000e-01, v20  }
0x73: {  	v52 =	vadd.f32 $1.000000000e+00, v51;
	v22 =	vmul.f32 v22, v23;
	v25 =	vmul.f32 v25, v19  }
0x74: {  	v53 =	vmul.f32 $2.480158760e-05, v8;
	v24 =	vadd.f32 $1.666666720e-01, v24;
	v16 =	vadd.f32 $5.000000000e-01, v16  }
0x75: {  	v20 =	vmul.f32 v20, v14;
	v15 =	vmul.f32 v52, v15;
	v22 =	vadd.f32 $1.666666720e-01, v22  }
0x76: {  	v25 =	vadd.f32 $4.166666790e-02, v25;
	v26 =	vadd.f32 $1.984127010e-04, v53;
	v24 =	vmul.f32 v24, v18  }
0x77: {  	v16 =	vmul.f32 v16, v17;
	v20 =	vadd.f32 $1.000000000e+00, v20;
	v22 =	vmul.f32 v22, v23  }
0x78: {  	v25 =	vmul.f32 v25, v19;
	v15 =	vadd.f32 $1.000000000e+00, v15;
	v26 =	vmul.f32 v26, v8  }
0x79: {  	v24 =	vadd.f32 $5.000000000e-01, v24;
	v16 =	vadd.f32 $1.000000000e+00, v16;
	v20 =	vmul.f32 v20, v14  }
0x7a: {  	v14 =	vmul.f32 $1.050701020e+00, v11;
	v22 =	vadd.f32 $5.000000000e-01, v22;
	v25 =	vadd.f32 $1.666666720e-01, v25  }
0x7b: {  	v58 =	vmul.f32 v15, v15;
	v26 =	vadd.f32 $1.388888920e-03, v26;
	v24 =	vmul.f32 v24, v18  }
0x7c: {  	v16 =	vmul.f32 v16, v17;
	v17 =	vadd.f32 $1.666666720e-01, v21;
	v22 =	vmul.f32 v22, v23  }
0x7d: {  	v20 =	vadd.f32 $1.000000000e+00, v20;
	v25 =	vmul.f32 v25, v19;
	v26 =	vmul.f32 v26, v8  }
0x7e: {  	v54 =	vadd.f32 $1.000000000e+00, v24;
	v16 =	vadd.f32 $1.000000000e+00, v16;
	v17 =	vmul.f32 v17, v13  }
0x7f: {  	v20 =	vmul.f32 v20, v20;
	v22 =	vadd.f32 $1.000000000e+00, v22;
	v26 =	vadd.f32 $8.333333770e-03, v26  }
0x80: {  	v57 =	vadd.f32 $5.000000000e-01, v25;
	v18 =	vmul.f32 v54, v18;
	v16 =	vmul.f32 v16, v16  }
0x81: {  	v17 =	vadd.f32 $5.000000000e-01, v17;
	v56 =	vmul.f32 v22, v23;
	v26 =	vmul.f32 v26, v8  }
0x82: {  	v20 =	vmul.f32 v20, v20;
	v59 =	vmul.f32 v57, v19;
	v15 =	vadd.f32 $1.000000000e+00, v18  }
0x83: {  	v16 =	vmul.f32 v16, v16;
	v18 =	vadd.f32 $1.000000000e+00, v56;
	v26 =	vadd.f32 $4.166666790e-02, v26  }
0x84: {  	v17 =	vmul.f32 v17, v13;
	v21 =	vadd.f32 $1.000000000e+00, v59;
	v15 =	vmul.f32 v15, v15  }
0x85: {  	v18 =	vmul.f32 v18, v18;
	v55 =	vmul.f32 v26, v8  }
0x86: {  	v16 =	vmul.f32 v16, v16;
	v17 =	vadd.f32 $1.000000000e+00, v17;
	v19 =	vmul.f32 v21, v19  }
0x87: {  	v15 =	vmul.f32 v15, v15;
	v18 =	vmul.f32 v18, v18;
	v60 =	vadd.f32 $1.666666720e-01, v55  }
0x88: {  	v13 =	vmul.f32 v17, v13;
	v17 =	vadd.f32 $1.000000000e+00, v19;
	v19 =	vmul.f32 v20, v20  }
0x89: {  	v18 =	vmul.f32 v18, v18;
	v61 =	vmul.f32 v60, v8  }
0x8a: {  	vm2 =	vgt.f32 v9, $0.0e+00;
	v63 =	vmul.f32 v16, v16;
	v15 =	vmul.f32 v15, v15  }
0x8b: {  	v19 =	vmul.f32 v19, v19;
	v18 =	vmul.f32 v18, v18;
	v62 =	vadd.f32 $5.000000000e-01, v61  }
0x8c: {  	vm0 =	vgt.f32 v12, $0.0e+00;
	v12 =	vmul.f32 v15, v15;
	v15 =	vmul.f32 v17, v17  }
0x8d: {  	vm1 =	vgt.f32 v10, $0.0e+00;
	v17 =	vmul.f32 v18, v18;
	v18 =	vmul.f32 v62, v8  }
0x8e: {  	v13 =	vadd.f32 $1.000000000e+00, v13;
	v16 =	vmul.f32 v12, v12;
	v10 =	vmul.f32 v15, v15  }
0x8f: {  	v15 =	vmul.f32 v19, v19;
	v12 =	vadd.f32 $1.000000000e+00, v18;
	v18 =	vmul.f32 $1.758099320e+00, v17  }
0x90: {  	vm3 =	vgt.f32 v11, $0.0e+00;
	v9 =	vmul.f32 $1.758099320e+00, v16;
	v16 =	vmul.f32 v13, v13  }
0x91: {  	s11 =	simm.s32 $0x200;
	v13 =	vmul.f32 v63, v63;
	v17 =	vmul.f32 v58, v58;
	v11 =	vadd.f32 $-1.758099320e+00, v18  }
.LBB2_7:
0x92: {  	s12 =	sshra.s32 s11, $0x2;
	p1 =	sne.s32 s11, $0xFE00;
	s11 =	sadd.s32 $0x200, s11;
	v15 =	vmul.f32 $1.758099320e+00, v15;
	v9 =	vadd.f32 $-1.758099320e+00, v9;
	v18 =	vmul.f32 v16, v16  }
0x93: {  	v16 =	vld [tilespmem:s12+$0x18170];
	v17 =	vmul.f32 v17, v17;
	v7 =	vsel vm0, v7, v11;
	v11 =	vmul.f32 $1.758099320e+00, v13  }
0x94: {  	v13 =	vld [tilespmem:s12+$0x18110];
	[tilespmem:s10+$0x14110] =	vst v7;
	v7 =	vadd.f32 $-1.758099320e+00, v15;
	v9 =	vsel vm3, v14, v9;
	v14 =	vmul.f32 v18, v18  }
0x95: {  	v15 =	vld [tilespmem:s12+$0x18100];
	v17 =	vmul.f32 v17, v17;
	v11 =	vadd.f32 $-1.758099320e+00, v11;
	[tilespmem:s10+$0x14140] =	vst v9;
	v9 =	vmul.f32 v10, v10  }
0x96: {  	v8 =	vmul.f32 v12, v8;
	v4 =	vsel vm2, v4, v7;
	v7 =	vmul.f32 v14, v14  }
0x97: {  	v10 =	vld [tilespmem:s12+$0x18120];
	v12 =	vmul.f32 v17, v17;
	v5 =	vsel vm1, v5, v11;
	[tilespmem:s10+$0x14130] =	vst v4;
	v4 =	vmul.f32 v9, v9  }
0x98: {  	v11 =	vmul.f32 $1.050701020e+00, v1;
	v9 =	vld [tilespmem:s12+$0x14130];
	[tilespmem:s10+$0x14120] =	vst v5;
	v5 =	vmul.f32 v7, v7;
	v7 =	vadd.f32 $1.000000000e+00, v8  }
0x99: {  	vm0 =	vgt.f32 v2, $0.0e+00;
	v8 =	vld [tilespmem:s12+$0x18130];
	v12 =	vmul.f32 $1.758099320e+00, v12;
	v4 =	vmul.f32 v4, v4  }
0x9a: {  	vm1 =	vgt.f32 v1, $0.0e+00;
	v17 =	vld [tilespmem:s12+$0x18160];
	v1 =	vmul.f32 $1.758099320e+00, v5;
	v5 =	vmul.f32 v7, v7  }
0x9b: {  	vm2 =	vgt.f32 v3, $0.0e+00;
	v7 =	vld [tilespmem:s12+$0x14120];
	v12 =	vadd.f32 $-1.758099320e+00, v12;
	v4 =	vmul.f32 $1.758099320e+00, v4  }
0x9c: {  	v2 =	vmul.f32 $1.050701020e+00, v2;
	v18 =	vld [tilespmem:s12+$0x18140];
	v1 =	vadd.f32 $-1.758099320e+00, v1;
	v5 =	vmul.f32 v5, v5  }
0x9d: {  	v3 =	vmul.f32 $1.050701020e+00, v3;
	v19 =	vld [tilespmem:s12+$0x18150];
	v11 =	vsel vm1, v11, v12;
	v4 =	vadd.f32 $-1.758099320e+00, v4  }
0x9e: {  	v14 =	vld [tilespmem:s12+$0x14110];
	v9 =	vadd.f32 v8, v9;
	[tilespmem:s10+$0x14100] =	vst v11;
	v1 =	vsel vm0, v2, v1;
	v2 =	vmul.f32 v5, v5  }
0x9f: {  	vm0 =	vgt.f32 v6, $0.0e+00;
	v8 =	vld [tilespmem:s12+$0x14100];
	[tilespmem:s10+$0x14150] =	vst v1;
	v1 =	vsel vm2, v3, v4  }
0xa0: {  	v10 =	vadd.f32 v10, v7;
	v3 =	vmin.f32 v9, $0.0e+00;
	v11 =	vld [tilespmem:s12+$0x14150];
	[tilespmem:s10+$0x14160] =	vst v1;
	v1 =	vmul.f32 v2, v2  }
0xa1: {  	v6 =	vmul.f32 $1.050701020e+00, v6;
	v4 =	vmul.f32 $1.050701020e+00, v9;
	v2 =	vmax.f32 v3, $-1.750000000e+01;
	v3 =	vld [tilespmem:s12+$0x14140]  }
0xa2: {  	v5 =	vmin.f32 v10, $0.0e+00;
	v12 =	vmul.f32 $3.125000000e-02, v2;
	v20 =	vld [tilespmem:s12+$0x14160];
	v21 =	vmul.f32 v1, v1  }
0xa3: {  	v22 =	vadd.f32 v13, v14;
	v2 =	vmax.f32 v5, $-1.750000000e+01;
	v5 =	vmul.f32 $1.050701020e+00, v10  }
0xa4: {  	v1 =	vadd.f32 v15, v8;
	v14 =	vmul.f32 $3.125000000e-02, v2;
	v8 =	vmul.f32 $2.480158760e-05, v12  }
0xa5: {  	v15 =	vmin.f32 v22, $0.0e+00;
	v7 =	vmul.f32 $1.050701020e+00, v22;
	v2 =	vadd.f32 v19, v11  }
0xa6: {  	v19 =	vmul.f32 $1.758099320e+00, v21;
	v11 =	vmin.f32 v1, $0.0e+00;
	v13 =	vmul.f32 $2.480158760e-05, v14  }
0xa7: {  	v21 =	vmax.f32 v11, $-1.750000000e+01;
	v11 =	vadd.f32 v18, v3;
	v3 =	vmin.f32 v2, $0.0e+00  }
0xa8: {  	v8 =	vadd.f32 $1.984127010e-04, v8;
	v18 =	vmax.f32 v3, $-1.750000000e+01;
	v3 =	vadd.f32 v17, v20  }
0xa9: {  	v17 =	vadd.f32 $1.984127010e-04, v13;
	v20 =	vmin.f32 v11, $0.0e+00;
	v13 =	vmul.f32 $3.125000000e-02, v18  }
0xaa: {  	v19 =	vadd.f32 $-1.758099320e+00, v19;
	v18 =	vmul.f32 $3.125000000e-02, v21;
	v21 =	vmin.f32 v3, $0.0e+00  }
0xab: {  	v8 =	vmul.f32 v8, v12;
	v20 =	vmax.f32 v20, $-1.750000000e+01;
	v23 =	vmul.f32 $2.480158760e-05, v13  }
0xac: {  	v6 =	vsel vm0, v6, v19;
	v25 =	vmul.f32 v17, v14;
	v24 =	vmul.f32 $2.480158760e-05, v18  }
0xad: {  	v15 =	vmax.f32 v15, $-1.750000000e+01;
	v8 =	vadd.f32 $1.388888920e-03, v8;
	v23 =	vadd.f32 $1.984127010e-04, v23;
	[tilespmem:s10+$0x14170] =	vst v6;
	s10 =	smov.u32 s12  }
0xae: {  	v17 =	vmul.f32 $3.125000000e-02, v15;
	v15 =	vmax.f32 v21, $-1.750000000e+01;
	v6 =	vadd.f32 $1.984127010e-04, v24;
	v21 =	vld [tilespmem:s10+$0x14170]  }
0xaf: {  	v19 =	vmul.f32 $3.125000000e-02, v20;
	v8 =	vmul.f32 v8, v12;
	v24 =	vadd.f32 $1.388888920e-03, v25  }
0xb0: {  	vm0 =	vgt.f32 v22, $0.0e+00;
	v20 =	vmul.f32 $2.480158760e-05, v17;
	v22 =	vmul.f32 v23, v13  }
0xb1: {  	v15 =	vmul.f32 $3.125000000e-02, v15;
	v6 =	vmul.f32 v6, v18  }
0xb2: {  	v20 =	vadd.f32 $1.984127010e-04, v20;
	v23 =	vmul.f32 $2.480158760e-05, v19;
	v22 =	vadd.f32 $1.388888920e-03, v22  }
0xb3: {  	v26 =	vmul.f32 $2.480158760e-05, v15;
	v25 =	vadd.f32 $1.388888920e-03, v6;
	v6 =	vadd.f32 v16, v21  }
0xb4: {  	v16 =	vmul.f32 v20, v17;
	v20 =	vadd.f32 $1.984127010e-04, v23;
	v21 =	vmul.f32 v22, v13  }
0xb5: {  	v22 =	vmul.f32 v25, v18;
	v23 =	vmul.f32 v24, v14;
	v24 =	vadd.f32 $1.984127010e-04, v26  }
0xb6: {  	v16 =	vadd.f32 $1.388888920e-03, v16;
	v20 =	vmul.f32 v20, v19;
	v21 =	vadd.f32 $8.333333770e-03, v21  }
0xb7: {  	v22 =	vadd.f32 $8.333333770e-03, v22;
	v23 =	vadd.f32 $8.333333770e-03, v23;
	v24 =	vmul.f32 v24, v15  }
0xb8: {  	v25 =	vadd.f32 $8.333333770e-03, v8;
	v16 =	vmul.f32 v16, v17;
	v8 =	vmul.f32 v21, v13  }
0xb9: {  	v21 =	vmul.f32 v22, v18;
	v22 =	vadd.f32 $1.388888920e-03, v24;
	v24 =	vmin.f32 v6, $0.0e+00  }
0xba: {  	v20 =	vadd.f32 $1.388888920e-03, v20;
	v26 =	vadd.f32 $4.166666790e-02, v8;
	v8 =	vmax.f32 v24, $-1.750000000e+01  }
0xbb: {  	v23 =	vmul.f32 v23, v14;
	v21 =	vadd.f32 $4.166666790e-02, v21;
	v8 =	vmul.f32 $3.125000000e-02, v8  }
0xbc: {  	v16 =	vadd.f32 $8.333333770e-03, v16;
	v20 =	vmul.f32 v20, v19;
	v22 =	vmul.f32 v22, v15  }
0xbd: {  	v23 =	vadd.f32 $4.166666790e-02, v23;
	v21 =	vmul.f32 v21, v18;
	v24 =	vmul.f32 v26, v13  }
0xbe: {  	v16 =	vmul.f32 v16, v17;
	v20 =	vadd.f32 $8.333333770e-03, v20;
	v26 =	vmul.f32 $2.480158760e-05, v8  }
0xbf: {  	v23 =	vmul.f32 v23, v14;
	v22 =	vadd.f32 $8.333333770e-03, v22;
	v21 =	vadd.f32 $1.666666720e-01, v21  }
0xc0: {  	v25 =	vmul.f32 v25, v12;
	v20 =	vmul.f32 v20, v19;
	v26 =	vadd.f32 $1.984127010e-04, v26  }
0xc1: {  	v23 =	vadd.f32 $1.666666720e-01, v23;
	v22 =	vmul.f32 v22, v15;
	v21 =	vmul.f32 v21, v18  }
0xc2: {  	v16 =	vadd.f32 $4.166666790e-02, v16;
	v20 =	vadd.f32 $4.166666790e-02, v20;
	v26 =	vmul.f32 v26, v8  }
0xc3: {  	v25 =	vadd.f32 $4.166666790e-02, v25;
	v23 =	vmul.f32 v23, v14;
	v22 =	vadd.f32 $4.166666790e-02, v22  }
0xc4: {  	v21 =	vadd.f32 $5.000000000e-01, v21;
	v20 =	vmul.f32 v20, v19;
	v26 =	vadd.f32 $1.388888920e-03, v26  }
0xc5: {  	v25 =	vmul.f32 v25, v12;
	v16 =	vmul.f32 v16, v17;
	v23 =	vadd.f32 $5.000000000e-01, v23  }
0xc6: {  	v21 =	vmul.f32 v21, v18;
	v20 =	vadd.f32 $1.666666720e-01, v20;
	v26 =	vmul.f32 v26, v8  }
0xc7: {  	v25 =	vadd.f32 $1.666666720e-01, v25;
	v16 =	vadd.f32 $1.666666720e-01, v16;
	v23 =	vmul.f32 v23, v14  }
0xc8: {  	v22 =	vmul.f32 v22, v15;
	v20 =	vmul.f32 v20, v19;
	v26 =	vadd.f32 $8.333333770e-03, v26  }
0xc9: {  	v25 =	vmul.f32 v25, v12;
	v16 =	vmul.f32 v16, v17;
	v21 =	vadd.f32 $1.000000000e+00, v21  }
0xca: {  	v22 =	vadd.f32 $1.666666720e-01, v22;
	v20 =	vadd.f32 $5.000000000e-01, v20;
	v26 =	vmul.f32 v26, v8  }
0xcb: {  	v16 =	vadd.f32 $5.000000000e-01, v16;
	v18 =	vmul.f32 v21, v18;
	v21 =	vadd.f32 $1.000000000e+00, v23  }
0xcc: {  	v23 =	vadd.f32 $5.000000000e-01, v25;
	v20 =	vmul.f32 v20, v19;
	v25 =	vadd.f32 $4.166666790e-02, v26  }
0xcd: {  	v16 =	vmul.f32 v16, v17;
	v14 =	vmul.f32 v21, v14;
	v21 =	vadd.f32 $1.666666720e-01, v24  }
0xce: {  	v23 =	vmul.f32 v23, v12;
	v20 =	vadd.f32 $1.000000000e+00, v20;
	v24 =	vmul.f32 v25, v8  }
0xcf: {  	v22 =	vmul.f32 v22, v15;
	v18 =	vadd.f32 $1.000000000e+00, v18;
	v16 =	vadd.f32 $1.000000000e+00, v16  }
0xd0: {  	v14 =	vadd.f32 $1.000000000e+00, v14;
	v19 =	vmul.f32 v20, v19;
	v20 =	vadd.f32 $1.666666720e-01, v24  }
0xd1: {  	v22 =	vadd.f32 $5.000000000e-01, v22;
	v16 =	vmul.f32 v16, v17;
	v17 =	vadd.f32 $1.000000000e+00, v23  }
0xd2: {  	v18 =	vmul.f32 v18, v18;
	v21 =	vmul.f32 v21, v13;
	v19 =	vadd.f32 $1.000000000e+00, v19  }
0xd3: {  	v16 =	vadd.f32 $1.000000000e+00, v16;
	v12 =	vmul.f32 v17, v12;
	v17 =	vmul.f32 v22, v15  }
0xd4: {  	v22 =	vmul.f32 v14, v14;
	v14 =	vmul.f32 $1.050701020e+00, v11;
	v21 =	vadd.f32 $5.000000000e-01, v21  }
0xd5: {  	v16 =	vmul.f32 v16, v16;
	v12 =	vadd.f32 $1.000000000e+00, v12;
	v19 =	vmul.f32 v19, v19  }
0xd6: {  	v22 =	vmul.f32 v22, v22;
	v21 =	vmul.f32 v21, v13;
	v17 =	vadd.f32 $1.000000000e+00, v17  }
0xd7: {  	v12 =	vmul.f32 v12, v12;
	v19 =	vmul.f32 v19, v19  }
0xd8: {  	v16 =	vmul.f32 v16, v16;
	v15 =	vmul.f32 v17, v15  }
0xd9: {  	v20 =	vmul.f32 v20, v8;
	v17 =	vmul.f32 v22, v22;
	v21 =	vadd.f32 $1.000000000e+00, v21  }
0xda: {  	v16 =	vmul.f32 v16, v16;
	v12 =	vmul.f32 v12, v12  }
0xdb: {  	v13 =	vmul.f32 v21, v13;
	v15 =	vadd.f32 $1.000000000e+00, v15;
	v19 =	vmul.f32 v19, v19  }
0xdc: {  	v20 =	vadd.f32 $5.000000000e-01, v20;
	v16 =	vmul.f32 v16, v16;
	v12 =	vmul.f32 v12, v12  }
0xdd: {  	v13 =	vadd.f32 $1.000000000e+00, v13;
	v15 =	vmul.f32 v15, v15;
	v19 =	vmul.f32 v19, v19  }
0xde: {  	v20 =	vmul.f32 v20, v8;
	v16 =	vmul.f32 v16, v16  }
.Ltmp2:
0xdf: {  	vm1 =	vgt.f32 v10, $0.0e+00;
	v21 =	vmul.f32 v17, v17;
	v17 =	vmul.f32 v19, v19;
	(pc) =	sbr.rel @p1 .LBB2_7-.Ltmp2, $4  }
0xe0: {  	v10 =	vmul.f32 v15, v15;
	v19 =	vmul.f32 v12, v12;
	v12 =	vadd.f32 $1.000000000e+00, v20  }
0xe1: {  	vm2 =	vgt.f32 v9, $0.0e+00;
	v20 =	vmul.f32 $1.758099320e+00, v16;
	v9 =	vmul.f32 $1.758099320e+00, v17  }
0xe2: {  	vm3 =	vgt.f32 v11, $0.0e+00;
	v16 =	vmul.f32 v13, v13;
	v15 =	vmul.f32 v19, v19  }
0xe3: {  	v13 =	vmul.f32 v21, v21;
	v17 =	vmul.f32 v18, v18;
	v11 =	vadd.f32 $-1.758099320e+00, v20  }
0xe4: {  	v8 =	vmul.f32 v12, v8;
	_ =	sdelay $0x1  }
0xe5: {  	v50 =	vmul.f32 $1.758099320e+00, v15;
	v8 =	vadd.f32 $1.000000000e+00, v8  }
0xe6: {  	v51 =	vmul.f32 v16, v16;
	v10 =	vmul.f32 v10, v10  }
0xe7: {  	v57 =	vmul.f32 $1.050701020e+00, v1;
	v8 =	vmul.f32 v8, v8  }
0xe8: {  	vm12 =	vgt.f32 v2, $0.0e+00;
	v2 =	vmul.f32 $1.050701020e+00, v2;
	v52 =	vmul.f32 v17, v17  }
0xe9: {  	v9 =	vadd.f32 $-1.758099320e+00, v9;
	v54 =	vmul.f32 v51, v51;
	v8 =	vmul.f32 v8, v8  }
0xea: {  	vm13 =	vgt.f32 v1, $0.0e+00;
	v53 =	vmul.f32 $1.758099320e+00, v13;
	v55 =	vmul.f32 v52, v52  }
0xeb: {  	vm14 =	vgt.f32 v3, $0.0e+00;
	v13 =	vmul.f32 v54, v54;
	v8 =	vmul.f32 v8, v8  }
0xec: {  	v7 =	vsel vm0, v7, v11;
	v10 =	vmul.f32 v10, v10;
	v56 =	vmul.f32 v55, v55  }
0xed: {  	v12 =	vadd.f32 $-1.758099320e+00, v50;
	v58 =	vmul.f32 v13, v13;
	v8 =	vmul.f32 v8, v8  }
0xee: {  	v9 =	vsel vm3, v14, v9;
	v10 =	vmul.f32 v10, v10;
	v59 =	vmul.f32 $1.758099320e+00, v56  }
0xef: {  	[tilespmem:s10+$0x14110] =	vst v7;
	v11 =	vadd.f32 $-1.758099320e+00, v53;
	v1 =	vmul.f32 $1.758099320e+00, v58;
	v8 =	vmul.f32 v8, v8  }
0xf0: {  	[tilespmem:s10+$0x14140] =	vst v9;
	v4 =	vsel vm2, v4, v12;
	v61 =	vmul.f32 $1.758099320e+00, v10;
	v60 =	vadd.f32 $-1.758099320e+00, v59  }
0xf1: {  	v5 =	vsel vm1, v5, v11;
	[tilespmem:s10+$0x14130] =	vst v4;
	v1 =	vadd.f32 $-1.758099320e+00, v1;
	v8 =	vmul.f32 $1.758099320e+00, v8  }
0xf2: {  	v3 =	vmul.f32 $1.050701020e+00, v3;
	[tilespmem:s10+$0x14120] =	vst v5;
	v62 =	vadd.f32 $-1.758099320e+00, v61;
	v4 =	vsel vm13, v57, v60  }
0xf3: {  	[tilespmem:s10+$0x14100] =	vst v4;
	v1 =	vsel vm12, v2, v1;
	v2 =	vmul.f32 $1.050701020e+00, v6;
	v63 =	vadd.f32 $-1.758099320e+00, v8  }
0xf4: {  	vm15 =	vgt.f32 v6, $0.0e+00;
	s3 =	sadd.s32 $0x1, s3;
	[tilespmem:s10+$0x14150] =	vst v1;
	v1 =	vsel vm14, v3, v62  }
0xf5: {  	p1 =	sne.s32 s3, $0x4F;
	[tilespmem:s10+$0x14160] =	vst v1;
	v1 =	vsel vm15, v2, v63  }
.Ltmp3:
0xf6: {  	[tilespmem:s10+$0x14170] =	vst v1;
	(pc) =	sbr.rel @p1 .LBB2_6-.Ltmp3, $4  }
0xf7: {  	[spmem:s1] =	stream.indirect.scatter.add.f32 [tilespmem:s25], [sflag:$0x3], $0x80, s23, s24, $0xb8;
	[tilespmem:$0x1C900] =	vst v63  }
0xf8: {  	_ =	swait.ge [sflag:s21], $0x4000  }
0xf9: {  	[sflag:s21] =	ssyncset.done $0x0  }
0xfa: {  	[sflag:s21] =	ssyncadd.s32 $0xFFFFC000  }
0xfb: {  	[bflag:$0x0] =	sbarrier.arrive $0xFFFF  }
0xfc: {  	[tilespmem:s25], [sflag:$0x4] =	stream.linear.gather [spmem:s8], $0x4000, $0x38;
	[tilespmem:$0x1C900] =	vst v63  }
0xfd: {  	_ =	swait.ge [sflag:s30], $0x4000  }
0xfe: {  	s0 =	simm.s32 $0x4;
	[sflag:s30] =	ssyncset.done $0x0  }
0xff: {  	s0 =	simm.s32 @!p0 $0x3;
	[sflag:s30] =	ssyncadd.s32 $0xFFFFC000  }
0x100: {  	[hbm4b:s15+s2] =	stream.linear.scatter [tilespmem:s25], [sflag:s0], $0x4000, $0x38;
	[tilespmem:$0x1C900] =	vst v63  }
0x101: {  	_ =	swait.ge [sflag:s0], $0x4000  }
0x102: {  	[sflag:s0] =	ssyncset.done $0x0  }
0x103: {  	s3 =	rddreg [dreg:$0x4];
	[sflag:s0] =	ssyncadd.s32 $0xFFFFC000  }
0x104: {  	[tilespmem:s25], [sflag:$0x4] =	stream.linear.gather [spmem:s3], $0x4000, $0x38;
	[tilespmem:$0x1C900] =	vst v63  }
0x105: {  	_ =	swait.ge [sflag:s30], $0x4000  }
0x106: {  	[sflag:s30] =	ssyncset.done $0x0  }
0x107: {  	[sflag:s30] =	ssyncadd.s32 $0xFFFFC000  }
0x108: {  	[hbm4b:s16+s2] =	stream.linear.scatter [tilespmem:s25], [sflag:s0], $0x4000, $0x38;
	[tilespmem:$0x1C900] =	vst v63  }
0x109: {  	_ =	swait.ge [sflag:s0], $0x4000  }
0x10a: {  	[sflag:s0] =	ssyncset.done $0x0  }
0x10b: {  	s11 =	rddreg [dreg:$0x5];
	[sflag:s0] =	ssyncadd.s32 $0xFFFFC000  }
0x10c: {  	[tilespmem:s25], [sflag:$0x4] =	stream.linear.gather [spmem:s11], $0x4000, $0x38;
	[tilespmem:$0x1C900] =	vst v63  }
0x10d: {  	_ =	swait.ge [sflag:s30], $0x4000  }
0x10e: {  	[sflag:s30] =	ssyncset.done $0x0  }
0x10f: {  	[sflag:s30] =	ssyncadd.s32 $0xFFFFC000  }
0x110: {  	[hbm4b:s17+s2] =	stream.linear.scatter [tilespmem:s25], [sflag:s0], $0x4000, $0x38;
	[tilespmem:$0x1C900] =	vst v63  }
0x111: {  	_ =	swait.ge [sflag:s0], $0x4000  }
0x112: {  	[sflag:s0] =	ssyncset.done $0x0  }
0x113: {  	[sflag:s0] =	ssyncadd.s32 $0xFFFFC000  }
0x114: {  	[tilespmem:s25], [sflag:$0x4] =	stream.linear.gather [spmem:s13], $0x4000, $0x38;
	[tilespmem:$0x1C900] =	vst v63  }
0x115: {  	_ =	swait.ge [sflag:s30], $0x4000  }
0x116: {  	[sflag:s30] =	ssyncset.done $0x0  }
0x117: {  	[sflag:s30] =	ssyncadd.s32 $0xFFFFC000  }
0x118: {  	[hbm4b:s18+s2] =	stream.linear.scatter [tilespmem:s25], [sflag:s0], $0x4000, $0x38;
	[tilespmem:$0x1C900] =	vst v63  }
0x119: {  	_ =	swait.ge [sflag:s0], $0x4000  }
0x11a: {  	[sflag:s0] =	ssyncset.done $0x0  }
0x11b: {  	[sflag:s0] =	ssyncadd.s32 $0xFFFFC000  }
0x11c: {  	[tilespmem:s25], [sflag:$0x4] =	stream.linear.gather [spmem:s14], $0x4000, $0x38;
	[tilespmem:$0x1C900] =	vst v63  }
0x11d: {  	_ =	swait.ge [sflag:s30], $0x4000  }
0x11e: {  	[sflag:s30] =	ssyncset.done $0x0  }
0x11f: {  	[sflag:s30] =	ssyncadd.s32 $0xFFFFC000  }
0x120: {  	[hbm4b:s19+s2] =	stream.linear.scatter [tilespmem:s25], [sflag:s0], $0x4000, $0x38;
	[tilespmem:$0x1C900] =	vst v63  }
0x121: {  	_ =	swait.ge [sflag:s0], $0x4000  }
0x122: {  	s31 =	sadd.s32 $0x1, s31;
	s12 =	rddreg [dreg:$0x3]  }
0x123: {  	p1 =	sne.s32 s31, s12  }
.Ltmp4:
0x124: {  	_ = 	snop;
	(pc) =	sbr.rel @p1 .LBB2_1-.Ltmp4, $3  }
0x125: {  	_ =	sdelay $0x1  }
0x126: {  	[sflag:s0] =	ssyncset.done $0x0  }
0x127: {  	[sflag:s0] =	ssyncadd.s32 $0xFFFFC000  }
0x128: {  	_ =	sfence.sel $0x180000  }
0x129: {  	[bflag:$0x0] =	sbarrier.arrive $0xFFFF  }
0x12a: {  	_ =	strace $0x90000053  }
0x12b: {  	s0 =	stileid.u32;
	[bflag:$0x2] =	sbarrier.arrive $0xFFFF  }
0x12c: {  	p0 =	sne.s32 s0, $0x0;
	s0 =	rddreg [dreg:$0x2]  }
0x12d: {  	s0 =	sadd.s32 @!p0 $0x100000, s0  }
0x12e: {  	[sflag:s0] =	ssyncadd.tile.s32 @!p0 $0x1;
	_ =	shalt  }
.Lfunc_end2:
_tile_overlayer_lowered:
.L_overlay_start_2:
0x12f: {  	(tag) =	ssettag $0x2  }
0x130: {  	s0 =	rddreg [dreg:$0x0];
	s2 =	stileid.u32  }
0x131: {  	s1 =	rddreg [dreg:$0x1];
	p0 =	sne.s32 s2, $0x0  }
0x132: {  	s3 =	rddreg [dreg:$0x2];
	[bflag:$0x3] =	sbarrier.arrive $0xFFFF;
	s2 =	simm.s32 @!p0 $0x1C03  }
0x133: {  	[timem:s3], [sflag:s2] =	dma.local @!p0 [hbm:s0], s1  }
0x134: {  	s0 =	simm.s32 @!p0 $0x3  }
0x135: {  	_ =	swait.ge @!p0 [sflag:s0], s1  }
0x136: {  	s1 =	ssub.s32 @!p0 $0x0, s1;
	[sflag:s0] =	ssyncset.done @!p0 $0x0  }
0x137: {  	[sflag:s0] =	ssyncadd.s32 @!p0 s1  }
0x138: {  	[bflag:$0x3] =	sbarrier.arrive $0xFFFF  }
0x139: {  	_ =	shalt  }

// kernel: kernel.21.cloned.1.call-start
scs
__scs_entry_jumppad:
0x0: {  	(pc) =	sbr.rel $0x88, $3  }
0x1: {  	(tag) =	ssettag $0x0;
	lr =	simm.s32 $0x1  }
0x2: {  	[smem:$0x3F92] =	sst lr;
	_ =	strace $0xD0000000  }
0x3: {  	_ = 	snop  }
0x4: {  	_ = 	snop  }
0x5: {  	_ = 	snop  }
0x6: {  	_ = 	snop  }
0x7: {  	_ = 	snop  }
__scs_overlays_trampoline_lowered:
0x8: {  	[smem:$0x3FA1] =	sst s0  }
0x9: {  	[smem:$0x3FA2] =	sst s1  }
0xa: {  	[smem:$0x3FA3] =	sst s2  }
0xb: {  	[smem:$0x3FA4] =	sst s3  }
0xc: {  	[smem:$0x3FA5] =	sst s4  }
0xd: {  	[smem:$0x3FA6] =	sst s5  }
0xe: {  	[smem:$0x3FA7] =	sst s6  }
0xf: {  	[smem:$0x3FA8] =	sst s7  }
0x10: {  	[smem:$0x3FA9] =	sst s8  }
0x11: {  	[smem:$0x3FAA] =	sst s9;
	s0 =	simm.s32 @!p0 $0x0  }
0x12: {  	s1 =	sld [smem:$0x3F90];
	s0 =	simm.s32 @p0 $0x1  }
0x13: {  	[smem:$0x3FAB] =	sst s0;
	s0 =	simm.s32 @!p1 $0x0  }
0x14: {  	s2 =	sld [smem:$0x3F8F];
	s0 =	simm.s32 @p1 $0x1  }
0x15: {  	[smem:$0x3FAC] =	sst s0;
	s0 =	simm.s32 @!p2 $0x0  }
0x16: {  	s3 =	sld [smem:$0x3FDB];
	s0 =	simm.s32 @p2 $0x1  }
0x17: {  	s4 =	simm.s32 $0x1BF5;
	[smem:$0x3FAE] =	sst s0  }
0x18: {  	s0 =	sld [smem:$0x3F91];
	_ =	swait.ge [sflag:s4], $0x0  }
0x19: {  	s7 =	sld [smem:$0x3F92]  }
0x1a: {  	s8 =	sadd.s32 $0xFFFFE003, lr  }
0x1b: {  	s9 =	sadd.s32 $0xFFFFFEF7, lr;
	s5 =	simm.s32 $0xFFFFFFFF;
	p2 =	slt.u32 s8, $0xFFFFF086  }
0x1c: {  	p1 =	slt.u32 s9, $0xF7A;
	s5 =	simm.s32 @!p2 $0x0  }
0x1d: {  	s5 =	simm.s32 @p1 $0x1;
	p0 =	seq.s32 s7, s2  }
0x1e: {  	s7 =	smul.u32 @!p0 $0xF7A, s2;
	p2 =	seq.s32 @!p0 s5, $0x0  }
0x1f: {  	s9 =	smul.u32 $0xF7A, s1;
	s8 =	simm.s32 @!p0 $0x1BF5;
	p2 =	por !p2, p0  }
0x20: {  	[sflag:s8] =	ssyncset.s32 @!p0 $0xFFFFF086;
	s6 =	sadd.s32 @!p0 s3, s7;
	s7 =	simm.s32 @!p0 $0x108  }
0x21: {  	s3 =	sadd.s32 s3, s9;
	s6 =	sadd.s32 @!p0 $0x88, s6;
	s7 =	simm.s32 @p2 $0x1082  }
0x22: {  	[simem:s7], [sflag:s8] =	dma.local @!p0 [hbm:s6], $0xF7A  }
0x23: {  	s9 =	sor.u32 $0xD0000000, s2;
	s6 =	simm.s32 $0x108;
	_ =	swait.ge @!p0 [sflag:s8], $0x0  }
0x24: {  	s3 =	sadd.s32 $0x88, s3;
	s6 =	simm.s32 @!p1 $0x1082;
	[sflag:s4] =	ssyncset.s32 $0xFFFFF086  }
0x25: {  	[simem:s6], [sflag:s4] =	dma.local [hbm:s3], $0xF7A  }
0x26: {  	[smem:$0x3F92] =	sst s1;
	(tag) =	ssettag s2;
	_ =	strace s9  }
0x27: {  	s1 =	sld [smem:$0x3FA2]  }
0x28: {  	s2 =	sld [smem:$0x3FA3]  }
0x29: {  	s4 =	sld [smem:$0x3FA5]  }
0x2a: {  	p0 =	seq.s32 s5, $0x0;
	s5 =	sld [smem:$0x3FA6]  }
0x2b: {  	s6 =	sld [smem:$0x3FA7]  }
0x2c: {  	s7 =	sld [smem:$0x3FA8]  }
0x2d: {  	s3 =	simm.s32 $0x108;
	s8 =	sld [smem:$0x3FA9]  }
0x2e: {  	s3 =	simm.s32 @!p0 $0x1082;
	s9 =	sld [smem:$0x3FAA]  }
0x2f: {  	lr =	sadd.s32 s0, s3;
	s0 =	sld [smem:$0x3FA1]  }
0x30: {  	s3 =	sld [smem:$0x3FA4]  }
0x31: {  	[smem:$0x3FAD] =	sst s10  }
0x32: {  	s10 =	sld [smem:$0x3FAB];
	_ =	sdelay $0x3  }
0x33: {  	p0 =	seq.s32 s10, $0x1;
	s10 =	sld [smem:$0x3FAD];
	_ =	sdelay $0x3  }
0x34: {  	[smem:$0x3FAD] =	sst s10  }
0x35: {  	s10 =	sld [smem:$0x3FAC];
	_ =	sdelay $0x3  }
0x36: {  	p1 =	seq.s32 s10, $0x1;
	s10 =	sld [smem:$0x3FAD];
	_ =	sdelay $0x3  }
0x37: {  	[smem:$0x3FAD] =	sst s10  }
0x38: {  	s10 =	sld [smem:$0x3FAE]  }
0x39: {  	_ = 	snop;
	(pc) =	sbr.ind lr, $3  }
0x3a: {  	_ = 	snop  }
0x3b: {  	_ = 	snop  }
0x3c: {  	p2 =	seq.s32 s10, $0x1;
	s10 =	sld [smem:$0x3FAD]  }
0x3d: {  	_ =	shalt  }
0x3e: {  	_ =	shalt  }
0x3f: {  	_ =	shalt  }
0x40: {  	_ =	shalt  }
0x41: {  	_ =	shalt  }
0x42: {  	_ =	shalt  }
0x43: {  	_ =	shalt  }
0x44: {  	_ =	shalt  }
0x45: {  	_ =	shalt  }
0x46: {  	_ =	shalt  }
0x47: {  	_ =	shalt  }
0x48: {  	_ =	shalt  }
0x49: {  	_ =	shalt  }
0x4a: {  	_ =	shalt  }
0x4b: {  	_ =	shalt  }
0x4c: {  	_ =	shalt  }
0x4d: {  	_ =	shalt  }
0x4e: {  	_ =	shalt  }
0x4f: {  	_ =	shalt  }
0x50: {  	_ =	shalt  }
0x51: {  	_ =	shalt  }
0x52: {  	_ =	shalt  }
0x53: {  	_ =	shalt  }
0x54: {  	_ =	shalt  }
0x55: {  	_ =	shalt  }
0x56: {  	_ =	shalt  }
0x57: {  	_ =	shalt  }
0x58: {  	_ =	shalt  }
0x59: {  	_ =	shalt  }
0x5a: {  	_ =	shalt  }
0x5b: {  	_ =	shalt  }
0x5c: {  	_ =	shalt  }
0x5d: {  	_ =	shalt  }
0x5e: {  	_ =	shalt  }
0x5f: {  	_ =	shalt  }
0x60: {  	_ =	shalt  }
0x61: {  	_ =	shalt  }
0x62: {  	_ =	shalt  }
0x63: {  	_ =	shalt  }
0x64: {  	_ =	shalt  }
0x65: {  	_ =	shalt  }
0x66: {  	_ =	shalt  }
0x67: {  	_ =	shalt  }
0x68: {  	_ =	shalt  }
0x69: {  	_ =	shalt  }
0x6a: {  	_ =	shalt  }
0x6b: {  	_ =	shalt  }
0x6c: {  	_ =	shalt  }
0x6d: {  	_ =	shalt  }
0x6e: {  	_ =	shalt  }
0x6f: {  	_ =	shalt  }
0x70: {  	_ =	shalt  }
0x71: {  	_ =	shalt  }
0x72: {  	_ =	shalt  }
0x73: {  	_ =	shalt  }
0x74: {  	_ =	shalt  }
0x75: {  	_ =	shalt  }
0x76: {  	_ =	shalt  }
0x77: {  	_ =	shalt  }
0x78: {  	_ =	shalt  }
0x79: {  	_ =	shalt  }
0x7a: {  	_ =	shalt  }
0x7b: {  	_ =	shalt  }
0x7c: {  	_ =	shalt  }
0x7d: {  	_ =	shalt  }
0x7e: {  	_ =	shalt  }
0x7f: {  	_ =	shalt  }
0x80: {  	_ =	shalt  }
0x81: {  	_ =	shalt  }
0x82: {  	_ =	shalt  }
0x83: {  	_ =	shalt  }
0x84: {  	_ =	shalt  }
0x85: {  	_ =	shalt  }
0x86: {  	_ =	shalt  }
0x87: {  	_ =	shalt  }
.Lfunc_end0:
.L_simem_size_0:
called_computation.5_lowered:
.L_overlay_start_0:
0x88: {  	s2 =	sld [smem:$0x3FD9]  }
0x89: {  	s3 =	sld [smem:$0x3FFE];
	_ =	sdelay $0x1  }
0x8a: {  	s1 =	srdreg.scid  }
0x8b: {  	s0 =	sand.u32 $0x1, s1  }
0x8c: {  	s16 =	sshll.u32 s0, $0xA;
	s2 =	sadd.s32 s3, s2  }
0x8d: {  	s2 =	sadd.s32 s2, s16  }
0x8e: {  	[smem:$0x3FB9] =	sst s2  }
0x8f: {  	_ = 	snop  }
0x90: {  	(tm) =	ssettm $0x1  }
0x91: {  	s17 =	sld [smem:$0x3FFB];
	_ =	sdelay $0x3  }
0x92: {  	_ =	strace s17  }
0x93: {  	s2 =	sld [smem:$0x3FFC];
	_ =	sdelay $0x3  }
0x94: {  	_ =	strace s2  }
0x95: {  	s2 =	sld [smem:$0x3FFD];
	_ =	sdelay $0x3  }
0x96: {  	_ =	strace s2  }
0x97: {  	_ =	strace $0x8FFFFFFF  }
0x98: {  	s18 =	sld [smem:$0x3FDB];
	_ =	sdelay $0x1  }
0x99: {  	s19 =	simm.s32 $_scs_section_size  }
0x9a: {  	s4 =	simm.s32 $_size__tile_overlayer_lowered;
	s5 =	simm.s32 $_tile_overlayer_lowered  }
0x9b: {  	s22 =	simm.s32 $0x1BFF;
	s21 =	sshll.u32 s5, $0x1;
	s2 =	sadd.s32 s19, s18  }
0x9c: {  	s6 =	simm.s32 $0x0;
	s20 =	sshll.u32 s4, $0x1;
	s4 =	sadd.s32 s21, s2  }
0x9d: {  	[timem:s6], [sflag:s22] =	dma.local [hbm:s4], s20  }
0x9e: {  	_ =	swait.ge [sflag:s22], s20  }
0x9f: {  	s3 =	ssub.s32 $0x0, s20;
	[sflag:s22] =	ssyncset.done $0x0  }
0xa0: {  	[sflag:s22] =	ssyncadd.s32 s3;
	_ =	sdelay $0x1  }
0xa1: {  	s23 =	simm.s32 $0x1B8B  }
0xa2: {  	_ =	swait.ge [sflag:s23], $0x1  }
0xa3: {  	[sflag:s23] =	ssyncset.done $0x0  }
0xa4: {  	s25 =	simm.s32 $0x1B8E;
	s24 =	sld [smem:$0x3FFE];
	[sflag:s23] =	ssyncadd.s32 $0xFFFFFFFF  }
0xa5: {  	s26 =	simm.s32 $execute0_lowered;
	[smem:$0x3FD2] =	sst s25  }
0xa6: {  	s4 =	sshll.u32 s26, $0x1;
	_ =	strace $0x80000055;
	[dreg:$0x1] =	wrdreg $0xFFFFFFFF  }
0xa7: {  	s28 =	simm.s32 $_size_execute0_lowered;
	s2 =	sadd.s32 s2, s4;
	[dreg:$0x0] =	wrdreg $0x0  }
0xa8: {  	s4 =	sshll.u32 s28, $0x1;
	[dreg:$0x2] =	wrdreg s2  }
0xa9: {  	[dreg:$0x3] =	wrdreg s4  }
0xaa: {  	[dreg:$0x4] =	wrdreg $0xC0  }
0xab: {  	_ =	task [dreg:s6], $0x5FFFF  }
0xac: {  	[dreg:$0x1] =	wrdreg $0xFFFFFFFF  }
0xad: {  	[dreg:$0x0] =	wrdreg $0x60  }
0xae: {  	[dreg:$0x2] =	wrdreg s24  }
0xaf: {  	[dreg:$0x3] =	wrdreg $0x0  }
0xb0: {  	[dreg:$0x4] =	wrdreg $0x9  }
0xb1: {  	_ =	task.clear_ibuf [dreg:s6], $0x5FFFF;
	_ =	strace $0x90000055  }
0xb2: {  	s29 =	simm.s32 $0x9;
	_ =	strace $0x80000057  }
0xb3: {  	_ =	swait.ge [sflag:s29], $0x1  }
0xb4: {  	[sflag:s29] =	ssyncadd.s32 $0xFFFFFFFF  }
0xb5: {  	_ =	strace $0x90000057  }
0xb6: {  	_ =	sfence  }
0xb7: {  	s30 =	sld [smem:$0x0];
	_ =	sdelay $0x2  }
0xb8: {  	s31 =	sshll.u32 s1, $0xD;
	s1 =	sshrl.u32 s1, $0x2  }
0xb9: {  	s3 =	sand.u32 $0x4000, s31;
	s1 =	sadd.s32 s1, s30  }
0xba: {  	s0 =	sor.u32 s3, s0;
	s1 =	sshll.u32 s1, $0x11  }
0xbb: {  	s0 =	sor.u32 s1, s0  }
0xbc: {  	s0 =	sadd.s32 $0x8F2B, s0  }
0xbd: {  	[sflag:s0] =	ssyncadd.remote.s32 $0x1  }
0xbe: {  	_ =	sfence.sel $0xFFFF  }
0xbf: {  	[dreg:$0x0] =	wrdreg $0xFFFFFFFF;
	(pc) =	sbr.abs _section_cstart, $3  }
0xc0: {  	[dreg:$0x1] =	wrdreg $0xFFFFFFFF  }
0xc1: {  	_ =	task.clear_ibuf [dreg:s6], $0x2FFFF;
	_ =	strace $0x9FFFFFFF  }
0xc2: {  	(tm) =	ssettm $0x7FFFFFFF  }
0xc3: {  	_ =	shalt  }
tec
execute0_lowered:
.L_overlay_start_1:
0x0: {  	(tag) =	ssettag $0x1  }
0x1: {  	s0 =	rddreg [dreg:$0x0]  }
0x2: {  	s1 =	rddreg [dreg:$0x1];
	s2 =	simm.s32 $0x0  }
0x3: {  	s3 =	srdreg.scid;
	s13 =	stileid.u32;
	s14 =	simm.s32 $0x7E000  }
0x4: {  	s28 =	simm.s32 $0x1;
	s29 =	simm.s32 $0x2;
	s30 =	simm.s32 $0x4  }
0x5: {  	s31 =	simm.s32 $0x0;
	[smem:$0x7FF] =	sst s2;
	s4 =	sadd.s32 $0x10600, s0  }
0x6: {  	s3 =	sand.u32 $0x1, s3;
	s5 =	sadd.s32 $0x56000, s0;
	s9 =	smul.u32 $0x50000, s13  }
0x7: {  	s6 =	sadd.s32 $0x6800, s0;
	s7 =	sadd.s32 $0x4C200, s0;
	s11 =	smul.u32 $0x280, s13  }
0x8: {  	s15 =	smul.u32 $0x2800, s13;
	_ =	strace $0x80000056;
	s8 =	ssub.s32 $0x2, s3  }
0x9: {  	s12 =	sshll.u32 s3, $0x4;
	p0 =	seq.s32 s3, $0x0;
	s10 =	sshrl.u32 s8, $0x1  }
0xa: {  	s9 =	sshrl.u32 s9, $0x2;
	s20 =	sor.u32 s13, s12;
	s21 =	sadd.s32 $0x80, s11  }
0xb: {  	s23 =	sadd.s32 $0x100, s11;
	s25 =	sadd.s32 $0x180, s11;
	s11 =	sadd.s32 $0x200, s11  }
0xc: {  	s14 =	simm.s32 @!p0 $0xA6000;
	s10 =	ssub.s32 s8, s10;
	s8 =	sadd.s32 s9, s1  }
0xd: {  	s9 =	smul.u32 $0x4F, s20;
	s22 =	sshll.u32 s21, $0x7;
	s24 =	sshll.u32 s23, $0x7  }
0xe: {  	s3 =	sshll.u32 s21, $0x4;
	s12 =	sshll.u32 s23, $0x4;
	s26 =	sshll.u32 s25, $0x7  }
0xf: {  	s16 =	sshll.u32 s11, $0x7;
	s0 =	sadd.s32 s14, s0;
	s11 =	sshll.u32 s11, $0x4  }
0x10: {  	s20 =	simm.s32 $0x1C100;
	s21 =	simm.s32 $0x3;
	s23 =	simm.s32 $0x14080  }
0x11: {  	s10 =	smax.u32 s10, $0x1;
	s13 =	sadd.s32 s26, s1;
	s14 =	sadd.s32 s16, s1  }
0x12: {  	s15 =	sadd.s32 s0, s15;
	s16 =	sadd.s32 s0, s3;
	s17 =	sadd.s32 s0, s12  }
0x13: {  	s19 =	sadd.s32 s0, s11;
	[dreg:$0x3] =	wrdreg s10;
	s10 =	sadd.s32 s22, s1  }
0x14: {  	s26 =	simm.s32 $0x18100;
	[dreg:$0x4] =	wrdreg s10;
	s10 =	sadd.s32 s24, s1  }
0x15: {  	s22 =	simm.s32 $0x14000;
	[dreg:$0x5] =	wrdreg s10;
	s10 =	sshll.u32 s25, $0x4  }
0x16: {  	v0 =	vimm.f32 $0.0e+00;
	s24 =	simm.s32 $0x80;
	s25 =	simm.s32 $0x14100;
	s18 =	sadd.s32 s0, s10  }
.LBB2_1:
0x17: {  	s0 =	simm.s32 $0x0;
	s3 =	simm.s32 $0x200  }
.LBB2_2:
0x18: {  	p1 =	sne.s32 s3, $0x1E00;
	[tilespmem:s0+$0x1C170] =	vst v0  }
0x19: {  	[tilespmem:s0+$0x1C100] =	vst v0  }
0x1a: {  	[tilespmem:s0+$0x1C110] =	vst v0  }
.Ltmp0:
0x1b: {  	[tilespmem:s0+$0x1C120] =	vst v0;
	(pc) =	sbr.rel @p1 .LBB2_2-.Ltmp0, $4  }
0x1c: {  	[tilespmem:s0+$0x1C130] =	vst v0  }
0x1d: {  	[tilespmem:s0+$0x1C140] =	vst v0  }
0x1e: {  	[tilespmem:s0+$0x1C150] =	vst v0  }
0x1f: {  	[tilespmem:s0+$0x1C160] =	vst v0;
	s0 =	sshra.s32 s3, $0x2;
	s3 =	sadd.s32 $0x200, s3  }
0x20: {  	[tilespmem:s0+$0x1C170] =	vst v0  }
0x21: {  	[tilespmem:s0+$0x1C100] =	vst v0  }
0x22: {  	[tilespmem:s0+$0x1C110] =	vst v0  }
0x23: {  	[tilespmem:s0+$0x1C120] =	vst v0  }
0x24: {  	[tilespmem:s0+$0x1C130] =	vst v0  }
0x25: {  	[tilespmem:s0+$0x1C140] =	vst v0  }
0x26: {  	[tilespmem:s0+$0x1C150] =	vst v0  }
0x27: {  	[tilespmem:s0+$0x1C160] =	vst v0;
	s12 =	sadd.s32 $0x0, s8  }
0x28: {  	[spmem:s12] =	stream.linear.scatter [tilespmem:s20], [sflag:$0x3], $0x800, $0x38;
	[tilespmem:$0x1C900] =	vst v63  }
0x29: {  	s0 =	simm.s32 $0x2000;
	_ =	swait.ge [sflag:s21], $0x800  }
.LBB2_4:
0x2a: {  	s3 =	sshra.s32 s0, $0x2;
	[sflag:s21] =	ssyncset.done $0x0;
	p1 =	sne.s32 s0, $0x4E000  }
.Ltmp1:
0x2b: {  	s3 =	sadd.s32 s3, s8;
	[sflag:s21] =	ssyncadd.s32 $0xFFFFF800;
	(pc) =	sbr.rel @p1 .LBB2_4-.Ltmp1, $3  }
0x2c: {  	[spmem:s3] =	stream.linear.scatter [tilespmem:s20], [sflag:$0x3], $0x800, $0x38;
	[tilespmem:$0x1C900] =	vst v63  }
0x2d: {  	s0 =	sadd.s32 $0x2000, s0;
	_ =	sdelay $0x1  }
0x2e: {  	_ =	swait.ge [sflag:s21], $0x800  }
0x2f: {  	[sflag:s21] =	ssyncset.done $0x0  }
0x30: {  	[sflag:s21] =	ssyncadd.s32 $0xFFFFF800  }
0x31: {  	s0 =	simm.s32 $0x0;
	s3 =	simm.s32 $0x0;
	[bflag:$0x0] =	sbarrier.arrive $0xFFFF  }
.LBB2_6:
0x32: {  	s10 =	sadd.s32 s9, s3  }
0x33: {  	s10 =	sshll.u32 s10, $0x4  }
0x34: {  	s11 =	sadd.s32 s6, s10  }
0x35: {  	[tilespmem:s22], [sflag:$0x3] =	stream.linear.gather [hbm4b:s11+s0], $0x80, $0x38;
	[tilespmem:$0x1C900] =	vst v63  }
0x36: {  	_ =	swait.ge [sflag:s21], $0x80  }
0x37: {  	[sflag:s21] =	ssyncset.done $0x0  }
0x38: {  	s10 =	sadd.s32 s7, s10;
	[sflag:s21] =	ssyncadd.s32 $0xFFFFFF80  }
0x39: {  	[tilespmem:s23], [sflag:$0x3] =	stream.linear.gather [hbm4b:s10+s0], $0x80, $0x38;
	[tilespmem:$0x1C900] =	vst v63  }
0x3a: {  	_ =	swait.ge [sflag:s21], $0x80  }
0x3b: {  	[sflag:s21] =	ssyncset.done $0x0  }
0x3c: {  	[sflag:s21] =	ssyncadd.s32 $0xFFFFFF80  }
0x3d: {  	[tilespmem:s25], [sflag:$0x1] =	stream.indirect.gather [hbm4b:s4+s24], $0x80, s22, s24, $0xb8;
	[tilespmem:$0x1C900] =	vst v63  }
0x3e: {  	_ = 	snop  }
0x3f: {  	[tilespmem:s26], [sflag:$0x2] =	stream.indirect.gather [hbm4b:s5+s24], $0x80, s23, s24, $0xb8;
	[tilespmem:$0x1C900] =	vst v63  }
0x40: {  	_ =	swait.ge [sflag:s28], $0x4000  }
0x41: {  	[sflag:s28] =	ssyncset.done $0x0  }
0x42: {  	[sflag:s28] =	ssyncadd.s32 $0xFFFFC000  }
0x43: {  	_ =	swait.ge [sflag:s29], $0x4000  }
0x44: {  	[sflag:s29] =	ssyncset.done $0x0  }
0x45: {  	s10 =	simm.s32 $0x0;
	[sflag:s29] =	ssyncadd.s32 $0xFFFFC000  }
0x46: {  	v1 =	vld [tilespmem:s10+$0x18100]  }
0x47: {  	v2 =	vld [tilespmem:s10+$0x14100]  }
0x48: {  	v3 =	vld [tilespmem:s10+$0x14130]  }
0x49: {  	v4 =	vld [tilespmem:s10+$0x18130]  }
0x4a: {  	v5 =	vld [tilespmem:s10+$0x14120]  }
0x4b: {  	v7 =	vld [tilespmem:s10+$0x18110]  }
0x4c: {  	v1 =	vadd.f32 v1, v2;
	v2 =	vld [tilespmem:s10+$0x18120]  }
0x4d: {  	v8 =	vld [tilespmem:s10+$0x18150]  }
0x4e: {  	v11 =	vld [tilespmem:s10+$0x18140];
	v6 =	vmin.f32 v1, $0.0e+00  }
0x4f: {  	v9 =	vadd.f32 v4, v3;
	v3 =	vld [tilespmem:s10+$0x14150];
	v6 =	vmax.f32 v6, $-1.750000000e+01  }
0x50: {  	v15 =	vmul.f32 $3.125000000e-02, v6;
	v6 =	vld [tilespmem:s10+$0x14110]  }
0x51: {  	v16 =	vld [tilespmem:s10+$0x14140];
	v10 =	vadd.f32 v2, v5;
	v2 =	vmin.f32 v9, $0.0e+00  }
0x52: {  	v13 =	vld [tilespmem:s10+$0x18160];
	v4 =	vmul.f32 $2.480158760e-05, v15;
	v2 =	vmax.f32 v2, $-1.750000000e+01  }
0x53: {  	v18 =	vld [tilespmem:s10+$0x14160];
	v17 =	vmin.f32 v10, $0.0e+00;
	v14 =	vmul.f32 $3.125000000e-02, v2  }
0x54: {  	v5 =	vadd.f32 $1.984127010e-04, v4;
	v4 =	vmul.f32 $1.050701020e+00, v9;
	v2 =	vmax.f32 v17, $-1.750000000e+01  }
0x55: {  	v12 =	vadd.f32 v7, v6;
	v17 =	vmul.f32 $3.125000000e-02, v2;
	v2 =	vadd.f32 v8, v3  }
0x56: {  	v11 =	vadd.f32 v11, v16;
	v3 =	vmul.f32 $2.480158760e-05, v14;
	v6 =	vmul.f32 v5, v15  }
0x57: {  	v8 =	vmin.f32 v12, $0.0e+00;
	v19 =	vmul.f32 $2.480158760e-05, v17;
	v20 =	vmin.f32 v2, $0.0e+00  }
0x58: {  	v46 =	vadd.f32 $1.984127010e-04, v3;
	v3 =	vadd.f32 v13, v18;
	v18 =	vmin.f32 v11, $0.0e+00  }
0x59: {  	v6 =	vadd.f32 $1.388888920e-03, v6;
	v16 =	vmax.f32 v20, $-1.750000000e+01;
	v18 =	vmax.f32 v18, $-1.750000000e+01  }
0x5a: {  	v8 =	vmax.f32 v8, $-1.750000000e+01;
	v13 =	vmul.f32 $3.125000000e-02, v16;
	v16 =	vadd.f32 $1.984127010e-04, v19  }
0x5b: {  	v19 =	vmin.f32 v3, $0.0e+00;
	v20 =	vmul.f32 v46, v14;
	v23 =	vmul.f32 $3.125000000e-02, v8  }
0x5c: {  	v18 =	vmul.f32 $3.125000000e-02, v18;
	v6 =	vmul.f32 v6, v15;
	v19 =	vmax.f32 v19, $-1.750000000e+01  }
0x5d: {  	v21 =	vmul.f32 $2.480158760e-05, v13;
	v16 =	vmul.f32 v16, v17;
	v20 =	vadd.f32 $1.388888920e-03, v20  }
0x5e: {  	v24 =	vmul.f32 $2.480158760e-05, v23;
	v19 =	vmul.f32 $3.125000000e-02, v19;
	v6 =	vadd.f32 $8.333333770e-03, v6  }
0x5f: {  	v26 =	vmul.f32 $2.480158760e-05, v18;
	v21 =	vadd.f32 $1.984127010e-04, v21;
	v16 =	vadd.f32 $1.388888920e-03, v16  }
0x60: {  	v22 =	vld [tilespmem:s10+$0x18170];
	v24 =	vadd.f32 $1.984127010e-04, v24;
	v27 =	vmul.f32 $2.480158760e-05, v19;
	v20 =	vmul.f32 v20, v14  }
0x61: {  	v8 =	vld [tilespmem:s10+$0x14170];
	v48 =	vadd.f32 $1.984127010e-04, v26;
	v6 =	vmul.f32 v6, v15;
	v21 =	vmul.f32 v21, v13  }
0x62: {  	v47 =	vmul.f32 v24, v23;
	v16 =	vmul.f32 v16, v17  }
0x63: {  	v49 =	vadd.f32 $1.984127010e-04, v27;
	v24 =	vmul.f32 v48, v18;
	v20 =	vadd.f32 $8.333333770e-03, v20  }
0x64: {  	v5 =	vmul.f32 $1.050701020e+00, v10;
	v6 =	vadd.f32 $4.166666790e-02, v6;
	v21 =	vadd.f32 $1.388888920e-03, v21  }
0x65: {  	v7 =	vmul.f32 $1.050701020e+00, v12;
	v16 =	vadd.f32 $8.333333770e-03, v16;
	v24 =	vadd.f32 $1.388888920e-03, v24  }
0x66: {  	v20 =	vmul.f32 v20, v14;
	v25 =	vmul.f32 v6, v15;
	v6 =	vadd.f32 v22, v8  }
0x67: {  	v22 =	vadd.f32 $1.388888920e-03, v47;
	v21 =	vmul.f32 v21, v13;
	v24 =	vmul.f32 v24, v18  }
0x68: {  	v16 =	vmul.f32 v16, v17;
	v20 =	vadd.f32 $4.166666790e-02, v20;
	v8 =	vadd.f32 $1.666666720e-01, v25  }
0x69: {  	v25 =	vmul.f32 v49, v19;
	v22 =	vmul.f32 v22, v23;
	v21 =	vadd.f32 $8.333333770e-03, v21  }
0x6a: {  	v50 =	vmin.f32 v6, $0.0e+00;
	v24 =	vadd.f32 $8.333333770e-03, v24;
	v16 =	vadd.f32 $4.166666790e-02, v16  }
0x6b: {  	v20 =	vmul.f32 v20, v14;
	v8 =	vmul.f32 v8, v15;
	v25 =	vadd.f32 $1.388888920e-03, v25  }
0x6c: {  	v22 =	vadd.f32 $8.333333770e-03, v22;
	v21 =	vmul.f32 v21, v13;
	v24 =	vmul.f32 v24, v18  }
0x6d: {  	v16 =	vmul.f32 v16, v17;
	v20 =	vadd.f32 $1.666666720e-01, v20;
	v8 =	vadd.f32 $5.000000000e-01, v8  }
0x6e: {  	v25 =	vmul.f32 v25, v19;
	v22 =	vmul.f32 v22, v23;
	v21 =	vadd.f32 $4.166666790e-02, v21  }
0x6f: {  	v24 =	vadd.f32 $4.166666790e-02, v24;
	v16 =	vadd.f32 $1.666666720e-01, v16;
	v20 =	vmul.f32 v20, v14  }
0x70: {  	v51 =	vmul.f32 v8, v15;
	v8 =	vmax.f32 v50, $-1.750000000e+01;
	v22 =	vadd.f32 $4.166666790e-02, v22  }
0x71: {  	v25 =	vadd.f32 $8.333333770e-03, v25;
	v8 =	vmul.f32 $3.125000000e-02, v8;
	v21 =	vmul.f32 v21, v13  }
0x72: {  	v24 =	vmul.f32 v24, v18;
	v16 =	vmul.f32 v16, v17;
	v20 =	vadd.f32 $5.000000000e-01, v20  }
0x73: {  	v52 =	vadd.f32 $1.000000000e+00, v51;
	v22 =	vmul.f32 v22, v23;
	v25 =	vmul.f32 v25, v19  }
0x74: {  	v53 =	vmul.f32 $2.480158760e-05, v8;
	v24 =	vadd.f32 $1.666666720e-01, v24;
	v16 =	vadd.f32 $5.000000000e-01, v16  }
0x75: {  	v20 =	vmul.f32 v20, v14;
	v15 =	vmul.f32 v52, v15;
	v22 =	vadd.f32 $1.666666720e-01, v22  }
0x76: {  	v25 =	vadd.f32 $4.166666790e-02, v25;
	v26 =	vadd.f32 $1.984127010e-04, v53;
	v24 =	vmul.f32 v24, v18  }
0x77: {  	v16 =	vmul.f32 v16, v17;
	v20 =	vadd.f32 $1.000000000e+00, v20;
	v22 =	vmul.f32 v22, v23  }
0x78: {  	v25 =	vmul.f32 v25, v19;
	v15 =	vadd.f32 $1.000000000e+00, v15;
	v26 =	vmul.f32 v26, v8  }
0x79: {  	v24 =	vadd.f32 $5.000000000e-01, v24;
	v16 =	vadd.f32 $1.000000000e+00, v16;
	v20 =	vmul.f32 v20, v14  }
0x7a: {  	v14 =	vmul.f32 $1.050701020e+00, v11;
	v22 =	vadd.f32 $5.000000000e-01, v22;
	v25 =	vadd.f32 $1.666666720e-01, v25  }
0x7b: {  	v58 =	vmul.f32 v15, v15;
	v26 =	vadd.f32 $1.388888920e-03, v26;
	v24 =	vmul.f32 v24, v18  }
0x7c: {  	v16 =	vmul.f32 v16, v17;
	v17 =	vadd.f32 $1.666666720e-01, v21;
	v22 =	vmul.f32 v22, v23  }
0x7d: {  	v20 =	vadd.f32 $1.000000000e+00, v20;
	v25 =	vmul.f32 v25, v19;
	v26 =	vmul.f32 v26, v8  }
0x7e: {  	v54 =	vadd.f32 $1.000000000e+00, v24;
	v16 =	vadd.f32 $1.000000000e+00, v16;
	v17 =	vmul.f32 v17, v13  }
0x7f: {  	v20 =	vmul.f32 v20, v20;
	v22 =	vadd.f32 $1.000000000e+00, v22;
	v26 =	vadd.f32 $8.333333770e-03, v26  }
0x80: {  	v57 =	vadd.f32 $5.000000000e-01, v25;
	v18 =	vmul.f32 v54, v18;
	v16 =	vmul.f32 v16, v16  }
0x81: {  	v17 =	vadd.f32 $5.000000000e-01, v17;
	v56 =	vmul.f32 v22, v23;
	v26 =	vmul.f32 v26, v8  }
0x82: {  	v20 =	vmul.f32 v20, v20;
	v59 =	vmul.f32 v57, v19;
	v15 =	vadd.f32 $1.000000000e+00, v18  }
0x83: {  	v16 =	vmul.f32 v16, v16;
	v18 =	vadd.f32 $1.000000000e+00, v56;
	v26 =	vadd.f32 $4.166666790e-02, v26  }
0x84: {  	v17 =	vmul.f32 v17, v13;
	v21 =	vadd.f32 $1.000000000e+00, v59;
	v15 =	vmul.f32 v15, v15  }
0x85: {  	v18 =	vmul.f32 v18, v18;
	v55 =	vmul.f32 v26, v8  }
0x86: {  	v16 =	vmul.f32 v16, v16;
	v17 =	vadd.f32 $1.000000000e+00, v17;
	v19 =	vmul.f32 v21, v19  }
0x87: {  	v15 =	vmul.f32 v15, v15;
	v18 =	vmul.f32 v18, v18;
	v60 =	vadd.f32 $1.666666720e-01, v55  }
0x88: {  	v13 =	vmul.f32 v17, v13;
	v17 =	vadd.f32 $1.000000000e+00, v19;
	v19 =	vmul.f32 v20, v20  }
0x89: {  	v18 =	vmul.f32 v18, v18;
	v61 =	vmul.f32 v60, v8  }
0x8a: {  	vm2 =	vgt.f32 v9, $0.0e+00;
	v63 =	vmul.f32 v16, v16;
	v15 =	vmul.f32 v15, v15  }
0x8b: {  	v19 =	vmul.f32 v19, v19;
	v18 =	vmul.f32 v18, v18;
	v62 =	vadd.f32 $5.000000000e-01, v61  }
0x8c: {  	vm0 =	vgt.f32 v12, $0.0e+00;
	v12 =	vmul.f32 v15, v15;
	v15 =	vmul.f32 v17, v17  }
0x8d: {  	vm1 =	vgt.f32 v10, $0.0e+00;
	v17 =	vmul.f32 v18, v18;
	v18 =	vmul.f32 v62, v8  }
0x8e: {  	v13 =	vadd.f32 $1.000000000e+00, v13;
	v16 =	vmul.f32 v12, v12;
	v10 =	vmul.f32 v15, v15  }
0x8f: {  	v15 =	vmul.f32 v19, v19;
	v12 =	vadd.f32 $1.000000000e+00, v18;
	v18 =	vmul.f32 $1.758099320e+00, v17  }
0x90: {  	vm3 =	vgt.f32 v11, $0.0e+00;
	v9 =	vmul.f32 $1.758099320e+00, v16;
	v16 =	vmul.f32 v13, v13  }
0x91: {  	s11 =	simm.s32 $0x200;
	v13 =	vmul.f32 v63, v63;
	v17 =	vmul.f32 v58, v58;
	v11 =	vadd.f32 $-1.758099320e+00, v18  }
.LBB2_7:
0x92: {  	s12 =	sshra.s32 s11, $0x2;
	p1 =	sne.s32 s11, $0xFE00;
	s11 =	sadd.s32 $0x200, s11;
	v15 =	vmul.f32 $1.758099320e+00, v15;
	v9 =	vadd.f32 $-1.758099320e+00, v9;
	v18 =	vmul.f32 v16, v16  }
0x93: {  	v16 =	vld [tilespmem:s12+$0x18170];
	v17 =	vmul.f32 v17, v17;
	v7 =	vsel vm0, v7, v11;
	v11 =	vmul.f32 $1.758099320e+00, v13  }
0x94: {  	v13 =	vld [tilespmem:s12+$0x18110];
	[tilespmem:s10+$0x14110] =	vst v7;
	v7 =	vadd.f32 $-1.758099320e+00, v15;
	v9 =	vsel vm3, v14, v9;
	v14 =	vmul.f32 v18, v18  }
0x95: {  	v15 =	vld [tilespmem:s12+$0x18100];
	v17 =	vmul.f32 v17, v17;
	v11 =	vadd.f32 $-1.758099320e+00, v11;
	[tilespmem:s10+$0x14140] =	vst v9;
	v9 =	vmul.f32 v10, v10  }
0x96: {  	v8 =	vmul.f32 v12, v8;
	v4 =	vsel vm2, v4, v7;
	v7 =	vmul.f32 v14, v14  }
0x97: {  	v10 =	vld [tilespmem:s12+$0x18120];
	v12 =	vmul.f32 v17, v17;
	v5 =	vsel vm1, v5, v11;
	[tilespmem:s10+$0x14130] =	vst v4;
	v4 =	vmul.f32 v9, v9  }
0x98: {  	v11 =	vmul.f32 $1.050701020e+00, v1;
	v9 =	vld [tilespmem:s12+$0x14130];
	[tilespmem:s10+$0x14120] =	vst v5;
	v5 =	vmul.f32 v7, v7;
	v7 =	vadd.f32 $1.000000000e+00, v8  }
0x99: {  	vm0 =	vgt.f32 v2, $0.0e+00;
	v8 =	vld [tilespmem:s12+$0x18130];
	v12 =	vmul.f32 $1.758099320e+00, v12;
	v4 =	vmul.f32 v4, v4  }
0x9a: {  	vm1 =	vgt.f32 v1, $0.0e+00;
	v17 =	vld [tilespmem:s12+$0x18160];
	v1 =	vmul.f32 $1.758099320e+00, v5;
	v5 =	vmul.f32 v7, v7  }
0x9b: {  	vm2 =	vgt.f32 v3, $0.0e+00;
	v7 =	vld [tilespmem:s12+$0x14120];
	v12 =	vadd.f32 $-1.758099320e+00, v12;
	v4 =	vmul.f32 $1.758099320e+00, v4  }
0x9c: {  	v2 =	vmul.f32 $1.050701020e+00, v2;
	v18 =	vld [tilespmem:s12+$0x18140];
	v1 =	vadd.f32 $-1.758099320e+00, v1;
	v5 =	vmul.f32 v5, v5  }
0x9d: {  	v3 =	vmul.f32 $1.050701020e+00, v3;
	v19 =	vld [tilespmem:s12+$0x18150];
	v11 =	vsel vm1, v11, v12;
	v4 =	vadd.f32 $-1.758099320e+00, v4  }
0x9e: {  	v14 =	vld [tilespmem:s12+$0x14110];
	v9 =	vadd.f32 v8, v9;
	[tilespmem:s10+$0x14100] =	vst v11;
	v1 =	vsel vm0, v2, v1;
	v2 =	vmul.f32 v5, v5  }
0x9f: {  	vm0 =	vgt.f32 v6, $0.0e+00;
	v8 =	vld [tilespmem:s12+$0x14100];
	[tilespmem:s10+$0x14150] =	vst v1;
	v1 =	vsel vm2, v3, v4  }
0xa0: {  	v10 =	vadd.f32 v10, v7;
	v3 =	vmin.f32 v9, $0.0e+00;
	v11 =	vld [tilespmem:s12+$0x14150];
	[tilespmem:s10+$0x14160] =	vst v1;
	v1 =	vmul.f32 v2, v2  }
0xa1: {  	v6 =	vmul.f32 $1.050701020e+00, v6;
	v4 =	vmul.f32 $1.050701020e+00, v9;
	v2 =	vmax.f32 v3, $-1.750000000e+01;
	v3 =	vld [tilespmem:s12+$0x14140]  }
0xa2: {  	v5 =	vmin.f32 v10, $0.0e+00;
	v12 =	vmul.f32 $3.125000000e-02, v2;
	v20 =	vld [tilespmem:s12+$0x14160];
	v21 =	vmul.f32 v1, v1  }
0xa3: {  	v22 =	vadd.f32 v13, v14;
	v2 =	vmax.f32 v5, $-1.750000000e+01;
	v5 =	vmul.f32 $1.050701020e+00, v10  }
0xa4: {  	v1 =	vadd.f32 v15, v8;
	v14 =	vmul.f32 $3.125000000e-02, v2;
	v8 =	vmul.f32 $2.480158760e-05, v12  }
0xa5: {  	v15 =	vmin.f32 v22, $0.0e+00;
	v7 =	vmul.f32 $1.050701020e+00, v22;
	v2 =	vadd.f32 v19, v11  }
0xa6: {  	v19 =	vmul.f32 $1.758099320e+00, v21;
	v11 =	vmin.f32 v1, $0.0e+00;
	v13 =	vmul.f32 $2.480158760e-05, v14  }
0xa7: {  	v21 =	vmax.f32 v11, $-1.750000000e+01;
	v11 =	vadd.f32 v18, v3;
	v3 =	vmin.f32 v2, $0.0e+00  }
0xa8: {  	v8 =	vadd.f32 $1.984127010e-04, v8;
	v18 =	vmax.f32 v3, $-1.750000000e+01;
	v3 =	vadd.f32 v17, v20  }
0xa9: {  	v17 =	vadd.f32 $1.984127010e-04, v13;
	v20 =	vmin.f32 v11, $0.0e+00;
	v13 =	vmul.f32 $3.125000000e-02, v18  }
0xaa: {  	v19 =	vadd.f32 $-1.758099320e+00, v19;
	v18 =	vmul.f32 $3.125000000e-02, v21;
	v21 =	vmin.f32 v3, $0.0e+00  }
0xab: {  	v8 =	vmul.f32 v8, v12;
	v20 =	vmax.f32 v20, $-1.750000000e+01;
	v23 =	vmul.f32 $2.480158760e-05, v13  }
0xac: {  	v6 =	vsel vm0, v6, v19;
	v25 =	vmul.f32 v17, v14;
	v24 =	vmul.f32 $2.480158760e-05, v18  }
0xad: {  	v15 =	vmax.f32 v15, $-1.750000000e+01;
	v8 =	vadd.f32 $1.388888920e-03, v8;
	v23 =	vadd.f32 $1.984127010e-04, v23;
	[tilespmem:s10+$0x14170] =	vst v6;
	s10 =	smov.u32 s12  }
0xae: {  	v17 =	vmul.f32 $3.125000000e-02, v15;
	v15 =	vmax.f32 v21, $-1.750000000e+01;
	v6 =	vadd.f32 $1.984127010e-04, v24;
	v21 =	vld [tilespmem:s10+$0x14170]  }
0xaf: {  	v19 =	vmul.f32 $3.125000000e-02, v20;
	v8 =	vmul.f32 v8, v12;
	v24 =	vadd.f32 $1.388888920e-03, v25  }
0xb0: {  	vm0 =	vgt.f32 v22, $0.0e+00;
	v20 =	vmul.f32 $2.480158760e-05, v17;
	v22 =	vmul.f32 v23, v13  }
0xb1: {  	v15 =	vmul.f32 $3.125000000e-02, v15;
	v6 =	vmul.f32 v6, v18  }
0xb2: {  	v20 =	vadd.f32 $1.984127010e-04, v20;
	v23 =	vmul.f32 $2.480158760e-05, v19;
	v22 =	vadd.f32 $1.388888920e-03, v22  }
0xb3: {  	v26 =	vmul.f32 $2.480158760e-05, v15;
	v25 =	vadd.f32 $1.388888920e-03, v6;
	v6 =	vadd.f32 v16, v21  }
0xb4: {  	v16 =	vmul.f32 v20, v17;
	v20 =	vadd.f32 $1.984127010e-04, v23;
	v21 =	vmul.f32 v22, v13  }
0xb5: {  	v22 =	vmul.f32 v25, v18;
	v23 =	vmul.f32 v24, v14;
	v24 =	vadd.f32 $1.984127010e-04, v26  }
0xb6: {  	v16 =	vadd.f32 $1.388888920e-03, v16;
	v20 =	vmul.f32 v20, v19;
	v21 =	vadd.f32 $8.333333770e-03, v21  }
0xb7: {  	v22 =	vadd.f32 $8.333333770e-03, v22;
	v23 =	vadd.f32 $8.333333770e-03, v23;
	v24 =	vmul.f32 v24, v15  }
0xb8: {  	v25 =	vadd.f32 $8.333333770e-03, v8;
	v16 =	vmul.f32 v16, v17;
	v8 =	vmul.f32 v21, v13  }
0xb9: {  	v21 =	vmul.f32 v22, v18;
	v22 =	vadd.f32 $1.388888920e-03, v24;
	v24 =	vmin.f32 v6, $0.0e+00  }
0xba: {  	v20 =	vadd.f32 $1.388888920e-03, v20;
	v26 =	vadd.f32 $4.166666790e-02, v8;
	v8 =	vmax.f32 v24, $-1.750000000e+01  }
0xbb: {  	v23 =	vmul.f32 v23, v14;
	v21 =	vadd.f32 $4.166666790e-02, v21;
	v8 =	vmul.f32 $3.125000000e-02, v8  }
0xbc: {  	v16 =	vadd.f32 $8.333333770e-03, v16;
	v20 =	vmul.f32 v20, v19;
	v22 =	vmul.f32 v22, v15  }
0xbd: {  	v23 =	vadd.f32 $4.166666790e-02, v23;
	v21 =	vmul.f32 v21, v18;
	v24 =	vmul.f32 v26, v13  }
0xbe: {  	v16 =	vmul.f32 v16, v17;
	v20 =	vadd.f32 $8.333333770e-03, v20;
	v26 =	vmul.f32 $2.480158760e-05, v8  }
0xbf: {  	v23 =	vmul.f32 v23, v14;
	v22 =	vadd.f32 $8.333333770e-03, v22;
	v21 =	vadd.f32 $1.666666720e-01, v21  }
0xc0: {  	v25 =	vmul.f32 v25, v12;
	v20 =	vmul.f32 v20, v19;
	v26 =	vadd.f32 $1.984127010e-04, v26  }
0xc1: {  	v23 =	vadd.f32 $1.666666720e-01, v23;
	v22 =	vmul.f32 v22, v15;
	v21 =	vmul.f32 v21, v18  }
0xc2: {  	v16 =	vadd.f32 $4.166666790e-02, v16;
	v20 =	vadd.f32 $4.166666790e-02, v20;
	v26 =	vmul.f32 v26, v8  }
0xc3: {  	v25 =	vadd.f32 $4.166666790e-02, v25;
	v23 =	vmul.f32 v23, v14;
	v22 =	vadd.f32 $4.166666790e-02, v22  }
0xc4: {  	v21 =	vadd.f32 $5.000000000e-01, v21;
	v20 =	vmul.f32 v20, v19;
	v26 =	vadd.f32 $1.388888920e-03, v26  }
0xc5: {  	v25 =	vmul.f32 v25, v12;
	v16 =	vmul.f32 v16, v17;
	v23 =	vadd.f32 $5.000000000e-01, v23  }
0xc6: {  	v21 =	vmul.f32 v21, v18;
	v20 =	vadd.f32 $1.666666720e-01, v20;
	v26 =	vmul.f32 v26, v8  }
0xc7: {  	v25 =	vadd.f32 $1.666666720e-01, v25;
	v16 =	vadd.f32 $1.666666720e-01, v16;
	v23 =	vmul.f32 v23, v14  }
0xc8: {  	v22 =	vmul.f32 v22, v15;
	v20 =	vmul.f32 v20, v19;
	v26 =	vadd.f32 $8.333333770e-03, v26  }
0xc9: {  	v25 =	vmul.f32 v25, v12;
	v16 =	vmul.f32 v16, v17;
	v21 =	vadd.f32 $1.000000000e+00, v21  }
0xca: {  	v22 =	vadd.f32 $1.666666720e-01, v22;
	v20 =	vadd.f32 $5.000000000e-01, v20;
	v26 =	vmul.f32 v26, v8  }
0xcb: {  	v16 =	vadd.f32 $5.000000000e-01, v16;
	v18 =	vmul.f32 v21, v18;
	v21 =	vadd.f32 $1.000000000e+00, v23  }
0xcc: {  	v23 =	vadd.f32 $5.000000000e-01, v25;
	v20 =	vmul.f32 v20, v19;
	v25 =	vadd.f32 $4.166666790e-02, v26  }
0xcd: {  	v16 =	vmul.f32 v16, v17;
	v14 =	vmul.f32 v21, v14;
	v21 =	vadd.f32 $1.666666720e-01, v24  }
0xce: {  	v23 =	vmul.f32 v23, v12;
	v20 =	vadd.f32 $1.000000000e+00, v20;
	v24 =	vmul.f32 v25, v8  }
0xcf: {  	v22 =	vmul.f32 v22, v15;
	v18 =	vadd.f32 $1.000000000e+00, v18;
	v16 =	vadd.f32 $1.000000000e+00, v16  }
0xd0: {  	v14 =	vadd.f32 $1.000000000e+00, v14;
	v19 =	vmul.f32 v20, v19;
	v20 =	vadd.f32 $1.666666720e-01, v24  }
0xd1: {  	v22 =	vadd.f32 $5.000000000e-01, v22;
	v16 =	vmul.f32 v16, v17;
	v17 =	vadd.f32 $1.000000000e+00, v23  }
0xd2: {  	v18 =	vmul.f32 v18, v18;
	v21 =	vmul.f32 v21, v13;
	v19 =	vadd.f32 $1.000000000e+00, v19  }
0xd3: {  	v16 =	vadd.f32 $1.000000000e+00, v16;
	v12 =	vmul.f32 v17, v12;
	v17 =	vmul.f32 v22, v15  }
0xd4: {  	v22 =	vmul.f32 v14, v14;
	v14 =	vmul.f32 $1.050701020e+00, v11;
	v21 =	vadd.f32 $5.000000000e-01, v21  }
0xd5: {  	v16 =	vmul.f32 v16, v16;
	v12 =	vadd.f32 $1.000000000e+00, v12;
	v19 =	vmul.f32 v19, v19  }
0xd6: {  	v22 =	vmul.f32 v22, v22;
	v21 =	vmul.f32 v21, v13;
	v17 =	vadd.f32 $1.000000000e+00, v17  }
0xd7: {  	v12 =	vmul.f32 v12, v12;
	v19 =	vmul.f32 v19, v19  }
0xd8: {  	v16 =	vmul.f32 v16, v16;
	v15 =	vmul.f32 v17, v15  }
0xd9: {  	v20 =	vmul.f32 v20, v8;
	v17 =	vmul.f32 v22, v22;
	v21 =	vadd.f32 $1.000000000e+00, v21  }
0xda: {  	v16 =	vmul.f32 v16, v16;
	v12 =	vmul.f32 v12, v12  }
0xdb: {  	v13 =	vmul.f32 v21, v13;
	v15 =	vadd.f32 $1.000000000e+00, v15;
	v19 =	vmul.f32 v19, v19  }
0xdc: {  	v20 =	vadd.f32 $5.000000000e-01, v20;
	v16 =	vmul.f32 v16, v16;
	v12 =	vmul.f32 v12, v12  }
0xdd: {  	v13 =	vadd.f32 $1.000000000e+00, v13;
	v15 =	vmul.f32 v15, v15;
	v19 =	vmul.f32 v19, v19  }
0xde: {  	v20 =	vmul.f32 v20, v8;
	v16 =	vmul.f32 v16, v16  }
.Ltmp2:
0xdf: {  	vm1 =	vgt.f32 v10, $0.0e+00;
	v21 =	vmul.f32 v17, v17;
	v17 =	vmul.f32 v19, v19;
	(pc) =	sbr.rel @p1 .LBB2_7-.Ltmp2, $4  }
0xe0: {  	v10 =	vmul.f32 v15, v15;
	v19 =	vmul.f32 v12, v12;
	v12 =	vadd.f32 $1.000000000e+00, v20  }
0xe1: {  	vm2 =	vgt.f32 v9, $0.0e+00;
	v20 =	vmul.f32 $1.758099320e+00, v16;
	v9 =	vmul.f32 $1.758099320e+00, v17  }
0xe2: {  	vm3 =	vgt.f32 v11, $0.0e+00;
	v16 =	vmul.f32 v13, v13;
	v15 =	vmul.f32 v19, v19  }
0xe3: {  	v13 =	vmul.f32 v21, v21;
	v17 =	vmul.f32 v18, v18;
	v11 =	vadd.f32 $-1.758099320e+00, v20  }
0xe4: {  	v8 =	vmul.f32 v12, v8;
	_ =	sdelay $0x1  }
0xe5: {  	v50 =	vmul.f32 $1.758099320e+00, v15;
	v8 =	vadd.f32 $1.000000000e+00, v8  }
0xe6: {  	v51 =	vmul.f32 v16, v16;
	v10 =	vmul.f32 v10, v10  }
0xe7: {  	v57 =	vmul.f32 $1.050701020e+00, v1;
	v8 =	vmul.f32 v8, v8  }
0xe8: {  	vm12 =	vgt.f32 v2, $0.0e+00;
	v2 =	vmul.f32 $1.050701020e+00, v2;
	v52 =	vmul.f32 v17, v17  }
0xe9: {  	v9 =	vadd.f32 $-1.758099320e+00, v9;
	v54 =	vmul.f32 v51, v51;
	v8 =	vmul.f32 v8, v8  }
0xea: {  	vm13 =	vgt.f32 v1, $0.0e+00;
	v53 =	vmul.f32 $1.758099320e+00, v13;
	v55 =	vmul.f32 v52, v52  }
0xeb: {  	vm14 =	vgt.f32 v3, $0.0e+00;
	v13 =	vmul.f32 v54, v54;
	v8 =	vmul.f32 v8, v8  }
0xec: {  	v7 =	vsel vm0, v7, v11;
	v10 =	vmul.f32 v10, v10;
	v56 =	vmul.f32 v55, v55  }
0xed: {  	v12 =	vadd.f32 $-1.758099320e+00, v50;
	v58 =	vmul.f32 v13, v13;
	v8 =	vmul.f32 v8, v8  }
0xee: {  	v9 =	vsel vm3, v14, v9;
	v10 =	vmul.f32 v10, v10;
	v59 =	vmul.f32 $1.758099320e+00, v56  }
0xef: {  	[tilespmem:s10+$0x14110] =	vst v7;
	v11 =	vadd.f32 $-1.758099320e+00, v53;
	v1 =	vmul.f32 $1.758099320e+00, v58;
	v8 =	vmul.f32 v8, v8  }
0xf0: {  	[tilespmem:s10+$0x14140] =	vst v9;
	v4 =	vsel vm2, v4, v12;
	v61 =	vmul.f32 $1.758099320e+00, v10;
	v60 =	vadd.f32 $-1.758099320e+00, v59  }
0xf1: {  	v5 =	vsel vm1, v5, v11;
	[tilespmem:s10+$0x14130] =	vst v4;
	v1 =	vadd.f32 $-1.758099320e+00, v1;
	v8 =	vmul.f32 $1.758099320e+00, v8  }
0xf2: {  	v3 =	vmul.f32 $1.050701020e+00, v3;
	[tilespmem:s10+$0x14120] =	vst v5;
	v62 =	vadd.f32 $-1.758099320e+00, v61;
	v4 =	vsel vm13, v57, v60  }
0xf3: {  	[tilespmem:s10+$0x14100] =	vst v4;
	v1 =	vsel vm12, v2, v1;
	v2 =	vmul.f32 $1.050701020e+00, v6;
	v63 =	vadd.f32 $-1.758099320e+00, v8  }
0xf4: {  	vm15 =	vgt.f32 v6, $0.0e+00;
	s3 =	sadd.s32 $0x1, s3;
	[tilespmem:s10+$0x14150] =	vst v1;
	v1 =	vsel vm14, v3, v62  }
0xf5: {  	p1 =	sne.s32 s3, $0x4F;
	[tilespmem:s10+$0x14160] =	vst v1;
	v1 =	vsel vm15, v2, v63  }
.Ltmp3:
0xf6: {  	[tilespmem:s10+$0x14170] =	vst v1;
	(pc) =	sbr.rel @p1 .LBB2_6-.Ltmp3, $4  }
0xf7: {  	[spmem:s1] =	stream.indirect.scatter.add.f32 [tilespmem:s25], [sflag:$0x3], $0x80, s23, s24, $0xb8;
	[tilespmem:$0x1C900] =	vst v63  }
0xf8: {  	_ =	swait.ge [sflag:s21], $0x4000  }
0xf9: {  	[sflag:s21] =	ssyncset.done $0x0  }
0xfa: {  	[sflag:s21] =	ssyncadd.s32 $0xFFFFC000  }
0xfb: {  	[bflag:$0x0] =	sbarrier.arrive $0xFFFF  }
0xfc: {  	[tilespmem:s25], [sflag:$0x4] =	stream.linear.gather [spmem:s8], $0x4000, $0x38;
	[tilespmem:$0x1C900] =	vst v63  }
0xfd: {  	_ =	swait.ge [sflag:s30], $0x4000  }
0xfe: {  	s0 =	simm.s32 $0x4;
	[sflag:s30] =	ssyncset.done $0x0  }
0xff: {  	s0 =	simm.s32 @!p0 $0x3;
	[sflag:s30] =	ssyncadd.s32 $0xFFFFC000  }
0x100: {  	[hbm4b:s15+s2] =	stream.linear.scatter [tilespmem:s25], [sflag:s0], $0x4000, $0x38;
	[tilespmem:$0x1C900] =	vst v63  }
0x101: {  	_ =	swait.ge [sflag:s0], $0x4000  }
0x102: {  	[sflag:s0] =	ssyncset.done $0x0  }
0x103: {  	s3 =	rddreg [dreg:$0x4];
	[sflag:s0] =	ssyncadd.s32 $0xFFFFC000  }
0x104: {  	[tilespmem:s25], [sflag:$0x4] =	stream.linear.gather [spmem:s3], $0x4000, $0x38;
	[tilespmem:$0x1C900] =	vst v63  }
0x105: {  	_ =	swait.ge [sflag:s30], $0x4000  }
0x106: {  	[sflag:s30] =	ssyncset.done $0x0  }
0x107: {  	[sflag:s30] =	ssyncadd.s32 $0xFFFFC000  }
0x108: {  	[hbm4b:s16+s2] =	stream.linear.scatter [tilespmem:s25], [sflag:s0], $0x4000, $0x38;
	[tilespmem:$0x1C900] =	vst v63  }
0x109: {  	_ =	swait.ge [sflag:s0], $0x4000  }
0x10a: {  	[sflag:s0] =	ssyncset.done $0x0  }
0x10b: {  	s11 =	rddreg [dreg:$0x5];
	[sflag:s0] =	ssyncadd.s32 $0xFFFFC000  }
0x10c: {  	[tilespmem:s25], [sflag:$0x4] =	stream.linear.gather [spmem:s11], $0x4000, $0x38;
	[tilespmem:$0x1C900] =	vst v63  }
0x10d: {  	_ =	swait.ge [sflag:s30], $0x4000  }
0x10e: {  	[sflag:s30] =	ssyncset.done $0x0  }
0x10f: {  	[sflag:s30] =	ssyncadd.s32 $0xFFFFC000  }
0x110: {  	[hbm4b:s17+s2] =	stream.linear.scatter [tilespmem:s25], [sflag:s0], $0x4000, $0x38;
	[tilespmem:$0x1C900] =	vst v63  }
0x111: {  	_ =	swait.ge [sflag:s0], $0x4000  }
0x112: {  	[sflag:s0] =	ssyncset.done $0x0  }
0x113: {  	[sflag:s0] =	ssyncadd.s32 $0xFFFFC000  }
0x114: {  	[tilespmem:s25], [sflag:$0x4] =	stream.linear.gather [spmem:s13], $0x4000, $0x38;
	[tilespmem:$0x1C900] =	vst v63  }
0x115: {  	_ =	swait.ge [sflag:s30], $0x4000  }
0x116: {  	[sflag:s30] =	ssyncset.done $0x0  }
0x117: {  	[sflag:s30] =	ssyncadd.s32 $0xFFFFC000  }
0x118: {  	[hbm4b:s18+s2] =	stream.linear.scatter [tilespmem:s25], [sflag:s0], $0x4000, $0x38;
	[tilespmem:$0x1C900] =	vst v63  }
0x119: {  	_ =	swait.ge [sflag:s0], $0x4000  }
0x11a: {  	[sflag:s0] =	ssyncset.done $0x0  }
0x11b: {  	[sflag:s0] =	ssyncadd.s32 $0xFFFFC000  }
0x11c: {  	[tilespmem:s25], [sflag:$0x4] =	stream.linear.gather [spmem:s14], $0x4000, $0x38;
	[tilespmem:$0x1C900] =	vst v63  }
0x11d: {  	_ =	swait.ge [sflag:s30], $0x4000  }
0x11e: {  	[sflag:s30] =	ssyncset.done $0x0  }
0x11f: {  	[sflag:s30] =	ssyncadd.s32 $0xFFFFC000  }
0x120: {  	[hbm4b:s19+s2] =	stream.linear.scatter [tilespmem:s25], [sflag:s0], $0x4000, $0x38;
	[tilespmem:$0x1C900] =	vst v63  }
0x121: {  	_ =	swait.ge [sflag:s0], $0x4000  }
0x122: {  	s31 =	sadd.s32 $0x1, s31;
	s12 =	rddreg [dreg:$0x3]  }
0x123: {  	p1 =	sne.s32 s31, s12  }
.Ltmp4:
0x124: {  	_ = 	snop;
	(pc) =	sbr.rel @p1 .LBB2_1-.Ltmp4, $3  }
0x125: {  	_ =	sdelay $0x1  }
0x126: {  	[sflag:s0] =	ssyncset.done $0x0  }
0x127: {  	[sflag:s0] =	ssyncadd.s32 $0xFFFFC000  }
0x128: {  	_ =	sfence.sel $0x180000  }
0x129: {  	[bflag:$0x0] =	sbarrier.arrive $0xFFFF  }
0x12a: {  	_ =	strace $0x90000056  }
0x12b: {  	s0 =	stileid.u32;
	[bflag:$0x2] =	sbarrier.arrive $0xFFFF  }
0x12c: {  	p0 =	sne.s32 s0, $0x0;
	s0 =	rddreg [dreg:$0x2]  }
0x12d: {  	s0 =	sadd.s32 @!p0 $0x100000, s0  }
0x12e: {  	[sflag:s0] =	ssyncadd.tile.s32 @!p0 $0x1;
	_ =	shalt  }
.Lfunc_end2:
_tile_overlayer_lowered:
.L_overlay_start_2:
0x12f: {  	(tag) =	ssettag $0x2  }
0x130: {  	s0 =	rddreg [dreg:$0x0];
	s2 =	stileid.u32  }
0x131: {  	s1 =	rddreg [dreg:$0x1];
	p0 =	sne.s32 s2, $0x0  }
0x132: {  	s3 =	rddreg [dreg:$0x2];
	[bflag:$0x3] =	sbarrier.arrive $0xFFFF;
	s2 =	simm.s32 @!p0 $0x1C03  }
0x133: {  	[timem:s3], [sflag:s2] =	dma.local @!p0 [hbm:s0], s1  }
0x134: {  	s0 =	simm.s32 @!p0 $0x3  }
0x135: {  	_ =	swait.ge @!p0 [sflag:s0], s1  }
0x136: {  	s1 =	ssub.s32 @!p0 $0x0, s1;
	[sflag:s0] =	ssyncset.done @!p0 $0x0  }
0x137: {  	[sflag:s0] =	ssyncadd.s32 @!p0 s1  }
0x138: {  	[bflag:$0x3] =	sbarrier.arrive $0xFFFF  }
0x139: {  	_ =	shalt  }

</sc_bundles>
